<compile_context>
chip_gen: v7x
topology: tpu7x:2x2x1
jax: 0.10.2.dev20260603
libtpu: 0.0.44.dev20260713+nightly
codegen_flags: <defaults>
</compile_context>

<pallas_src>
import functools

import jax
import jax.numpy as jnp
import numpy as np
from jax import lax
from jax.experimental import pallas as pl
from jax.experimental.pallas import tpu as pltpu
from jax.experimental.pallas import tpu_sc as plsc

N_NODES = 10000
N_EDGES = 320000
D_FEAT = 128
D_EDGE = 16
HIDDEN = 128

NC = 2
NS = 16
LANES = 16
NW = NC * NS
E_PER_W = N_EDGES // NW
BLK = 40
NBLK = E_PER_W // BLK
CH = 5
NCH = NBLK // CH
N_PAD = 10112
ROWS_PER_SUBCORE = N_PAD // NS


def _proj_body(h_ref, ws_ref, wt_ref, wh_ref, b_ref, hs_ref, ht_ref, hb_ref):
    h = h_ref[...]
    hs_ref[...] = jnp.dot(h, ws_ref[...], preferred_element_type=jnp.float32)
    ht_ref[...] = jnp.dot(h, wt_ref[...], preferred_element_type=jnp.float32)
    hb_ref[...] = (
        jnp.dot(h, wh_ref[...], preferred_element_type=jnp.float32)
        + b_ref[...]
    )


def _proj(h, ws, wt, wh, b_node):
    full = jax.ShapeDtypeStruct((N_NODES, HIDDEN), jnp.float32)
    return pl.pallas_call(
        _proj_body,
        out_shape=[full, full, full],
    )(h, ws, wt, wh, b_node.reshape(1, HIDDEN))


_EA_BLK = 8000


def _ea_body(a_ref, wa_ref, b_ref, o_ref):
    o_ref[...] = (
        jnp.dot(a_ref[...], wa_ref[...], preferred_element_type=jnp.float32)
        + b_ref[...]
    )


def _ea(edge_attr, wa, b_edge):
    return pl.pallas_call(
        _ea_body,
        grid=(N_EDGES // _EA_BLK,),
        in_specs=[
            pl.BlockSpec((_EA_BLK, D_EDGE), lambda i: (i, 0)),
            pl.BlockSpec((D_EDGE, HIDDEN), lambda i: (0, 0)),
            pl.BlockSpec((1, HIDDEN), lambda i: (0, 0)),
        ],
        out_specs=pl.BlockSpec((_EA_BLK, HIDDEN), lambda i: (i, 0)),
        out_shape=jax.ShapeDtypeStruct((N_EDGES, HIDDEN), jnp.float32),
    )(edge_attr, wa, b_edge.reshape(1, HIDDEN))


def _sc_edge_body(hs_hbm, ht_hbm, ea_hbm, row4_hbm, col4_hbm, out_hbm,
                  rowv, colv, hsbA, htbA, hsbB, htbB, eab, agg,
                  semA, semB, semSA, semSB, semE, semI):
    c = lax.axis_index("c")
    s = lax.axis_index("s")
    wid = c * NS + s
    base = wid * E_PER_W

    pltpu.sync_copy(row4_hbm.at[wid].at[0], rowv.at[0])
    pltpu.sync_copy(col4_hbm.at[wid].at[0], colv.at[0])

    @pl.loop(0, BLK)
    def _zero_rows(i):
        for j in range(0, HIDDEN, LANES):
            hsbA[i, pl.ds(j, LANES)] = jnp.zeros((LANES,), jnp.float32)

    for r in range(0, ROWS_PER_SUBCORE, BLK):
        n = min(BLK, ROWS_PER_SUBCORE - r)
        pltpu.sync_copy(
            hsbA.at[pl.ds(0, n)],
            agg.at[pl.ds(s * ROWS_PER_SUBCORE + r, n)])

    plsc.subcore_barrier()

    bufs = ((hsbA, htbA, semA, semSA), (hsbB, htbB, semB, semSB))

    def idx_for(b):
        slot = (b // CH) % 3
        k = b % CH
        return rowv.at[slot].at[k], colv.at[slot].at[k]

    def ea_src(b):
        return ea_hbm.at[pl.ds(base + b * BLK, BLK)]

    def drain_scatter(b, t):
        ri, _ = idx_for(b)
        pltpu.make_async_copy(t[0], agg.at[ri], t[3]).wait()

    def issue(b, t):
        hsb, htb, sem, _ = t
        ri, ci = idx_for(b)
        pltpu.async_copy(hs_hbm.at[ri], hsb, sem)
        pltpu.async_copy(ht_hbm.at[ci], htb, sem)

    def consume(b, t):
        hsb, htb, sem, semS = t
        ri, ci = idx_for(b)
        pltpu.make_async_copy(hs_hbm.at[ri], hsb, sem).wait()
        pltpu.make_async_copy(ht_hbm.at[ci], htb, sem).wait()
        pltpu.make_async_copy(ea_src(b), eab, semE).wait()

        @pl.loop(0, BLK, unroll=4)
        def _edge(i):
            for j in range(0, HIDDEN, LANES):
                sl = pl.ds(j, LANES)
                hsb[i, sl] = jnp.maximum(
                    hsb[i, sl] + htb[i, sl] + eab[i, sl], 0.0)

        pltpu.async_copy(hsb, agg.at[ri], semS, add=True)

        @pl.when(b < NBLK - 1)
        def _ea_next():
            pltpu.async_copy(ea_src(b + 1), eab, semE)

    pltpu.async_copy(ea_src(0), eab, semE)
    issue(0, bufs[0])

    @pl.loop(0, NBLK - 1)
    def _block(b):
        @pl.when((b % CH == 0) & (b < NBLK - CH))
        def _prefetch():
            cnext = b // CH + 1
            slot = cnext % 3
            pltpu.async_copy(row4_hbm.at[wid].at[cnext], rowv.at[slot], semI)
            pltpu.async_copy(col4_hbm.at[wid].at[cnext], colv.at[slot], semI)

        @pl.when(b % 2 == 0)
        def _even():
            @pl.when(b >= 1)
            def _drain():
                drain_scatter(b - 1, bufs[1])

            issue(b + 1, bufs[1])
            consume(b, bufs[0])

        @pl.when(b % 2 == 1)
        def _odd():
            drain_scatter(b - 1, bufs[0])
            issue(b + 1, bufs[0])
            consume(b, bufs[1])

        @pl.when((b + 1) % CH == 0)
        def _wait_idx():
            cnext = (b + 1) // CH

            @pl.when(cnext < NCH)
            def _w():
                pltpu.make_async_copy(
                    row4_hbm.at[wid].at[cnext],
                    rowv.at[cnext % 3], semI).wait()
                pltpu.make_async_copy(
                    col4_hbm.at[wid].at[cnext],
                    colv.at[cnext % 3], semI).wait()

    consume(NBLK - 1, bufs[(NBLK - 1) % 2])
    drain_scatter(NBLK - 2, bufs[(NBLK - 2) % 2])
    drain_scatter(NBLK - 1, bufs[(NBLK - 1) % 2])

    plsc.subcore_barrier()
    r0 = s * ROWS_PER_SUBCORE
    pltpu.sync_copy(
        agg.at[pl.ds(r0, ROWS_PER_SUBCORE)],
        out_hbm.at[c].at[pl.ds(r0, ROWS_PER_SUBCORE)],
    )


def _sc_edge(hs, ht, ea, row, col):
    row4 = row.reshape(NW, NCH, CH, BLK)
    col4 = col.reshape(NW, NCH, CH, BLK)
    mesh = plsc.VectorSubcoreMesh(core_axis_name="c", subcore_axis_name="s")
    run = pl.kernel(
        _sc_edge_body,
        out_type=jax.ShapeDtypeStruct((NC, N_PAD, HIDDEN), jnp.float32),
        mesh=mesh,
        scratch_types=[
            pltpu.VMEM((3, CH, BLK), jnp.int32),
            pltpu.VMEM((3, CH, BLK), jnp.int32),
            pltpu.VMEM((BLK, HIDDEN), jnp.float32),
            pltpu.VMEM((BLK, HIDDEN), jnp.float32),
            pltpu.VMEM((BLK, HIDDEN), jnp.float32),
            pltpu.VMEM((BLK, HIDDEN), jnp.float32),
            pltpu.VMEM((BLK, HIDDEN), jnp.float32),
            pltpu.VMEM_SHARED((N_PAD, HIDDEN), jnp.float32),
            pltpu.SemaphoreType.DMA,
            pltpu.SemaphoreType.DMA,
            pltpu.SemaphoreType.DMA,
            pltpu.SemaphoreType.DMA,
            pltpu.SemaphoreType.DMA,
            pltpu.SemaphoreType.DMA,
        ],
    )
    return run(hs, ht, ea, row4, col4)


def _node_body(hb_ref, aggp_ref, wg_ref, o_ref):
    agg = aggp_ref[0, :N_NODES, :] + aggp_ref[1, :N_NODES, :]
    acc = jnp.dot(agg, wg_ref[...], preferred_element_type=jnp.float32)
    o_ref[...] = jnp.maximum(hb_ref[...] + acc, 0.0)


def _node(hb, aggp, wg):
    return pl.pallas_call(
        _node_body,
        out_shape=jax.ShapeDtypeStruct((N_NODES, HIDDEN), jnp.float32),
    )(hb, aggp, wg)


def kernel(h, edge_index, edge_attr, W_edge, b_edge, W_node, b_node):
    row = edge_index[0].astype(jnp.int32)
    col = edge_index[1].astype(jnp.int32)
    ws = W_edge[:, :D_FEAT].T
    wt = W_edge[:, D_FEAT:2 * D_FEAT].T
    wa = W_edge[:, 2 * D_FEAT:].T
    wh = W_node[:, :D_FEAT].T
    wg = W_node[:, D_FEAT:].T
    hs, ht, hb = _proj(h, ws, wt, wh, b_node)
    ea = _ea(edge_attr, wa, b_edge)
    aggp = _sc_edge(hs, ht, ea, row, col)
    return _node(hb, aggp, wg)

# --- scband reference (transcript-rebuilt; emitter-appended) ---
"""Pipeline reference for scband-gcl-12592844112145 (READ-ONLY COPY).

The authoritative reference and input builder live on the scoring server;
editing this copy changes nothing except your own understanding.
"""

import jax, jax.numpy as jnp
import numpy as np

N_NODES = 10000
N_EDGES = 320000
D_FEAT = 128
D_EDGE = 16
HIDDEN = 128


def setup_inputs(seed: int = 0) -> dict:
    key = jax.random.key(seed)
    k1, k2, k3, k4, k5, k6, k7 = jax.random.split(key, 7)
    h = jax.random.normal(k1, (N_NODES, D_FEAT), dtype=jnp.float32)
    edge_index = jax.random.randint(k2, (2, N_EDGES), 0, N_NODES, dtype=jnp.int64)
    edge_attr = jax.random.normal(k3, (N_EDGES, D_EDGE), dtype=jnp.float32)
    in_edge = D_FEAT * 2 + D_EDGE
    lim_e = 1.0 / np.sqrt(in_edge)
    W_edge = jax.random.uniform(k4, (HIDDEN, in_edge), minval=-lim_e, maxval=lim_e, dtype=jnp.float32)
    b_edge = jax.random.uniform(k5, (HIDDEN,), minval=-lim_e, maxval=lim_e, dtype=jnp.float32)
    in_node = HIDDEN + D_FEAT
    lim_n = 1.0 / np.sqrt(in_node)
    W_node = jax.random.uniform(k6, (HIDDEN, in_node), minval=-lim_n, maxval=lim_n, dtype=jnp.float32)
    b_node = jax.random.uniform(k7, (HIDDEN,), minval=-lim_n, maxval=lim_n, dtype=jnp.float32)
    return {"h": h, "edge_index": edge_index, "edge_attr": edge_attr,
            "W_edge": W_edge, "b_edge": b_edge, "W_node": W_node, "b_node": b_node}


def reference(h, edge_index, edge_attr, W_edge, b_edge, W_node, b_node):
    row = edge_index[0]
    col = edge_index[1]
    source = jnp.take(h, row, axis=0)
    target = jnp.take(h, col, axis=0)
    edge_in = jnp.concatenate([source, target, edge_attr], axis=1)
    edge_feat = jax.nn.relu(edge_in @ W_edge.T + b_edge)
    agg = jax.ops.segment_sum(edge_feat, row, num_segments=h.shape[0])
    node_in = jnp.concatenate([h, agg], axis=1)
    out = jax.nn.relu(node_in @ W_node.T + b_node)
    return out

if __name__ == "__main__":
    import jax
    _d = setup_inputs()
    print(jax.jit(kernel)(*tuple(_d.values())))

</pallas_src>

<mosaic_0001>
#map = affine_map<(d0, d1) -> (0, 0)>
#map1 = affine_map<(d0, d1) -> (0, 0, 0, 0)>
#map2 = affine_map<(d0, d1) -> (0, 0, 0)>
module attributes {stable_mosaic.version = 14 : i64} {
  func.func @_sc_edge_body(%arg0: i32, %arg1: i32, %arg2: memref<10000x128xf32, #tpu.memory_space<hbm>>, %arg3: memref<10000x128xf32, #tpu.memory_space<hbm>>, %arg4: memref<320000x128xf32, #tpu.memory_space<hbm>>, %arg5: memref<32x50x5x40xi32, #tpu.memory_space<hbm>>, %arg6: memref<32x50x5x40xi32, #tpu.memory_space<hbm>>, %arg7: memref<2x10112x128xf32, #tpu.memory_space<hbm>>, %arg8: memref<3x5x40xi32, #tpu.memory_space<vmem>>, %arg9: memref<3x5x40xi32, #tpu.memory_space<vmem>>, %arg10: memref<40x128xf32, #tpu.memory_space<vmem>>, %arg11: memref<40x128xf32, #tpu.memory_space<vmem>>, %arg12: memref<40x128xf32, #tpu.memory_space<vmem>>, %arg13: memref<40x128xf32, #tpu.memory_space<vmem>>, %arg14: memref<40x128xf32, #tpu.memory_space<vmem>>, %arg15: memref<10112x128xf32, #tpu.memory_space<vmem_shared>>, %arg16: memref<!tpu.dma_semaphore, #tpu.memory_space<semaphore_mem>>, %arg17: memref<!tpu.dma_semaphore, #tpu.memory_space<semaphore_mem>>, %arg18: memref<!tpu.dma_semaphore, #tpu.memory_space<semaphore_mem>>, %arg19: memref<!tpu.dma_semaphore, #tpu.memory_space<semaphore_mem>>, %arg20: memref<!tpu.dma_semaphore, #tpu.memory_space<semaphore_mem>>, %arg21: memref<!tpu.dma_semaphore, #tpu.memory_space<semaphore_mem>>) attributes {dimension_semantics = [#tpu.dimension_semantics<core_parallel>, #tpu.dimension_semantics<subcore_parallel>], iteration_bounds = array<i64: 2, 16>, scalar_prefetch = 0 : i64, scratch_operands = 14 : i64, tpu.core_type = #tpu.core_type<sc_vector_subcore>, window_params = [{transform_indices = #map}, {transform_indices = #map}, {transform_indices = #map}, {transform_indices = #map1}, {transform_indices = #map1}, {transform_indices = #map2}]} {
    %mul3A = arith.constant 16 : i32
    %mul3A_0 = arith.muli %arg0, %mul3A : i32
    %add3A = arith.addi %mul3A_0, %arg1 : i32
    %mul3A_1 = arith.constant 10000 : i32
    %mul3A_2 = arith.muli %add3A, %mul3A_1 : i32
    %run_scoped3A = arith.constant 0 : i32
    %run_scoped3A_3 = arith.constant 0 : i32
    "tpu.region"() ({
      %run_scoped3A_181 = tpu.sem_alloc : memref<!tpu.dma_semaphore, #tpu.memory_space<semaphore_mem>>
      %dma_start3A_182 = arith.constant 0 : i32
      %dma_start3A_183 = arith.constant 0 : i32
      %dma_start3A_184 = tpu.memref_slice %arg8[%run_scoped3A_3, %dma_start3A_182, %dma_start3A_183] : memref<3x5x40xi32, #tpu.memory_space<vmem>> -> memref<1x5x40xi32, #tpu.memory_space<vmem>>
      %dma_start3A_185 = tpu.memref_squeeze %dma_start3A_184 : memref<1x5x40xi32, #tpu.memory_space<vmem>> -> memref<5x40xi32, #tpu.memory_space<vmem>>
      %dma_start3A_186 = arith.constant 0 : i32
      %dma_start3A_187 = arith.constant 0 : i32
      %dma_start3A_188 = arith.constant 0 : i32
      %dma_start3A_189 = tpu.memref_slice %arg5[%add3A, %dma_start3A_186, %dma_start3A_187, %dma_start3A_188] : memref<32x50x5x40xi32, #tpu.memory_space<hbm>> -> memref<1x50x5x40xi32, #tpu.memory_space<hbm>>
      %dma_start3A_190 = tpu.memref_squeeze %dma_start3A_189 : memref<1x50x5x40xi32, #tpu.memory_space<hbm>> -> memref<50x5x40xi32, #tpu.memory_space<hbm>>
      %dma_start3A_191 = arith.constant 0 : i32
      %dma_start3A_192 = arith.constant 0 : i32
      %dma_start3A_193 = tpu.memref_slice %dma_start3A_190[%run_scoped3A, %dma_start3A_191, %dma_start3A_192] : memref<50x5x40xi32, #tpu.memory_space<hbm>> -> memref<1x5x40xi32, #tpu.memory_space<hbm>>
      %dma_start3A_194 = tpu.memref_squeeze %dma_start3A_193 : memref<1x5x40xi32, #tpu.memory_space<hbm>> -> memref<5x40xi32, #tpu.memory_space<hbm>>
      %dma_start3A_195 = arith.constant 0 : i32
      %dma_start3A_196 = arith.constant 0 : i32
      %dma_start3A_197 = tpu.memref_slice %arg8[%run_scoped3A_3, %dma_start3A_195, %dma_start3A_196] : memref<3x5x40xi32, #tpu.memory_space<vmem>> -> memref<1x5x40xi32, #tpu.memory_space<vmem>>
      %dma_start3A_198 = tpu.memref_squeeze %dma_start3A_197 : memref<1x5x40xi32, #tpu.memory_space<vmem>> -> memref<5x40xi32, #tpu.memory_space<vmem>>
      %dma_start3A_199 = arith.constant 0 : i32
      %dma_start3A_200 = arith.constant 0 : i32
      %dma_start3A_201 = arith.constant 0 : i32
      %dma_start3A_202 = tpu.memref_slice %arg5[%add3A, %dma_start3A_199, %dma_start3A_200, %dma_start3A_201] : memref<32x50x5x40xi32, #tpu.memory_space<hbm>> -> memref<1x50x5x40xi32, #tpu.memory_space<hbm>>
      %dma_start3A_203 = tpu.memref_squeeze %dma_start3A_202 : memref<1x50x5x40xi32, #tpu.memory_space<hbm>> -> memref<50x5x40xi32, #tpu.memory_space<hbm>>
      %dma_start3A_204 = arith.constant 0 : i32
      %dma_start3A_205 = arith.constant 0 : i32
      %dma_start3A_206 = tpu.memref_slice %dma_start3A_203[%run_scoped3A, %dma_start3A_204, %dma_start3A_205] : memref<50x5x40xi32, #tpu.memory_space<hbm>> -> memref<1x5x40xi32, #tpu.memory_space<hbm>>
      %dma_start3A_207 = tpu.memref_squeeze %dma_start3A_206 : memref<1x5x40xi32, #tpu.memory_space<hbm>> -> memref<5x40xi32, #tpu.memory_space<hbm>>
      tpu.enqueue_dma source(%dma_start3A_207 : memref<5x40xi32, #tpu.memory_space<hbm>>) target(%dma_start3A_198 : memref<5x40xi32, #tpu.memory_space<vmem>>) target_semaphore(%run_scoped3A_181 : memref<!tpu.dma_semaphore, #tpu.memory_space<semaphore_mem>>)
      %dma_wait3A_208 = arith.constant 0 : i32
      %dma_wait3A_209 = arith.constant 0 : i32
      %dma_wait3A_210 = tpu.memref_slice %arg8[%run_scoped3A_3, %dma_wait3A_208, %dma_wait3A_209] : memref<3x5x40xi32, #tpu.memory_space<vmem>> -> memref<1x5x40xi32, #tpu.memory_space<vmem>>
      %dma_wait3A_211 = tpu.memref_squeeze %dma_wait3A_210 : memref<1x5x40xi32, #tpu.memory_space<vmem>> -> memref<5x40xi32, #tpu.memory_space<vmem>>
      %dma_wait3A_212 = arith.constant 0 : i32
      %dma_wait3A_213 = arith.constant 0 : i32
      %dma_wait3A_214 = arith.constant 0 : i32
      %dma_wait3A_215 = tpu.memref_slice %arg5[%add3A, %dma_wait3A_212, %dma_wait3A_213, %dma_wait3A_214] : memref<32x50x5x40xi32, #tpu.memory_space<hbm>> -> memref<1x50x5x40xi32, #tpu.memory_space<hbm>>
      %dma_wait3A_216 = tpu.memref_squeeze %dma_wait3A_215 : memref<1x50x5x40xi32, #tpu.memory_space<hbm>> -> memref<50x5x40xi32, #tpu.memory_space<hbm>>
      %dma_wait3A_217 = arith.constant 0 : i32
      %dma_wait3A_218 = arith.constant 0 : i32
      %dma_wait3A_219 = tpu.memref_slice %dma_wait3A_216[%run_scoped3A, %dma_wait3A_217, %dma_wait3A_218] : memref<50x5x40xi32, #tpu.memory_space<hbm>> -> memref<1x5x40xi32, #tpu.memory_space<hbm>>
      %dma_wait3A_220 = tpu.memref_squeeze %dma_wait3A_219 : memref<1x5x40xi32, #tpu.memory_space<hbm>> -> memref<5x40xi32, #tpu.memory_space<hbm>>
      %dma_wait3A_221 = arith.constant 0 : i32
      %dma_wait3A_222 = arith.constant 0 : i32
      %dma_wait3A_223 = tpu.memref_slice %arg8[%run_scoped3A_3, %dma_wait3A_221, %dma_wait3A_222] : memref<3x5x40xi32, #tpu.memory_space<vmem>> -> memref<1x5x40xi32, #tpu.memory_space<vmem>>
      %dma_wait3A_224 = tpu.memref_squeeze %dma_wait3A_223 : memref<1x5x40xi32, #tpu.memory_space<vmem>> -> memref<5x40xi32, #tpu.memory_space<vmem>>
      %dma_wait3A_225 = arith.constant 0 : i32
      %dma_wait3A_226 = arith.constant 0 : i32
      %dma_wait3A_227 = arith.constant 0 : i32
      %dma_wait3A_228 = tpu.memref_slice %arg5[%add3A, %dma_wait3A_225, %dma_wait3A_226, %dma_wait3A_227] : memref<32x50x5x40xi32, #tpu.memory_space<hbm>> -> memref<1x50x5x40xi32, #tpu.memory_space<hbm>>
      %dma_wait3A_229 = tpu.memref_squeeze %dma_wait3A_228 : memref<1x50x5x40xi32, #tpu.memory_space<hbm>> -> memref<50x5x40xi32, #tpu.memory_space<hbm>>
      %dma_wait3A_230 = arith.constant 0 : i32
      %dma_wait3A_231 = arith.constant 0 : i32
      %dma_wait3A_232 = tpu.memref_slice %dma_wait3A_229[%run_scoped3A, %dma_wait3A_230, %dma_wait3A_231] : memref<50x5x40xi32, #tpu.memory_space<hbm>> -> memref<1x5x40xi32, #tpu.memory_space<hbm>>
      %dma_wait3A_233 = tpu.memref_squeeze %dma_wait3A_232 : memref<1x5x40xi32, #tpu.memory_space<hbm>> -> memref<5x40xi32, #tpu.memory_space<hbm>>
      tpu.wait_dma2 semaphore(%run_scoped3A_181 : memref<!tpu.dma_semaphore, #tpu.memory_space<semaphore_mem>>) src(%dma_wait3A_233 : memref<5x40xi32, #tpu.memory_space<hbm>>) dst(%dma_wait3A_224 : memref<5x40xi32, #tpu.memory_space<vmem>>)
      tpu.yield
    }) : () -> ()
    %run_scoped3A_4 = arith.constant 0 : i32
    %run_scoped3A_5 = arith.constant 0 : i32
    "tpu.region"() ({
      %run_scoped3A_181 = tpu.sem_alloc : memref<!tpu.dma_semaphore, #tpu.memory_space<semaphore_mem>>
      %dma_start3A_182 = arith.constant 0 : i32
      %dma_start3A_183 = arith.constant 0 : i32
      %dma_start3A_184 = tpu.memref_slice %arg9[%run_scoped3A_5, %dma_start3A_182, %dma_start3A_183] : memref<3x5x40xi32, #tpu.memory_space<vmem>> -> memref<1x5x40xi32, #tpu.memory_space<vmem>>
      %dma_start3A_185 = tpu.memref_squeeze %dma_start3A_184 : memref<1x5x40xi32, #tpu.memory_space<vmem>> -> memref<5x40xi32, #tpu.memory_space<vmem>>
      %dma_start3A_186 = arith.constant 0 : i32
      %dma_start3A_187 = arith.constant 0 : i32
      %dma_start3A_188 = arith.constant 0 : i32
      %dma_start3A_189 = tpu.memref_slice %arg6[%add3A, %dma_start3A_186, %dma_start3A_187, %dma_start3A_188] : memref<32x50x5x40xi32, #tpu.memory_space<hbm>> -> memref<1x50x5x40xi32, #tpu.memory_space<hbm>>
      %dma_start3A_190 = tpu.memref_squeeze %dma_start3A_189 : memref<1x50x5x40xi32, #tpu.memory_space<hbm>> -> memref<50x5x40xi32, #tpu.memory_space<hbm>>
      %dma_start3A_191 = arith.constant 0 : i32
      %dma_start3A_192 = arith.constant 0 : i32
      %dma_start3A_193 = tpu.memref_slice %dma_start3A_190[%run_scoped3A_4, %dma_start3A_191, %dma_start3A_192] : memref<50x5x40xi32, #tpu.memory_space<hbm>> -> memref<1x5x40xi32, #tpu.memory_space<hbm>>
      %dma_start3A_194 = tpu.memref_squeeze %dma_start3A_193 : memref<1x5x40xi32, #tpu.memory_space<hbm>> -> memref<5x40xi32, #tpu.memory_space<hbm>>
      %dma_start3A_195 = arith.constant 0 : i32
      %dma_start3A_196 = arith.constant 0 : i32
      %dma_start3A_197 = tpu.memref_slice %arg9[%run_scoped3A_5, %dma_start3A_195, %dma_start3A_196] : memref<3x5x40xi32, #tpu.memory_space<vmem>> -> memref<1x5x40xi32, #tpu.memory_space<vmem>>
      %dma_start3A_198 = tpu.memref_squeeze %dma_start3A_197 : memref<1x5x40xi32, #tpu.memory_space<vmem>> -> memref<5x40xi32, #tpu.memory_space<vmem>>
      %dma_start3A_199 = arith.constant 0 : i32
      %dma_start3A_200 = arith.constant 0 : i32
      %dma_start3A_201 = arith.constant 0 : i32
      %dma_start3A_202 = tpu.memref_slice %arg6[%add3A, %dma_start3A_199, %dma_start3A_200, %dma_start3A_201] : memref<32x50x5x40xi32, #tpu.memory_space<hbm>> -> memref<1x50x5x40xi32, #tpu.memory_space<hbm>>
      %dma_start3A_203 = tpu.memref_squeeze %dma_start3A_202 : memref<1x50x5x40xi32, #tpu.memory_space<hbm>> -> memref<50x5x40xi32, #tpu.memory_space<hbm>>
      %dma_start3A_204 = arith.constant 0 : i32
      %dma_start3A_205 = arith.constant 0 : i32
      %dma_start3A_206 = tpu.memref_slice %dma_start3A_203[%run_scoped3A_4, %dma_start3A_204, %dma_start3A_205] : memref<50x5x40xi32, #tpu.memory_space<hbm>> -> memref<1x5x40xi32, #tpu.memory_space<hbm>>
      %dma_start3A_207 = tpu.memref_squeeze %dma_start3A_206 : memref<1x5x40xi32, #tpu.memory_space<hbm>> -> memref<5x40xi32, #tpu.memory_space<hbm>>
      tpu.enqueue_dma source(%dma_start3A_207 : memref<5x40xi32, #tpu.memory_space<hbm>>) target(%dma_start3A_198 : memref<5x40xi32, #tpu.memory_space<vmem>>) target_semaphore(%run_scoped3A_181 : memref<!tpu.dma_semaphore, #tpu.memory_space<semaphore_mem>>)
      %dma_wait3A_208 = arith.constant 0 : i32
      %dma_wait3A_209 = arith.constant 0 : i32
      %dma_wait3A_210 = tpu.memref_slice %arg9[%run_scoped3A_5, %dma_wait3A_208, %dma_wait3A_209] : memref<3x5x40xi32, #tpu.memory_space<vmem>> -> memref<1x5x40xi32, #tpu.memory_space<vmem>>
      %dma_wait3A_211 = tpu.memref_squeeze %dma_wait3A_210 : memref<1x5x40xi32, #tpu.memory_space<vmem>> -> memref<5x40xi32, #tpu.memory_space<vmem>>
      %dma_wait3A_212 = arith.constant 0 : i32
      %dma_wait3A_213 = arith.constant 0 : i32
      %dma_wait3A_214 = arith.constant 0 : i32
      %dma_wait3A_215 = tpu.memref_slice %arg6[%add3A, %dma_wait3A_212, %dma_wait3A_213, %dma_wait3A_214] : memref<32x50x5x40xi32, #tpu.memory_space<hbm>> -> memref<1x50x5x40xi32, #tpu.memory_space<hbm>>
      %dma_wait3A_216 = tpu.memref_squeeze %dma_wait3A_215 : memref<1x50x5x40xi32, #tpu.memory_space<hbm>> -> memref<50x5x40xi32, #tpu.memory_space<hbm>>
      %dma_wait3A_217 = arith.constant 0 : i32
      %dma_wait3A_218 = arith.constant 0 : i32
      %dma_wait3A_219 = tpu.memref_slice %dma_wait3A_216[%run_scoped3A_4, %dma_wait3A_217, %dma_wait3A_218] : memref<50x5x40xi32, #tpu.memory_space<hbm>> -> memref<1x5x40xi32, #tpu.memory_space<hbm>>
      %dma_wait3A_220 = tpu.memref_squeeze %dma_wait3A_219 : memref<1x5x40xi32, #tpu.memory_space<hbm>> -> memref<5x40xi32, #tpu.memory_space<hbm>>
      %dma_wait3A_221 = arith.constant 0 : i32
      %dma_wait3A_222 = arith.constant 0 : i32
      %dma_wait3A_223 = tpu.memref_slice %arg9[%run_scoped3A_5, %dma_wait3A_221, %dma_wait3A_222] : memref<3x5x40xi32, #tpu.memory_space<vmem>> -> memref<1x5x40xi32, #tpu.memory_space<vmem>>
      %dma_wait3A_224 = tpu.memref_squeeze %dma_wait3A_223 : memref<1x5x40xi32, #tpu.memory_space<vmem>> -> memref<5x40xi32, #tpu.memory_space<vmem>>
      %dma_wait3A_225 = arith.constant 0 : i32
      %dma_wait3A_226 = arith.constant 0 : i32
      %dma_wait3A_227 = arith.constant 0 : i32
      %dma_wait3A_228 = tpu.memref_slice %arg6[%add3A, %dma_wait3A_225, %dma_wait3A_226, %dma_wait3A_227] : memref<32x50x5x40xi32, #tpu.memory_space<hbm>> -> memref<1x50x5x40xi32, #tpu.memory_space<hbm>>
      %dma_wait3A_229 = tpu.memref_squeeze %dma_wait3A_228 : memref<1x50x5x40xi32, #tpu.memory_space<hbm>> -> memref<50x5x40xi32, #tpu.memory_space<hbm>>
      %dma_wait3A_230 = arith.constant 0 : i32
      %dma_wait3A_231 = arith.constant 0 : i32
      %dma_wait3A_232 = tpu.memref_slice %dma_wait3A_229[%run_scoped3A_4, %dma_wait3A_230, %dma_wait3A_231] : memref<50x5x40xi32, #tpu.memory_space<hbm>> -> memref<1x5x40xi32, #tpu.memory_space<hbm>>
      %dma_wait3A_233 = tpu.memref_squeeze %dma_wait3A_232 : memref<1x5x40xi32, #tpu.memory_space<hbm>> -> memref<5x40xi32, #tpu.memory_space<hbm>>
      tpu.wait_dma2 semaphore(%run_scoped3A_181 : memref<!tpu.dma_semaphore, #tpu.memory_space<semaphore_mem>>) src(%dma_wait3A_233 : memref<5x40xi32, #tpu.memory_space<hbm>>) dst(%dma_wait3A_224 : memref<5x40xi32, #tpu.memory_space<vmem>>)
      tpu.yield
    }) : () -> ()
    %scan3A = arith.constant 0 : i32
    %scan3A_6 = arith.constant 40 : i32
    %scan3A_7 = arith.addi %scan3A, %scan3A_6 : i32
    %scan3A_8 = arith.constant 1 : i32
    scf.for %scan3A_181 = %scan3A to %scan3A_7 step %scan3A_8  : i32 {
      %mul3A_182 = arith.constant 1 : i32
      %mul3A_183 = arith.muli %scan3A_181, %mul3A_182 : i32
      %add3A_184 = arith.constant 0 : i32
      %add3A_185 = arith.addi %add3A_184, %mul3A_183 : i32
      %broadcast_in_dim3A = arith.constant 0.000000e+00 : f32
      %broadcast_in_dim3A_186 = vector.broadcast %broadcast_in_dim3A : f32 to vector<16xf32>
      %swap3A = arith.index_cast %add3A_185 : i32 to index
      %swap3A_187 = arith.constant 0 : index
      %swap3A_188 = tpu.vector_load %arg10[%swap3A, %swap3A_187] {strides = array<i32>} : memref<40x128xf32, #tpu.memory_space<vmem>>, vector<1x16xf32>,
      %swap3A_189 = vector.shape_cast %swap3A_188 : vector<1x16xf32> to vector<16xf32>
      %swap3A_190 = vector.shape_cast %broadcast_in_dim3A_186 : vector<16xf32> to vector<1x16xf32>
      tpu.vector_store %arg10[%swap3A, %swap3A_187], %swap3A_190 {strides = array<i32>} : memref<40x128xf32, #tpu.memory_space<vmem>>, vector<1x16xf32>,
      %broadcast_in_dim3A_191 = arith.constant 0.000000e+00 : f32
      %broadcast_in_dim3A_192 = vector.broadcast %broadcast_in_dim3A_191 : f32 to vector<16xf32>
      %swap3A_193 = arith.index_cast %add3A_185 : i32 to index
      %swap3A_194 = arith.constant 16 : index
      %swap3A_195 = tpu.vector_load %arg10[%swap3A_193, %swap3A_194] {strides = array<i32>} : memref<40x128xf32, #tpu.memory_space<vmem>>, vector<1x16xf32>,
      %swap3A_196 = vector.shape_cast %swap3A_195 : vector<1x16xf32> to vector<16xf32>
      %swap3A_197 = vector.shape_cast %broadcast_in_dim3A_192 : vector<16xf32> to vector<1x16xf32>
      tpu.vector_store %arg10[%swap3A_193, %swap3A_194], %swap3A_197 {strides = array<i32>} : memref<40x128xf32, #tpu.memory_space<vmem>>, vector<1x16xf32>,
      %broadcast_in_dim3A_198 = arith.constant 0.000000e+00 : f32
      %broadcast_in_dim3A_199 = vector.broadcast %broadcast_in_dim3A_198 : f32 to vector<16xf32>
      %swap3A_200 = arith.index_cast %add3A_185 : i32 to index
      %swap3A_201 = arith.constant 32 : index
      %swap3A_202 = tpu.vector_load %arg10[%swap3A_200, %swap3A_201] {strides = array<i32>} : memref<40x128xf32, #tpu.memory_space<vmem>>, vector<1x16xf32>,
      %swap3A_203 = vector.shape_cast %swap3A_202 : vector<1x16xf32> to vector<16xf32>
      %swap3A_204 = vector.shape_cast %broadcast_in_dim3A_199 : vector<16xf32> to vector<1x16xf32>
      tpu.vector_store %arg10[%swap3A_200, %swap3A_201], %swap3A_204 {strides = array<i32>} : memref<40x128xf32, #tpu.memory_space<vmem>>, vector<1x16xf32>,
      %broadcast_in_dim3A_205 = arith.constant 0.000000e+00 : f32
      %broadcast_in_dim3A_206 = vector.broadcast %broadcast_in_dim3A_205 : f32 to vector<16xf32>
      %swap3A_207 = arith.index_cast %add3A_185 : i32 to index
      %swap3A_208 = arith.constant 48 : index
      %swap3A_209 = tpu.vector_load %arg10[%swap3A_207, %swap3A_208] {strides = array<i32>} : memref<40x128xf32, #tpu.memory_space<vmem>>, vector<1x16xf32>,
      %swap3A_210 = vector.shape_cast %swap3A_209 : vector<1x16xf32> to vector<16xf32>
      %swap3A_211 = vector.shape_cast %broadcast_in_dim3A_206 : vector<16xf32> to vector<1x16xf32>
      tpu.vector_store %arg10[%swap3A_207, %swap3A_208], %swap3A_211 {strides = array<i32>} : memref<40x128xf32, #tpu.memory_space<vmem>>, vector<1x16xf32>,
      %broadcast_in_dim3A_212 = arith.constant 0.000000e+00 : f32
      %broadcast_in_dim3A_213 = vector.broadcast %broadcast_in_dim3A_212 : f32 to vector<16xf32>
      %swap3A_214 = arith.index_cast %add3A_185 : i32 to index
      %swap3A_215 = arith.constant 64 : index
      %swap3A_216 = tpu.vector_load %arg10[%swap3A_214, %swap3A_215] {strides = array<i32>} : memref<40x128xf32, #tpu.memory_space<vmem>>, vector<1x16xf32>,
      %swap3A_217 = vector.shape_cast %swap3A_216 : vector<1x16xf32> to vector<16xf32>
      %swap3A_218 = vector.shape_cast %broadcast_in_dim3A_213 : vector<16xf32> to vector<1x16xf32>
      tpu.vector_store %arg10[%swap3A_214, %swap3A_215], %swap3A_218 {strides = array<i32>} : memref<40x128xf32, #tpu.memory_space<vmem>>, vector<1x16xf32>,
      %broadcast_in_dim3A_219 = arith.constant 0.000000e+00 : f32
      %broadcast_in_dim3A_220 = vector.broadcast %broadcast_in_dim3A_219 : f32 to vector<16xf32>
      %swap3A_221 = arith.index_cast %add3A_185 : i32 to index
      %swap3A_222 = arith.constant 80 : index
      %swap3A_223 = tpu.vector_load %arg10[%swap3A_221, %swap3A_222] {strides = array<i32>} : memref<40x128xf32, #tpu.memory_space<vmem>>, vector<1x16xf32>,
      %swap3A_224 = vector.shape_cast %swap3A_223 : vector<1x16xf32> to vector<16xf32>
      %swap3A_225 = vector.shape_cast %broadcast_in_dim3A_220 : vector<16xf32> to vector<1x16xf32>
      tpu.vector_store %arg10[%swap3A_221, %swap3A_222], %swap3A_225 {strides = array<i32>} : memref<40x128xf32, #tpu.memory_space<vmem>>, vector<1x16xf32>,
      %broadcast_in_dim3A_226 = arith.constant 0.000000e+00 : f32
      %broadcast_in_dim3A_227 = vector.broadcast %broadcast_in_dim3A_226 : f32 to vector<16xf32>
      %swap3A_228 = arith.index_cast %add3A_185 : i32 to index
      %swap3A_229 = arith.constant 96 : index
      %swap3A_230 = tpu.vector_load %arg10[%swap3A_228, %swap3A_229] {strides = array<i32>} : memref<40x128xf32, #tpu.memory_space<vmem>>, vector<1x16xf32>,
      %swap3A_231 = vector.shape_cast %swap3A_230 : vector<1x16xf32> to vector<16xf32>
      %swap3A_232 = vector.shape_cast %broadcast_in_dim3A_227 : vector<16xf32> to vector<1x16xf32>
      tpu.vector_store %arg10[%swap3A_228, %swap3A_229], %swap3A_232 {strides = array<i32>} : memref<40x128xf32, #tpu.memory_space<vmem>>, vector<1x16xf32>,
      %broadcast_in_dim3A_233 = arith.constant 0.000000e+00 : f32
      %broadcast_in_dim3A_234 = vector.broadcast %broadcast_in_dim3A_233 : f32 to vector<16xf32>
      %swap3A_235 = arith.index_cast %add3A_185 : i32 to index
      %swap3A_236 = arith.constant 112 : index
      %swap3A_237 = tpu.vector_load %arg10[%swap3A_235, %swap3A_236] {strides = array<i32>} : memref<40x128xf32, #tpu.memory_space<vmem>>, vector<1x16xf32>,
      %swap3A_238 = vector.shape_cast %swap3A_237 : vector<1x16xf32> to vector<16xf32>
      %swap3A_239 = vector.shape_cast %broadcast_in_dim3A_234 : vector<16xf32> to vector<1x16xf32>
      tpu.vector_store %arg10[%swap3A_235, %swap3A_236], %swap3A_239 {strides = array<i32>} : memref<40x128xf32, #tpu.memory_space<vmem>>, vector<1x16xf32>,
    }
    %scan3A_9 = arith.constant 40 : i32
    %mul3A_10 = arith.constant 632 : i32
    %mul3A_11 = arith.muli %arg1, %mul3A_10 : i32
    %add3A_12 = arith.constant 0 : i32
    %add3A_13 = arith.addi %mul3A_11, %add3A_12 : i32
    "tpu.region"() ({
      %run_scoped3A_181 = tpu.sem_alloc : memref<!tpu.dma_semaphore, #tpu.memory_space<semaphore_mem>>
      %dma_start3A_182 = arith.constant 0 : i32
      %dma_start3A_183 = arith.constant 0 : i32
      %dma_start3A_184 = tpu.memref_slice %arg10[%dma_start3A_182, %dma_start3A_183] : memref<40x128xf32, #tpu.memory_space<vmem>> -> memref<40x128xf32, #tpu.memory_space<vmem>>
      %dma_start3A_185 = arith.constant 0 : i32
      %dma_start3A_186 = tpu.memref_slice %arg15[%add3A_13, %dma_start3A_185] : memref<10112x128xf32, #tpu.memory_space<vmem_shared>> -> memref<40x128xf32, #tpu.memory_space<vmem_shared>>
      %dma_start3A_187 = arith.constant 0 : i32
      %dma_start3A_188 = tpu.memref_slice %arg15[%add3A_13, %dma_start3A_187] : memref<10112x128xf32, #tpu.memory_space<vmem_shared>> -> memref<40x128xf32, #tpu.memory_space<vmem_shared>>
      %dma_start3A_189 = arith.constant 0 : i32
      %dma_start3A_190 = arith.constant 0 : i32
      %dma_start3A_191 = tpu.memref_slice %arg10[%dma_start3A_189, %dma_start3A_190] : memref<40x128xf32, #tpu.memory_space<vmem>> -> memref<40x128xf32, #tpu.memory_space<vmem>>
      tpu.enqueue_dma source(%dma_start3A_191 : memref<40x128xf32, #tpu.memory_space<vmem>>) target(%dma_start3A_188 : memref<40x128xf32, #tpu.memory_space<vmem_shared>>) target_semaphore(%run_scoped3A_181 : memref<!tpu.dma_semaphore, #tpu.memory_space<semaphore_mem>>)
      %dma_wait3A_192 = arith.constant 0 : i32
      %dma_wait3A_193 = arith.constant 0 : i32
      %dma_wait3A_194 = tpu.memref_slice %arg10[%dma_wait3A_192, %dma_wait3A_193] : memref<40x128xf32, #tpu.memory_space<vmem>> -> memref<40x128xf32, #tpu.memory_space<vmem>>
      %dma_wait3A_195 = arith.constant 0 : i32
      %dma_wait3A_196 = tpu.memref_slice %arg15[%add3A_13, %dma_wait3A_195] : memref<10112x128xf32, #tpu.memory_space<vmem_shared>> -> memref<40x128xf32, #tpu.memory_space<vmem_shared>>
      %dma_wait3A_197 = arith.constant 0 : i32
      %dma_wait3A_198 = tpu.memref_slice %arg15[%add3A_13, %dma_wait3A_197] : memref<10112x128xf32, #tpu.memory_space<vmem_shared>> -> memref<40x128xf32, #tpu.memory_space<vmem_shared>>
      %dma_wait3A_199 = arith.constant 0 : i32
      %dma_wait3A_200 = arith.constant 0 : i32
      %dma_wait3A_201 = tpu.memref_slice %arg10[%dma_wait3A_199, %dma_wait3A_200] : memref<40x128xf32, #tpu.memory_space<vmem>> -> memref<40x128xf32, #tpu.memory_space<vmem>>
      tpu.wait_dma2 semaphore(%run_scoped3A_181 : memref<!tpu.dma_semaphore, #tpu.memory_space<semaphore_mem>>) src(%dma_wait3A_201 : memref<40x128xf32, #tpu.memory_space<vmem>>) dst(%dma_wait3A_198 : memref<40x128xf32, #tpu.memory_space<vmem_shared>>)
      tpu.yield
    }) : () -> ()
    %mul3A_14 = arith.constant 632 : i32
    %mul3A_15 = arith.muli %arg1, %mul3A_14 : i32
    %add3A_16 = arith.constant 40 : i32
    %add3A_17 = arith.addi %mul3A_15, %add3A_16 : i32
    "tpu.region"() ({
      %run_scoped3A_181 = tpu.sem_alloc : memref<!tpu.dma_semaphore, #tpu.memory_space<semaphore_mem>>
      %dma_start3A_182 = arith.constant 0 : i32
      %dma_start3A_183 = arith.constant 0 : i32
      %dma_start3A_184 = tpu.memref_slice %arg10[%dma_start3A_182, %dma_start3A_183] : memref<40x128xf32, #tpu.memory_space<vmem>> -> memref<40x128xf32, #tpu.memory_space<vmem>>
      %dma_start3A_185 = arith.constant 0 : i32
      %dma_start3A_186 = tpu.memref_slice %arg15[%add3A_17, %dma_start3A_185] : memref<10112x128xf32, #tpu.memory_space<vmem_shared>> -> memref<40x128xf32, #tpu.memory_space<vmem_shared>>
      %dma_start3A_187 = arith.constant 0 : i32
      %dma_start3A_188 = tpu.memref_slice %arg15[%add3A_17, %dma_start3A_187] : memref<10112x128xf32, #tpu.memory_space<vmem_shared>> -> memref<40x128xf32, #tpu.memory_space<vmem_shared>>
      %dma_start3A_189 = arith.constant 0 : i32
      %dma_start3A_190 = arith.constant 0 : i32
      %dma_start3A_191 = tpu.memref_slice %arg10[%dma_start3A_189, %dma_start3A_190] : memref<40x128xf32, #tpu.memory_space<vmem>> -> memref<40x128xf32, #tpu.memory_space<vmem>>
      tpu.enqueue_dma source(%dma_start3A_191 : memref<40x128xf32, #tpu.memory_space<vmem>>) target(%dma_start3A_188 : memref<40x128xf32, #tpu.memory_space<vmem_shared>>) target_semaphore(%run_scoped3A_181 : memref<!tpu.dma_semaphore, #tpu.memory_space<semaphore_mem>>)
      %dma_wait3A_192 = arith.constant 0 : i32
      %dma_wait3A_193 = arith.constant 0 : i32
      %dma_wait3A_194 = tpu.memref_slice %arg10[%dma_wait3A_192, %dma_wait3A_193] : memref<40x128xf32, #tpu.memory_space<vmem>> -> memref<40x128xf32, #tpu.memory_space<vmem>>
      %dma_wait3A_195 = arith.constant 0 : i32
      %dma_wait3A_196 = tpu.memref_slice %arg15[%add3A_17, %dma_wait3A_195] : memref<10112x128xf32, #tpu.memory_space<vmem_shared>> -> memref<40x128xf32, #tpu.memory_space<vmem_shared>>
      %dma_wait3A_197 = arith.constant 0 : i32
      %dma_wait3A_198 = tpu.memref_slice %arg15[%add3A_17, %dma_wait3A_197] : memref<10112x128xf32, #tpu.memory_space<vmem_shared>> -> memref<40x128xf32, #tpu.memory_space<vmem_shared>>
      %dma_wait3A_199 = arith.constant 0 : i32
      %dma_wait3A_200 = arith.constant 0 : i32
      %dma_wait3A_201 = tpu.memref_slice %arg10[%dma_wait3A_199, %dma_wait3A_200] : memref<40x128xf32, #tpu.memory_space<vmem>> -> memref<40x128xf32, #tpu.memory_space<vmem>>
      tpu.wait_dma2 semaphore(%run_scoped3A_181 : memref<!tpu.dma_semaphore, #tpu.memory_space<semaphore_mem>>) src(%dma_wait3A_201 : memref<40x128xf32, #tpu.memory_space<vmem>>) dst(%dma_wait3A_198 : memref<40x128xf32, #tpu.memory_space<vmem_shared>>)
      tpu.yield
    }) : () -> ()
    %mul3A_18 = arith.constant 632 : i32
    %mul3A_19 = arith.muli %arg1, %mul3A_18 : i32
    %add3A_20 = arith.constant 80 : i32
    %add3A_21 = arith.addi %mul3A_19, %add3A_20 : i32
    "tpu.region"() ({
      %run_scoped3A_181 = tpu.sem_alloc : memref<!tpu.dma_semaphore, #tpu.memory_space<semaphore_mem>>
      %dma_start3A_182 = arith.constant 0 : i32
      %dma_start3A_183 = arith.constant 0 : i32
      %dma_start3A_184 = tpu.memref_slice %arg10[%dma_start3A_182, %dma_start3A_183] : memref<40x128xf32, #tpu.memory_space<vmem>> -> memref<40x128xf32, #tpu.memory_space<vmem>>
      %dma_start3A_185 = arith.constant 0 : i32
      %dma_start3A_186 = tpu.memref_slice %arg15[%add3A_21, %dma_start3A_185] : memref<10112x128xf32, #tpu.memory_space<vmem_shared>> -> memref<40x128xf32, #tpu.memory_space<vmem_shared>>
      %dma_start3A_187 = arith.constant 0 : i32
      %dma_start3A_188 = tpu.memref_slice %arg15[%add3A_21, %dma_start3A_187] : memref<10112x128xf32, #tpu.memory_space<vmem_shared>> -> memref<40x128xf32, #tpu.memory_space<vmem_shared>>
      %dma_start3A_189 = arith.constant 0 : i32
      %dma_start3A_190 = arith.constant 0 : i32
      %dma_start3A_191 = tpu.memref_slice %arg10[%dma_start3A_189, %dma_start3A_190] : memref<40x128xf32, #tpu.memory_space<vmem>> -> memref<40x128xf32, #tpu.memory_space<vmem>>
      tpu.enqueue_dma source(%dma_start3A_191 : memref<40x128xf32, #tpu.memory_space<vmem>>) target(%dma_start3A_188 : memref<40x128xf32, #tpu.memory_space<vmem_shared>>) target_semaphore(%run_scoped3A_181 : memref<!tpu.dma_semaphore, #tpu.memory_space<semaphore_mem>>)
      %dma_wait3A_192 = arith.constant 0 : i32
      %dma_wait3A_193 = arith.constant 0 : i32
      %dma_wait3A_194 = tpu.memref_slice %arg10[%dma_wait3A_192, %dma_wait3A_193] : memref<40x128xf32, #tpu.memory_space<vmem>> -> memref<40x128xf32, #tpu.memory_space<vmem>>
      %dma_wait3A_195 = arith.constant 0 : i32
      %dma_wait3A_196 = tpu.memref_slice %arg15[%add3A_21, %dma_wait3A_195] : memref<10112x128xf32, #tpu.memory_space<vmem_shared>> -> memref<40x128xf32, #tpu.memory_space<vmem_shared>>
      %dma_wait3A_197 = arith.constant 0 : i32
      %dma_wait3A_198 = tpu.memref_slice %arg15[%add3A_21, %dma_wait3A_197] : memref<10112x128xf32, #tpu.memory_space<vmem_shared>> -> memref<40x128xf32, #tpu.memory_space<vmem_shared>>
      %dma_wait3A_199 = arith.constant 0 : i32
      %dma_wait3A_200 = arith.constant 0 : i32
      %dma_wait3A_201 = tpu.memref_slice %arg10[%dma_wait3A_199, %dma_wait3A_200] : memref<40x128xf32, #tpu.memory_space<vmem>> -> memref<40x128xf32, #tpu.memory_space<vmem>>
      tpu.wait_dma2 semaphore(%run_scoped3A_181 : memref<!tpu.dma_semaphore, #tpu.memory_space<semaphore_mem>>) src(%dma_wait3A_201 : memref<40x128xf32, #tpu.memory_space<vmem>>) dst(%dma_wait3A_198 : memref<40x128xf32, #tpu.memory_space<vmem_shared>>)
      tpu.yield
    }) : () -> ()
    %mul3A_22 = arith.constant 632 : i32
    %mul3A_23 = arith.muli %arg1, %mul3A_22 : i32
    %add3A_24 = arith.constant 120 : i32
    %add3A_25 = arith.addi %mul3A_23, %add3A_24 : i32
    "tpu.region"() ({
      %run_scoped3A_181 = tpu.sem_alloc : memref<!tpu.dma_semaphore, #tpu.memory_space<semaphore_mem>>
      %dma_start3A_182 = arith.constant 0 : i32
      %dma_start3A_183 = arith.constant 0 : i32
      %dma_start3A_184 = tpu.memref_slice %arg10[%dma_start3A_182, %dma_start3A_183] : memref<40x128xf32, #tpu.memory_space<vmem>> -> memref<40x128xf32, #tpu.memory_space<vmem>>
      %dma_start3A_185 = arith.constant 0 : i32
      %dma_start3A_186 = tpu.memref_slice %arg15[%add3A_25, %dma_start3A_185] : memref<10112x128xf32, #tpu.memory_space<vmem_shared>> -> memref<40x128xf32, #tpu.memory_space<vmem_shared>>
      %dma_start3A_187 = arith.constant 0 : i32
      %dma_start3A_188 = tpu.memref_slice %arg15[%add3A_25, %dma_start3A_187] : memref<10112x128xf32, #tpu.memory_space<vmem_shared>> -> memref<40x128xf32, #tpu.memory_space<vmem_shared>>
      %dma_start3A_189 = arith.constant 0 : i32
      %dma_start3A_190 = arith.constant 0 : i32
      %dma_start3A_191 = tpu.memref_slice %arg10[%dma_start3A_189, %dma_start3A_190] : memref<40x128xf32, #tpu.memory_space<vmem>> -> memref<40x128xf32, #tpu.memory_space<vmem>>
      tpu.enqueue_dma source(%dma_start3A_191 : memref<40x128xf32, #tpu.memory_space<vmem>>) target(%dma_start3A_188 : memref<40x128xf32, #tpu.memory_space<vmem_shared>>) target_semaphore(%run_scoped3A_181 : memref<!tpu.dma_semaphore, #tpu.memory_space<semaphore_mem>>)
      %dma_wait3A_192 = arith.constant 0 : i32
      %dma_wait3A_193 = arith.constant 0 : i32
      %dma_wait3A_194 = tpu.memref_slice %arg10[%dma_wait3A_192, %dma_wait3A_193] : memref<40x128xf32, #tpu.memory_space<vmem>> -> memref<40x128xf32, #tpu.memory_space<vmem>>
      %dma_wait3A_195 = arith.constant 0 : i32
      %dma_wait3A_196 = tpu.memref_slice %arg15[%add3A_25, %dma_wait3A_195] : memref<10112x128xf32, #tpu.memory_space<vmem_shared>> -> memref<40x128xf32, #tpu.memory_space<vmem_shared>>
      %dma_wait3A_197 = arith.constant 0 : i32
      %dma_wait3A_198 = tpu.memref_slice %arg15[%add3A_25, %dma_wait3A_197] : memref<10112x128xf32, #tpu.memory_space<vmem_shared>> -> memref<40x128xf32, #tpu.memory_space<vmem_shared>>
      %dma_wait3A_199 = arith.constant 0 : i32
      %dma_wait3A_200 = arith.constant 0 : i32
      %dma_wait3A_201 = tpu.memref_slice %arg10[%dma_wait3A_199, %dma_wait3A_200] : memref<40x128xf32, #tpu.memory_space<vmem>> -> memref<40x128xf32, #tpu.memory_space<vmem>>
      tpu.wait_dma2 semaphore(%run_scoped3A_181 : memref<!tpu.dma_semaphore, #tpu.memory_space<semaphore_mem>>) src(%dma_wait3A_201 : memref<40x128xf32, #tpu.memory_space<vmem>>) dst(%dma_wait3A_198 : memref<40x128xf32, #tpu.memory_space<vmem_shared>>)
      tpu.yield
    }) : () -> ()
    %mul3A_26 = arith.constant 632 : i32
    %mul3A_27 = arith.muli %arg1, %mul3A_26 : i32
    %add3A_28 = arith.constant 160 : i32
    %add3A_29 = arith.addi %mul3A_27, %add3A_28 : i32
    "tpu.region"() ({
      %run_scoped3A_181 = tpu.sem_alloc : memref<!tpu.dma_semaphore, #tpu.memory_space<semaphore_mem>>
      %dma_start3A_182 = arith.constant 0 : i32
      %dma_start3A_183 = arith.constant 0 : i32
      %dma_start3A_184 = tpu.memref_slice %arg10[%dma_start3A_182, %dma_start3A_183] : memref<40x128xf32, #tpu.memory_space<vmem>> -> memref<40x128xf32, #tpu.memory_space<vmem>>
      %dma_start3A_185 = arith.constant 0 : i32
      %dma_start3A_186 = tpu.memref_slice %arg15[%add3A_29, %dma_start3A_185] : memref<10112x128xf32, #tpu.memory_space<vmem_shared>> -> memref<40x128xf32, #tpu.memory_space<vmem_shared>>
      %dma_start3A_187 = arith.constant 0 : i32
      %dma_start3A_188 = tpu.memref_slice %arg15[%add3A_29, %dma_start3A_187] : memref<10112x128xf32, #tpu.memory_space<vmem_shared>> -> memref<40x128xf32, #tpu.memory_space<vmem_shared>>
      %dma_start3A_189 = arith.constant 0 : i32
      %dma_start3A_190 = arith.constant 0 : i32
      %dma_start3A_191 = tpu.memref_slice %arg10[%dma_start3A_189, %dma_start3A_190] : memref<40x128xf32, #tpu.memory_space<vmem>> -> memref<40x128xf32, #tpu.memory_space<vmem>>
      tpu.enqueue_dma source(%dma_start3A_191 : memref<40x128xf32, #tpu.memory_space<vmem>>) target(%dma_start3A_188 : memref<40x128xf32, #tpu.memory_space<vmem_shared>>) target_semaphore(%run_scoped3A_181 : memref<!tpu.dma_semaphore, #tpu.memory_space<semaphore_mem>>)
      %dma_wait3A_192 = arith.constant 0 : i32
      %dma_wait3A_193 = arith.constant 0 : i32
      %dma_wait3A_194 = tpu.memref_slice %arg10[%dma_wait3A_192, %dma_wait3A_193] : memref<40x128xf32, #tpu.memory_space<vmem>> -> memref<40x128xf32, #tpu.memory_space<vmem>>
      %dma_wait3A_195 = arith.constant 0 : i32
      %dma_wait3A_196 = tpu.memref_slice %arg15[%add3A_29, %dma_wait3A_195] : memref<10112x128xf32, #tpu.memory_space<vmem_shared>> -> memref<40x128xf32, #tpu.memory_space<vmem_shared>>
      %dma_wait3A_197 = arith.constant 0 : i32
      %dma_wait3A_198 = tpu.memref_slice %arg15[%add3A_29, %dma_wait3A_197] : memref<10112x128xf32, #tpu.memory_space<vmem_shared>> -> memref<40x128xf32, #tpu.memory_space<vmem_shared>>
      %dma_wait3A_199 = arith.constant 0 : i32
      %dma_wait3A_200 = arith.constant 0 : i32
      %dma_wait3A_201 = tpu.memref_slice %arg10[%dma_wait3A_199, %dma_wait3A_200] : memref<40x128xf32, #tpu.memory_space<vmem>> -> memref<40x128xf32, #tpu.memory_space<vmem>>
      tpu.wait_dma2 semaphore(%run_scoped3A_181 : memref<!tpu.dma_semaphore, #tpu.memory_space<semaphore_mem>>) src(%dma_wait3A_201 : memref<40x128xf32, #tpu.memory_space<vmem>>) dst(%dma_wait3A_198 : memref<40x128xf32, #tpu.memory_space<vmem_shared>>)
      tpu.yield
    }) : () -> ()
    %mul3A_30 = arith.constant 632 : i32
    %mul3A_31 = arith.muli %arg1, %mul3A_30 : i32
    %add3A_32 = arith.constant 200 : i32
    %add3A_33 = arith.addi %mul3A_31, %add3A_32 : i32
    "tpu.region"() ({
      %run_scoped3A_181 = tpu.sem_alloc : memref<!tpu.dma_semaphore, #tpu.memory_space<semaphore_mem>>
      %dma_start3A_182 = arith.constant 0 : i32
      %dma_start3A_183 = arith.constant 0 : i32
      %dma_start3A_184 = tpu.memref_slice %arg10[%dma_start3A_182, %dma_start3A_183] : memref<40x128xf32, #tpu.memory_space<vmem>> -> memref<40x128xf32, #tpu.memory_space<vmem>>
      %dma_start3A_185 = arith.constant 0 : i32
      %dma_start3A_186 = tpu.memref_slice %arg15[%add3A_33, %dma_start3A_185] : memref<10112x128xf32, #tpu.memory_space<vmem_shared>> -> memref<40x128xf32, #tpu.memory_space<vmem_shared>>
      %dma_start3A_187 = arith.constant 0 : i32
      %dma_start3A_188 = tpu.memref_slice %arg15[%add3A_33, %dma_start3A_187] : memref<10112x128xf32, #tpu.memory_space<vmem_shared>> -> memref<40x128xf32, #tpu.memory_space<vmem_shared>>
      %dma_start3A_189 = arith.constant 0 : i32
      %dma_start3A_190 = arith.constant 0 : i32
      %dma_start3A_191 = tpu.memref_slice %arg10[%dma_start3A_189, %dma_start3A_190] : memref<40x128xf32, #tpu.memory_space<vmem>> -> memref<40x128xf32, #tpu.memory_space<vmem>>
      tpu.enqueue_dma source(%dma_start3A_191 : memref<40x128xf32, #tpu.memory_space<vmem>>) target(%dma_start3A_188 : memref<40x128xf32, #tpu.memory_space<vmem_shared>>) target_semaphore(%run_scoped3A_181 : memref<!tpu.dma_semaphore, #tpu.memory_space<semaphore_mem>>)
      %dma_wait3A_192 = arith.constant 0 : i32
      %dma_wait3A_193 = arith.constant 0 : i32
      %dma_wait3A_194 = tpu.memref_slice %arg10[%dma_wait3A_192, %dma_wait3A_193] : memref<40x128xf32, #tpu.memory_space<vmem>> -> memref<40x128xf32, #tpu.memory_space<vmem>>
      %dma_wait3A_195 = arith.constant 0 : i32
      %dma_wait3A_196 = tpu.memref_slice %arg15[%add3A_33, %dma_wait3A_195] : memref<10112x128xf32, #tpu.memory_space<vmem_shared>> -> memref<40x128xf32, #tpu.memory_space<vmem_shared>>
      %dma_wait3A_197 = arith.constant 0 : i32
      %dma_wait3A_198 = tpu.memref_slice %arg15[%add3A_33, %dma_wait3A_197] : memref<10112x128xf32, #tpu.memory_space<vmem_shared>> -> memref<40x128xf32, #tpu.memory_space<vmem_shared>>
      %dma_wait3A_199 = arith.constant 0 : i32
      %dma_wait3A_200 = arith.constant 0 : i32
      %dma_wait3A_201 = tpu.memref_slice %arg10[%dma_wait3A_199, %dma_wait3A_200] : memref<40x128xf32, #tpu.memory_space<vmem>> -> memref<40x128xf32, #tpu.memory_space<vmem>>
      tpu.wait_dma2 semaphore(%run_scoped3A_181 : memref<!tpu.dma_semaphore, #tpu.memory_space<semaphore_mem>>) src(%dma_wait3A_201 : memref<40x128xf32, #tpu.memory_space<vmem>>) dst(%dma_wait3A_198 : memref<40x128xf32, #tpu.memory_space<vmem_shared>>)
      tpu.yield
    }) : () -> ()
    %mul3A_34 = arith.constant 632 : i32
    %mul3A_35 = arith.muli %arg1, %mul3A_34 : i32
    %add3A_36 = arith.constant 240 : i32
    %add3A_37 = arith.addi %mul3A_35, %add3A_36 : i32
    "tpu.region"() ({
      %run_scoped3A_181 = tpu.sem_alloc : memref<!tpu.dma_semaphore, #tpu.memory_space<semaphore_mem>>
      %dma_start3A_182 = arith.constant 0 : i32
      %dma_start3A_183 = arith.constant 0 : i32
      %dma_start3A_184 = tpu.memref_slice %arg10[%dma_start3A_182, %dma_start3A_183] : memref<40x128xf32, #tpu.memory_space<vmem>> -> memref<40x128xf32, #tpu.memory_space<vmem>>
      %dma_start3A_185 = arith.constant 0 : i32
      %dma_start3A_186 = tpu.memref_slice %arg15[%add3A_37, %dma_start3A_185] : memref<10112x128xf32, #tpu.memory_space<vmem_shared>> -> memref<40x128xf32, #tpu.memory_space<vmem_shared>>
      %dma_start3A_187 = arith.constant 0 : i32
      %dma_start3A_188 = tpu.memref_slice %arg15[%add3A_37, %dma_start3A_187] : memref<10112x128xf32, #tpu.memory_space<vmem_shared>> -> memref<40x128xf32, #tpu.memory_space<vmem_shared>>
      %dma_start3A_189 = arith.constant 0 : i32
      %dma_start3A_190 = arith.constant 0 : i32
      %dma_start3A_191 = tpu.memref_slice %arg10[%dma_start3A_189, %dma_start3A_190] : memref<40x128xf32, #tpu.memory_space<vmem>> -> memref<40x128xf32, #tpu.memory_space<vmem>>
      tpu.enqueue_dma source(%dma_start3A_191 : memref<40x128xf32, #tpu.memory_space<vmem>>) target(%dma_start3A_188 : memref<40x128xf32, #tpu.memory_space<vmem_shared>>) target_semaphore(%run_scoped3A_181 : memref<!tpu.dma_semaphore, #tpu.memory_space<semaphore_mem>>)
      %dma_wait3A_192 = arith.constant 0 : i32
      %dma_wait3A_193 = arith.constant 0 : i32
      %dma_wait3A_194 = tpu.memref_slice %arg10[%dma_wait3A_192, %dma_wait3A_193] : memref<40x128xf32, #tpu.memory_space<vmem>> -> memref<40x128xf32, #tpu.memory_space<vmem>>
      %dma_wait3A_195 = arith.constant 0 : i32
      %dma_wait3A_196 = tpu.memref_slice %arg15[%add3A_37, %dma_wait3A_195] : memref<10112x128xf32, #tpu.memory_space<vmem_shared>> -> memref<40x128xf32, #tpu.memory_space<vmem_shared>>
      %dma_wait3A_197 = arith.constant 0 : i32
      %dma_wait3A_198 = tpu.memref_slice %arg15[%add3A_37, %dma_wait3A_197] : memref<10112x128xf32, #tpu.memory_space<vmem_shared>> -> memref<40x128xf32, #tpu.memory_space<vmem_shared>>
      %dma_wait3A_199 = arith.constant 0 : i32
      %dma_wait3A_200 = arith.constant 0 : i32
      %dma_wait3A_201 = tpu.memref_slice %arg10[%dma_wait3A_199, %dma_wait3A_200] : memref<40x128xf32, #tpu.memory_space<vmem>> -> memref<40x128xf32, #tpu.memory_space<vmem>>
      tpu.wait_dma2 semaphore(%run_scoped3A_181 : memref<!tpu.dma_semaphore, #tpu.memory_space<semaphore_mem>>) src(%dma_wait3A_201 : memref<40x128xf32, #tpu.memory_space<vmem>>) dst(%dma_wait3A_198 : memref<40x128xf32, #tpu.memory_space<vmem_shared>>)
      tpu.yield
    }) : () -> ()
    %mul3A_38 = arith.constant 632 : i32
    %mul3A_39 = arith.muli %arg1, %mul3A_38 : i32
    %add3A_40 = arith.constant 280 : i32
    %add3A_41 = arith.addi %mul3A_39, %add3A_40 : i32
    "tpu.region"() ({
      %run_scoped3A_181 = tpu.sem_alloc : memref<!tpu.dma_semaphore, #tpu.memory_space<semaphore_mem>>
      %dma_start3A_182 = arith.constant 0 : i32
      %dma_start3A_183 = arith.constant 0 : i32
      %dma_start3A_184 = tpu.memref_slice %arg10[%dma_start3A_182, %dma_start3A_183] : memref<40x128xf32, #tpu.memory_space<vmem>> -> memref<40x128xf32, #tpu.memory_space<vmem>>
      %dma_start3A_185 = arith.constant 0 : i32
      %dma_start3A_186 = tpu.memref_slice %arg15[%add3A_41, %dma_start3A_185] : memref<10112x128xf32, #tpu.memory_space<vmem_shared>> -> memref<40x128xf32, #tpu.memory_space<vmem_shared>>
      %dma_start3A_187 = arith.constant 0 : i32
      %dma_start3A_188 = tpu.memref_slice %arg15[%add3A_41, %dma_start3A_187] : memref<10112x128xf32, #tpu.memory_space<vmem_shared>> -> memref<40x128xf32, #tpu.memory_space<vmem_shared>>
      %dma_start3A_189 = arith.constant 0 : i32
      %dma_start3A_190 = arith.constant 0 : i32
      %dma_start3A_191 = tpu.memref_slice %arg10[%dma_start3A_189, %dma_start3A_190] : memref<40x128xf32, #tpu.memory_space<vmem>> -> memref<40x128xf32, #tpu.memory_space<vmem>>
      tpu.enqueue_dma source(%dma_start3A_191 : memref<40x128xf32, #tpu.memory_space<vmem>>) target(%dma_start3A_188 : memref<40x128xf32, #tpu.memory_space<vmem_shared>>) target_semaphore(%run_scoped3A_181 : memref<!tpu.dma_semaphore, #tpu.memory_space<semaphore_mem>>)
      %dma_wait3A_192 = arith.constant 0 : i32
      %dma_wait3A_193 = arith.constant 0 : i32
      %dma_wait3A_194 = tpu.memref_slice %arg10[%dma_wait3A_192, %dma_wait3A_193] : memref<40x128xf32, #tpu.memory_space<vmem>> -> memref<40x128xf32, #tpu.memory_space<vmem>>
      %dma_wait3A_195 = arith.constant 0 : i32
      %dma_wait3A_196 = tpu.memref_slice %arg15[%add3A_41, %dma_wait3A_195] : memref<10112x128xf32, #tpu.memory_space<vmem_shared>> -> memref<40x128xf32, #tpu.memory_space<vmem_shared>>
      %dma_wait3A_197 = arith.constant 0 : i32
      %dma_wait3A_198 = tpu.memref_slice %arg15[%add3A_41, %dma_wait3A_197] : memref<10112x128xf32, #tpu.memory_space<vmem_shared>> -> memref<40x128xf32, #tpu.memory_space<vmem_shared>>
      %dma_wait3A_199 = arith.constant 0 : i32
      %dma_wait3A_200 = arith.constant 0 : i32
      %dma_wait3A_201 = tpu.memref_slice %arg10[%dma_wait3A_199, %dma_wait3A_200] : memref<40x128xf32, #tpu.memory_space<vmem>> -> memref<40x128xf32, #tpu.memory_space<vmem>>
      tpu.wait_dma2 semaphore(%run_scoped3A_181 : memref<!tpu.dma_semaphore, #tpu.memory_space<semaphore_mem>>) src(%dma_wait3A_201 : memref<40x128xf32, #tpu.memory_space<vmem>>) dst(%dma_wait3A_198 : memref<40x128xf32, #tpu.memory_space<vmem_shared>>)
      tpu.yield
    }) : () -> ()
    %mul3A_42 = arith.constant 632 : i32
    %mul3A_43 = arith.muli %arg1, %mul3A_42 : i32
    %add3A_44 = arith.constant 320 : i32
    %add3A_45 = arith.addi %mul3A_43, %add3A_44 : i32
    "tpu.region"() ({
      %run_scoped3A_181 = tpu.sem_alloc : memref<!tpu.dma_semaphore, #tpu.memory_space<semaphore_mem>>
      %dma_start3A_182 = arith.constant 0 : i32
      %dma_start3A_183 = arith.constant 0 : i32
      %dma_start3A_184 = tpu.memref_slice %arg10[%dma_start3A_182, %dma_start3A_183] : memref<40x128xf32, #tpu.memory_space<vmem>> -> memref<40x128xf32, #tpu.memory_space<vmem>>
      %dma_start3A_185 = arith.constant 0 : i32
      %dma_start3A_186 = tpu.memref_slice %arg15[%add3A_45, %dma_start3A_185] : memref<10112x128xf32, #tpu.memory_space<vmem_shared>> -> memref<40x128xf32, #tpu.memory_space<vmem_shared>>
      %dma_start3A_187 = arith.constant 0 : i32
      %dma_start3A_188 = tpu.memref_slice %arg15[%add3A_45, %dma_start3A_187] : memref<10112x128xf32, #tpu.memory_space<vmem_shared>> -> memref<40x128xf32, #tpu.memory_space<vmem_shared>>
      %dma_start3A_189 = arith.constant 0 : i32
      %dma_start3A_190 = arith.constant 0 : i32
      %dma_start3A_191 = tpu.memref_slice %arg10[%dma_start3A_189, %dma_start3A_190] : memref<40x128xf32, #tpu.memory_space<vmem>> -> memref<40x128xf32, #tpu.memory_space<vmem>>
      tpu.enqueue_dma source(%dma_start3A_191 : memref<40x128xf32, #tpu.memory_space<vmem>>) target(%dma_start3A_188 : memref<40x128xf32, #tpu.memory_space<vmem_shared>>) target_semaphore(%run_scoped3A_181 : memref<!tpu.dma_semaphore, #tpu.memory_space<semaphore_mem>>)
      %dma_wait3A_192 = arith.constant 0 : i32
      %dma_wait3A_193 = arith.constant 0 : i32
      %dma_wait3A_194 = tpu.memref_slice %arg10[%dma_wait3A_192, %dma_wait3A_193] : memref<40x128xf32, #tpu.memory_space<vmem>> -> memref<40x128xf32, #tpu.memory_space<vmem>>
      %dma_wait3A_195 = arith.constant 0 : i32
      %dma_wait3A_196 = tpu.memref_slice %arg15[%add3A_45, %dma_wait3A_195] : memref<10112x128xf32, #tpu.memory_space<vmem_shared>> -> memref<40x128xf32, #tpu.memory_space<vmem_shared>>
      %dma_wait3A_197 = arith.constant 0 : i32
      %dma_wait3A_198 = tpu.memref_slice %arg15[%add3A_45, %dma_wait3A_197] : memref<10112x128xf32, #tpu.memory_space<vmem_shared>> -> memref<40x128xf32, #tpu.memory_space<vmem_shared>>
      %dma_wait3A_199 = arith.constant 0 : i32
      %dma_wait3A_200 = arith.constant 0 : i32
      %dma_wait3A_201 = tpu.memref_slice %arg10[%dma_wait3A_199, %dma_wait3A_200] : memref<40x128xf32, #tpu.memory_space<vmem>> -> memref<40x128xf32, #tpu.memory_space<vmem>>
      tpu.wait_dma2 semaphore(%run_scoped3A_181 : memref<!tpu.dma_semaphore, #tpu.memory_space<semaphore_mem>>) src(%dma_wait3A_201 : memref<40x128xf32, #tpu.memory_space<vmem>>) dst(%dma_wait3A_198 : memref<40x128xf32, #tpu.memory_space<vmem_shared>>)
      tpu.yield
    }) : () -> ()
    %mul3A_46 = arith.constant 632 : i32
    %mul3A_47 = arith.muli %arg1, %mul3A_46 : i32
    %add3A_48 = arith.constant 360 : i32
    %add3A_49 = arith.addi %mul3A_47, %add3A_48 : i32
    "tpu.region"() ({
      %run_scoped3A_181 = tpu.sem_alloc : memref<!tpu.dma_semaphore, #tpu.memory_space<semaphore_mem>>
      %dma_start3A_182 = arith.constant 0 : i32
      %dma_start3A_183 = arith.constant 0 : i32
      %dma_start3A_184 = tpu.memref_slice %arg10[%dma_start3A_182, %dma_start3A_183] : memref<40x128xf32, #tpu.memory_space<vmem>> -> memref<40x128xf32, #tpu.memory_space<vmem>>
      %dma_start3A_185 = arith.constant 0 : i32
      %dma_start3A_186 = tpu.memref_slice %arg15[%add3A_49, %dma_start3A_185] : memref<10112x128xf32, #tpu.memory_space<vmem_shared>> -> memref<40x128xf32, #tpu.memory_space<vmem_shared>>
      %dma_start3A_187 = arith.constant 0 : i32
      %dma_start3A_188 = tpu.memref_slice %arg15[%add3A_49, %dma_start3A_187] : memref<10112x128xf32, #tpu.memory_space<vmem_shared>> -> memref<40x128xf32, #tpu.memory_space<vmem_shared>>
      %dma_start3A_189 = arith.constant 0 : i32
      %dma_start3A_190 = arith.constant 0 : i32
      %dma_start3A_191 = tpu.memref_slice %arg10[%dma_start3A_189, %dma_start3A_190] : memref<40x128xf32, #tpu.memory_space<vmem>> -> memref<40x128xf32, #tpu.memory_space<vmem>>
      tpu.enqueue_dma source(%dma_start3A_191 : memref<40x128xf32, #tpu.memory_space<vmem>>) target(%dma_start3A_188 : memref<40x128xf32, #tpu.memory_space<vmem_shared>>) target_semaphore(%run_scoped3A_181 : memref<!tpu.dma_semaphore, #tpu.memory_space<semaphore_mem>>)
      %dma_wait3A_192 = arith.constant 0 : i32
      %dma_wait3A_193 = arith.constant 0 : i32
      %dma_wait3A_194 = tpu.memref_slice %arg10[%dma_wait3A_192, %dma_wait3A_193] : memref<40x128xf32, #tpu.memory_space<vmem>> -> memref<40x128xf32, #tpu.memory_space<vmem>>
      %dma_wait3A_195 = arith.constant 0 : i32
      %dma_wait3A_196 = tpu.memref_slice %arg15[%add3A_49, %dma_wait3A_195] : memref<10112x128xf32, #tpu.memory_space<vmem_shared>> -> memref<40x128xf32, #tpu.memory_space<vmem_shared>>
      %dma_wait3A_197 = arith.constant 0 : i32
      %dma_wait3A_198 = tpu.memref_slice %arg15[%add3A_49, %dma_wait3A_197] : memref<10112x128xf32, #tpu.memory_space<vmem_shared>> -> memref<40x128xf32, #tpu.memory_space<vmem_shared>>
      %dma_wait3A_199 = arith.constant 0 : i32
      %dma_wait3A_200 = arith.constant 0 : i32
      %dma_wait3A_201 = tpu.memref_slice %arg10[%dma_wait3A_199, %dma_wait3A_200] : memref<40x128xf32, #tpu.memory_space<vmem>> -> memref<40x128xf32, #tpu.memory_space<vmem>>
      tpu.wait_dma2 semaphore(%run_scoped3A_181 : memref<!tpu.dma_semaphore, #tpu.memory_space<semaphore_mem>>) src(%dma_wait3A_201 : memref<40x128xf32, #tpu.memory_space<vmem>>) dst(%dma_wait3A_198 : memref<40x128xf32, #tpu.memory_space<vmem_shared>>)
      tpu.yield
    }) : () -> ()
    %mul3A_50 = arith.constant 632 : i32
    %mul3A_51 = arith.muli %arg1, %mul3A_50 : i32
    %add3A_52 = arith.constant 400 : i32
    %add3A_53 = arith.addi %mul3A_51, %add3A_52 : i32
    "tpu.region"() ({
      %run_scoped3A_181 = tpu.sem_alloc : memref<!tpu.dma_semaphore, #tpu.memory_space<semaphore_mem>>
      %dma_start3A_182 = arith.constant 0 : i32
      %dma_start3A_183 = arith.constant 0 : i32
      %dma_start3A_184 = tpu.memref_slice %arg10[%dma_start3A_182, %dma_start3A_183] : memref<40x128xf32, #tpu.memory_space<vmem>> -> memref<40x128xf32, #tpu.memory_space<vmem>>
      %dma_start3A_185 = arith.constant 0 : i32
      %dma_start3A_186 = tpu.memref_slice %arg15[%add3A_53, %dma_start3A_185] : memref<10112x128xf32, #tpu.memory_space<vmem_shared>> -> memref<40x128xf32, #tpu.memory_space<vmem_shared>>
      %dma_start3A_187 = arith.constant 0 : i32
      %dma_start3A_188 = tpu.memref_slice %arg15[%add3A_53, %dma_start3A_187] : memref<10112x128xf32, #tpu.memory_space<vmem_shared>> -> memref<40x128xf32, #tpu.memory_space<vmem_shared>>
      %dma_start3A_189 = arith.constant 0 : i32
      %dma_start3A_190 = arith.constant 0 : i32
      %dma_start3A_191 = tpu.memref_slice %arg10[%dma_start3A_189, %dma_start3A_190] : memref<40x128xf32, #tpu.memory_space<vmem>> -> memref<40x128xf32, #tpu.memory_space<vmem>>
      tpu.enqueue_dma source(%dma_start3A_191 : memref<40x128xf32, #tpu.memory_space<vmem>>) target(%dma_start3A_188 : memref<40x128xf32, #tpu.memory_space<vmem_shared>>) target_semaphore(%run_scoped3A_181 : memref<!tpu.dma_semaphore, #tpu.memory_space<semaphore_mem>>)
      %dma_wait3A_192 = arith.constant 0 : i32
      %dma_wait3A_193 = arith.constant 0 : i32
      %dma_wait3A_194 = tpu.memref_slice %arg10[%dma_wait3A_192, %dma_wait3A_193] : memref<40x128xf32, #tpu.memory_space<vmem>> -> memref<40x128xf32, #tpu.memory_space<vmem>>
      %dma_wait3A_195 = arith.constant 0 : i32
      %dma_wait3A_196 = tpu.memref_slice %arg15[%add3A_53, %dma_wait3A_195] : memref<10112x128xf32, #tpu.memory_space<vmem_shared>> -> memref<40x128xf32, #tpu.memory_space<vmem_shared>>
      %dma_wait3A_197 = arith.constant 0 : i32
      %dma_wait3A_198 = tpu.memref_slice %arg15[%add3A_53, %dma_wait3A_197] : memref<10112x128xf32, #tpu.memory_space<vmem_shared>> -> memref<40x128xf32, #tpu.memory_space<vmem_shared>>
      %dma_wait3A_199 = arith.constant 0 : i32
      %dma_wait3A_200 = arith.constant 0 : i32
      %dma_wait3A_201 = tpu.memref_slice %arg10[%dma_wait3A_199, %dma_wait3A_200] : memref<40x128xf32, #tpu.memory_space<vmem>> -> memref<40x128xf32, #tpu.memory_space<vmem>>
      tpu.wait_dma2 semaphore(%run_scoped3A_181 : memref<!tpu.dma_semaphore, #tpu.memory_space<semaphore_mem>>) src(%dma_wait3A_201 : memref<40x128xf32, #tpu.memory_space<vmem>>) dst(%dma_wait3A_198 : memref<40x128xf32, #tpu.memory_space<vmem_shared>>)
      tpu.yield
    }) : () -> ()
    %mul3A_54 = arith.constant 632 : i32
    %mul3A_55 = arith.muli %arg1, %mul3A_54 : i32
    %add3A_56 = arith.constant 440 : i32
    %add3A_57 = arith.addi %mul3A_55, %add3A_56 : i32
    "tpu.region"() ({
      %run_scoped3A_181 = tpu.sem_alloc : memref<!tpu.dma_semaphore, #tpu.memory_space<semaphore_mem>>
      %dma_start3A_182 = arith.constant 0 : i32
      %dma_start3A_183 = arith.constant 0 : i32
      %dma_start3A_184 = tpu.memref_slice %arg10[%dma_start3A_182, %dma_start3A_183] : memref<40x128xf32, #tpu.memory_space<vmem>> -> memref<40x128xf32, #tpu.memory_space<vmem>>
      %dma_start3A_185 = arith.constant 0 : i32
      %dma_start3A_186 = tpu.memref_slice %arg15[%add3A_57, %dma_start3A_185] : memref<10112x128xf32, #tpu.memory_space<vmem_shared>> -> memref<40x128xf32, #tpu.memory_space<vmem_shared>>
      %dma_start3A_187 = arith.constant 0 : i32
      %dma_start3A_188 = tpu.memref_slice %arg15[%add3A_57, %dma_start3A_187] : memref<10112x128xf32, #tpu.memory_space<vmem_shared>> -> memref<40x128xf32, #tpu.memory_space<vmem_shared>>
      %dma_start3A_189 = arith.constant 0 : i32
      %dma_start3A_190 = arith.constant 0 : i32
      %dma_start3A_191 = tpu.memref_slice %arg10[%dma_start3A_189, %dma_start3A_190] : memref<40x128xf32, #tpu.memory_space<vmem>> -> memref<40x128xf32, #tpu.memory_space<vmem>>
      tpu.enqueue_dma source(%dma_start3A_191 : memref<40x128xf32, #tpu.memory_space<vmem>>) target(%dma_start3A_188 : memref<40x128xf32, #tpu.memory_space<vmem_shared>>) target_semaphore(%run_scoped3A_181 : memref<!tpu.dma_semaphore, #tpu.memory_space<semaphore_mem>>)
      %dma_wait3A_192 = arith.constant 0 : i32
      %dma_wait3A_193 = arith.constant 0 : i32
      %dma_wait3A_194 = tpu.memref_slice %arg10[%dma_wait3A_192, %dma_wait3A_193] : memref<40x128xf32, #tpu.memory_space<vmem>> -> memref<40x128xf32, #tpu.memory_space<vmem>>
      %dma_wait3A_195 = arith.constant 0 : i32
      %dma_wait3A_196 = tpu.memref_slice %arg15[%add3A_57, %dma_wait3A_195] : memref<10112x128xf32, #tpu.memory_space<vmem_shared>> -> memref<40x128xf32, #tpu.memory_space<vmem_shared>>
      %dma_wait3A_197 = arith.constant 0 : i32
      %dma_wait3A_198 = tpu.memref_slice %arg15[%add3A_57, %dma_wait3A_197] : memref<10112x128xf32, #tpu.memory_space<vmem_shared>> -> memref<40x128xf32, #tpu.memory_space<vmem_shared>>
      %dma_wait3A_199 = arith.constant 0 : i32
      %dma_wait3A_200 = arith.constant 0 : i32
      %dma_wait3A_201 = tpu.memref_slice %arg10[%dma_wait3A_199, %dma_wait3A_200] : memref<40x128xf32, #tpu.memory_space<vmem>> -> memref<40x128xf32, #tpu.memory_space<vmem>>
      tpu.wait_dma2 semaphore(%run_scoped3A_181 : memref<!tpu.dma_semaphore, #tpu.memory_space<semaphore_mem>>) src(%dma_wait3A_201 : memref<40x128xf32, #tpu.memory_space<vmem>>) dst(%dma_wait3A_198 : memref<40x128xf32, #tpu.memory_space<vmem_shared>>)
      tpu.yield
    }) : () -> ()
    %mul3A_58 = arith.constant 632 : i32
    %mul3A_59 = arith.muli %arg1, %mul3A_58 : i32
    %add3A_60 = arith.constant 480 : i32
    %add3A_61 = arith.addi %mul3A_59, %add3A_60 : i32
    "tpu.region"() ({
      %run_scoped3A_181 = tpu.sem_alloc : memref<!tpu.dma_semaphore, #tpu.memory_space<semaphore_mem>>
      %dma_start3A_182 = arith.constant 0 : i32
      %dma_start3A_183 = arith.constant 0 : i32
      %dma_start3A_184 = tpu.memref_slice %arg10[%dma_start3A_182, %dma_start3A_183] : memref<40x128xf32, #tpu.memory_space<vmem>> -> memref<40x128xf32, #tpu.memory_space<vmem>>
      %dma_start3A_185 = arith.constant 0 : i32
      %dma_start3A_186 = tpu.memref_slice %arg15[%add3A_61, %dma_start3A_185] : memref<10112x128xf32, #tpu.memory_space<vmem_shared>> -> memref<40x128xf32, #tpu.memory_space<vmem_shared>>
      %dma_start3A_187 = arith.constant 0 : i32
      %dma_start3A_188 = tpu.memref_slice %arg15[%add3A_61, %dma_start3A_187] : memref<10112x128xf32, #tpu.memory_space<vmem_shared>> -> memref<40x128xf32, #tpu.memory_space<vmem_shared>>
      %dma_start3A_189 = arith.constant 0 : i32
      %dma_start3A_190 = arith.constant 0 : i32
      %dma_start3A_191 = tpu.memref_slice %arg10[%dma_start3A_189, %dma_start3A_190] : memref<40x128xf32, #tpu.memory_space<vmem>> -> memref<40x128xf32, #tpu.memory_space<vmem>>
      tpu.enqueue_dma source(%dma_start3A_191 : memref<40x128xf32, #tpu.memory_space<vmem>>) target(%dma_start3A_188 : memref<40x128xf32, #tpu.memory_space<vmem_shared>>) target_semaphore(%run_scoped3A_181 : memref<!tpu.dma_semaphore, #tpu.memory_space<semaphore_mem>>)
      %dma_wait3A_192 = arith.constant 0 : i32
      %dma_wait3A_193 = arith.constant 0 : i32
      %dma_wait3A_194 = tpu.memref_slice %arg10[%dma_wait3A_192, %dma_wait3A_193] : memref<40x128xf32, #tpu.memory_space<vmem>> -> memref<40x128xf32, #tpu.memory_space<vmem>>
      %dma_wait3A_195 = arith.constant 0 : i32
      %dma_wait3A_196 = tpu.memref_slice %arg15[%add3A_61, %dma_wait3A_195] : memref<10112x128xf32, #tpu.memory_space<vmem_shared>> -> memref<40x128xf32, #tpu.memory_space<vmem_shared>>
      %dma_wait3A_197 = arith.constant 0 : i32
      %dma_wait3A_198 = tpu.memref_slice %arg15[%add3A_61, %dma_wait3A_197] : memref<10112x128xf32, #tpu.memory_space<vmem_shared>> -> memref<40x128xf32, #tpu.memory_space<vmem_shared>>
      %dma_wait3A_199 = arith.constant 0 : i32
      %dma_wait3A_200 = arith.constant 0 : i32
      %dma_wait3A_201 = tpu.memref_slice %arg10[%dma_wait3A_199, %dma_wait3A_200] : memref<40x128xf32, #tpu.memory_space<vmem>> -> memref<40x128xf32, #tpu.memory_space<vmem>>
      tpu.wait_dma2 semaphore(%run_scoped3A_181 : memref<!tpu.dma_semaphore, #tpu.memory_space<semaphore_mem>>) src(%dma_wait3A_201 : memref<40x128xf32, #tpu.memory_space<vmem>>) dst(%dma_wait3A_198 : memref<40x128xf32, #tpu.memory_space<vmem_shared>>)
      tpu.yield
    }) : () -> ()
    %mul3A_62 = arith.constant 632 : i32
    %mul3A_63 = arith.muli %arg1, %mul3A_62 : i32
    %add3A_64 = arith.constant 520 : i32
    %add3A_65 = arith.addi %mul3A_63, %add3A_64 : i32
    "tpu.region"() ({
      %run_scoped3A_181 = tpu.sem_alloc : memref<!tpu.dma_semaphore, #tpu.memory_space<semaphore_mem>>
      %dma_start3A_182 = arith.constant 0 : i32
      %dma_start3A_183 = arith.constant 0 : i32
      %dma_start3A_184 = tpu.memref_slice %arg10[%dma_start3A_182, %dma_start3A_183] : memref<40x128xf32, #tpu.memory_space<vmem>> -> memref<40x128xf32, #tpu.memory_space<vmem>>
      %dma_start3A_185 = arith.constant 0 : i32
      %dma_start3A_186 = tpu.memref_slice %arg15[%add3A_65, %dma_start3A_185] : memref<10112x128xf32, #tpu.memory_space<vmem_shared>> -> memref<40x128xf32, #tpu.memory_space<vmem_shared>>
      %dma_start3A_187 = arith.constant 0 : i32
      %dma_start3A_188 = tpu.memref_slice %arg15[%add3A_65, %dma_start3A_187] : memref<10112x128xf32, #tpu.memory_space<vmem_shared>> -> memref<40x128xf32, #tpu.memory_space<vmem_shared>>
      %dma_start3A_189 = arith.constant 0 : i32
      %dma_start3A_190 = arith.constant 0 : i32
      %dma_start3A_191 = tpu.memref_slice %arg10[%dma_start3A_189, %dma_start3A_190] : memref<40x128xf32, #tpu.memory_space<vmem>> -> memref<40x128xf32, #tpu.memory_space<vmem>>
      tpu.enqueue_dma source(%dma_start3A_191 : memref<40x128xf32, #tpu.memory_space<vmem>>) target(%dma_start3A_188 : memref<40x128xf32, #tpu.memory_space<vmem_shared>>) target_semaphore(%run_scoped3A_181 : memref<!tpu.dma_semaphore, #tpu.memory_space<semaphore_mem>>)
      %dma_wait3A_192 = arith.constant 0 : i32
      %dma_wait3A_193 = arith.constant 0 : i32
      %dma_wait3A_194 = tpu.memref_slice %arg10[%dma_wait3A_192, %dma_wait3A_193] : memref<40x128xf32, #tpu.memory_space<vmem>> -> memref<40x128xf32, #tpu.memory_space<vmem>>
      %dma_wait3A_195 = arith.constant 0 : i32
      %dma_wait3A_196 = tpu.memref_slice %arg15[%add3A_65, %dma_wait3A_195] : memref<10112x128xf32, #tpu.memory_space<vmem_shared>> -> memref<40x128xf32, #tpu.memory_space<vmem_shared>>
      %dma_wait3A_197 = arith.constant 0 : i32
      %dma_wait3A_198 = tpu.memref_slice %arg15[%add3A_65, %dma_wait3A_197] : memref<10112x128xf32, #tpu.memory_space<vmem_shared>> -> memref<40x128xf32, #tpu.memory_space<vmem_shared>>
      %dma_wait3A_199 = arith.constant 0 : i32
      %dma_wait3A_200 = arith.constant 0 : i32
      %dma_wait3A_201 = tpu.memref_slice %arg10[%dma_wait3A_199, %dma_wait3A_200] : memref<40x128xf32, #tpu.memory_space<vmem>> -> memref<40x128xf32, #tpu.memory_space<vmem>>
      tpu.wait_dma2 semaphore(%run_scoped3A_181 : memref<!tpu.dma_semaphore, #tpu.memory_space<semaphore_mem>>) src(%dma_wait3A_201 : memref<40x128xf32, #tpu.memory_space<vmem>>) dst(%dma_wait3A_198 : memref<40x128xf32, #tpu.memory_space<vmem_shared>>)
      tpu.yield
    }) : () -> ()
    %mul3A_66 = arith.constant 632 : i32
    %mul3A_67 = arith.muli %arg1, %mul3A_66 : i32
    %add3A_68 = arith.constant 560 : i32
    %add3A_69 = arith.addi %mul3A_67, %add3A_68 : i32
    "tpu.region"() ({
      %run_scoped3A_181 = tpu.sem_alloc : memref<!tpu.dma_semaphore, #tpu.memory_space<semaphore_mem>>
      %dma_start3A_182 = arith.constant 0 : i32
      %dma_start3A_183 = arith.constant 0 : i32
      %dma_start3A_184 = tpu.memref_slice %arg10[%dma_start3A_182, %dma_start3A_183] : memref<40x128xf32, #tpu.memory_space<vmem>> -> memref<40x128xf32, #tpu.memory_space<vmem>>
      %dma_start3A_185 = arith.constant 0 : i32
      %dma_start3A_186 = tpu.memref_slice %arg15[%add3A_69, %dma_start3A_185] : memref<10112x128xf32, #tpu.memory_space<vmem_shared>> -> memref<40x128xf32, #tpu.memory_space<vmem_shared>>
      %dma_start3A_187 = arith.constant 0 : i32
      %dma_start3A_188 = tpu.memref_slice %arg15[%add3A_69, %dma_start3A_187] : memref<10112x128xf32, #tpu.memory_space<vmem_shared>> -> memref<40x128xf32, #tpu.memory_space<vmem_shared>>
      %dma_start3A_189 = arith.constant 0 : i32
      %dma_start3A_190 = arith.constant 0 : i32
      %dma_start3A_191 = tpu.memref_slice %arg10[%dma_start3A_189, %dma_start3A_190] : memref<40x128xf32, #tpu.memory_space<vmem>> -> memref<40x128xf32, #tpu.memory_space<vmem>>
      tpu.enqueue_dma source(%dma_start3A_191 : memref<40x128xf32, #tpu.memory_space<vmem>>) target(%dma_start3A_188 : memref<40x128xf32, #tpu.memory_space<vmem_shared>>) target_semaphore(%run_scoped3A_181 : memref<!tpu.dma_semaphore, #tpu.memory_space<semaphore_mem>>)
      %dma_wait3A_192 = arith.constant 0 : i32
      %dma_wait3A_193 = arith.constant 0 : i32
      %dma_wait3A_194 = tpu.memref_slice %arg10[%dma_wait3A_192, %dma_wait3A_193] : memref<40x128xf32, #tpu.memory_space<vmem>> -> memref<40x128xf32, #tpu.memory_space<vmem>>
      %dma_wait3A_195 = arith.constant 0 : i32
      %dma_wait3A_196 = tpu.memref_slice %arg15[%add3A_69, %dma_wait3A_195] : memref<10112x128xf32, #tpu.memory_space<vmem_shared>> -> memref<40x128xf32, #tpu.memory_space<vmem_shared>>
      %dma_wait3A_197 = arith.constant 0 : i32
      %dma_wait3A_198 = tpu.memref_slice %arg15[%add3A_69, %dma_wait3A_197] : memref<10112x128xf32, #tpu.memory_space<vmem_shared>> -> memref<40x128xf32, #tpu.memory_space<vmem_shared>>
      %dma_wait3A_199 = arith.constant 0 : i32
      %dma_wait3A_200 = arith.constant 0 : i32
      %dma_wait3A_201 = tpu.memref_slice %arg10[%dma_wait3A_199, %dma_wait3A_200] : memref<40x128xf32, #tpu.memory_space<vmem>> -> memref<40x128xf32, #tpu.memory_space<vmem>>
      tpu.wait_dma2 semaphore(%run_scoped3A_181 : memref<!tpu.dma_semaphore, #tpu.memory_space<semaphore_mem>>) src(%dma_wait3A_201 : memref<40x128xf32, #tpu.memory_space<vmem>>) dst(%dma_wait3A_198 : memref<40x128xf32, #tpu.memory_space<vmem_shared>>)
      tpu.yield
    }) : () -> ()
    %mul3A_70 = arith.constant 632 : i32
    %mul3A_71 = arith.muli %arg1, %mul3A_70 : i32
    %add3A_72 = arith.constant 600 : i32
    %add3A_73 = arith.addi %mul3A_71, %add3A_72 : i32
    "tpu.region"() ({
      %run_scoped3A_181 = tpu.sem_alloc : memref<!tpu.dma_semaphore, #tpu.memory_space<semaphore_mem>>
      %dma_start3A_182 = arith.constant 0 : i32
      %dma_start3A_183 = arith.constant 0 : i32
      %dma_start3A_184 = tpu.memref_slice %arg10[%dma_start3A_182, %dma_start3A_183] : memref<40x128xf32, #tpu.memory_space<vmem>> -> memref<32x128xf32, #tpu.memory_space<vmem>>
      %dma_start3A_185 = arith.constant 0 : i32
      %dma_start3A_186 = tpu.memref_slice %arg15[%add3A_73, %dma_start3A_185] : memref<10112x128xf32, #tpu.memory_space<vmem_shared>> -> memref<32x128xf32, #tpu.memory_space<vmem_shared>>
      %dma_start3A_187 = arith.constant 0 : i32
      %dma_start3A_188 = tpu.memref_slice %arg15[%add3A_73, %dma_start3A_187] : memref<10112x128xf32, #tpu.memory_space<vmem_shared>> -> memref<32x128xf32, #tpu.memory_space<vmem_shared>>
      %dma_start3A_189 = arith.constant 0 : i32
      %dma_start3A_190 = arith.constant 0 : i32
      %dma_start3A_191 = tpu.memref_slice %arg10[%dma_start3A_189, %dma_start3A_190] : memref<40x128xf32, #tpu.memory_space<vmem>> -> memref<32x128xf32, #tpu.memory_space<vmem>>
      tpu.enqueue_dma source(%dma_start3A_191 : memref<32x128xf32, #tpu.memory_space<vmem>>) target(%dma_start3A_188 : memref<32x128xf32, #tpu.memory_space<vmem_shared>>) target_semaphore(%run_scoped3A_181 : memref<!tpu.dma_semaphore, #tpu.memory_space<semaphore_mem>>)
      %dma_wait3A_192 = arith.constant 0 : i32
      %dma_wait3A_193 = arith.constant 0 : i32
      %dma_wait3A_194 = tpu.memref_slice %arg10[%dma_wait3A_192, %dma_wait3A_193] : memref<40x128xf32, #tpu.memory_space<vmem>> -> memref<32x128xf32, #tpu.memory_space<vmem>>
      %dma_wait3A_195 = arith.constant 0 : i32
      %dma_wait3A_196 = tpu.memref_slice %arg15[%add3A_73, %dma_wait3A_195] : memref<10112x128xf32, #tpu.memory_space<vmem_shared>> -> memref<32x128xf32, #tpu.memory_space<vmem_shared>>
      %dma_wait3A_197 = arith.constant 0 : i32
      %dma_wait3A_198 = tpu.memref_slice %arg15[%add3A_73, %dma_wait3A_197] : memref<10112x128xf32, #tpu.memory_space<vmem_shared>> -> memref<32x128xf32, #tpu.memory_space<vmem_shared>>
      %dma_wait3A_199 = arith.constant 0 : i32
      %dma_wait3A_200 = arith.constant 0 : i32
      %dma_wait3A_201 = tpu.memref_slice %arg10[%dma_wait3A_199, %dma_wait3A_200] : memref<40x128xf32, #tpu.memory_space<vmem>> -> memref<32x128xf32, #tpu.memory_space<vmem>>
      tpu.wait_dma2 semaphore(%run_scoped3A_181 : memref<!tpu.dma_semaphore, #tpu.memory_space<semaphore_mem>>) src(%dma_wait3A_201 : memref<32x128xf32, #tpu.memory_space<vmem>>) dst(%dma_wait3A_198 : memref<32x128xf32, #tpu.memory_space<vmem_shared>>)
      tpu.yield
    }) : () -> ()
    %barrier3A = arith.constant 0 : index
    tpu.barrier barrier_id(%barrier3A)
    %add3A_74 = arith.constant 0 : i32
    %add3A_75 = arith.addi %mul3A_2, %add3A_74 : i32
    %dma_start3A = arith.constant 0 : i32
    %dma_start3A_76 = tpu.memref_slice %arg4[%add3A_75, %dma_start3A] : memref<320000x128xf32, #tpu.memory_space<hbm>> -> memref<40x128xf32, #tpu.memory_space<hbm>>
    %dma_start3A_77 = arith.constant 0 : i32
    %dma_start3A_78 = tpu.memref_slice %arg4[%add3A_75, %dma_start3A_77] : memref<320000x128xf32, #tpu.memory_space<hbm>> -> memref<40x128xf32, #tpu.memory_space<hbm>>
    tpu.enqueue_dma source(%dma_start3A_78 : memref<40x128xf32, #tpu.memory_space<hbm>>) target(%arg14 : memref<40x128xf32, #tpu.memory_space<vmem>>) target_semaphore(%arg20 : memref<!tpu.dma_semaphore, #tpu.memory_space<semaphore_mem>>)
    %dma_start3A_79 = arith.constant 0 : i32
    %dma_start3A_80 = arith.constant 0 : i32
    %dma_start3A_81 = arith.constant 0 : i32
    %dma_start3A_82 = arith.constant 0 : i32
    %dma_start3A_83 = tpu.memref_slice %arg8[%dma_start3A_79, %dma_start3A_81, %dma_start3A_82] : memref<3x5x40xi32, #tpu.memory_space<vmem>> -> memref<1x5x40xi32, #tpu.memory_space<vmem>>
    %dma_start3A_84 = tpu.memref_squeeze %dma_start3A_83 : memref<1x5x40xi32, #tpu.memory_space<vmem>> -> memref<5x40xi32, #tpu.memory_space<vmem>>
    %dma_start3A_85 = arith.constant 0 : i32
    %dma_start3A_86 = tpu.memref_slice %dma_start3A_84[%dma_start3A_80, %dma_start3A_85] : memref<5x40xi32, #tpu.memory_space<vmem>> -> memref<1x40xi32, #tpu.memory_space<vmem>>
    %dma_start3A_87 = tpu.memref_squeeze %dma_start3A_86 : memref<1x40xi32, #tpu.memory_space<vmem>> -> memref<40xi32, #tpu.memory_space<vmem>>
    %dma_start3A_88 = arith.constant 0 : i32
    %dma_start3A_89 = arith.constant 0 : i32
    %dma_start3A_90 = tpu.memref_slice %arg2[%dma_start3A_88, %dma_start3A_89] : memref<10000x128xf32, #tpu.memory_space<hbm>> -> memref<10000x128xf32, #tpu.memory_space<hbm>>
    tpu.enqueue_indirect_dma source(%dma_start3A_90 : memref<10000x128xf32, #tpu.memory_space<hbm>>) target(%arg10 : memref<40x128xf32, #tpu.memory_space<vmem>>) offsets(%dma_start3A_87 : memref<40xi32, #tpu.memory_space<vmem>>) semaphore(%arg16 : memref<!tpu.dma_semaphore, #tpu.memory_space<semaphore_mem>>)
    %dma_start3A_91 = arith.constant 0 : i32
    %dma_start3A_92 = arith.constant 0 : i32
    %dma_start3A_93 = arith.constant 0 : i32
    %dma_start3A_94 = arith.constant 0 : i32
    %dma_start3A_95 = tpu.memref_slice %arg9[%dma_start3A_91, %dma_start3A_93, %dma_start3A_94] : memref<3x5x40xi32, #tpu.memory_space<vmem>> -> memref<1x5x40xi32, #tpu.memory_space<vmem>>
    %dma_start3A_96 = tpu.memref_squeeze %dma_start3A_95 : memref<1x5x40xi32, #tpu.memory_space<vmem>> -> memref<5x40xi32, #tpu.memory_space<vmem>>
    %dma_start3A_97 = arith.constant 0 : i32
    %dma_start3A_98 = tpu.memref_slice %dma_start3A_96[%dma_start3A_92, %dma_start3A_97] : memref<5x40xi32, #tpu.memory_space<vmem>> -> memref<1x40xi32, #tpu.memory_space<vmem>>
    %dma_start3A_99 = tpu.memref_squeeze %dma_start3A_98 : memref<1x40xi32, #tpu.memory_space<vmem>> -> memref<40xi32, #tpu.memory_space<vmem>>
    %dma_start3A_100 = arith.constant 0 : i32
    %dma_start3A_101 = arith.constant 0 : i32
    %dma_start3A_102 = tpu.memref_slice %arg3[%dma_start3A_100, %dma_start3A_101] : memref<10000x128xf32, #tpu.memory_space<hbm>> -> memref<10000x128xf32, #tpu.memory_space<hbm>>
    tpu.enqueue_indirect_dma source(%dma_start3A_102 : memref<10000x128xf32, #tpu.memory_space<hbm>>) target(%arg11 : memref<40x128xf32, #tpu.memory_space<vmem>>) offsets(%dma_start3A_99 : memref<40xi32, #tpu.memory_space<vmem>>) semaphore(%arg16 : memref<!tpu.dma_semaphore, #tpu.memory_space<semaphore_mem>>)
    %scan3A_103 = arith.constant 0 : i32
    %scan3A_104 = arith.constant 249 : i32
    %scan3A_105 = arith.addi %scan3A_103, %scan3A_104 : i32
    %scan3A_106 = arith.constant 1 : i32
    scf.for %scan3A_181 = %scan3A_103 to %scan3A_105 step %scan3A_106  : i32 {
      %mul3A_182 = arith.constant 1 : i32
      %mul3A_183 = arith.muli %scan3A_181, %mul3A_182 : i32
      %add3A_184 = arith.constant 0 : i32
      %add3A_185 = arith.addi %add3A_184, %mul3A_183 : i32
      %jit3A = arith.constant 5 : i32
      %eq3A = arith.constant 0 : i32
      %eq3A_186 = arith.cmpi eq, %jit3A, %eq3A : i32
      %jit3A_187 = arith.constant 1 : i32
      %select_n3A = arith.select %eq3A_186, %jit3A_187, %jit3A : i32
      %rem3A = arith.remsi %add3A_185, %select_n3A : i32
      %ne3A = arith.constant 0 : i32
      %ne3A_188 = arith.cmpi ne, %rem3A, %ne3A : i32
      %lt3A = arith.constant 0 : i32
      %lt3A_189 = arith.cmpi slt, %rem3A, %lt3A : i32
      %lt3A_190 = arith.constant 0 : i32
      %lt3A_191 = arith.cmpi slt, %select_n3A, %lt3A_190 : i32
      %ne3A_192 = arith.xori %lt3A_189, %lt3A_191 : i1
      %and3A = arith.andi %ne3A_192, %ne3A_188 : i1
      %add3A_193 = arith.addi %rem3A, %select_n3A : i32
      %select_n3A_194 = arith.select %and3A, %add3A_193, %rem3A : i32
      %eq3A_195 = arith.constant 0 : i32
      %eq3A_196 = arith.cmpi eq, %select_n3A_194, %eq3A_195 : i32
      %lt3A_197 = arith.constant 245 : i32
      %lt3A_198 = arith.cmpi slt, %add3A_185, %lt3A_197 : i32
      %and3A_199 = arith.andi %eq3A_196, %lt3A_198 : i1
      %convert_element_type3A = arith.extui %and3A_199 : i1 to i32
      %cond3A = arith.constant 0 : i32
      %cond3A_200 = arith.cmpi ne, %convert_element_type3A, %cond3A : i32
      scf.if %cond3A_200 {
        %jit3A_266 = arith.constant 5 : i32
        %div3A = arith.divsi %add3A_185, %jit3A_266 : i32
        %sign3A = arith.constant 0 : i32
        %sign3A_267 = arith.cmpi sgt, %add3A_185, %sign3A : i32
        %sign3A_268 = arith.extui %sign3A_267 : i1 to i32
        %sign3A_269 = arith.constant 0 : i32
        %sign3A_270 = arith.cmpi slt, %add3A_185, %sign3A_269 : i32
        %sign3A_271 = arith.extui %sign3A_270 : i1 to i32
        %sign3A_272 = arith.subi %sign3A_268, %sign3A_271 : i32
        %sign3A_273 = arith.constant 0 : i32
        %sign3A_274 = arith.cmpi sgt, %jit3A_266, %sign3A_273 : i32
        %sign3A_275 = arith.extui %sign3A_274 : i1 to i32
        %sign3A_276 = arith.constant 0 : i32
        %sign3A_277 = arith.cmpi slt, %jit3A_266, %sign3A_276 : i32
        %sign3A_278 = arith.extui %sign3A_277 : i1 to i32
        %sign3A_279 = arith.subi %sign3A_275, %sign3A_278 : i32
        %ne3A_280 = arith.cmpi ne, %sign3A_272, %sign3A_279 : i32
        %rem3A_281 = arith.remsi %add3A_185, %jit3A_266 : i32
        %ne3A_282 = arith.constant 0 : i32
        %ne3A_283 = arith.cmpi ne, %rem3A_281, %ne3A_282 : i32
        %and3A_284 = arith.andi %ne3A_280, %ne3A_283 : i1
        %sub3A = arith.constant 1 : i32
        %sub3A_285 = arith.subi %div3A, %sub3A : i32
        %select_n3A_286 = arith.select %and3A_284, %sub3A_285, %div3A : i32
        %add3A_287 = arith.constant 1 : i32
        %add3A_288 = arith.addi %select_n3A_286, %add3A_287 : i32
        %jit3A_289 = arith.constant 3 : i32
        %eq3A_290 = arith.constant 0 : i32
        %eq3A_291 = arith.cmpi eq, %jit3A_289, %eq3A_290 : i32
        %jit3A_292 = arith.constant 1 : i32
        %select_n3A_293 = arith.select %eq3A_291, %jit3A_292, %jit3A_289 : i32
        %rem3A_294 = arith.remsi %add3A_288, %select_n3A_293 : i32
        %ne3A_295 = arith.constant 0 : i32
        %ne3A_296 = arith.cmpi ne, %rem3A_294, %ne3A_295 : i32
        %lt3A_297 = arith.constant 0 : i32
        %lt3A_298 = arith.cmpi slt, %rem3A_294, %lt3A_297 : i32
        %lt3A_299 = arith.constant 0 : i32
        %lt3A_300 = arith.cmpi slt, %select_n3A_293, %lt3A_299 : i32
        %ne3A_301 = arith.xori %lt3A_298, %lt3A_300 : i1
        %and3A_302 = arith.andi %ne3A_301, %ne3A_296 : i1
        %add3A_303 = arith.addi %rem3A_294, %select_n3A_293 : i32
        %select_n3A_304 = arith.select %and3A_302, %add3A_303, %rem3A_294 : i32
        %dma_start3A_305 = arith.constant 0 : i32
        %dma_start3A_306 = arith.constant 0 : i32
        %dma_start3A_307 = tpu.memref_slice %arg8[%select_n3A_304, %dma_start3A_305, %dma_start3A_306] : memref<3x5x40xi32, #tpu.memory_space<vmem>> -> memref<1x5x40xi32, #tpu.memory_space<vmem>>
        %dma_start3A_308 = tpu.memref_squeeze %dma_start3A_307 : memref<1x5x40xi32, #tpu.memory_space<vmem>> -> memref<5x40xi32, #tpu.memory_space<vmem>>
        %dma_start3A_309 = arith.constant 0 : i32
        %dma_start3A_310 = arith.constant 0 : i32
        %dma_start3A_311 = arith.constant 0 : i32
        %dma_start3A_312 = tpu.memref_slice %arg5[%add3A, %dma_start3A_309, %dma_start3A_310, %dma_start3A_311] : memref<32x50x5x40xi32, #tpu.memory_space<hbm>> -> memref<1x50x5x40xi32, #tpu.memory_space<hbm>>
        %dma_start3A_313 = tpu.memref_squeeze %dma_start3A_312 : memref<1x50x5x40xi32, #tpu.memory_space<hbm>> -> memref<50x5x40xi32, #tpu.memory_space<hbm>>
        %dma_start3A_314 = arith.constant 0 : i32
        %dma_start3A_315 = arith.constant 0 : i32
        %dma_start3A_316 = tpu.memref_slice %dma_start3A_313[%add3A_288, %dma_start3A_314, %dma_start3A_315] : memref<50x5x40xi32, #tpu.memory_space<hbm>> -> memref<1x5x40xi32, #tpu.memory_space<hbm>>
        %dma_start3A_317 = tpu.memref_squeeze %dma_start3A_316 : memref<1x5x40xi32, #tpu.memory_space<hbm>> -> memref<5x40xi32, #tpu.memory_space<hbm>>
        %dma_start3A_318 = arith.constant 0 : i32
        %dma_start3A_319 = arith.constant 0 : i32
        %dma_start3A_320 = tpu.memref_slice %arg8[%select_n3A_304, %dma_start3A_318, %dma_start3A_319] : memref<3x5x40xi32, #tpu.memory_space<vmem>> -> memref<1x5x40xi32, #tpu.memory_space<vmem>>
        %dma_start3A_321 = tpu.memref_squeeze %dma_start3A_320 : memref<1x5x40xi32, #tpu.memory_space<vmem>> -> memref<5x40xi32, #tpu.memory_space<vmem>>
        %dma_start3A_322 = arith.constant 0 : i32
        %dma_start3A_323 = arith.constant 0 : i32
        %dma_start3A_324 = arith.constant 0 : i32
        %dma_start3A_325 = tpu.memref_slice %arg5[%add3A, %dma_start3A_322, %dma_start3A_323, %dma_start3A_324] : memref<32x50x5x40xi32, #tpu.memory_space<hbm>> -> memref<1x50x5x40xi32, #tpu.memory_space<hbm>>
        %dma_start3A_326 = tpu.memref_squeeze %dma_start3A_325 : memref<1x50x5x40xi32, #tpu.memory_space<hbm>> -> memref<50x5x40xi32, #tpu.memory_space<hbm>>
        %dma_start3A_327 = arith.constant 0 : i32
        %dma_start3A_328 = arith.constant 0 : i32
        %dma_start3A_329 = tpu.memref_slice %dma_start3A_326[%add3A_288, %dma_start3A_327, %dma_start3A_328] : memref<50x5x40xi32, #tpu.memory_space<hbm>> -> memref<1x5x40xi32, #tpu.memory_space<hbm>>
        %dma_start3A_330 = tpu.memref_squeeze %dma_start3A_329 : memref<1x5x40xi32, #tpu.memory_space<hbm>> -> memref<5x40xi32, #tpu.memory_space<hbm>>
        tpu.enqueue_dma source(%dma_start3A_330 : memref<5x40xi32, #tpu.memory_space<hbm>>) target(%dma_start3A_321 : memref<5x40xi32, #tpu.memory_space<vmem>>) target_semaphore(%arg21 : memref<!tpu.dma_semaphore, #tpu.memory_space<semaphore_mem>>)
        %dma_start3A_331 = arith.constant 0 : i32
        %dma_start3A_332 = arith.constant 0 : i32
        %dma_start3A_333 = tpu.memref_slice %arg9[%select_n3A_304, %dma_start3A_331, %dma_start3A_332] : memref<3x5x40xi32, #tpu.memory_space<vmem>> -> memref<1x5x40xi32, #tpu.memory_space<vmem>>
        %dma_start3A_334 = tpu.memref_squeeze %dma_start3A_333 : memref<1x5x40xi32, #tpu.memory_space<vmem>> -> memref<5x40xi32, #tpu.memory_space<vmem>>
        %dma_start3A_335 = arith.constant 0 : i32
        %dma_start3A_336 = arith.constant 0 : i32
        %dma_start3A_337 = arith.constant 0 : i32
        %dma_start3A_338 = tpu.memref_slice %arg6[%add3A, %dma_start3A_335, %dma_start3A_336, %dma_start3A_337] : memref<32x50x5x40xi32, #tpu.memory_space<hbm>> -> memref<1x50x5x40xi32, #tpu.memory_space<hbm>>
        %dma_start3A_339 = tpu.memref_squeeze %dma_start3A_338 : memref<1x50x5x40xi32, #tpu.memory_space<hbm>> -> memref<50x5x40xi32, #tpu.memory_space<hbm>>
        %dma_start3A_340 = arith.constant 0 : i32
        %dma_start3A_341 = arith.constant 0 : i32
        %dma_start3A_342 = tpu.memref_slice %dma_start3A_339[%add3A_288, %dma_start3A_340, %dma_start3A_341] : memref<50x5x40xi32, #tpu.memory_space<hbm>> -> memref<1x5x40xi32, #tpu.memory_space<hbm>>
        %dma_start3A_343 = tpu.memref_squeeze %dma_start3A_342 : memref<1x5x40xi32, #tpu.memory_space<hbm>> -> memref<5x40xi32, #tpu.memory_space<hbm>>
        %dma_start3A_344 = arith.constant 0 : i32
        %dma_start3A_345 = arith.constant 0 : i32
        %dma_start3A_346 = tpu.memref_slice %arg9[%select_n3A_304, %dma_start3A_344, %dma_start3A_345] : memref<3x5x40xi32, #tpu.memory_space<vmem>> -> memref<1x5x40xi32, #tpu.memory_space<vmem>>
        %dma_start3A_347 = tpu.memref_squeeze %dma_start3A_346 : memref<1x5x40xi32, #tpu.memory_space<vmem>> -> memref<5x40xi32, #tpu.memory_space<vmem>>
        %dma_start3A_348 = arith.constant 0 : i32
        %dma_start3A_349 = arith.constant 0 : i32
        %dma_start3A_350 = arith.constant 0 : i32
        %dma_start3A_351 = tpu.memref_slice %arg6[%add3A, %dma_start3A_348, %dma_start3A_349, %dma_start3A_350] : memref<32x50x5x40xi32, #tpu.memory_space<hbm>> -> memref<1x50x5x40xi32, #tpu.memory_space<hbm>>
        %dma_start3A_352 = tpu.memref_squeeze %dma_start3A_351 : memref<1x50x5x40xi32, #tpu.memory_space<hbm>> -> memref<50x5x40xi32, #tpu.memory_space<hbm>>
        %dma_start3A_353 = arith.constant 0 : i32
        %dma_start3A_354 = arith.constant 0 : i32
        %dma_start3A_355 = tpu.memref_slice %dma_start3A_352[%add3A_288, %dma_start3A_353, %dma_start3A_354] : memref<50x5x40xi32, #tpu.memory_space<hbm>> -> memref<1x5x40xi32, #tpu.memory_space<hbm>>
        %dma_start3A_356 = tpu.memref_squeeze %dma_start3A_355 : memref<1x5x40xi32, #tpu.memory_space<hbm>> -> memref<5x40xi32, #tpu.memory_space<hbm>>
        tpu.enqueue_dma source(%dma_start3A_356 : memref<5x40xi32, #tpu.memory_space<hbm>>) target(%dma_start3A_347 : memref<5x40xi32, #tpu.memory_space<vmem>>) target_semaphore(%arg21 : memref<!tpu.dma_semaphore, #tpu.memory_space<semaphore_mem>>)
      } else {
      }
      %jit3A_201 = arith.constant 2 : i32
      %eq3A_202 = arith.constant 0 : i32
      %eq3A_203 = arith.cmpi eq, %jit3A_201, %eq3A_202 : i32
      %jit3A_204 = arith.constant 1 : i32
      %select_n3A_205 = arith.select %eq3A_203, %jit3A_204, %jit3A_201 : i32
      %rem3A_206 = arith.remsi %add3A_185, %select_n3A_205 : i32
      %ne3A_207 = arith.constant 0 : i32
      %ne3A_208 = arith.cmpi ne, %rem3A_206, %ne3A_207 : i32
      %lt3A_209 = arith.constant 0 : i32
      %lt3A_210 = arith.cmpi slt, %rem3A_206, %lt3A_209 : i32
      %lt3A_211 = arith.constant 0 : i32
      %lt3A_212 = arith.cmpi slt, %select_n3A_205, %lt3A_211 : i32
      %ne3A_213 = arith.xori %lt3A_210, %lt3A_212 : i1
      %and3A_214 = arith.andi %ne3A_213, %ne3A_208 : i1
      %add3A_215 = arith.addi %rem3A_206, %select_n3A_205 : i32
      %select_n3A_216 = arith.select %and3A_214, %add3A_215, %rem3A_206 : i32
      %eq3A_217 = arith.constant 0 : i32
      %eq3A_218 = arith.cmpi eq, %select_n3A_216, %eq3A_217 : i32
      %convert_element_type3A_219 = arith.extui %eq3A_218 : i1 to i32
      %cond3A_220 = arith.constant 0 : i32
      %cond3A_221 = arith.cmpi ne, %convert_element_type3A_219, %cond3A_220 : i32
      scf.if %cond3A_221 {
        %ge3A = arith.constant 1 : i32
        %ge3A_266 = arith.cmpi sge, %add3A_185, %ge3A : i32
        %convert_element_type3A_267 = arith.extui %ge3A_266 : i1 to i32
        %cond3A_268 = arith.constant 0 : i32
        %cond3A_269 = arith.cmpi ne, %convert_element_type3A_267, %cond3A_268 : i32
        scf.if %cond3A_269 {
          %sub3A_448 = arith.constant 1 : i32
          %sub3A_449 = arith.subi %add3A_185, %sub3A_448 : i32
          %jit3A_450 = arith.constant 5 : i32
          %div3A_451 = arith.divsi %sub3A_449, %jit3A_450 : i32
          %sign3A_452 = arith.constant 0 : i32
          %sign3A_453 = arith.cmpi sgt, %sub3A_449, %sign3A_452 : i32
          %sign3A_454 = arith.extui %sign3A_453 : i1 to i32
          %sign3A_455 = arith.constant 0 : i32
          %sign3A_456 = arith.cmpi slt, %sub3A_449, %sign3A_455 : i32
          %sign3A_457 = arith.extui %sign3A_456 : i1 to i32
          %sign3A_458 = arith.subi %sign3A_454, %sign3A_457 : i32
          %sign3A_459 = arith.constant 0 : i32
          %sign3A_460 = arith.cmpi sgt, %jit3A_450, %sign3A_459 : i32
          %sign3A_461 = arith.extui %sign3A_460 : i1 to i32
          %sign3A_462 = arith.constant 0 : i32
          %sign3A_463 = arith.cmpi slt, %jit3A_450, %sign3A_462 : i32
          %sign3A_464 = arith.extui %sign3A_463 : i1 to i32
          %sign3A_465 = arith.subi %sign3A_461, %sign3A_464 : i32
          %ne3A_466 = arith.cmpi ne, %sign3A_458, %sign3A_465 : i32
          %rem3A_467 = arith.remsi %sub3A_449, %jit3A_450 : i32
          %ne3A_468 = arith.constant 0 : i32
          %ne3A_469 = arith.cmpi ne, %rem3A_467, %ne3A_468 : i32
          %and3A_470 = arith.andi %ne3A_466, %ne3A_469 : i1
          %sub3A_471 = arith.constant 1 : i32
          %sub3A_472 = arith.subi %div3A_451, %sub3A_471 : i32
          %select_n3A_473 = arith.select %and3A_470, %sub3A_472, %div3A_451 : i32
          %jit3A_474 = arith.constant 3 : i32
          %eq3A_475 = arith.constant 0 : i32
          %eq3A_476 = arith.cmpi eq, %jit3A_474, %eq3A_475 : i32
          %jit3A_477 = arith.constant 1 : i32
          %select_n3A_478 = arith.select %eq3A_476, %jit3A_477, %jit3A_474 : i32
          %rem3A_479 = arith.remsi %select_n3A_473, %select_n3A_478 : i32
          %ne3A_480 = arith.constant 0 : i32
          %ne3A_481 = arith.cmpi ne, %rem3A_479, %ne3A_480 : i32
          %lt3A_482 = arith.constant 0 : i32
          %lt3A_483 = arith.cmpi slt, %rem3A_479, %lt3A_482 : i32
          %lt3A_484 = arith.constant 0 : i32
          %lt3A_485 = arith.cmpi slt, %select_n3A_478, %lt3A_484 : i32
          %ne3A_486 = arith.xori %lt3A_483, %lt3A_485 : i1
          %and3A_487 = arith.andi %ne3A_486, %ne3A_481 : i1
          %add3A_488 = arith.addi %rem3A_479, %select_n3A_478 : i32
          %select_n3A_489 = arith.select %and3A_487, %add3A_488, %rem3A_479 : i32
          %jit3A_490 = arith.constant 5 : i32
          %eq3A_491 = arith.constant 0 : i32
          %eq3A_492 = arith.cmpi eq, %jit3A_490, %eq3A_491 : i32
          %jit3A_493 = arith.constant 1 : i32
          %select_n3A_494 = arith.select %eq3A_492, %jit3A_493, %jit3A_490 : i32
          %rem3A_495 = arith.remsi %sub3A_449, %select_n3A_494 : i32
          %ne3A_496 = arith.constant 0 : i32
          %ne3A_497 = arith.cmpi ne, %rem3A_495, %ne3A_496 : i32
          %lt3A_498 = arith.constant 0 : i32
          %lt3A_499 = arith.cmpi slt, %rem3A_495, %lt3A_498 : i32
          %lt3A_500 = arith.constant 0 : i32
          %lt3A_501 = arith.cmpi slt, %select_n3A_494, %lt3A_500 : i32
          %ne3A_502 = arith.xori %lt3A_499, %lt3A_501 : i1
          %and3A_503 = arith.andi %ne3A_502, %ne3A_497 : i1
          %add3A_504 = arith.addi %rem3A_495, %select_n3A_494 : i32
          %select_n3A_505 = arith.select %and3A_503, %add3A_504, %rem3A_495 : i32
          %dma_wait3A_506 = arith.constant 0 : i32
          %dma_wait3A_507 = arith.constant 0 : i32
          %dma_wait3A_508 = tpu.memref_slice %arg8[%select_n3A_489, %dma_wait3A_506, %dma_wait3A_507] : memref<3x5x40xi32, #tpu.memory_space<vmem>> -> memref<1x5x40xi32, #tpu.memory_space<vmem>>
          %dma_wait3A_509 = tpu.memref_squeeze %dma_wait3A_508 : memref<1x5x40xi32, #tpu.memory_space<vmem>> -> memref<5x40xi32, #tpu.memory_space<vmem>>
          %dma_wait3A_510 = arith.constant 0 : i32
          %dma_wait3A_511 = tpu.memref_slice %dma_wait3A_509[%select_n3A_505, %dma_wait3A_510] : memref<5x40xi32, #tpu.memory_space<vmem>> -> memref<1x40xi32, #tpu.memory_space<vmem>>
          %dma_wait3A_512 = tpu.memref_squeeze %dma_wait3A_511 : memref<1x40xi32, #tpu.memory_space<vmem>> -> memref<40xi32, #tpu.memory_space<vmem>>
          %dma_wait3A_513 = arith.constant 0 : i32
          %dma_wait3A_514 = arith.constant 0 : i32
          %dma_wait3A_515 = tpu.memref_slice %arg15[%dma_wait3A_513, %dma_wait3A_514] : memref<10112x128xf32, #tpu.memory_space<vmem_shared>> -> memref<10112x128xf32, #tpu.memory_space<vmem_shared>>
          tpu.wait_indirect_dma semaphore(%arg19 : memref<!tpu.dma_semaphore, #tpu.memory_space<semaphore_mem>>) src(%arg12 : memref<40x128xf32, #tpu.memory_space<vmem>>) dst(%dma_wait3A_515 : memref<10112x128xf32, #tpu.memory_space<vmem_shared>>)
        } else {
        }
        %add3A_270 = arith.constant 1 : i32
        %add3A_271 = arith.addi %add3A_185, %add3A_270 : i32
        %jit3A_272 = arith.constant 5 : i32
        %div3A = arith.divsi %add3A_271, %jit3A_272 : i32
        %sign3A = arith.constant 0 : i32
        %sign3A_273 = arith.cmpi sgt, %add3A_271, %sign3A : i32
        %sign3A_274 = arith.extui %sign3A_273 : i1 to i32
        %sign3A_275 = arith.constant 0 : i32
        %sign3A_276 = arith.cmpi slt, %add3A_271, %sign3A_275 : i32
        %sign3A_277 = arith.extui %sign3A_276 : i1 to i32
        %sign3A_278 = arith.subi %sign3A_274, %sign3A_277 : i32
        %sign3A_279 = arith.constant 0 : i32
        %sign3A_280 = arith.cmpi sgt, %jit3A_272, %sign3A_279 : i32
        %sign3A_281 = arith.extui %sign3A_280 : i1 to i32
        %sign3A_282 = arith.constant 0 : i32
        %sign3A_283 = arith.cmpi slt, %jit3A_272, %sign3A_282 : i32
        %sign3A_284 = arith.extui %sign3A_283 : i1 to i32
        %sign3A_285 = arith.subi %sign3A_281, %sign3A_284 : i32
        %ne3A_286 = arith.cmpi ne, %sign3A_278, %sign3A_285 : i32
        %rem3A_287 = arith.remsi %add3A_271, %jit3A_272 : i32
        %ne3A_288 = arith.constant 0 : i32
        %ne3A_289 = arith.cmpi ne, %rem3A_287, %ne3A_288 : i32
        %and3A_290 = arith.andi %ne3A_286, %ne3A_289 : i1
        %sub3A = arith.constant 1 : i32
        %sub3A_291 = arith.subi %div3A, %sub3A : i32
        %select_n3A_292 = arith.select %and3A_290, %sub3A_291, %div3A : i32
        %jit3A_293 = arith.constant 3 : i32
        %eq3A_294 = arith.constant 0 : i32
        %eq3A_295 = arith.cmpi eq, %jit3A_293, %eq3A_294 : i32
        %jit3A_296 = arith.constant 1 : i32
        %select_n3A_297 = arith.select %eq3A_295, %jit3A_296, %jit3A_293 : i32
        %rem3A_298 = arith.remsi %select_n3A_292, %select_n3A_297 : i32
        %ne3A_299 = arith.constant 0 : i32
        %ne3A_300 = arith.cmpi ne, %rem3A_298, %ne3A_299 : i32
        %lt3A_301 = arith.constant 0 : i32
        %lt3A_302 = arith.cmpi slt, %rem3A_298, %lt3A_301 : i32
        %lt3A_303 = arith.constant 0 : i32
        %lt3A_304 = arith.cmpi slt, %select_n3A_297, %lt3A_303 : i32
        %ne3A_305 = arith.xori %lt3A_302, %lt3A_304 : i1
        %and3A_306 = arith.andi %ne3A_305, %ne3A_300 : i1
        %add3A_307 = arith.addi %rem3A_298, %select_n3A_297 : i32
        %select_n3A_308 = arith.select %and3A_306, %add3A_307, %rem3A_298 : i32
        %jit3A_309 = arith.constant 5 : i32
        %eq3A_310 = arith.constant 0 : i32
        %eq3A_311 = arith.cmpi eq, %jit3A_309, %eq3A_310 : i32
        %jit3A_312 = arith.constant 1 : i32
        %select_n3A_313 = arith.select %eq3A_311, %jit3A_312, %jit3A_309 : i32
        %rem3A_314 = arith.remsi %add3A_271, %select_n3A_313 : i32
        %ne3A_315 = arith.constant 0 : i32
        %ne3A_316 = arith.cmpi ne, %rem3A_314, %ne3A_315 : i32
        %lt3A_317 = arith.constant 0 : i32
        %lt3A_318 = arith.cmpi slt, %rem3A_314, %lt3A_317 : i32
        %lt3A_319 = arith.constant 0 : i32
        %lt3A_320 = arith.cmpi slt, %select_n3A_313, %lt3A_319 : i32
        %ne3A_321 = arith.xori %lt3A_318, %lt3A_320 : i1
        %and3A_322 = arith.andi %ne3A_321, %ne3A_316 : i1
        %add3A_323 = arith.addi %rem3A_314, %select_n3A_313 : i32
        %select_n3A_324 = arith.select %and3A_322, %add3A_323, %rem3A_314 : i32
        %dma_start3A_325 = arith.constant 0 : i32
        %dma_start3A_326 = arith.constant 0 : i32
        %dma_start3A_327 = tpu.memref_slice %arg8[%select_n3A_308, %dma_start3A_325, %dma_start3A_326] : memref<3x5x40xi32, #tpu.memory_space<vmem>> -> memref<1x5x40xi32, #tpu.memory_space<vmem>>
        %dma_start3A_328 = tpu.memref_squeeze %dma_start3A_327 : memref<1x5x40xi32, #tpu.memory_space<vmem>> -> memref<5x40xi32, #tpu.memory_space<vmem>>
        %dma_start3A_329 = arith.constant 0 : i32
        %dma_start3A_330 = tpu.memref_slice %dma_start3A_328[%select_n3A_324, %dma_start3A_329] : memref<5x40xi32, #tpu.memory_space<vmem>> -> memref<1x40xi32, #tpu.memory_space<vmem>>
        %dma_start3A_331 = tpu.memref_squeeze %dma_start3A_330 : memref<1x40xi32, #tpu.memory_space<vmem>> -> memref<40xi32, #tpu.memory_space<vmem>>
        %dma_start3A_332 = arith.constant 0 : i32
        %dma_start3A_333 = arith.constant 0 : i32
        %dma_start3A_334 = tpu.memref_slice %arg2[%dma_start3A_332, %dma_start3A_333] : memref<10000x128xf32, #tpu.memory_space<hbm>> -> memref<10000x128xf32, #tpu.memory_space<hbm>>
        tpu.enqueue_indirect_dma source(%dma_start3A_334 : memref<10000x128xf32, #tpu.memory_space<hbm>>) target(%arg12 : memref<40x128xf32, #tpu.memory_space<vmem>>) offsets(%dma_start3A_331 : memref<40xi32, #tpu.memory_space<vmem>>) semaphore(%arg17 : memref<!tpu.dma_semaphore, #tpu.memory_space<semaphore_mem>>)
        %dma_start3A_335 = arith.constant 0 : i32
        %dma_start3A_336 = arith.constant 0 : i32
        %dma_start3A_337 = tpu.memref_slice %arg9[%select_n3A_308, %dma_start3A_335, %dma_start3A_336] : memref<3x5x40xi32, #tpu.memory_space<vmem>> -> memref<1x5x40xi32, #tpu.memory_space<vmem>>
        %dma_start3A_338 = tpu.memref_squeeze %dma_start3A_337 : memref<1x5x40xi32, #tpu.memory_space<vmem>> -> memref<5x40xi32, #tpu.memory_space<vmem>>
        %dma_start3A_339 = arith.constant 0 : i32
        %dma_start3A_340 = tpu.memref_slice %dma_start3A_338[%select_n3A_324, %dma_start3A_339] : memref<5x40xi32, #tpu.memory_space<vmem>> -> memref<1x40xi32, #tpu.memory_space<vmem>>
        %dma_start3A_341 = tpu.memref_squeeze %dma_start3A_340 : memref<1x40xi32, #tpu.memory_space<vmem>> -> memref<40xi32, #tpu.memory_space<vmem>>
        %dma_start3A_342 = arith.constant 0 : i32
        %dma_start3A_343 = arith.constant 0 : i32
        %dma_start3A_344 = tpu.memref_slice %arg3[%dma_start3A_342, %dma_start3A_343] : memref<10000x128xf32, #tpu.memory_space<hbm>> -> memref<10000x128xf32, #tpu.memory_space<hbm>>
        tpu.enqueue_indirect_dma source(%dma_start3A_344 : memref<10000x128xf32, #tpu.memory_space<hbm>>) target(%arg13 : memref<40x128xf32, #tpu.memory_space<vmem>>) offsets(%dma_start3A_341 : memref<40xi32, #tpu.memory_space<vmem>>) semaphore(%arg17 : memref<!tpu.dma_semaphore, #tpu.memory_space<semaphore_mem>>)
        %jit3A_345 = arith.constant 5 : i32
        %div3A_346 = arith.divsi %add3A_185, %jit3A_345 : i32
        %sign3A_347 = arith.constant 0 : i32
        %sign3A_348 = arith.cmpi sgt, %add3A_185, %sign3A_347 : i32
        %sign3A_349 = arith.extui %sign3A_348 : i1 to i32
        %sign3A_350 = arith.constant 0 : i32
        %sign3A_351 = arith.cmpi slt, %add3A_185, %sign3A_350 : i32
        %sign3A_352 = arith.extui %sign3A_351 : i1 to i32
        %sign3A_353 = arith.subi %sign3A_349, %sign3A_352 : i32
        %sign3A_354 = arith.constant 0 : i32
        %sign3A_355 = arith.cmpi sgt, %jit3A_345, %sign3A_354 : i32
        %sign3A_356 = arith.extui %sign3A_355 : i1 to i32
        %sign3A_357 = arith.constant 0 : i32
        %sign3A_358 = arith.cmpi slt, %jit3A_345, %sign3A_357 : i32
        %sign3A_359 = arith.extui %sign3A_358 : i1 to i32
        %sign3A_360 = arith.subi %sign3A_356, %sign3A_359 : i32
        %ne3A_361 = arith.cmpi ne, %sign3A_353, %sign3A_360 : i32
        %rem3A_362 = arith.remsi %add3A_185, %jit3A_345 : i32
        %ne3A_363 = arith.constant 0 : i32
        %ne3A_364 = arith.cmpi ne, %rem3A_362, %ne3A_363 : i32
        %and3A_365 = arith.andi %ne3A_361, %ne3A_364 : i1
        %sub3A_366 = arith.constant 1 : i32
        %sub3A_367 = arith.subi %div3A_346, %sub3A_366 : i32
        %select_n3A_368 = arith.select %and3A_365, %sub3A_367, %div3A_346 : i32
        %jit3A_369 = arith.constant 3 : i32
        %eq3A_370 = arith.constant 0 : i32
        %eq3A_371 = arith.cmpi eq, %jit3A_369, %eq3A_370 : i32
        %jit3A_372 = arith.constant 1 : i32
        %select_n3A_373 = arith.select %eq3A_371, %jit3A_372, %jit3A_369 : i32
        %rem3A_374 = arith.remsi %select_n3A_368, %select_n3A_373 : i32
        %ne3A_375 = arith.constant 0 : i32
        %ne3A_376 = arith.cmpi ne, %rem3A_374, %ne3A_375 : i32
        %lt3A_377 = arith.constant 0 : i32
        %lt3A_378 = arith.cmpi slt, %rem3A_374, %lt3A_377 : i32
        %lt3A_379 = arith.constant 0 : i32
        %lt3A_380 = arith.cmpi slt, %select_n3A_373, %lt3A_379 : i32
        %ne3A_381 = arith.xori %lt3A_378, %lt3A_380 : i1
        %and3A_382 = arith.andi %ne3A_381, %ne3A_376 : i1
        %add3A_383 = arith.addi %rem3A_374, %select_n3A_373 : i32
        %select_n3A_384 = arith.select %and3A_382, %add3A_383, %rem3A_374 : i32
        %jit3A_385 = arith.constant 5 : i32
        %eq3A_386 = arith.constant 0 : i32
        %eq3A_387 = arith.cmpi eq, %jit3A_385, %eq3A_386 : i32
        %jit3A_388 = arith.constant 1 : i32
        %select_n3A_389 = arith.select %eq3A_387, %jit3A_388, %jit3A_385 : i32
        %rem3A_390 = arith.remsi %add3A_185, %select_n3A_389 : i32
        %ne3A_391 = arith.constant 0 : i32
        %ne3A_392 = arith.cmpi ne, %rem3A_390, %ne3A_391 : i32
        %lt3A_393 = arith.constant 0 : i32
        %lt3A_394 = arith.cmpi slt, %rem3A_390, %lt3A_393 : i32
        %lt3A_395 = arith.constant 0 : i32
        %lt3A_396 = arith.cmpi slt, %select_n3A_389, %lt3A_395 : i32
        %ne3A_397 = arith.xori %lt3A_394, %lt3A_396 : i1
        %and3A_398 = arith.andi %ne3A_397, %ne3A_392 : i1
        %add3A_399 = arith.addi %rem3A_390, %select_n3A_389 : i32
        %select_n3A_400 = arith.select %and3A_398, %add3A_399, %rem3A_390 : i32
        %dma_wait3A_401 = arith.constant 0 : i32
        %dma_wait3A_402 = arith.constant 0 : i32
        %dma_wait3A_403 = tpu.memref_slice %arg8[%select_n3A_384, %dma_wait3A_401, %dma_wait3A_402] : memref<3x5x40xi32, #tpu.memory_space<vmem>> -> memref<1x5x40xi32, #tpu.memory_space<vmem>>
        %dma_wait3A_404 = tpu.memref_squeeze %dma_wait3A_403 : memref<1x5x40xi32, #tpu.memory_space<vmem>> -> memref<5x40xi32, #tpu.memory_space<vmem>>
        %dma_wait3A_405 = arith.constant 0 : i32
        %dma_wait3A_406 = tpu.memref_slice %dma_wait3A_404[%select_n3A_400, %dma_wait3A_405] : memref<5x40xi32, #tpu.memory_space<vmem>> -> memref<1x40xi32, #tpu.memory_space<vmem>>
        %dma_wait3A_407 = tpu.memref_squeeze %dma_wait3A_406 : memref<1x40xi32, #tpu.memory_space<vmem>> -> memref<40xi32, #tpu.memory_space<vmem>>
        %dma_wait3A_408 = arith.constant 0 : i32
        %dma_wait3A_409 = arith.constant 0 : i32
        %dma_wait3A_410 = tpu.memref_slice %arg2[%dma_wait3A_408, %dma_wait3A_409] : memref<10000x128xf32, #tpu.memory_space<hbm>> -> memref<10000x128xf32, #tpu.memory_space<hbm>>
        tpu.wait_indirect_dma semaphore(%arg16 : memref<!tpu.dma_semaphore, #tpu.memory_space<semaphore_mem>>) src(%dma_wait3A_410 : memref<10000x128xf32, #tpu.memory_space<hbm>>) dst(%arg10 : memref<40x128xf32, #tpu.memory_space<vmem>>)
        %dma_wait3A_411 = arith.constant 0 : i32
        %dma_wait3A_412 = arith.constant 0 : i32
        %dma_wait3A_413 = tpu.memref_slice %arg9[%select_n3A_384, %dma_wait3A_411, %dma_wait3A_412] : memref<3x5x40xi32, #tpu.memory_space<vmem>> -> memref<1x5x40xi32, #tpu.memory_space<vmem>>
        %dma_wait3A_414 = tpu.memref_squeeze %dma_wait3A_413 : memref<1x5x40xi32, #tpu.memory_space<vmem>> -> memref<5x40xi32, #tpu.memory_space<vmem>>
        %dma_wait3A_415 = arith.constant 0 : i32
        %dma_wait3A_416 = tpu.memref_slice %dma_wait3A_414[%select_n3A_400, %dma_wait3A_415] : memref<5x40xi32, #tpu.memory_space<vmem>> -> memref<1x40xi32, #tpu.memory_space<vmem>>
        %dma_wait3A_417 = tpu.memref_squeeze %dma_wait3A_416 : memref<1x40xi32, #tpu.memory_space<vmem>> -> memref<40xi32, #tpu.memory_space<vmem>>
        %dma_wait3A_418 = arith.constant 0 : i32
        %dma_wait3A_419 = arith.constant 0 : i32
        %dma_wait3A_420 = tpu.memref_slice %arg3[%dma_wait3A_418, %dma_wait3A_419] : memref<10000x128xf32, #tpu.memory_space<hbm>> -> memref<10000x128xf32, #tpu.memory_space<hbm>>
        tpu.wait_indirect_dma semaphore(%arg16 : memref<!tpu.dma_semaphore, #tpu.memory_space<semaphore_mem>>) src(%dma_wait3A_420 : memref<10000x128xf32, #tpu.memory_space<hbm>>) dst(%arg11 : memref<40x128xf32, #tpu.memory_space<vmem>>)
        %mul3A_421 = arith.constant 40 : i32
        %mul3A_422 = arith.muli %add3A_185, %mul3A_421 : i32
        %add3A_423 = arith.addi %mul3A_2, %mul3A_422 : i32
        %dma_wait3A_424 = arith.constant 0 : i32
        %dma_wait3A_425 = tpu.memref_slice %arg4[%add3A_423, %dma_wait3A_424] : memref<320000x128xf32, #tpu.memory_space<hbm>> -> memref<40x128xf32, #tpu.memory_space<hbm>>
        %dma_wait3A_426 = arith.constant 0 : i32
        %dma_wait3A_427 = tpu.memref_slice %arg4[%add3A_423, %dma_wait3A_426] : memref<320000x128xf32, #tpu.memory_space<hbm>> -> memref<40x128xf32, #tpu.memory_space<hbm>>
        tpu.wait_dma2 semaphore(%arg20 : memref<!tpu.dma_semaphore, #tpu.memory_space<semaphore_mem>>) src(%dma_wait3A_427 : memref<40x128xf32, #tpu.memory_space<hbm>>) dst(%arg14 : memref<40x128xf32, #tpu.memory_space<vmem>>)
        %scan3A_428 = arith.constant 0 : i32
        %scan3A_429 = arith.constant 40 : i32
        %scan3A_430 = arith.addi %scan3A_428, %scan3A_429 : i32
        %scan3A_431 = arith.constant 4 : i32
        scf.for %scan3A_448 = %scan3A_428 to %scan3A_430 step %scan3A_431  : i32 {
          %mul3A_449 = arith.constant 1 : i32
          %mul3A_450 = arith.muli %scan3A_448, %mul3A_449 : i32
          %add3A_451 = arith.constant 0 : i32
          %add3A_452 = arith.addi %add3A_451, %mul3A_450 : i32
          %get3A = arith.index_cast %add3A_452 : i32 to index
          %get3A_453 = arith.constant 0 : index
          %get3A_454 = tpu.vector_load %arg10[%get3A, %get3A_453] {strides = array<i32>} : memref<40x128xf32, #tpu.memory_space<vmem>>, vector<1x16xf32>,
          %get3A_455 = vector.shape_cast %get3A_454 : vector<1x16xf32> to vector<16xf32>
          %get3A_456 = arith.index_cast %add3A_452 : i32 to index
          %get3A_457 = arith.constant 0 : index
          %get3A_458 = tpu.vector_load %arg11[%get3A_456, %get3A_457] {strides = array<i32>} : memref<40x128xf32, #tpu.memory_space<vmem>>, vector<1x16xf32>,
          %get3A_459 = vector.shape_cast %get3A_458 : vector<1x16xf32> to vector<16xf32>
          %add3A_460 = arith.addf %get3A_455, %get3A_459 : vector<16xf32>
          %get3A_461 = arith.index_cast %add3A_452 : i32 to index
          %get3A_462 = arith.constant 0 : index
          %get3A_463 = tpu.vector_load %arg14[%get3A_461, %get3A_462] {strides = array<i32>} : memref<40x128xf32, #tpu.memory_space<vmem>>, vector<1x16xf32>,
          %get3A_464 = vector.shape_cast %get3A_463 : vector<1x16xf32> to vector<16xf32>
          %add3A_465 = arith.addf %add3A_460, %get3A_464 : vector<16xf32>
          %max3A = arith.constant 0.000000e+00 : f32
          %max3A_466 = vector.broadcast %max3A : f32 to vector<16xf32>
          %max3A_467 = arith.maximumf %add3A_465, %max3A_466 : vector<16xf32>
          %swap3A = arith.index_cast %add3A_452 : i32 to index
          %swap3A_468 = arith.constant 0 : index
          %swap3A_469 = tpu.vector_load %arg10[%swap3A, %swap3A_468] {strides = array<i32>} : memref<40x128xf32, #tpu.memory_space<vmem>>, vector<1x16xf32>,
          %swap3A_470 = vector.shape_cast %swap3A_469 : vector<1x16xf32> to vector<16xf32>
          %swap3A_471 = vector.shape_cast %max3A_467 : vector<16xf32> to vector<1x16xf32>
          tpu.vector_store %arg10[%swap3A, %swap3A_468], %swap3A_471 {strides = array<i32>} : memref<40x128xf32, #tpu.memory_space<vmem>>, vector<1x16xf32>,
          %get3A_472 = arith.index_cast %add3A_452 : i32 to index
          %get3A_473 = arith.constant 16 : index
          %get3A_474 = tpu.vector_load %arg10[%get3A_472, %get3A_473] {strides = array<i32>} : memref<40x128xf32, #tpu.memory_space<vmem>>, vector<1x16xf32>,
          %get3A_475 = vector.shape_cast %get3A_474 : vector<1x16xf32> to vector<16xf32>
          %get3A_476 = arith.index_cast %add3A_452 : i32 to index
          %get3A_477 = arith.constant 16 : index
          %get3A_478 = tpu.vector_load %arg11[%get3A_476, %get3A_477] {strides = array<i32>} : memref<40x128xf32, #tpu.memory_space<vmem>>, vector<1x16xf32>,
          %get3A_479 = vector.shape_cast %get3A_478 : vector<1x16xf32> to vector<16xf32>
          %add3A_480 = arith.addf %get3A_475, %get3A_479 : vector<16xf32>
          %get3A_481 = arith.index_cast %add3A_452 : i32 to index
          %get3A_482 = arith.constant 16 : index
          %get3A_483 = tpu.vector_load %arg14[%get3A_481, %get3A_482] {strides = array<i32>} : memref<40x128xf32, #tpu.memory_space<vmem>>, vector<1x16xf32>,
          %get3A_484 = vector.shape_cast %get3A_483 : vector<1x16xf32> to vector<16xf32>
          %add3A_485 = arith.addf %add3A_480, %get3A_484 : vector<16xf32>
          %max3A_486 = arith.constant 0.000000e+00 : f32
          %max3A_487 = vector.broadcast %max3A_486 : f32 to vector<16xf32>
          %max3A_488 = arith.maximumf %add3A_485, %max3A_487 : vector<16xf32>
          %swap3A_489 = arith.index_cast %add3A_452 : i32 to index
          %swap3A_490 = arith.constant 16 : index
          %swap3A_491 = tpu.vector_load %arg10[%swap3A_489, %swap3A_490] {strides = array<i32>} : memref<40x128xf32, #tpu.memory_space<vmem>>, vector<1x16xf32>,
          %swap3A_492 = vector.shape_cast %swap3A_491 : vector<1x16xf32> to vector<16xf32>
          %swap3A_493 = vector.shape_cast %max3A_488 : vector<16xf32> to vector<1x16xf32>
          tpu.vector_store %arg10[%swap3A_489, %swap3A_490], %swap3A_493 {strides = array<i32>} : memref<40x128xf32, #tpu.memory_space<vmem>>, vector<1x16xf32>,
          %get3A_494 = arith.index_cast %add3A_452 : i32 to index
          %get3A_495 = arith.constant 32 : index
          %get3A_496 = tpu.vector_load %arg10[%get3A_494, %get3A_495] {strides = array<i32>} : memref<40x128xf32, #tpu.memory_space<vmem>>, vector<1x16xf32>,
          %get3A_497 = vector.shape_cast %get3A_496 : vector<1x16xf32> to vector<16xf32>
          %get3A_498 = arith.index_cast %add3A_452 : i32 to index
          %get3A_499 = arith.constant 32 : index
          %get3A_500 = tpu.vector_load %arg11[%get3A_498, %get3A_499] {strides = array<i32>} : memref<40x128xf32, #tpu.memory_space<vmem>>, vector<1x16xf32>,
          %get3A_501 = vector.shape_cast %get3A_500 : vector<1x16xf32> to vector<16xf32>
          %add3A_502 = arith.addf %get3A_497, %get3A_501 : vector<16xf32>
          %get3A_503 = arith.index_cast %add3A_452 : i32 to index
          %get3A_504 = arith.constant 32 : index
          %get3A_505 = tpu.vector_load %arg14[%get3A_503, %get3A_504] {strides = array<i32>} : memref<40x128xf32, #tpu.memory_space<vmem>>, vector<1x16xf32>,
          %get3A_506 = vector.shape_cast %get3A_505 : vector<1x16xf32> to vector<16xf32>
          %add3A_507 = arith.addf %add3A_502, %get3A_506 : vector<16xf32>
          %max3A_508 = arith.constant 0.000000e+00 : f32
          %max3A_509 = vector.broadcast %max3A_508 : f32 to vector<16xf32>
          %max3A_510 = arith.maximumf %add3A_507, %max3A_509 : vector<16xf32>
          %swap3A_511 = arith.index_cast %add3A_452 : i32 to index
          %swap3A_512 = arith.constant 32 : index
          %swap3A_513 = tpu.vector_load %arg10[%swap3A_511, %swap3A_512] {strides = array<i32>} : memref<40x128xf32, #tpu.memory_space<vmem>>, vector<1x16xf32>,
          %swap3A_514 = vector.shape_cast %swap3A_513 : vector<1x16xf32> to vector<16xf32>
          %swap3A_515 = vector.shape_cast %max3A_510 : vector<16xf32> to vector<1x16xf32>
          tpu.vector_store %arg10[%swap3A_511, %swap3A_512], %swap3A_515 {strides = array<i32>} : memref<40x128xf32, #tpu.memory_space<vmem>>, vector<1x16xf32>,
          %get3A_516 = arith.index_cast %add3A_452 : i32 to index
          %get3A_517 = arith.constant 48 : index
          %get3A_518 = tpu.vector_load %arg10[%get3A_516, %get3A_517] {strides = array<i32>} : memref<40x128xf32, #tpu.memory_space<vmem>>, vector<1x16xf32>,
          %get3A_519 = vector.shape_cast %get3A_518 : vector<1x16xf32> to vector<16xf32>
          %get3A_520 = arith.index_cast %add3A_452 : i32 to index
          %get3A_521 = arith.constant 48 : index
          %get3A_522 = tpu.vector_load %arg11[%get3A_520, %get3A_521] {strides = array<i32>} : memref<40x128xf32, #tpu.memory_space<vmem>>, vector<1x16xf32>,
          %get3A_523 = vector.shape_cast %get3A_522 : vector<1x16xf32> to vector<16xf32>
          %add3A_524 = arith.addf %get3A_519, %get3A_523 : vector<16xf32>
          %get3A_525 = arith.index_cast %add3A_452 : i32 to index
          %get3A_526 = arith.constant 48 : index
          %get3A_527 = tpu.vector_load %arg14[%get3A_525, %get3A_526] {strides = array<i32>} : memref<40x128xf32, #tpu.memory_space<vmem>>, vector<1x16xf32>,
          %get3A_528 = vector.shape_cast %get3A_527 : vector<1x16xf32> to vector<16xf32>
          %add3A_529 = arith.addf %add3A_524, %get3A_528 : vector<16xf32>
          %max3A_530 = arith.constant 0.000000e+00 : f32
          %max3A_531 = vector.broadcast %max3A_530 : f32 to vector<16xf32>
          %max3A_532 = arith.maximumf %add3A_529, %max3A_531 : vector<16xf32>
          %swap3A_533 = arith.index_cast %add3A_452 : i32 to index
          %swap3A_534 = arith.constant 48 : index
          %swap3A_535 = tpu.vector_load %arg10[%swap3A_533, %swap3A_534] {strides = array<i32>} : memref<40x128xf32, #tpu.memory_space<vmem>>, vector<1x16xf32>,
          %swap3A_536 = vector.shape_cast %swap3A_535 : vector<1x16xf32> to vector<16xf32>
          %swap3A_537 = vector.shape_cast %max3A_532 : vector<16xf32> to vector<1x16xf32>
          tpu.vector_store %arg10[%swap3A_533, %swap3A_534], %swap3A_537 {strides = array<i32>} : memref<40x128xf32, #tpu.memory_space<vmem>>, vector<1x16xf32>,
          %get3A_538 = arith.index_cast %add3A_452 : i32 to index
          %get3A_539 = arith.constant 64 : index
          %get3A_540 = tpu.vector_load %arg10[%get3A_538, %get3A_539] {strides = array<i32>} : memref<40x128xf32, #tpu.memory_space<vmem>>, vector<1x16xf32>,
          %get3A_541 = vector.shape_cast %get3A_540 : vector<1x16xf32> to vector<16xf32>
          %get3A_542 = arith.index_cast %add3A_452 : i32 to index
          %get3A_543 = arith.constant 64 : index
          %get3A_544 = tpu.vector_load %arg11[%get3A_542, %get3A_543] {strides = array<i32>} : memref<40x128xf32, #tpu.memory_space<vmem>>, vector<1x16xf32>,
          %get3A_545 = vector.shape_cast %get3A_544 : vector<1x16xf32> to vector<16xf32>
          %add3A_546 = arith.addf %get3A_541, %get3A_545 : vector<16xf32>
          %get3A_547 = arith.index_cast %add3A_452 : i32 to index
          %get3A_548 = arith.constant 64 : index
          %get3A_549 = tpu.vector_load %arg14[%get3A_547, %get3A_548] {strides = array<i32>} : memref<40x128xf32, #tpu.memory_space<vmem>>, vector<1x16xf32>,
          %get3A_550 = vector.shape_cast %get3A_549 : vector<1x16xf32> to vector<16xf32>
          %add3A_551 = arith.addf %add3A_546, %get3A_550 : vector<16xf32>
          %max3A_552 = arith.constant 0.000000e+00 : f32
          %max3A_553 = vector.broadcast %max3A_552 : f32 to vector<16xf32>
          %max3A_554 = arith.maximumf %add3A_551, %max3A_553 : vector<16xf32>
          %swap3A_555 = arith.index_cast %add3A_452 : i32 to index
          %swap3A_556 = arith.constant 64 : index
          %swap3A_557 = tpu.vector_load %arg10[%swap3A_555, %swap3A_556] {strides = array<i32>} : memref<40x128xf32, #tpu.memory_space<vmem>>, vector<1x16xf32>,
          %swap3A_558 = vector.shape_cast %swap3A_557 : vector<1x16xf32> to vector<16xf32>
          %swap3A_559 = vector.shape_cast %max3A_554 : vector<16xf32> to vector<1x16xf32>
          tpu.vector_store %arg10[%swap3A_555, %swap3A_556], %swap3A_559 {strides = array<i32>} : memref<40x128xf32, #tpu.memory_space<vmem>>, vector<1x16xf32>,
          %get3A_560 = arith.index_cast %add3A_452 : i32 to index
          %get3A_561 = arith.constant 80 : index
          %get3A_562 = tpu.vector_load %arg10[%get3A_560, %get3A_561] {strides = array<i32>} : memref<40x128xf32, #tpu.memory_space<vmem>>, vector<1x16xf32>,
          %get3A_563 = vector.shape_cast %get3A_562 : vector<1x16xf32> to vector<16xf32>
          %get3A_564 = arith.index_cast %add3A_452 : i32 to index
          %get3A_565 = arith.constant 80 : index
          %get3A_566 = tpu.vector_load %arg11[%get3A_564, %get3A_565] {strides = array<i32>} : memref<40x128xf32, #tpu.memory_space<vmem>>, vector<1x16xf32>,
          %get3A_567 = vector.shape_cast %get3A_566 : vector<1x16xf32> to vector<16xf32>
          %add3A_568 = arith.addf %get3A_563, %get3A_567 : vector<16xf32>
          %get3A_569 = arith.index_cast %add3A_452 : i32 to index
          %get3A_570 = arith.constant 80 : index
          %get3A_571 = tpu.vector_load %arg14[%get3A_569, %get3A_570] {strides = array<i32>} : memref<40x128xf32, #tpu.memory_space<vmem>>, vector<1x16xf32>,
          %get3A_572 = vector.shape_cast %get3A_571 : vector<1x16xf32> to vector<16xf32>
          %add3A_573 = arith.addf %add3A_568, %get3A_572 : vector<16xf32>
          %max3A_574 = arith.constant 0.000000e+00 : f32
          %max3A_575 = vector.broadcast %max3A_574 : f32 to vector<16xf32>
          %max3A_576 = arith.maximumf %add3A_573, %max3A_575 : vector<16xf32>
          %swap3A_577 = arith.index_cast %add3A_452 : i32 to index
          %swap3A_578 = arith.constant 80 : index
          %swap3A_579 = tpu.vector_load %arg10[%swap3A_577, %swap3A_578] {strides = array<i32>} : memref<40x128xf32, #tpu.memory_space<vmem>>, vector<1x16xf32>,
          %swap3A_580 = vector.shape_cast %swap3A_579 : vector<1x16xf32> to vector<16xf32>
          %swap3A_581 = vector.shape_cast %max3A_576 : vector<16xf32> to vector<1x16xf32>
          tpu.vector_store %arg10[%swap3A_577, %swap3A_578], %swap3A_581 {strides = array<i32>} : memref<40x128xf32, #tpu.memory_space<vmem>>, vector<1x16xf32>,
          %get3A_582 = arith.index_cast %add3A_452 : i32 to index
          %get3A_583 = arith.constant 96 : index
          %get3A_584 = tpu.vector_load %arg10[%get3A_582, %get3A_583] {strides = array<i32>} : memref<40x128xf32, #tpu.memory_space<vmem>>, vector<1x16xf32>,
          %get3A_585 = vector.shape_cast %get3A_584 : vector<1x16xf32> to vector<16xf32>
          %get3A_586 = arith.index_cast %add3A_452 : i32 to index
          %get3A_587 = arith.constant 96 : index
          %get3A_588 = tpu.vector_load %arg11[%get3A_586, %get3A_587] {strides = array<i32>} : memref<40x128xf32, #tpu.memory_space<vmem>>, vector<1x16xf32>,
          %get3A_589 = vector.shape_cast %get3A_588 : vector<1x16xf32> to vector<16xf32>
          %add3A_590 = arith.addf %get3A_585, %get3A_589 : vector<16xf32>
          %get3A_591 = arith.index_cast %add3A_452 : i32 to index
          %get3A_592 = arith.constant 96 : index
          %get3A_593 = tpu.vector_load %arg14[%get3A_591, %get3A_592] {strides = array<i32>} : memref<40x128xf32, #tpu.memory_space<vmem>>, vector<1x16xf32>,
          %get3A_594 = vector.shape_cast %get3A_593 : vector<1x16xf32> to vector<16xf32>
          %add3A_595 = arith.addf %add3A_590, %get3A_594 : vector<16xf32>
          %max3A_596 = arith.constant 0.000000e+00 : f32
          %max3A_597 = vector.broadcast %max3A_596 : f32 to vector<16xf32>
          %max3A_598 = arith.maximumf %add3A_595, %max3A_597 : vector<16xf32>
          %swap3A_599 = arith.index_cast %add3A_452 : i32 to index
          %swap3A_600 = arith.constant 96 : index
          %swap3A_601 = tpu.vector_load %arg10[%swap3A_599, %swap3A_600] {strides = array<i32>} : memref<40x128xf32, #tpu.memory_space<vmem>>, vector<1x16xf32>,
          %swap3A_602 = vector.shape_cast %swap3A_601 : vector<1x16xf32> to vector<16xf32>
          %swap3A_603 = vector.shape_cast %max3A_598 : vector<16xf32> to vector<1x16xf32>
          tpu.vector_store %arg10[%swap3A_599, %swap3A_600], %swap3A_603 {strides = array<i32>} : memref<40x128xf32, #tpu.memory_space<vmem>>, vector<1x16xf32>,
          %get3A_604 = arith.index_cast %add3A_452 : i32 to index
          %get3A_605 = arith.constant 112 : index
          %get3A_606 = tpu.vector_load %arg10[%get3A_604, %get3A_605] {strides = array<i32>} : memref<40x128xf32, #tpu.memory_space<vmem>>, vector<1x16xf32>,
          %get3A_607 = vector.shape_cast %get3A_606 : vector<1x16xf32> to vector<16xf32>
          %get3A_608 = arith.index_cast %add3A_452 : i32 to index
          %get3A_609 = arith.constant 112 : index
          %get3A_610 = tpu.vector_load %arg11[%get3A_608, %get3A_609] {strides = array<i32>} : memref<40x128xf32, #tpu.memory_space<vmem>>, vector<1x16xf32>,
          %get3A_611 = vector.shape_cast %get3A_610 : vector<1x16xf32> to vector<16xf32>
          %add3A_612 = arith.addf %get3A_607, %get3A_611 : vector<16xf32>
          %get3A_613 = arith.index_cast %add3A_452 : i32 to index
          %get3A_614 = arith.constant 112 : index
          %get3A_615 = tpu.vector_load %arg14[%get3A_613, %get3A_614] {strides = array<i32>} : memref<40x128xf32, #tpu.memory_space<vmem>>, vector<1x16xf32>,
          %get3A_616 = vector.shape_cast %get3A_615 : vector<1x16xf32> to vector<16xf32>
          %add3A_617 = arith.addf %add3A_612, %get3A_616 : vector<16xf32>
          %max3A_618 = arith.constant 0.000000e+00 : f32
          %max3A_619 = vector.broadcast %max3A_618 : f32 to vector<16xf32>
          %max3A_620 = arith.maximumf %add3A_617, %max3A_619 : vector<16xf32>
          %swap3A_621 = arith.index_cast %add3A_452 : i32 to index
          %swap3A_622 = arith.constant 112 : index
          %swap3A_623 = tpu.vector_load %arg10[%swap3A_621, %swap3A_622] {strides = array<i32>} : memref<40x128xf32, #tpu.memory_space<vmem>>, vector<1x16xf32>,
          %swap3A_624 = vector.shape_cast %swap3A_623 : vector<1x16xf32> to vector<16xf32>
          %swap3A_625 = vector.shape_cast %max3A_620 : vector<16xf32> to vector<1x16xf32>
          tpu.vector_store %arg10[%swap3A_621, %swap3A_622], %swap3A_625 {strides = array<i32>} : memref<40x128xf32, #tpu.memory_space<vmem>>, vector<1x16xf32>,
          %scan3A_626 = arith.constant 1 : i32
          %scan3A_627 = arith.addi %scan3A_448, %scan3A_626 : i32
          %mul3A_628 = arith.constant 1 : i32
          %mul3A_629 = arith.muli %scan3A_627, %mul3A_628 : i32
          %add3A_630 = arith.constant 0 : i32
          %add3A_631 = arith.addi %add3A_630, %mul3A_629 : i32
          %get3A_632 = arith.index_cast %add3A_631 : i32 to index
          %get3A_633 = arith.constant 0 : index
          %get3A_634 = tpu.vector_load %arg10[%get3A_632, %get3A_633] {strides = array<i32>} : memref<40x128xf32, #tpu.memory_space<vmem>>, vector<1x16xf32>,
          %get3A_635 = vector.shape_cast %get3A_634 : vector<1x16xf32> to vector<16xf32>
          %get3A_636 = arith.index_cast %add3A_631 : i32 to index
          %get3A_637 = arith.constant 0 : index
          %get3A_638 = tpu.vector_load %arg11[%get3A_636, %get3A_637] {strides = array<i32>} : memref<40x128xf32, #tpu.memory_space<vmem>>, vector<1x16xf32>,
          %get3A_639 = vector.shape_cast %get3A_638 : vector<1x16xf32> to vector<16xf32>
          %add3A_640 = arith.addf %get3A_635, %get3A_639 : vector<16xf32>
          %get3A_641 = arith.index_cast %add3A_631 : i32 to index
          %get3A_642 = arith.constant 0 : index
          %get3A_643 = tpu.vector_load %arg14[%get3A_641, %get3A_642] {strides = array<i32>} : memref<40x128xf32, #tpu.memory_space<vmem>>, vector<1x16xf32>,
          %get3A_644 = vector.shape_cast %get3A_643 : vector<1x16xf32> to vector<16xf32>
          %add3A_645 = arith.addf %add3A_640, %get3A_644 : vector<16xf32>
          %max3A_646 = arith.constant 0.000000e+00 : f32
          %max3A_647 = vector.broadcast %max3A_646 : f32 to vector<16xf32>
          %max3A_648 = arith.maximumf %add3A_645, %max3A_647 : vector<16xf32>
          %swap3A_649 = arith.index_cast %add3A_631 : i32 to index
          %swap3A_650 = arith.constant 0 : index
          %swap3A_651 = tpu.vector_load %arg10[%swap3A_649, %swap3A_650] {strides = array<i32>} : memref<40x128xf32, #tpu.memory_space<vmem>>, vector<1x16xf32>,
          %swap3A_652 = vector.shape_cast %swap3A_651 : vector<1x16xf32> to vector<16xf32>
          %swap3A_653 = vector.shape_cast %max3A_648 : vector<16xf32> to vector<1x16xf32>
          tpu.vector_store %arg10[%swap3A_649, %swap3A_650], %swap3A_653 {strides = array<i32>} : memref<40x128xf32, #tpu.memory_space<vmem>>, vector<1x16xf32>,
          %get3A_654 = arith.index_cast %add3A_631 : i32 to index
          %get3A_655 = arith.constant 16 : index
          %get3A_656 = tpu.vector_load %arg10[%get3A_654, %get3A_655] {strides = array<i32>} : memref<40x128xf32, #tpu.memory_space<vmem>>, vector<1x16xf32>,
          %get3A_657 = vector.shape_cast %get3A_656 : vector<1x16xf32> to vector<16xf32>
          %get3A_658 = arith.index_cast %add3A_631 : i32 to index
          %get3A_659 = arith.constant 16 : index
          %get3A_660 = tpu.vector_load %arg11[%get3A_658, %get3A_659] {strides = array<i32>} : memref<40x128xf32, #tpu.memory_space<vmem>>, vector<1x16xf32>,
          %get3A_661 = vector.shape_cast %get3A_660 : vector<1x16xf32> to vector<16xf32>
          %add3A_662 = arith.addf %get3A_657, %get3A_661 : vector<16xf32>
          %get3A_663 = arith.index_cast %add3A_631 : i32 to index
          %get3A_664 = arith.constant 16 : index
          %get3A_665 = tpu.vector_load %arg14[%get3A_663, %get3A_664] {strides = array<i32>} : memref<40x128xf32, #tpu.memory_space<vmem>>, vector<1x16xf32>,
          %get3A_666 = vector.shape_cast %get3A_665 : vector<1x16xf32> to vector<16xf32>
          %add3A_667 = arith.addf %add3A_662, %get3A_666 : vector<16xf32>
          %max3A_668 = arith.constant 0.000000e+00 : f32
          %max3A_669 = vector.broadcast %max3A_668 : f32 to vector<16xf32>
          %max3A_670 = arith.maximumf %add3A_667, %max3A_669 : vector<16xf32>
          %swap3A_671 = arith.index_cast %add3A_631 : i32 to index
          %swap3A_672 = arith.constant 16 : index
          %swap3A_673 = tpu.vector_load %arg10[%swap3A_671, %swap3A_672] {strides = array<i32>} : memref<40x128xf32, #tpu.memory_space<vmem>>, vector<1x16xf32>,
          %swap3A_674 = vector.shape_cast %swap3A_673 : vector<1x16xf32> to vector<16xf32>
          %swap3A_675 = vector.shape_cast %max3A_670 : vector<16xf32> to vector<1x16xf32>
          tpu.vector_store %arg10[%swap3A_671, %swap3A_672], %swap3A_675 {strides = array<i32>} : memref<40x128xf32, #tpu.memory_space<vmem>>, vector<1x16xf32>,
          %get3A_676 = arith.index_cast %add3A_631 : i32 to index
          %get3A_677 = arith.constant 32 : index
          %get3A_678 = tpu.vector_load %arg10[%get3A_676, %get3A_677] {strides = array<i32>} : memref<40x128xf32, #tpu.memory_space<vmem>>, vector<1x16xf32>,
          %get3A_679 = vector.shape_cast %get3A_678 : vector<1x16xf32> to vector<16xf32>
          %get3A_680 = arith.index_cast %add3A_631 : i32 to index
          %get3A_681 = arith.constant 32 : index
          %get3A_682 = tpu.vector_load %arg11[%get3A_680, %get3A_681] {strides = array<i32>} : memref<40x128xf32, #tpu.memory_space<vmem>>, vector<1x16xf32>,
          %get3A_683 = vector.shape_cast %get3A_682 : vector<1x16xf32> to vector<16xf32>
          %add3A_684 = arith.addf %get3A_679, %get3A_683 : vector<16xf32>
          %get3A_685 = arith.index_cast %add3A_631 : i32 to index
          %get3A_686 = arith.constant 32 : index
          %get3A_687 = tpu.vector_load %arg14[%get3A_685, %get3A_686] {strides = array<i32>} : memref<40x128xf32, #tpu.memory_space<vmem>>, vector<1x16xf32>,
          %get3A_688 = vector.shape_cast %get3A_687 : vector<1x16xf32> to vector<16xf32>
          %add3A_689 = arith.addf %add3A_684, %get3A_688 : vector<16xf32>
          %max3A_690 = arith.constant 0.000000e+00 : f32
          %max3A_691 = vector.broadcast %max3A_690 : f32 to vector<16xf32>
          %max3A_692 = arith.maximumf %add3A_689, %max3A_691 : vector<16xf32>
          %swap3A_693 = arith.index_cast %add3A_631 : i32 to index
          %swap3A_694 = arith.constant 32 : index
          %swap3A_695 = tpu.vector_load %arg10[%swap3A_693, %swap3A_694] {strides = array<i32>} : memref<40x128xf32, #tpu.memory_space<vmem>>, vector<1x16xf32>,
          %swap3A_696 = vector.shape_cast %swap3A_695 : vector<1x16xf32> to vector<16xf32>
          %swap3A_697 = vector.shape_cast %max3A_692 : vector<16xf32> to vector<1x16xf32>
          tpu.vector_store %arg10[%swap3A_693, %swap3A_694], %swap3A_697 {strides = array<i32>} : memref<40x128xf32, #tpu.memory_space<vmem>>, vector<1x16xf32>,
          %get3A_698 = arith.index_cast %add3A_631 : i32 to index
          %get3A_699 = arith.constant 48 : index
          %get3A_700 = tpu.vector_load %arg10[%get3A_698, %get3A_699] {strides = array<i32>} : memref<40x128xf32, #tpu.memory_space<vmem>>, vector<1x16xf32>,
          %get3A_701 = vector.shape_cast %get3A_700 : vector<1x16xf32> to vector<16xf32>
          %get3A_702 = arith.index_cast %add3A_631 : i32 to index
          %get3A_703 = arith.constant 48 : index
          %get3A_704 = tpu.vector_load %arg11[%get3A_702, %get3A_703] {strides = array<i32>} : memref<40x128xf32, #tpu.memory_space<vmem>>, vector<1x16xf32>,
          %get3A_705 = vector.shape_cast %get3A_704 : vector<1x16xf32> to vector<16xf32>
          %add3A_706 = arith.addf %get3A_701, %get3A_705 : vector<16xf32>
          %get3A_707 = arith.index_cast %add3A_631 : i32 to index
          %get3A_708 = arith.constant 48 : index
          %get3A_709 = tpu.vector_load %arg14[%get3A_707, %get3A_708] {strides = array<i32>} : memref<40x128xf32, #tpu.memory_space<vmem>>, vector<1x16xf32>,
          %get3A_710 = vector.shape_cast %get3A_709 : vector<1x16xf32> to vector<16xf32>
          %add3A_711 = arith.addf %add3A_706, %get3A_710 : vector<16xf32>
          %max3A_712 = arith.constant 0.000000e+00 : f32
          %max3A_713 = vector.broadcast %max3A_712 : f32 to vector<16xf32>
          %max3A_714 = arith.maximumf %add3A_711, %max3A_713 : vector<16xf32>
          %swap3A_715 = arith.index_cast %add3A_631 : i32 to index
          %swap3A_716 = arith.constant 48 : index
          %swap3A_717 = tpu.vector_load %arg10[%swap3A_715, %swap3A_716] {strides = array<i32>} : memref<40x128xf32, #tpu.memory_space<vmem>>, vector<1x16xf32>,
          %swap3A_718 = vector.shape_cast %swap3A_717 : vector<1x16xf32> to vector<16xf32>
          %swap3A_719 = vector.shape_cast %max3A_714 : vector<16xf32> to vector<1x16xf32>
          tpu.vector_store %arg10[%swap3A_715, %swap3A_716], %swap3A_719 {strides = array<i32>} : memref<40x128xf32, #tpu.memory_space<vmem>>, vector<1x16xf32>,
          %get3A_720 = arith.index_cast %add3A_631 : i32 to index
          %get3A_721 = arith.constant 64 : index
          %get3A_722 = tpu.vector_load %arg10[%get3A_720, %get3A_721] {strides = array<i32>} : memref<40x128xf32, #tpu.memory_space<vmem>>, vector<1x16xf32>,
          %get3A_723 = vector.shape_cast %get3A_722 : vector<1x16xf32> to vector<16xf32>
          %get3A_724 = arith.index_cast %add3A_631 : i32 to index
          %get3A_725 = arith.constant 64 : index
          %get3A_726 = tpu.vector_load %arg11[%get3A_724, %get3A_725] {strides = array<i32>} : memref<40x128xf32, #tpu.memory_space<vmem>>, vector<1x16xf32>,
          %get3A_727 = vector.shape_cast %get3A_726 : vector<1x16xf32> to vector<16xf32>
          %add3A_728 = arith.addf %get3A_723, %get3A_727 : vector<16xf32>
          %get3A_729 = arith.index_cast %add3A_631 : i32 to index
          %get3A_730 = arith.constant 64 : index
          %get3A_731 = tpu.vector_load %arg14[%get3A_729, %get3A_730] {strides = array<i32>} : memref<40x128xf32, #tpu.memory_space<vmem>>, vector<1x16xf32>,
          %get3A_732 = vector.shape_cast %get3A_731 : vector<1x16xf32> to vector<16xf32>
          %add3A_733 = arith.addf %add3A_728, %get3A_732 : vector<16xf32>
          %max3A_734 = arith.constant 0.000000e+00 : f32
          %max3A_735 = vector.broadcast %max3A_734 : f32 to vector<16xf32>
          %max3A_736 = arith.maximumf %add3A_733, %max3A_735 : vector<16xf32>
          %swap3A_737 = arith.index_cast %add3A_631 : i32 to index
          %swap3A_738 = arith.constant 64 : index
          %swap3A_739 = tpu.vector_load %arg10[%swap3A_737, %swap3A_738] {strides = array<i32>} : memref<40x128xf32, #tpu.memory_space<vmem>>, vector<1x16xf32>,
          %swap3A_740 = vector.shape_cast %swap3A_739 : vector<1x16xf32> to vector<16xf32>
          %swap3A_741 = vector.shape_cast %max3A_736 : vector<16xf32> to vector<1x16xf32>
          tpu.vector_store %arg10[%swap3A_737, %swap3A_738], %swap3A_741 {strides = array<i32>} : memref<40x128xf32, #tpu.memory_space<vmem>>, vector<1x16xf32>,
          %get3A_742 = arith.index_cast %add3A_631 : i32 to index
          %get3A_743 = arith.constant 80 : index
          %get3A_744 = tpu.vector_load %arg10[%get3A_742, %get3A_743] {strides = array<i32>} : memref<40x128xf32, #tpu.memory_space<vmem>>, vector<1x16xf32>,
          %get3A_745 = vector.shape_cast %get3A_744 : vector<1x16xf32> to vector<16xf32>
          %get3A_746 = arith.index_cast %add3A_631 : i32 to index
          %get3A_747 = arith.constant 80 : index
          %get3A_748 = tpu.vector_load %arg11[%get3A_746, %get3A_747] {strides = array<i32>} : memref<40x128xf32, #tpu.memory_space<vmem>>, vector<1x16xf32>,
          %get3A_749 = vector.shape_cast %get3A_748 : vector<1x16xf32> to vector<16xf32>
          %add3A_750 = arith.addf %get3A_745, %get3A_749 : vector<16xf32>
          %get3A_751 = arith.index_cast %add3A_631 : i32 to index
          %get3A_752 = arith.constant 80 : index
          %get3A_753 = tpu.vector_load %arg14[%get3A_751, %get3A_752] {strides = array<i32>} : memref<40x128xf32, #tpu.memory_space<vmem>>, vector<1x16xf32>,
          %get3A_754 = vector.shape_cast %get3A_753 : vector<1x16xf32> to vector<16xf32>
          %add3A_755 = arith.addf %add3A_750, %get3A_754 : vector<16xf32>
          %max3A_756 = arith.constant 0.000000e+00 : f32
          %max3A_757 = vector.broadcast %max3A_756 : f32 to vector<16xf32>
          %max3A_758 = arith.maximumf %add3A_755, %max3A_757 : vector<16xf32>
          %swap3A_759 = arith.index_cast %add3A_631 : i32 to index
          %swap3A_760 = arith.constant 80 : index
          %swap3A_761 = tpu.vector_load %arg10[%swap3A_759, %swap3A_760] {strides = array<i32>} : memref<40x128xf32, #tpu.memory_space<vmem>>, vector<1x16xf32>,
          %swap3A_762 = vector.shape_cast %swap3A_761 : vector<1x16xf32> to vector<16xf32>
          %swap3A_763 = vector.shape_cast %max3A_758 : vector<16xf32> to vector<1x16xf32>
          tpu.vector_store %arg10[%swap3A_759, %swap3A_760], %swap3A_763 {strides = array<i32>} : memref<40x128xf32, #tpu.memory_space<vmem>>, vector<1x16xf32>,
          %get3A_764 = arith.index_cast %add3A_631 : i32 to index
          %get3A_765 = arith.constant 96 : index
          %get3A_766 = tpu.vector_load %arg10[%get3A_764, %get3A_765] {strides = array<i32>} : memref<40x128xf32, #tpu.memory_space<vmem>>, vector<1x16xf32>,
          %get3A_767 = vector.shape_cast %get3A_766 : vector<1x16xf32> to vector<16xf32>
          %get3A_768 = arith.index_cast %add3A_631 : i32 to index
          %get3A_769 = arith.constant 96 : index
          %get3A_770 = tpu.vector_load %arg11[%get3A_768, %get3A_769] {strides = array<i32>} : memref<40x128xf32, #tpu.memory_space<vmem>>, vector<1x16xf32>,
          %get3A_771 = vector.shape_cast %get3A_770 : vector<1x16xf32> to vector<16xf32>
          %add3A_772 = arith.addf %get3A_767, %get3A_771 : vector<16xf32>
          %get3A_773 = arith.index_cast %add3A_631 : i32 to index
          %get3A_774 = arith.constant 96 : index
          %get3A_775 = tpu.vector_load %arg14[%get3A_773, %get3A_774] {strides = array<i32>} : memref<40x128xf32, #tpu.memory_space<vmem>>, vector<1x16xf32>,
          %get3A_776 = vector.shape_cast %get3A_775 : vector<1x16xf32> to vector<16xf32>
          %add3A_777 = arith.addf %add3A_772, %get3A_776 : vector<16xf32>
          %max3A_778 = arith.constant 0.000000e+00 : f32
          %max3A_779 = vector.broadcast %max3A_778 : f32 to vector<16xf32>
          %max3A_780 = arith.maximumf %add3A_777, %max3A_779 : vector<16xf32>
          %swap3A_781 = arith.index_cast %add3A_631 : i32 to index
          %swap3A_782 = arith.constant 96 : index
          %swap3A_783 = tpu.vector_load %arg10[%swap3A_781, %swap3A_782] {strides = array<i32>} : memref<40x128xf32, #tpu.memory_space<vmem>>, vector<1x16xf32>,
          %swap3A_784 = vector.shape_cast %swap3A_783 : vector<1x16xf32> to vector<16xf32>
          %swap3A_785 = vector.shape_cast %max3A_780 : vector<16xf32> to vector<1x16xf32>
          tpu.vector_store %arg10[%swap3A_781, %swap3A_782], %swap3A_785 {strides = array<i32>} : memref<40x128xf32, #tpu.memory_space<vmem>>, vector<1x16xf32>,
          %get3A_786 = arith.index_cast %add3A_631 : i32 to index
          %get3A_787 = arith.constant 112 : index
          %get3A_788 = tpu.vector_load %arg10[%get3A_786, %get3A_787] {strides = array<i32>} : memref<40x128xf32, #tpu.memory_space<vmem>>, vector<1x16xf32>,
          %get3A_789 = vector.shape_cast %get3A_788 : vector<1x16xf32> to vector<16xf32>
          %get3A_790 = arith.index_cast %add3A_631 : i32 to index
          %get3A_791 = arith.constant 112 : index
          %get3A_792 = tpu.vector_load %arg11[%get3A_790, %get3A_791] {strides = array<i32>} : memref<40x128xf32, #tpu.memory_space<vmem>>, vector<1x16xf32>,
          %get3A_793 = vector.shape_cast %get3A_792 : vector<1x16xf32> to vector<16xf32>
          %add3A_794 = arith.addf %get3A_789, %get3A_793 : vector<16xf32>
          %get3A_795 = arith.index_cast %add3A_631 : i32 to index
          %get3A_796 = arith.constant 112 : index
          %get3A_797 = tpu.vector_load %arg14[%get3A_795, %get3A_796] {strides = array<i32>} : memref<40x128xf32, #tpu.memory_space<vmem>>, vector<1x16xf32>,
          %get3A_798 = vector.shape_cast %get3A_797 : vector<1x16xf32> to vector<16xf32>
          %add3A_799 = arith.addf %add3A_794, %get3A_798 : vector<16xf32>
          %max3A_800 = arith.constant 0.000000e+00 : f32
          %max3A_801 = vector.broadcast %max3A_800 : f32 to vector<16xf32>
          %max3A_802 = arith.maximumf %add3A_799, %max3A_801 : vector<16xf32>
          %swap3A_803 = arith.index_cast %add3A_631 : i32 to index
          %swap3A_804 = arith.constant 112 : index
          %swap3A_805 = tpu.vector_load %arg10[%swap3A_803, %swap3A_804] {strides = array<i32>} : memref<40x128xf32, #tpu.memory_space<vmem>>, vector<1x16xf32>,
          %swap3A_806 = vector.shape_cast %swap3A_805 : vector<1x16xf32> to vector<16xf32>
          %swap3A_807 = vector.shape_cast %max3A_802 : vector<16xf32> to vector<1x16xf32>
          tpu.vector_store %arg10[%swap3A_803, %swap3A_804], %swap3A_807 {strides = array<i32>} : memref<40x128xf32, #tpu.memory_space<vmem>>, vector<1x16xf32>,
          %scan3A_808 = arith.constant 2 : i32
          %scan3A_809 = arith.addi %scan3A_448, %scan3A_808 : i32
          %mul3A_810 = arith.constant 1 : i32
          %mul3A_811 = arith.muli %scan3A_809, %mul3A_810 : i32
          %add3A_812 = arith.constant 0 : i32
          %add3A_813 = arith.addi %add3A_812, %mul3A_811 : i32
          %get3A_814 = arith.index_cast %add3A_813 : i32 to index
          %get3A_815 = arith.constant 0 : index
          %get3A_816 = tpu.vector_load %arg10[%get3A_814, %get3A_815] {strides = array<i32>} : memref<40x128xf32, #tpu.memory_space<vmem>>, vector<1x16xf32>,
          %get3A_817 = vector.shape_cast %get3A_816 : vector<1x16xf32> to vector<16xf32>
          %get3A_818 = arith.index_cast %add3A_813 : i32 to index
          %get3A_819 = arith.constant 0 : index
          %get3A_820 = tpu.vector_load %arg11[%get3A_818, %get3A_819] {strides = array<i32>} : memref<40x128xf32, #tpu.memory_space<vmem>>, vector<1x16xf32>,
          %get3A_821 = vector.shape_cast %get3A_820 : vector<1x16xf32> to vector<16xf32>
          %add3A_822 = arith.addf %get3A_817, %get3A_821 : vector<16xf32>
          %get3A_823 = arith.index_cast %add3A_813 : i32 to index
          %get3A_824 = arith.constant 0 : index
          %get3A_825 = tpu.vector_load %arg14[%get3A_823, %get3A_824] {strides = array<i32>} : memref<40x128xf32, #tpu.memory_space<vmem>>, vector<1x16xf32>,
          %get3A_826 = vector.shape_cast %get3A_825 : vector<1x16xf32> to vector<16xf32>
          %add3A_827 = arith.addf %add3A_822, %get3A_826 : vector<16xf32>
          %max3A_828 = arith.constant 0.000000e+00 : f32
          %max3A_829 = vector.broadcast %max3A_828 : f32 to vector<16xf32>
          %max3A_830 = arith.maximumf %add3A_827, %max3A_829 : vector<16xf32>
          %swap3A_831 = arith.index_cast %add3A_813 : i32 to index
          %swap3A_832 = arith.constant 0 : index
          %swap3A_833 = tpu.vector_load %arg10[%swap3A_831, %swap3A_832] {strides = array<i32>} : memref<40x128xf32, #tpu.memory_space<vmem>>, vector<1x16xf32>,
          %swap3A_834 = vector.shape_cast %swap3A_833 : vector<1x16xf32> to vector<16xf32>
          %swap3A_835 = vector.shape_cast %max3A_830 : vector<16xf32> to vector<1x16xf32>
          tpu.vector_store %arg10[%swap3A_831, %swap3A_832], %swap3A_835 {strides = array<i32>} : memref<40x128xf32, #tpu.memory_space<vmem>>, vector<1x16xf32>,
          %get3A_836 = arith.index_cast %add3A_813 : i32 to index
          %get3A_837 = arith.constant 16 : index
          %get3A_838 = tpu.vector_load %arg10[%get3A_836, %get3A_837] {strides = array<i32>} : memref<40x128xf32, #tpu.memory_space<vmem>>, vector<1x16xf32>,
          %get3A_839 = vector.shape_cast %get3A_838 : vector<1x16xf32> to vector<16xf32>
          %get3A_840 = arith.index_cast %add3A_813 : i32 to index
          %get3A_841 = arith.constant 16 : index
          %get3A_842 = tpu.vector_load %arg11[%get3A_840, %get3A_841] {strides = array<i32>} : memref<40x128xf32, #tpu.memory_space<vmem>>, vector<1x16xf32>,
          %get3A_843 = vector.shape_cast %get3A_842 : vector<1x16xf32> to vector<16xf32>
          %add3A_844 = arith.addf %get3A_839, %get3A_843 : vector<16xf32>
          %get3A_845 = arith.index_cast %add3A_813 : i32 to index
          %get3A_846 = arith.constant 16 : index
          %get3A_847 = tpu.vector_load %arg14[%get3A_845, %get3A_846] {strides = array<i32>} : memref<40x128xf32, #tpu.memory_space<vmem>>, vector<1x16xf32>,
          %get3A_848 = vector.shape_cast %get3A_847 : vector<1x16xf32> to vector<16xf32>
          %add3A_849 = arith.addf %add3A_844, %get3A_848 : vector<16xf32>
          %max3A_850 = arith.constant 0.000000e+00 : f32
          %max3A_851 = vector.broadcast %max3A_850 : f32 to vector<16xf32>
          %max3A_852 = arith.maximumf %add3A_849, %max3A_851 : vector<16xf32>
          %swap3A_853 = arith.index_cast %add3A_813 : i32 to index
          %swap3A_854 = arith.constant 16 : index
          %swap3A_855 = tpu.vector_load %arg10[%swap3A_853, %swap3A_854] {strides = array<i32>} : memref<40x128xf32, #tpu.memory_space<vmem>>, vector<1x16xf32>,
          %swap3A_856 = vector.shape_cast %swap3A_855 : vector<1x16xf32> to vector<16xf32>
          %swap3A_857 = vector.shape_cast %max3A_852 : vector<16xf32> to vector<1x16xf32>
          tpu.vector_store %arg10[%swap3A_853, %swap3A_854], %swap3A_857 {strides = array<i32>} : memref<40x128xf32, #tpu.memory_space<vmem>>, vector<1x16xf32>,
          %get3A_858 = arith.index_cast %add3A_813 : i32 to index
          %get3A_859 = arith.constant 32 : index
          %get3A_860 = tpu.vector_load %arg10[%get3A_858, %get3A_859] {strides = array<i32>} : memref<40x128xf32, #tpu.memory_space<vmem>>, vector<1x16xf32>,
          %get3A_861 = vector.shape_cast %get3A_860 : vector<1x16xf32> to vector<16xf32>
          %get3A_862 = arith.index_cast %add3A_813 : i32 to index
          %get3A_863 = arith.constant 32 : index
          %get3A_864 = tpu.vector_load %arg11[%get3A_862, %get3A_863] {strides = array<i32>} : memref<40x128xf32, #tpu.memory_space<vmem>>, vector<1x16xf32>,
          %get3A_865 = vector.shape_cast %get3A_864 : vector<1x16xf32> to vector<16xf32>
          %add3A_866 = arith.addf %get3A_861, %get3A_865 : vector<16xf32>
          %get3A_867 = arith.index_cast %add3A_813 : i32 to index
          %get3A_868 = arith.constant 32 : index
          %get3A_869 = tpu.vector_load %arg14[%get3A_867, %get3A_868] {strides = array<i32>} : memref<40x128xf32, #tpu.memory_space<vmem>>, vector<1x16xf32>,
          %get3A_870 = vector.shape_cast %get3A_869 : vector<1x16xf32> to vector<16xf32>
          %add3A_871 = arith.addf %add3A_866, %get3A_870 : vector<16xf32>
          %max3A_872 = arith.constant 0.000000e+00 : f32
          %max3A_873 = vector.broadcast %max3A_872 : f32 to vector<16xf32>
          %max3A_874 = arith.maximumf %add3A_871, %max3A_873 : vector<16xf32>
          %swap3A_875 = arith.index_cast %add3A_813 : i32 to index
          %swap3A_876 = arith.constant 32 : index
          %swap3A_877 = tpu.vector_load %arg10[%swap3A_875, %swap3A_876] {strides = array<i32>} : memref<40x128xf32, #tpu.memory_space<vmem>>, vector<1x16xf32>,
          %swap3A_878 = vector.shape_cast %swap3A_877 : vector<1x16xf32> to vector<16xf32>
          %swap3A_879 = vector.shape_cast %max3A_874 : vector<16xf32> to vector<1x16xf32>
          tpu.vector_store %arg10[%swap3A_875, %swap3A_876], %swap3A_879 {strides = array<i32>} : memref<40x128xf32, #tpu.memory_space<vmem>>, vector<1x16xf32>,
          %get3A_880 = arith.index_cast %add3A_813 : i32 to index
          %get3A_881 = arith.constant 48 : index
          %get3A_882 = tpu.vector_load %arg10[%get3A_880, %get3A_881] {strides = array<i32>} : memref<40x128xf32, #tpu.memory_space<vmem>>, vector<1x16xf32>,
          %get3A_883 = vector.shape_cast %get3A_882 : vector<1x16xf32> to vector<16xf32>
          %get3A_884 = arith.index_cast %add3A_813 : i32 to index
          %get3A_885 = arith.constant 48 : index
          %get3A_886 = tpu.vector_load %arg11[%get3A_884, %get3A_885] {strides = array<i32>} : memref<40x128xf32, #tpu.memory_space<vmem>>, vector<1x16xf32>,
          %get3A_887 = vector.shape_cast %get3A_886 : vector<1x16xf32> to vector<16xf32>
          %add3A_888 = arith.addf %get3A_883, %get3A_887 : vector<16xf32>
          %get3A_889 = arith.index_cast %add3A_813 : i32 to index
          %get3A_890 = arith.constant 48 : index
          %get3A_891 = tpu.vector_load %arg14[%get3A_889, %get3A_890] {strides = array<i32>} : memref<40x128xf32, #tpu.memory_space<vmem>>, vector<1x16xf32>,
          %get3A_892 = vector.shape_cast %get3A_891 : vector<1x16xf32> to vector<16xf32>
          %add3A_893 = arith.addf %add3A_888, %get3A_892 : vector<16xf32>
          %max3A_894 = arith.constant 0.000000e+00 : f32
          %max3A_895 = vector.broadcast %max3A_894 : f32 to vector<16xf32>
          %max3A_896 = arith.maximumf %add3A_893, %max3A_895 : vector<16xf32>
          %swap3A_897 = arith.index_cast %add3A_813 : i32 to index
          %swap3A_898 = arith.constant 48 : index
          %swap3A_899 = tpu.vector_load %arg10[%swap3A_897, %swap3A_898] {strides = array<i32>} : memref<40x128xf32, #tpu.memory_space<vmem>>, vector<1x16xf32>,
          %swap3A_900 = vector.shape_cast %swap3A_899 : vector<1x16xf32> to vector<16xf32>
          %swap3A_901 = vector.shape_cast %max3A_896 : vector<16xf32> to vector<1x16xf32>
          tpu.vector_store %arg10[%swap3A_897, %swap3A_898], %swap3A_901 {strides = array<i32>} : memref<40x128xf32, #tpu.memory_space<vmem>>, vector<1x16xf32>,
          %get3A_902 = arith.index_cast %add3A_813 : i32 to index
          %get3A_903 = arith.constant 64 : index
          %get3A_904 = tpu.vector_load %arg10[%get3A_902, %get3A_903] {strides = array<i32>} : memref<40x128xf32, #tpu.memory_space<vmem>>, vector<1x16xf32>,
          %get3A_905 = vector.shape_cast %get3A_904 : vector<1x16xf32> to vector<16xf32>
          %get3A_906 = arith.index_cast %add3A_813 : i32 to index
          %get3A_907 = arith.constant 64 : index
          %get3A_908 = tpu.vector_load %arg11[%get3A_906, %get3A_907] {strides = array<i32>} : memref<40x128xf32, #tpu.memory_space<vmem>>, vector<1x16xf32>,
          %get3A_909 = vector.shape_cast %get3A_908 : vector<1x16xf32> to vector<16xf32>
          %add3A_910 = arith.addf %get3A_905, %get3A_909 : vector<16xf32>
          %get3A_911 = arith.index_cast %add3A_813 : i32 to index
          %get3A_912 = arith.constant 64 : index
          %get3A_913 = tpu.vector_load %arg14[%get3A_911, %get3A_912] {strides = array<i32>} : memref<40x128xf32, #tpu.memory_space<vmem>>, vector<1x16xf32>,
          %get3A_914 = vector.shape_cast %get3A_913 : vector<1x16xf32> to vector<16xf32>
          %add3A_915 = arith.addf %add3A_910, %get3A_914 : vector<16xf32>
          %max3A_916 = arith.constant 0.000000e+00 : f32
          %max3A_917 = vector.broadcast %max3A_916 : f32 to vector<16xf32>
          %max3A_918 = arith.maximumf %add3A_915, %max3A_917 : vector<16xf32>
          %swap3A_919 = arith.index_cast %add3A_813 : i32 to index
          %swap3A_920 = arith.constant 64 : index
          %swap3A_921 = tpu.vector_load %arg10[%swap3A_919, %swap3A_920] {strides = array<i32>} : memref<40x128xf32, #tpu.memory_space<vmem>>, vector<1x16xf32>,
          %swap3A_922 = vector.shape_cast %swap3A_921 : vector<1x16xf32> to vector<16xf32>
          %swap3A_923 = vector.shape_cast %max3A_918 : vector<16xf32> to vector<1x16xf32>
          tpu.vector_store %arg10[%swap3A_919, %swap3A_920], %swap3A_923 {strides = array<i32>} : memref<40x128xf32, #tpu.memory_space<vmem>>, vector<1x16xf32>,
          %get3A_924 = arith.index_cast %add3A_813 : i32 to index
          %get3A_925 = arith.constant 80 : index
          %get3A_926 = tpu.vector_load %arg10[%get3A_924, %get3A_925] {strides = array<i32>} : memref<40x128xf32, #tpu.memory_space<vmem>>, vector<1x16xf32>,
          %get3A_927 = vector.shape_cast %get3A_926 : vector<1x16xf32> to vector<16xf32>
          %get3A_928 = arith.index_cast %add3A_813 : i32 to index
          %get3A_929 = arith.constant 80 : index
          %get3A_930 = tpu.vector_load %arg11[%get3A_928, %get3A_929] {strides = array<i32>} : memref<40x128xf32, #tpu.memory_space<vmem>>, vector<1x16xf32>,
          %get3A_931 = vector.shape_cast %get3A_930 : vector<1x16xf32> to vector<16xf32>
          %add3A_932 = arith.addf %get3A_927, %get3A_931 : vector<16xf32>
          %get3A_933 = arith.index_cast %add3A_813 : i32 to index
          %get3A_934 = arith.constant 80 : index
          %get3A_935 = tpu.vector_load %arg14[%get3A_933, %get3A_934] {strides = array<i32>} : memref<40x128xf32, #tpu.memory_space<vmem>>, vector<1x16xf32>,
          %get3A_936 = vector.shape_cast %get3A_935 : vector<1x16xf32> to vector<16xf32>
          %add3A_937 = arith.addf %add3A_932, %get3A_936 : vector<16xf32>
          %max3A_938 = arith.constant 0.000000e+00 : f32
          %max3A_939 = vector.broadcast %max3A_938 : f32 to vector<16xf32>
          %max3A_940 = arith.maximumf %add3A_937, %max3A_939 : vector<16xf32>
          %swap3A_941 = arith.index_cast %add3A_813 : i32 to index
          %swap3A_942 = arith.constant 80 : index
          %swap3A_943 = tpu.vector_load %arg10[%swap3A_941, %swap3A_942] {strides = array<i32>} : memref<40x128xf32, #tpu.memory_space<vmem>>, vector<1x16xf32>,
          %swap3A_944 = vector.shape_cast %swap3A_943 : vector<1x16xf32> to vector<16xf32>
          %swap3A_945 = vector.shape_cast %max3A_940 : vector<16xf32> to vector<1x16xf32>
          tpu.vector_store %arg10[%swap3A_941, %swap3A_942], %swap3A_945 {strides = array<i32>} : memref<40x128xf32, #tpu.memory_space<vmem>>, vector<1x16xf32>,
          %get3A_946 = arith.index_cast %add3A_813 : i32 to index
          %get3A_947 = arith.constant 96 : index
          %get3A_948 = tpu.vector_load %arg10[%get3A_946, %get3A_947] {strides = array<i32>} : memref<40x128xf32, #tpu.memory_space<vmem>>, vector<1x16xf32>,
          %get3A_949 = vector.shape_cast %get3A_948 : vector<1x16xf32> to vector<16xf32>
          %get3A_950 = arith.index_cast %add3A_813 : i32 to index
          %get3A_951 = arith.constant 96 : index
          %get3A_952 = tpu.vector_load %arg11[%get3A_950, %get3A_951] {strides = array<i32>} : memref<40x128xf32, #tpu.memory_space<vmem>>, vector<1x16xf32>,
          %get3A_953 = vector.shape_cast %get3A_952 : vector<1x16xf32> to vector<16xf32>
          %add3A_954 = arith.addf %get3A_949, %get3A_953 : vector<16xf32>
          %get3A_955 = arith.index_cast %add3A_813 : i32 to index
          %get3A_956 = arith.constant 96 : index
          %get3A_957 = tpu.vector_load %arg14[%get3A_955, %get3A_956] {strides = array<i32>} : memref<40x128xf32, #tpu.memory_space<vmem>>, vector<1x16xf32>,
          %get3A_958 = vector.shape_cast %get3A_957 : vector<1x16xf32> to vector<16xf32>
          %add3A_959 = arith.addf %add3A_954, %get3A_958 : vector<16xf32>
          %max3A_960 = arith.constant 0.000000e+00 : f32
          %max3A_961 = vector.broadcast %max3A_960 : f32 to vector<16xf32>
          %max3A_962 = arith.maximumf %add3A_959, %max3A_961 : vector<16xf32>
          %swap3A_963 = arith.index_cast %add3A_813 : i32 to index
          %swap3A_964 = arith.constant 96 : index
          %swap3A_965 = tpu.vector_load %arg10[%swap3A_963, %swap3A_964] {strides = array<i32>} : memref<40x128xf32, #tpu.memory_space<vmem>>, vector<1x16xf32>,
          %swap3A_966 = vector.shape_cast %swap3A_965 : vector<1x16xf32> to vector<16xf32>
          %swap3A_967 = vector.shape_cast %max3A_962 : vector<16xf32> to vector<1x16xf32>
          tpu.vector_store %arg10[%swap3A_963, %swap3A_964], %swap3A_967 {strides = array<i32>} : memref<40x128xf32, #tpu.memory_space<vmem>>, vector<1x16xf32>,
          %get3A_968 = arith.index_cast %add3A_813 : i32 to index
          %get3A_969 = arith.constant 112 : index
          %get3A_970 = tpu.vector_load %arg10[%get3A_968, %get3A_969] {strides = array<i32>} : memref<40x128xf32, #tpu.memory_space<vmem>>, vector<1x16xf32>,
          %get3A_971 = vector.shape_cast %get3A_970 : vector<1x16xf32> to vector<16xf32>
          %get3A_972 = arith.index_cast %add3A_813 : i32 to index
          %get3A_973 = arith.constant 112 : index
          %get3A_974 = tpu.vector_load %arg11[%get3A_972, %get3A_973] {strides = array<i32>} : memref<40x128xf32, #tpu.memory_space<vmem>>, vector<1x16xf32>,
          %get3A_975 = vector.shape_cast %get3A_974 : vector<1x16xf32> to vector<16xf32>
          %add3A_976 = arith.addf %get3A_971, %get3A_975 : vector<16xf32>
          %get3A_977 = arith.index_cast %add3A_813 : i32 to index
          %get3A_978 = arith.constant 112 : index
          %get3A_979 = tpu.vector_load %arg14[%get3A_977, %get3A_978] {strides = array<i32>} : memref<40x128xf32, #tpu.memory_space<vmem>>, vector<1x16xf32>,
          %get3A_980 = vector.shape_cast %get3A_979 : vector<1x16xf32> to vector<16xf32>
          %add3A_981 = arith.addf %add3A_976, %get3A_980 : vector<16xf32>
          %max3A_982 = arith.constant 0.000000e+00 : f32
          %max3A_983 = vector.broadcast %max3A_982 : f32 to vector<16xf32>
          %max3A_984 = arith.maximumf %add3A_981, %max3A_983 : vector<16xf32>
          %swap3A_985 = arith.index_cast %add3A_813 : i32 to index
          %swap3A_986 = arith.constant 112 : index
          %swap3A_987 = tpu.vector_load %arg10[%swap3A_985, %swap3A_986] {strides = array<i32>} : memref<40x128xf32, #tpu.memory_space<vmem>>, vector<1x16xf32>,
          %swap3A_988 = vector.shape_cast %swap3A_987 : vector<1x16xf32> to vector<16xf32>
          %swap3A_989 = vector.shape_cast %max3A_984 : vector<16xf32> to vector<1x16xf32>
          tpu.vector_store %arg10[%swap3A_985, %swap3A_986], %swap3A_989 {strides = array<i32>} : memref<40x128xf32, #tpu.memory_space<vmem>>, vector<1x16xf32>,
          %scan3A_990 = arith.constant 3 : i32
          %scan3A_991 = arith.addi %scan3A_448, %scan3A_990 : i32
          %mul3A_992 = arith.constant 1 : i32
          %mul3A_993 = arith.muli %scan3A_991, %mul3A_992 : i32
          %add3A_994 = arith.constant 0 : i32
          %add3A_995 = arith.addi %add3A_994, %mul3A_993 : i32
          %get3A_996 = arith.index_cast %add3A_995 : i32 to index
          %get3A_997 = arith.constant 0 : index
          %get3A_998 = tpu.vector_load %arg10[%get3A_996, %get3A_997] {strides = array<i32>} : memref<40x128xf32, #tpu.memory_space<vmem>>, vector<1x16xf32>,
          %get3A_999 = vector.shape_cast %get3A_998 : vector<1x16xf32> to vector<16xf32>
          %get3A_1000 = arith.index_cast %add3A_995 : i32 to index
          %get3A_1001 = arith.constant 0 : index
          %get3A_1002 = tpu.vector_load %arg11[%get3A_1000, %get3A_1001] {strides = array<i32>} : memref<40x128xf32, #tpu.memory_space<vmem>>, vector<1x16xf32>,
          %get3A_1003 = vector.shape_cast %get3A_1002 : vector<1x16xf32> to vector<16xf32>
          %add3A_1004 = arith.addf %get3A_999, %get3A_1003 : vector<16xf32>
          %get3A_1005 = arith.index_cast %add3A_995 : i32 to index
          %get3A_1006 = arith.constant 0 : index
          %get3A_1007 = tpu.vector_load %arg14[%get3A_1005, %get3A_1006] {strides = array<i32>} : memref<40x128xf32, #tpu.memory_space<vmem>>, vector<1x16xf32>,
          %get3A_1008 = vector.shape_cast %get3A_1007 : vector<1x16xf32> to vector<16xf32>
          %add3A_1009 = arith.addf %add3A_1004, %get3A_1008 : vector<16xf32>
          %max3A_1010 = arith.constant 0.000000e+00 : f32
          %max3A_1011 = vector.broadcast %max3A_1010 : f32 to vector<16xf32>
          %max3A_1012 = arith.maximumf %add3A_1009, %max3A_1011 : vector<16xf32>
          %swap3A_1013 = arith.index_cast %add3A_995 : i32 to index
          %swap3A_1014 = arith.constant 0 : index
          %swap3A_1015 = tpu.vector_load %arg10[%swap3A_1013, %swap3A_1014] {strides = array<i32>} : memref<40x128xf32, #tpu.memory_space<vmem>>, vector<1x16xf32>,
          %swap3A_1016 = vector.shape_cast %swap3A_1015 : vector<1x16xf32> to vector<16xf32>
          %swap3A_1017 = vector.shape_cast %max3A_1012 : vector<16xf32> to vector<1x16xf32>
          tpu.vector_store %arg10[%swap3A_1013, %swap3A_1014], %swap3A_1017 {strides = array<i32>} : memref<40x128xf32, #tpu.memory_space<vmem>>, vector<1x16xf32>,
          %get3A_1018 = arith.index_cast %add3A_995 : i32 to index
          %get3A_1019 = arith.constant 16 : index
          %get3A_1020 = tpu.vector_load %arg10[%get3A_1018, %get3A_1019] {strides = array<i32>} : memref<40x128xf32, #tpu.memory_space<vmem>>, vector<1x16xf32>,
          %get3A_1021 = vector.shape_cast %get3A_1020 : vector<1x16xf32> to vector<16xf32>
          %get3A_1022 = arith.index_cast %add3A_995 : i32 to index
          %get3A_1023 = arith.constant 16 : index
          %get3A_1024 = tpu.vector_load %arg11[%get3A_1022, %get3A_1023] {strides = array<i32>} : memref<40x128xf32, #tpu.memory_space<vmem>>, vector<1x16xf32>,
          %get3A_1025 = vector.shape_cast %get3A_1024 : vector<1x16xf32> to vector<16xf32>
          %add3A_1026 = arith.addf %get3A_1021, %get3A_1025 : vector<16xf32>
          %get3A_1027 = arith.index_cast %add3A_995 : i32 to index
          %get3A_1028 = arith.constant 16 : index
          %get3A_1029 = tpu.vector_load %arg14[%get3A_1027, %get3A_1028] {strides = array<i32>} : memref<40x128xf32, #tpu.memory_space<vmem>>, vector<1x16xf32>,
          %get3A_1030 = vector.shape_cast %get3A_1029 : vector<1x16xf32> to vector<16xf32>
          %add3A_1031 = arith.addf %add3A_1026, %get3A_1030 : vector<16xf32>
          %max3A_1032 = arith.constant 0.000000e+00 : f32
          %max3A_1033 = vector.broadcast %max3A_1032 : f32 to vector<16xf32>
          %max3A_1034 = arith.maximumf %add3A_1031, %max3A_1033 : vector<16xf32>
          %swap3A_1035 = arith.index_cast %add3A_995 : i32 to index
          %swap3A_1036 = arith.constant 16 : index
          %swap3A_1037 = tpu.vector_load %arg10[%swap3A_1035, %swap3A_1036] {strides = array<i32>} : memref<40x128xf32, #tpu.memory_space<vmem>>, vector<1x16xf32>,
          %swap3A_1038 = vector.shape_cast %swap3A_1037 : vector<1x16xf32> to vector<16xf32>
          %swap3A_1039 = vector.shape_cast %max3A_1034 : vector<16xf32> to vector<1x16xf32>
          tpu.vector_store %arg10[%swap3A_1035, %swap3A_1036], %swap3A_1039 {strides = array<i32>} : memref<40x128xf32, #tpu.memory_space<vmem>>, vector<1x16xf32>,
          %get3A_1040 = arith.index_cast %add3A_995 : i32 to index
          %get3A_1041 = arith.constant 32 : index
          %get3A_1042 = tpu.vector_load %arg10[%get3A_1040, %get3A_1041] {strides = array<i32>} : memref<40x128xf32, #tpu.memory_space<vmem>>, vector<1x16xf32>,
          %get3A_1043 = vector.shape_cast %get3A_1042 : vector<1x16xf32> to vector<16xf32>
          %get3A_1044 = arith.index_cast %add3A_995 : i32 to index
          %get3A_1045 = arith.constant 32 : index
          %get3A_1046 = tpu.vector_load %arg11[%get3A_1044, %get3A_1045] {strides = array<i32>} : memref<40x128xf32, #tpu.memory_space<vmem>>, vector<1x16xf32>,
          %get3A_1047 = vector.shape_cast %get3A_1046 : vector<1x16xf32> to vector<16xf32>
          %add3A_1048 = arith.addf %get3A_1043, %get3A_1047 : vector<16xf32>
          %get3A_1049 = arith.index_cast %add3A_995 : i32 to index
          %get3A_1050 = arith.constant 32 : index
          %get3A_1051 = tpu.vector_load %arg14[%get3A_1049, %get3A_1050] {strides = array<i32>} : memref<40x128xf32, #tpu.memory_space<vmem>>, vector<1x16xf32>,
          %get3A_1052 = vector.shape_cast %get3A_1051 : vector<1x16xf32> to vector<16xf32>
          %add3A_1053 = arith.addf %add3A_1048, %get3A_1052 : vector<16xf32>
          %max3A_1054 = arith.constant 0.000000e+00 : f32
          %max3A_1055 = vector.broadcast %max3A_1054 : f32 to vector<16xf32>
          %max3A_1056 = arith.maximumf %add3A_1053, %max3A_1055 : vector<16xf32>
          %swap3A_1057 = arith.index_cast %add3A_995 : i32 to index
          %swap3A_1058 = arith.constant 32 : index
          %swap3A_1059 = tpu.vector_load %arg10[%swap3A_1057, %swap3A_1058] {strides = array<i32>} : memref<40x128xf32, #tpu.memory_space<vmem>>, vector<1x16xf32>,
          %swap3A_1060 = vector.shape_cast %swap3A_1059 : vector<1x16xf32> to vector<16xf32>
          %swap3A_1061 = vector.shape_cast %max3A_1056 : vector<16xf32> to vector<1x16xf32>
          tpu.vector_store %arg10[%swap3A_1057, %swap3A_1058], %swap3A_1061 {strides = array<i32>} : memref<40x128xf32, #tpu.memory_space<vmem>>, vector<1x16xf32>,
          %get3A_1062 = arith.index_cast %add3A_995 : i32 to index
          %get3A_1063 = arith.constant 48 : index
          %get3A_1064 = tpu.vector_load %arg10[%get3A_1062, %get3A_1063] {strides = array<i32>} : memref<40x128xf32, #tpu.memory_space<vmem>>, vector<1x16xf32>,
          %get3A_1065 = vector.shape_cast %get3A_1064 : vector<1x16xf32> to vector<16xf32>
          %get3A_1066 = arith.index_cast %add3A_995 : i32 to index
          %get3A_1067 = arith.constant 48 : index
          %get3A_1068 = tpu.vector_load %arg11[%get3A_1066, %get3A_1067] {strides = array<i32>} : memref<40x128xf32, #tpu.memory_space<vmem>>, vector<1x16xf32>,
          %get3A_1069 = vector.shape_cast %get3A_1068 : vector<1x16xf32> to vector<16xf32>
          %add3A_1070 = arith.addf %get3A_1065, %get3A_1069 : vector<16xf32>
          %get3A_1071 = arith.index_cast %add3A_995 : i32 to index
          %get3A_1072 = arith.constant 48 : index
          %get3A_1073 = tpu.vector_load %arg14[%get3A_1071, %get3A_1072] {strides = array<i32>} : memref<40x128xf32, #tpu.memory_space<vmem>>, vector<1x16xf32>,
          %get3A_1074 = vector.shape_cast %get3A_1073 : vector<1x16xf32> to vector<16xf32>
          %add3A_1075 = arith.addf %add3A_1070, %get3A_1074 : vector<16xf32>
          %max3A_1076 = arith.constant 0.000000e+00 : f32
          %max3A_1077 = vector.broadcast %max3A_1076 : f32 to vector<16xf32>
          %max3A_1078 = arith.maximumf %add3A_1075, %max3A_1077 : vector<16xf32>
          %swap3A_1079 = arith.index_cast %add3A_995 : i32 to index
          %swap3A_1080 = arith.constant 48 : index
          %swap3A_1081 = tpu.vector_load %arg10[%swap3A_1079, %swap3A_1080] {strides = array<i32>} : memref<40x128xf32, #tpu.memory_space<vmem>>, vector<1x16xf32>,
          %swap3A_1082 = vector.shape_cast %swap3A_1081 : vector<1x16xf32> to vector<16xf32>
          %swap3A_1083 = vector.shape_cast %max3A_1078 : vector<16xf32> to vector<1x16xf32>
          tpu.vector_store %arg10[%swap3A_1079, %swap3A_1080], %swap3A_1083 {strides = array<i32>} : memref<40x128xf32, #tpu.memory_space<vmem>>, vector<1x16xf32>,
          %get3A_1084 = arith.index_cast %add3A_995 : i32 to index
          %get3A_1085 = arith.constant 64 : index
          %get3A_1086 = tpu.vector_load %arg10[%get3A_1084, %get3A_1085] {strides = array<i32>} : memref<40x128xf32, #tpu.memory_space<vmem>>, vector<1x16xf32>,
          %get3A_1087 = vector.shape_cast %get3A_1086 : vector<1x16xf32> to vector<16xf32>
          %get3A_1088 = arith.index_cast %add3A_995 : i32 to index
          %get3A_1089 = arith.constant 64 : index
          %get3A_1090 = tpu.vector_load %arg11[%get3A_1088, %get3A_1089] {strides = array<i32>} : memref<40x128xf32, #tpu.memory_space<vmem>>, vector<1x16xf32>,
          %get3A_1091 = vector.shape_cast %get3A_1090 : vector<1x16xf32> to vector<16xf32>
          %add3A_1092 = arith.addf %get3A_1087, %get3A_1091 : vector<16xf32>
          %get3A_1093 = arith.index_cast %add3A_995 : i32 to index
          %get3A_1094 = arith.constant 64 : index
          %get3A_1095 = tpu.vector_load %arg14[%get3A_1093, %get3A_1094] {strides = array<i32>} : memref<40x128xf32, #tpu.memory_space<vmem>>, vector<1x16xf32>,
          %get3A_1096 = vector.shape_cast %get3A_1095 : vector<1x16xf32> to vector<16xf32>
          %add3A_1097 = arith.addf %add3A_1092, %get3A_1096 : vector<16xf32>
          %max3A_1098 = arith.constant 0.000000e+00 : f32
          %max3A_1099 = vector.broadcast %max3A_1098 : f32 to vector<16xf32>
          %max3A_1100 = arith.maximumf %add3A_1097, %max3A_1099 : vector<16xf32>
          %swap3A_1101 = arith.index_cast %add3A_995 : i32 to index
          %swap3A_1102 = arith.constant 64 : index
          %swap3A_1103 = tpu.vector_load %arg10[%swap3A_1101, %swap3A_1102] {strides = array<i32>} : memref<40x128xf32, #tpu.memory_space<vmem>>, vector<1x16xf32>,
          %swap3A_1104 = vector.shape_cast %swap3A_1103 : vector<1x16xf32> to vector<16xf32>
          %swap3A_1105 = vector.shape_cast %max3A_1100 : vector<16xf32> to vector<1x16xf32>
          tpu.vector_store %arg10[%swap3A_1101, %swap3A_1102], %swap3A_1105 {strides = array<i32>} : memref<40x128xf32, #tpu.memory_space<vmem>>, vector<1x16xf32>,
          %get3A_1106 = arith.index_cast %add3A_995 : i32 to index
          %get3A_1107 = arith.constant 80 : index
          %get3A_1108 = tpu.vector_load %arg10[%get3A_1106, %get3A_1107] {strides = array<i32>} : memref<40x128xf32, #tpu.memory_space<vmem>>, vector<1x16xf32>,
          %get3A_1109 = vector.shape_cast %get3A_1108 : vector<1x16xf32> to vector<16xf32>
          %get3A_1110 = arith.index_cast %add3A_995 : i32 to index
          %get3A_1111 = arith.constant 80 : index
          %get3A_1112 = tpu.vector_load %arg11[%get3A_1110, %get3A_1111] {strides = array<i32>} : memref<40x128xf32, #tpu.memory_space<vmem>>, vector<1x16xf32>,
          %get3A_1113 = vector.shape_cast %get3A_1112 : vector<1x16xf32> to vector<16xf32>
          %add3A_1114 = arith.addf %get3A_1109, %get3A_1113 : vector<16xf32>
          %get3A_1115 = arith.index_cast %add3A_995 : i32 to index
          %get3A_1116 = arith.constant 80 : index
          %get3A_1117 = tpu.vector_load %arg14[%get3A_1115, %get3A_1116] {strides = array<i32>} : memref<40x128xf32, #tpu.memory_space<vmem>>, vector<1x16xf32>,
          %get3A_1118 = vector.shape_cast %get3A_1117 : vector<1x16xf32> to vector<16xf32>
          %add3A_1119 = arith.addf %add3A_1114, %get3A_1118 : vector<16xf32>
          %max3A_1120 = arith.constant 0.000000e+00 : f32
          %max3A_1121 = vector.broadcast %max3A_1120 : f32 to vector<16xf32>
          %max3A_1122 = arith.maximumf %add3A_1119, %max3A_1121 : vector<16xf32>
          %swap3A_1123 = arith.index_cast %add3A_995 : i32 to index
          %swap3A_1124 = arith.constant 80 : index
          %swap3A_1125 = tpu.vector_load %arg10[%swap3A_1123, %swap3A_1124] {strides = array<i32>} : memref<40x128xf32, #tpu.memory_space<vmem>>, vector<1x16xf32>,
          %swap3A_1126 = vector.shape_cast %swap3A_1125 : vector<1x16xf32> to vector<16xf32>
          %swap3A_1127 = vector.shape_cast %max3A_1122 : vector<16xf32> to vector<1x16xf32>
          tpu.vector_store %arg10[%swap3A_1123, %swap3A_1124], %swap3A_1127 {strides = array<i32>} : memref<40x128xf32, #tpu.memory_space<vmem>>, vector<1x16xf32>,
          %get3A_1128 = arith.index_cast %add3A_995 : i32 to index
          %get3A_1129 = arith.constant 96 : index
          %get3A_1130 = tpu.vector_load %arg10[%get3A_1128, %get3A_1129] {strides = array<i32>} : memref<40x128xf32, #tpu.memory_space<vmem>>, vector<1x16xf32>,
          %get3A_1131 = vector.shape_cast %get3A_1130 : vector<1x16xf32> to vector<16xf32>
          %get3A_1132 = arith.index_cast %add3A_995 : i32 to index
          %get3A_1133 = arith.constant 96 : index
          %get3A_1134 = tpu.vector_load %arg11[%get3A_1132, %get3A_1133] {strides = array<i32>} : memref<40x128xf32, #tpu.memory_space<vmem>>, vector<1x16xf32>,
          %get3A_1135 = vector.shape_cast %get3A_1134 : vector<1x16xf32> to vector<16xf32>
          %add3A_1136 = arith.addf %get3A_1131, %get3A_1135 : vector<16xf32>
          %get3A_1137 = arith.index_cast %add3A_995 : i32 to index
          %get3A_1138 = arith.constant 96 : index
          %get3A_1139 = tpu.vector_load %arg14[%get3A_1137, %get3A_1138] {strides = array<i32>} : memref<40x128xf32, #tpu.memory_space<vmem>>, vector<1x16xf32>,
          %get3A_1140 = vector.shape_cast %get3A_1139 : vector<1x16xf32> to vector<16xf32>
          %add3A_1141 = arith.addf %add3A_1136, %get3A_1140 : vector<16xf32>
          %max3A_1142 = arith.constant 0.000000e+00 : f32
          %max3A_1143 = vector.broadcast %max3A_1142 : f32 to vector<16xf32>
          %max3A_1144 = arith.maximumf %add3A_1141, %max3A_1143 : vector<16xf32>
          %swap3A_1145 = arith.index_cast %add3A_995 : i32 to index
          %swap3A_1146 = arith.constant 96 : index
          %swap3A_1147 = tpu.vector_load %arg10[%swap3A_1145, %swap3A_1146] {strides = array<i32>} : memref<40x128xf32, #tpu.memory_space<vmem>>, vector<1x16xf32>,
          %swap3A_1148 = vector.shape_cast %swap3A_1147 : vector<1x16xf32> to vector<16xf32>
          %swap3A_1149 = vector.shape_cast %max3A_1144 : vector<16xf32> to vector<1x16xf32>
          tpu.vector_store %arg10[%swap3A_1145, %swap3A_1146], %swap3A_1149 {strides = array<i32>} : memref<40x128xf32, #tpu.memory_space<vmem>>, vector<1x16xf32>,
          %get3A_1150 = arith.index_cast %add3A_995 : i32 to index
          %get3A_1151 = arith.constant 112 : index
          %get3A_1152 = tpu.vector_load %arg10[%get3A_1150, %get3A_1151] {strides = array<i32>} : memref<40x128xf32, #tpu.memory_space<vmem>>, vector<1x16xf32>,
          %get3A_1153 = vector.shape_cast %get3A_1152 : vector<1x16xf32> to vector<16xf32>
          %get3A_1154 = arith.index_cast %add3A_995 : i32 to index
          %get3A_1155 = arith.constant 112 : index
          %get3A_1156 = tpu.vector_load %arg11[%get3A_1154, %get3A_1155] {strides = array<i32>} : memref<40x128xf32, #tpu.memory_space<vmem>>, vector<1x16xf32>,
          %get3A_1157 = vector.shape_cast %get3A_1156 : vector<1x16xf32> to vector<16xf32>
          %add3A_1158 = arith.addf %get3A_1153, %get3A_1157 : vector<16xf32>
          %get3A_1159 = arith.index_cast %add3A_995 : i32 to index
          %get3A_1160 = arith.constant 112 : index
          %get3A_1161 = tpu.vector_load %arg14[%get3A_1159, %get3A_1160] {strides = array<i32>} : memref<40x128xf32, #tpu.memory_space<vmem>>, vector<1x16xf32>,
          %get3A_1162 = vector.shape_cast %get3A_1161 : vector<1x16xf32> to vector<16xf32>
          %add3A_1163 = arith.addf %add3A_1158, %get3A_1162 : vector<16xf32>
          %max3A_1164 = arith.constant 0.000000e+00 : f32
          %max3A_1165 = vector.broadcast %max3A_1164 : f32 to vector<16xf32>
          %max3A_1166 = arith.maximumf %add3A_1163, %max3A_1165 : vector<16xf32>
          %swap3A_1167 = arith.index_cast %add3A_995 : i32 to index
          %swap3A_1168 = arith.constant 112 : index
          %swap3A_1169 = tpu.vector_load %arg10[%swap3A_1167, %swap3A_1168] {strides = array<i32>} : memref<40x128xf32, #tpu.memory_space<vmem>>, vector<1x16xf32>,
          %swap3A_1170 = vector.shape_cast %swap3A_1169 : vector<1x16xf32> to vector<16xf32>
          %swap3A_1171 = vector.shape_cast %max3A_1166 : vector<16xf32> to vector<1x16xf32>
          tpu.vector_store %arg10[%swap3A_1167, %swap3A_1168], %swap3A_1171 {strides = array<i32>} : memref<40x128xf32, #tpu.memory_space<vmem>>, vector<1x16xf32>,
        }
        %scan3A_432 = arith.constant 40 : i32
        %dma_start3A_433 = arith.constant 0 : i32
        %dma_start3A_434 = arith.constant 0 : i32
        %dma_start3A_435 = tpu.memref_slice %arg8[%select_n3A_384, %dma_start3A_433, %dma_start3A_434] : memref<3x5x40xi32, #tpu.memory_space<vmem>> -> memref<1x5x40xi32, #tpu.memory_space<vmem>>
        %dma_start3A_436 = tpu.memref_squeeze %dma_start3A_435 : memref<1x5x40xi32, #tpu.memory_space<vmem>> -> memref<5x40xi32, #tpu.memory_space<vmem>>
        %dma_start3A_437 = arith.constant 0 : i32
        %dma_start3A_438 = tpu.memref_slice %dma_start3A_436[%select_n3A_400, %dma_start3A_437] : memref<5x40xi32, #tpu.memory_space<vmem>> -> memref<1x40xi32, #tpu.memory_space<vmem>>
        %dma_start3A_439 = tpu.memref_squeeze %dma_start3A_438 : memref<1x40xi32, #tpu.memory_space<vmem>> -> memref<40xi32, #tpu.memory_space<vmem>>
        %dma_start3A_440 = arith.constant 0 : i32
        %dma_start3A_441 = arith.constant 0 : i32
        %dma_start3A_442 = tpu.memref_slice %arg15[%dma_start3A_440, %dma_start3A_441] : memref<10112x128xf32, #tpu.memory_space<vmem_shared>> -> memref<10112x128xf32, #tpu.memory_space<vmem_shared>>
        tpu.enqueue_indirect_dma source(%arg10 : memref<40x128xf32, #tpu.memory_space<vmem>>) target(%dma_start3A_442 : memref<10112x128xf32, #tpu.memory_space<vmem_shared>>) offsets(%dma_start3A_439 : memref<40xi32, #tpu.memory_space<vmem>>) semaphore(%arg18 : memref<!tpu.dma_semaphore, #tpu.memory_space<semaphore_mem>>) {add = true}
        %lt3A_443 = arith.constant 249 : i32
        %lt3A_444 = arith.cmpi slt, %add3A_185, %lt3A_443 : i32
        %convert_element_type3A_445 = arith.extui %lt3A_444 : i1 to i32
        %cond3A_446 = arith.constant 0 : i32
        %cond3A_447 = arith.cmpi ne, %convert_element_type3A_445, %cond3A_446 : i32
        scf.if %cond3A_447 {
          %add3A_448 = arith.constant 1 : i32
          %add3A_449 = arith.addi %add3A_185, %add3A_448 : i32
          %mul3A_450 = arith.constant 40 : i32
          %mul3A_451 = arith.muli %add3A_449, %mul3A_450 : i32
          %add3A_452 = arith.addi %mul3A_2, %mul3A_451 : i32
          %dma_start3A_453 = arith.constant 0 : i32
          %dma_start3A_454 = tpu.memref_slice %arg4[%add3A_452, %dma_start3A_453] : memref<320000x128xf32, #tpu.memory_space<hbm>> -> memref<40x128xf32, #tpu.memory_space<hbm>>
          %dma_start3A_455 = arith.constant 0 : i32
          %dma_start3A_456 = tpu.memref_slice %arg4[%add3A_452, %dma_start3A_455] : memref<320000x128xf32, #tpu.memory_space<hbm>> -> memref<40x128xf32, #tpu.memory_space<hbm>>
          tpu.enqueue_dma source(%dma_start3A_456 : memref<40x128xf32, #tpu.memory_space<hbm>>) target(%arg14 : memref<40x128xf32, #tpu.memory_space<vmem>>) target_semaphore(%arg20 : memref<!tpu.dma_semaphore, #tpu.memory_space<semaphore_mem>>)
        } else {
        }
      } else {
      }
      %jit3A_222 = arith.constant 2 : i32
      %eq3A_223 = arith.constant 0 : i32
      %eq3A_224 = arith.cmpi eq, %jit3A_222, %eq3A_223 : i32
      %jit3A_225 = arith.constant 1 : i32
      %select_n3A_226 = arith.select %eq3A_224, %jit3A_225, %jit3A_222 : i32
      %rem3A_227 = arith.remsi %add3A_185, %select_n3A_226 : i32
      %ne3A_228 = arith.constant 0 : i32
      %ne3A_229 = arith.cmpi ne, %rem3A_227, %ne3A_228 : i32
      %lt3A_230 = arith.constant 0 : i32
      %lt3A_231 = arith.cmpi slt, %rem3A_227, %lt3A_230 : i32
      %lt3A_232 = arith.constant 0 : i32
      %lt3A_233 = arith.cmpi slt, %select_n3A_226, %lt3A_232 : i32
      %ne3A_234 = arith.xori %lt3A_231, %lt3A_233 : i1
      %and3A_235 = arith.andi %ne3A_234, %ne3A_229 : i1
      %add3A_236 = arith.addi %rem3A_227, %select_n3A_226 : i32
      %select_n3A_237 = arith.select %and3A_235, %add3A_236, %rem3A_227 : i32
      %eq3A_238 = arith.constant 1 : i32
      %eq3A_239 = arith.cmpi eq, %select_n3A_237, %eq3A_238 : i32
      %convert_element_type3A_240 = arith.extui %eq3A_239 : i1 to i32
      %cond3A_241 = arith.constant 0 : i32
      %cond3A_242 = arith.cmpi ne, %convert_element_type3A_240, %cond3A_241 : i32
      scf.if %cond3A_242 {
        %sub3A = arith.constant 1 : i32
        %sub3A_266 = arith.subi %add3A_185, %sub3A : i32
        %jit3A_267 = arith.constant 5 : i32
        %div3A = arith.divsi %sub3A_266, %jit3A_267 : i32
        %sign3A = arith.constant 0 : i32
        %sign3A_268 = arith.cmpi sgt, %sub3A_266, %sign3A : i32
        %sign3A_269 = arith.extui %sign3A_268 : i1 to i32
        %sign3A_270 = arith.constant 0 : i32
        %sign3A_271 = arith.cmpi slt, %sub3A_266, %sign3A_270 : i32
        %sign3A_272 = arith.extui %sign3A_271 : i1 to i32
        %sign3A_273 = arith.subi %sign3A_269, %sign3A_272 : i32
        %sign3A_274 = arith.constant 0 : i32
        %sign3A_275 = arith.cmpi sgt, %jit3A_267, %sign3A_274 : i32
        %sign3A_276 = arith.extui %sign3A_275 : i1 to i32
        %sign3A_277 = arith.constant 0 : i32
        %sign3A_278 = arith.cmpi slt, %jit3A_267, %sign3A_277 : i32
        %sign3A_279 = arith.extui %sign3A_278 : i1 to i32
        %sign3A_280 = arith.subi %sign3A_276, %sign3A_279 : i32
        %ne3A_281 = arith.cmpi ne, %sign3A_273, %sign3A_280 : i32
        %rem3A_282 = arith.remsi %sub3A_266, %jit3A_267 : i32
        %ne3A_283 = arith.constant 0 : i32
        %ne3A_284 = arith.cmpi ne, %rem3A_282, %ne3A_283 : i32
        %and3A_285 = arith.andi %ne3A_281, %ne3A_284 : i1
        %sub3A_286 = arith.constant 1 : i32
        %sub3A_287 = arith.subi %div3A, %sub3A_286 : i32
        %select_n3A_288 = arith.select %and3A_285, %sub3A_287, %div3A : i32
        %jit3A_289 = arith.constant 3 : i32
        %eq3A_290 = arith.constant 0 : i32
        %eq3A_291 = arith.cmpi eq, %jit3A_289, %eq3A_290 : i32
        %jit3A_292 = arith.constant 1 : i32
        %select_n3A_293 = arith.select %eq3A_291, %jit3A_292, %jit3A_289 : i32
        %rem3A_294 = arith.remsi %select_n3A_288, %select_n3A_293 : i32
        %ne3A_295 = arith.constant 0 : i32
        %ne3A_296 = arith.cmpi ne, %rem3A_294, %ne3A_295 : i32
        %lt3A_297 = arith.constant 0 : i32
        %lt3A_298 = arith.cmpi slt, %rem3A_294, %lt3A_297 : i32
        %lt3A_299 = arith.constant 0 : i32
        %lt3A_300 = arith.cmpi slt, %select_n3A_293, %lt3A_299 : i32
        %ne3A_301 = arith.xori %lt3A_298, %lt3A_300 : i1
        %and3A_302 = arith.andi %ne3A_301, %ne3A_296 : i1
        %add3A_303 = arith.addi %rem3A_294, %select_n3A_293 : i32
        %select_n3A_304 = arith.select %and3A_302, %add3A_303, %rem3A_294 : i32
        %jit3A_305 = arith.constant 5 : i32
        %eq3A_306 = arith.constant 0 : i32
        %eq3A_307 = arith.cmpi eq, %jit3A_305, %eq3A_306 : i32
        %jit3A_308 = arith.constant 1 : i32
        %select_n3A_309 = arith.select %eq3A_307, %jit3A_308, %jit3A_305 : i32
        %rem3A_310 = arith.remsi %sub3A_266, %select_n3A_309 : i32
        %ne3A_311 = arith.constant 0 : i32
        %ne3A_312 = arith.cmpi ne, %rem3A_310, %ne3A_311 : i32
        %lt3A_313 = arith.constant 0 : i32
        %lt3A_314 = arith.cmpi slt, %rem3A_310, %lt3A_313 : i32
        %lt3A_315 = arith.constant 0 : i32
        %lt3A_316 = arith.cmpi slt, %select_n3A_309, %lt3A_315 : i32
        %ne3A_317 = arith.xori %lt3A_314, %lt3A_316 : i1
        %and3A_318 = arith.andi %ne3A_317, %ne3A_312 : i1
        %add3A_319 = arith.addi %rem3A_310, %select_n3A_309 : i32
        %select_n3A_320 = arith.select %and3A_318, %add3A_319, %rem3A_310 : i32
        %dma_wait3A_321 = arith.constant 0 : i32
        %dma_wait3A_322 = arith.constant 0 : i32
        %dma_wait3A_323 = tpu.memref_slice %arg8[%select_n3A_304, %dma_wait3A_321, %dma_wait3A_322] : memref<3x5x40xi32, #tpu.memory_space<vmem>> -> memref<1x5x40xi32, #tpu.memory_space<vmem>>
        %dma_wait3A_324 = tpu.memref_squeeze %dma_wait3A_323 : memref<1x5x40xi32, #tpu.memory_space<vmem>> -> memref<5x40xi32, #tpu.memory_space<vmem>>
        %dma_wait3A_325 = arith.constant 0 : i32
        %dma_wait3A_326 = tpu.memref_slice %dma_wait3A_324[%select_n3A_320, %dma_wait3A_325] : memref<5x40xi32, #tpu.memory_space<vmem>> -> memref<1x40xi32, #tpu.memory_space<vmem>>
        %dma_wait3A_327 = tpu.memref_squeeze %dma_wait3A_326 : memref<1x40xi32, #tpu.memory_space<vmem>> -> memref<40xi32, #tpu.memory_space<vmem>>
        %dma_wait3A_328 = arith.constant 0 : i32
        %dma_wait3A_329 = arith.constant 0 : i32
        %dma_wait3A_330 = tpu.memref_slice %arg15[%dma_wait3A_328, %dma_wait3A_329] : memref<10112x128xf32, #tpu.memory_space<vmem_shared>> -> memref<10112x128xf32, #tpu.memory_space<vmem_shared>>
        tpu.wait_indirect_dma semaphore(%arg18 : memref<!tpu.dma_semaphore, #tpu.memory_space<semaphore_mem>>) src(%arg10 : memref<40x128xf32, #tpu.memory_space<vmem>>) dst(%dma_wait3A_330 : memref<10112x128xf32, #tpu.memory_space<vmem_shared>>)
        %add3A_331 = arith.constant 1 : i32
        %add3A_332 = arith.addi %add3A_185, %add3A_331 : i32
        %jit3A_333 = arith.constant 5 : i32
        %div3A_334 = arith.divsi %add3A_332, %jit3A_333 : i32
        %sign3A_335 = arith.constant 0 : i32
        %sign3A_336 = arith.cmpi sgt, %add3A_332, %sign3A_335 : i32
        %sign3A_337 = arith.extui %sign3A_336 : i1 to i32
        %sign3A_338 = arith.constant 0 : i32
        %sign3A_339 = arith.cmpi slt, %add3A_332, %sign3A_338 : i32
        %sign3A_340 = arith.extui %sign3A_339 : i1 to i32
        %sign3A_341 = arith.subi %sign3A_337, %sign3A_340 : i32
        %sign3A_342 = arith.constant 0 : i32
        %sign3A_343 = arith.cmpi sgt, %jit3A_333, %sign3A_342 : i32
        %sign3A_344 = arith.extui %sign3A_343 : i1 to i32
        %sign3A_345 = arith.constant 0 : i32
        %sign3A_346 = arith.cmpi slt, %jit3A_333, %sign3A_345 : i32
        %sign3A_347 = arith.extui %sign3A_346 : i1 to i32
        %sign3A_348 = arith.subi %sign3A_344, %sign3A_347 : i32
        %ne3A_349 = arith.cmpi ne, %sign3A_341, %sign3A_348 : i32
        %rem3A_350 = arith.remsi %add3A_332, %jit3A_333 : i32
        %ne3A_351 = arith.constant 0 : i32
        %ne3A_352 = arith.cmpi ne, %rem3A_350, %ne3A_351 : i32
        %and3A_353 = arith.andi %ne3A_349, %ne3A_352 : i1
        %sub3A_354 = arith.constant 1 : i32
        %sub3A_355 = arith.subi %div3A_334, %sub3A_354 : i32
        %select_n3A_356 = arith.select %and3A_353, %sub3A_355, %div3A_334 : i32
        %jit3A_357 = arith.constant 3 : i32
        %eq3A_358 = arith.constant 0 : i32
        %eq3A_359 = arith.cmpi eq, %jit3A_357, %eq3A_358 : i32
        %jit3A_360 = arith.constant 1 : i32
        %select_n3A_361 = arith.select %eq3A_359, %jit3A_360, %jit3A_357 : i32
        %rem3A_362 = arith.remsi %select_n3A_356, %select_n3A_361 : i32
        %ne3A_363 = arith.constant 0 : i32
        %ne3A_364 = arith.cmpi ne, %rem3A_362, %ne3A_363 : i32
        %lt3A_365 = arith.constant 0 : i32
        %lt3A_366 = arith.cmpi slt, %rem3A_362, %lt3A_365 : i32
        %lt3A_367 = arith.constant 0 : i32
        %lt3A_368 = arith.cmpi slt, %select_n3A_361, %lt3A_367 : i32
        %ne3A_369 = arith.xori %lt3A_366, %lt3A_368 : i1
        %and3A_370 = arith.andi %ne3A_369, %ne3A_364 : i1
        %add3A_371 = arith.addi %rem3A_362, %select_n3A_361 : i32
        %select_n3A_372 = arith.select %and3A_370, %add3A_371, %rem3A_362 : i32
        %jit3A_373 = arith.constant 5 : i32
        %eq3A_374 = arith.constant 0 : i32
        %eq3A_375 = arith.cmpi eq, %jit3A_373, %eq3A_374 : i32
        %jit3A_376 = arith.constant 1 : i32
        %select_n3A_377 = arith.select %eq3A_375, %jit3A_376, %jit3A_373 : i32
        %rem3A_378 = arith.remsi %add3A_332, %select_n3A_377 : i32
        %ne3A_379 = arith.constant 0 : i32
        %ne3A_380 = arith.cmpi ne, %rem3A_378, %ne3A_379 : i32
        %lt3A_381 = arith.constant 0 : i32
        %lt3A_382 = arith.cmpi slt, %rem3A_378, %lt3A_381 : i32
        %lt3A_383 = arith.constant 0 : i32
        %lt3A_384 = arith.cmpi slt, %select_n3A_377, %lt3A_383 : i32
        %ne3A_385 = arith.xori %lt3A_382, %lt3A_384 : i1
        %and3A_386 = arith.andi %ne3A_385, %ne3A_380 : i1
        %add3A_387 = arith.addi %rem3A_378, %select_n3A_377 : i32
        %select_n3A_388 = arith.select %and3A_386, %add3A_387, %rem3A_378 : i32
        %dma_start3A_389 = arith.constant 0 : i32
        %dma_start3A_390 = arith.constant 0 : i32
        %dma_start3A_391 = tpu.memref_slice %arg8[%select_n3A_372, %dma_start3A_389, %dma_start3A_390] : memref<3x5x40xi32, #tpu.memory_space<vmem>> -> memref<1x5x40xi32, #tpu.memory_space<vmem>>
        %dma_start3A_392 = tpu.memref_squeeze %dma_start3A_391 : memref<1x5x40xi32, #tpu.memory_space<vmem>> -> memref<5x40xi32, #tpu.memory_space<vmem>>
        %dma_start3A_393 = arith.constant 0 : i32
        %dma_start3A_394 = tpu.memref_slice %dma_start3A_392[%select_n3A_388, %dma_start3A_393] : memref<5x40xi32, #tpu.memory_space<vmem>> -> memref<1x40xi32, #tpu.memory_space<vmem>>
        %dma_start3A_395 = tpu.memref_squeeze %dma_start3A_394 : memref<1x40xi32, #tpu.memory_space<vmem>> -> memref<40xi32, #tpu.memory_space<vmem>>
        %dma_start3A_396 = arith.constant 0 : i32
        %dma_start3A_397 = arith.constant 0 : i32
        %dma_start3A_398 = tpu.memref_slice %arg2[%dma_start3A_396, %dma_start3A_397] : memref<10000x128xf32, #tpu.memory_space<hbm>> -> memref<10000x128xf32, #tpu.memory_space<hbm>>
        tpu.enqueue_indirect_dma source(%dma_start3A_398 : memref<10000x128xf32, #tpu.memory_space<hbm>>) target(%arg10 : memref<40x128xf32, #tpu.memory_space<vmem>>) offsets(%dma_start3A_395 : memref<40xi32, #tpu.memory_space<vmem>>) semaphore(%arg16 : memref<!tpu.dma_semaphore, #tpu.memory_space<semaphore_mem>>)
        %dma_start3A_399 = arith.constant 0 : i32
        %dma_start3A_400 = arith.constant 0 : i32
        %dma_start3A_401 = tpu.memref_slice %arg9[%select_n3A_372, %dma_start3A_399, %dma_start3A_400] : memref<3x5x40xi32, #tpu.memory_space<vmem>> -> memref<1x5x40xi32, #tpu.memory_space<vmem>>
        %dma_start3A_402 = tpu.memref_squeeze %dma_start3A_401 : memref<1x5x40xi32, #tpu.memory_space<vmem>> -> memref<5x40xi32, #tpu.memory_space<vmem>>
        %dma_start3A_403 = arith.constant 0 : i32
        %dma_start3A_404 = tpu.memref_slice %dma_start3A_402[%select_n3A_388, %dma_start3A_403] : memref<5x40xi32, #tpu.memory_space<vmem>> -> memref<1x40xi32, #tpu.memory_space<vmem>>
        %dma_start3A_405 = tpu.memref_squeeze %dma_start3A_404 : memref<1x40xi32, #tpu.memory_space<vmem>> -> memref<40xi32, #tpu.memory_space<vmem>>
        %dma_start3A_406 = arith.constant 0 : i32
        %dma_start3A_407 = arith.constant 0 : i32
        %dma_start3A_408 = tpu.memref_slice %arg3[%dma_start3A_406, %dma_start3A_407] : memref<10000x128xf32, #tpu.memory_space<hbm>> -> memref<10000x128xf32, #tpu.memory_space<hbm>>
        tpu.enqueue_indirect_dma source(%dma_start3A_408 : memref<10000x128xf32, #tpu.memory_space<hbm>>) target(%arg11 : memref<40x128xf32, #tpu.memory_space<vmem>>) offsets(%dma_start3A_405 : memref<40xi32, #tpu.memory_space<vmem>>) semaphore(%arg16 : memref<!tpu.dma_semaphore, #tpu.memory_space<semaphore_mem>>)
        %jit3A_409 = arith.constant 5 : i32
        %div3A_410 = arith.divsi %add3A_185, %jit3A_409 : i32
        %sign3A_411 = arith.constant 0 : i32
        %sign3A_412 = arith.cmpi sgt, %add3A_185, %sign3A_411 : i32
        %sign3A_413 = arith.extui %sign3A_412 : i1 to i32
        %sign3A_414 = arith.constant 0 : i32
        %sign3A_415 = arith.cmpi slt, %add3A_185, %sign3A_414 : i32
        %sign3A_416 = arith.extui %sign3A_415 : i1 to i32
        %sign3A_417 = arith.subi %sign3A_413, %sign3A_416 : i32
        %sign3A_418 = arith.constant 0 : i32
        %sign3A_419 = arith.cmpi sgt, %jit3A_409, %sign3A_418 : i32
        %sign3A_420 = arith.extui %sign3A_419 : i1 to i32
        %sign3A_421 = arith.constant 0 : i32
        %sign3A_422 = arith.cmpi slt, %jit3A_409, %sign3A_421 : i32
        %sign3A_423 = arith.extui %sign3A_422 : i1 to i32
        %sign3A_424 = arith.subi %sign3A_420, %sign3A_423 : i32
        %ne3A_425 = arith.cmpi ne, %sign3A_417, %sign3A_424 : i32
        %rem3A_426 = arith.remsi %add3A_185, %jit3A_409 : i32
        %ne3A_427 = arith.constant 0 : i32
        %ne3A_428 = arith.cmpi ne, %rem3A_426, %ne3A_427 : i32
        %and3A_429 = arith.andi %ne3A_425, %ne3A_428 : i1
        %sub3A_430 = arith.constant 1 : i32
        %sub3A_431 = arith.subi %div3A_410, %sub3A_430 : i32
        %select_n3A_432 = arith.select %and3A_429, %sub3A_431, %div3A_410 : i32
        %jit3A_433 = arith.constant 3 : i32
        %eq3A_434 = arith.constant 0 : i32
        %eq3A_435 = arith.cmpi eq, %jit3A_433, %eq3A_434 : i32
        %jit3A_436 = arith.constant 1 : i32
        %select_n3A_437 = arith.select %eq3A_435, %jit3A_436, %jit3A_433 : i32
        %rem3A_438 = arith.remsi %select_n3A_432, %select_n3A_437 : i32
        %ne3A_439 = arith.constant 0 : i32
        %ne3A_440 = arith.cmpi ne, %rem3A_438, %ne3A_439 : i32
        %lt3A_441 = arith.constant 0 : i32
        %lt3A_442 = arith.cmpi slt, %rem3A_438, %lt3A_441 : i32
        %lt3A_443 = arith.constant 0 : i32
        %lt3A_444 = arith.cmpi slt, %select_n3A_437, %lt3A_443 : i32
        %ne3A_445 = arith.xori %lt3A_442, %lt3A_444 : i1
        %and3A_446 = arith.andi %ne3A_445, %ne3A_440 : i1
        %add3A_447 = arith.addi %rem3A_438, %select_n3A_437 : i32
        %select_n3A_448 = arith.select %and3A_446, %add3A_447, %rem3A_438 : i32
        %jit3A_449 = arith.constant 5 : i32
        %eq3A_450 = arith.constant 0 : i32
        %eq3A_451 = arith.cmpi eq, %jit3A_449, %eq3A_450 : i32
        %jit3A_452 = arith.constant 1 : i32
        %select_n3A_453 = arith.select %eq3A_451, %jit3A_452, %jit3A_449 : i32
        %rem3A_454 = arith.remsi %add3A_185, %select_n3A_453 : i32
        %ne3A_455 = arith.constant 0 : i32
        %ne3A_456 = arith.cmpi ne, %rem3A_454, %ne3A_455 : i32
        %lt3A_457 = arith.constant 0 : i32
        %lt3A_458 = arith.cmpi slt, %rem3A_454, %lt3A_457 : i32
        %lt3A_459 = arith.constant 0 : i32
        %lt3A_460 = arith.cmpi slt, %select_n3A_453, %lt3A_459 : i32
        %ne3A_461 = arith.xori %lt3A_458, %lt3A_460 : i1
        %and3A_462 = arith.andi %ne3A_461, %ne3A_456 : i1
        %add3A_463 = arith.addi %rem3A_454, %select_n3A_453 : i32
        %select_n3A_464 = arith.select %and3A_462, %add3A_463, %rem3A_454 : i32
        %dma_wait3A_465 = arith.constant 0 : i32
        %dma_wait3A_466 = arith.constant 0 : i32
        %dma_wait3A_467 = tpu.memref_slice %arg8[%select_n3A_448, %dma_wait3A_465, %dma_wait3A_466] : memref<3x5x40xi32, #tpu.memory_space<vmem>> -> memref<1x5x40xi32, #tpu.memory_space<vmem>>
        %dma_wait3A_468 = tpu.memref_squeeze %dma_wait3A_467 : memref<1x5x40xi32, #tpu.memory_space<vmem>> -> memref<5x40xi32, #tpu.memory_space<vmem>>
        %dma_wait3A_469 = arith.constant 0 : i32
        %dma_wait3A_470 = tpu.memref_slice %dma_wait3A_468[%select_n3A_464, %dma_wait3A_469] : memref<5x40xi32, #tpu.memory_space<vmem>> -> memref<1x40xi32, #tpu.memory_space<vmem>>
        %dma_wait3A_471 = tpu.memref_squeeze %dma_wait3A_470 : memref<1x40xi32, #tpu.memory_space<vmem>> -> memref<40xi32, #tpu.memory_space<vmem>>
        %dma_wait3A_472 = arith.constant 0 : i32
        %dma_wait3A_473 = arith.constant 0 : i32
        %dma_wait3A_474 = tpu.memref_slice %arg2[%dma_wait3A_472, %dma_wait3A_473] : memref<10000x128xf32, #tpu.memory_space<hbm>> -> memref<10000x128xf32, #tpu.memory_space<hbm>>
        tpu.wait_indirect_dma semaphore(%arg17 : memref<!tpu.dma_semaphore, #tpu.memory_space<semaphore_mem>>) src(%dma_wait3A_474 : memref<10000x128xf32, #tpu.memory_space<hbm>>) dst(%arg12 : memref<40x128xf32, #tpu.memory_space<vmem>>)
        %dma_wait3A_475 = arith.constant 0 : i32
        %dma_wait3A_476 = arith.constant 0 : i32
        %dma_wait3A_477 = tpu.memref_slice %arg9[%select_n3A_448, %dma_wait3A_475, %dma_wait3A_476] : memref<3x5x40xi32, #tpu.memory_space<vmem>> -> memref<1x5x40xi32, #tpu.memory_space<vmem>>
        %dma_wait3A_478 = tpu.memref_squeeze %dma_wait3A_477 : memref<1x5x40xi32, #tpu.memory_space<vmem>> -> memref<5x40xi32, #tpu.memory_space<vmem>>
        %dma_wait3A_479 = arith.constant 0 : i32
        %dma_wait3A_480 = tpu.memref_slice %dma_wait3A_478[%select_n3A_464, %dma_wait3A_479] : memref<5x40xi32, #tpu.memory_space<vmem>> -> memref<1x40xi32, #tpu.memory_space<vmem>>
        %dma_wait3A_481 = tpu.memref_squeeze %dma_wait3A_480 : memref<1x40xi32, #tpu.memory_space<vmem>> -> memref<40xi32, #tpu.memory_space<vmem>>
        %dma_wait3A_482 = arith.constant 0 : i32
        %dma_wait3A_483 = arith.constant 0 : i32
        %dma_wait3A_484 = tpu.memref_slice %arg3[%dma_wait3A_482, %dma_wait3A_483] : memref<10000x128xf32, #tpu.memory_space<hbm>> -> memref<10000x128xf32, #tpu.memory_space<hbm>>
        tpu.wait_indirect_dma semaphore(%arg17 : memref<!tpu.dma_semaphore, #tpu.memory_space<semaphore_mem>>) src(%dma_wait3A_484 : memref<10000x128xf32, #tpu.memory_space<hbm>>) dst(%arg13 : memref<40x128xf32, #tpu.memory_space<vmem>>)
        %mul3A_485 = arith.constant 40 : i32
        %mul3A_486 = arith.muli %add3A_185, %mul3A_485 : i32
        %add3A_487 = arith.addi %mul3A_2, %mul3A_486 : i32
        %dma_wait3A_488 = arith.constant 0 : i32
        %dma_wait3A_489 = tpu.memref_slice %arg4[%add3A_487, %dma_wait3A_488] : memref<320000x128xf32, #tpu.memory_space<hbm>> -> memref<40x128xf32, #tpu.memory_space<hbm>>
        %dma_wait3A_490 = arith.constant 0 : i32
        %dma_wait3A_491 = tpu.memref_slice %arg4[%add3A_487, %dma_wait3A_490] : memref<320000x128xf32, #tpu.memory_space<hbm>> -> memref<40x128xf32, #tpu.memory_space<hbm>>
        tpu.wait_dma2 semaphore(%arg20 : memref<!tpu.dma_semaphore, #tpu.memory_space<semaphore_mem>>) src(%dma_wait3A_491 : memref<40x128xf32, #tpu.memory_space<hbm>>) dst(%arg14 : memref<40x128xf32, #tpu.memory_space<vmem>>)
        %scan3A_492 = arith.constant 0 : i32
        %scan3A_493 = arith.constant 40 : i32
        %scan3A_494 = arith.addi %scan3A_492, %scan3A_493 : i32
        %scan3A_495 = arith.constant 4 : i32
        scf.for %scan3A_512 = %scan3A_492 to %scan3A_494 step %scan3A_495  : i32 {
          %mul3A_513 = arith.constant 1 : i32
          %mul3A_514 = arith.muli %scan3A_512, %mul3A_513 : i32
          %add3A_515 = arith.constant 0 : i32
          %add3A_516 = arith.addi %add3A_515, %mul3A_514 : i32
          %get3A = arith.index_cast %add3A_516 : i32 to index
          %get3A_517 = arith.constant 0 : index
          %get3A_518 = tpu.vector_load %arg12[%get3A, %get3A_517] {strides = array<i32>} : memref<40x128xf32, #tpu.memory_space<vmem>>, vector<1x16xf32>,
          %get3A_519 = vector.shape_cast %get3A_518 : vector<1x16xf32> to vector<16xf32>
          %get3A_520 = arith.index_cast %add3A_516 : i32 to index
          %get3A_521 = arith.constant 0 : index
          %get3A_522 = tpu.vector_load %arg13[%get3A_520, %get3A_521] {strides = array<i32>} : memref<40x128xf32, #tpu.memory_space<vmem>>, vector<1x16xf32>,
          %get3A_523 = vector.shape_cast %get3A_522 : vector<1x16xf32> to vector<16xf32>
          %add3A_524 = arith.addf %get3A_519, %get3A_523 : vector<16xf32>
          %get3A_525 = arith.index_cast %add3A_516 : i32 to index
          %get3A_526 = arith.constant 0 : index
          %get3A_527 = tpu.vector_load %arg14[%get3A_525, %get3A_526] {strides = array<i32>} : memref<40x128xf32, #tpu.memory_space<vmem>>, vector<1x16xf32>,
          %get3A_528 = vector.shape_cast %get3A_527 : vector<1x16xf32> to vector<16xf32>
          %add3A_529 = arith.addf %add3A_524, %get3A_528 : vector<16xf32>
          %max3A = arith.constant 0.000000e+00 : f32
          %max3A_530 = vector.broadcast %max3A : f32 to vector<16xf32>
          %max3A_531 = arith.maximumf %add3A_529, %max3A_530 : vector<16xf32>
          %swap3A = arith.index_cast %add3A_516 : i32 to index
          %swap3A_532 = arith.constant 0 : index
          %swap3A_533 = tpu.vector_load %arg12[%swap3A, %swap3A_532] {strides = array<i32>} : memref<40x128xf32, #tpu.memory_space<vmem>>, vector<1x16xf32>,
          %swap3A_534 = vector.shape_cast %swap3A_533 : vector<1x16xf32> to vector<16xf32>
          %swap3A_535 = vector.shape_cast %max3A_531 : vector<16xf32> to vector<1x16xf32>
          tpu.vector_store %arg12[%swap3A, %swap3A_532], %swap3A_535 {strides = array<i32>} : memref<40x128xf32, #tpu.memory_space<vmem>>, vector<1x16xf32>,
          %get3A_536 = arith.index_cast %add3A_516 : i32 to index
          %get3A_537 = arith.constant 16 : index
          %get3A_538 = tpu.vector_load %arg12[%get3A_536, %get3A_537] {strides = array<i32>} : memref<40x128xf32, #tpu.memory_space<vmem>>, vector<1x16xf32>,
          %get3A_539 = vector.shape_cast %get3A_538 : vector<1x16xf32> to vector<16xf32>
          %get3A_540 = arith.index_cast %add3A_516 : i32 to index
          %get3A_541 = arith.constant 16 : index
          %get3A_542 = tpu.vector_load %arg13[%get3A_540, %get3A_541] {strides = array<i32>} : memref<40x128xf32, #tpu.memory_space<vmem>>, vector<1x16xf32>,
          %get3A_543 = vector.shape_cast %get3A_542 : vector<1x16xf32> to vector<16xf32>
          %add3A_544 = arith.addf %get3A_539, %get3A_543 : vector<16xf32>
          %get3A_545 = arith.index_cast %add3A_516 : i32 to index
          %get3A_546 = arith.constant 16 : index
          %get3A_547 = tpu.vector_load %arg14[%get3A_545, %get3A_546] {strides = array<i32>} : memref<40x128xf32, #tpu.memory_space<vmem>>, vector<1x16xf32>,
          %get3A_548 = vector.shape_cast %get3A_547 : vector<1x16xf32> to vector<16xf32>
          %add3A_549 = arith.addf %add3A_544, %get3A_548 : vector<16xf32>
          %max3A_550 = arith.constant 0.000000e+00 : f32
          %max3A_551 = vector.broadcast %max3A_550 : f32 to vector<16xf32>
          %max3A_552 = arith.maximumf %add3A_549, %max3A_551 : vector<16xf32>
          %swap3A_553 = arith.index_cast %add3A_516 : i32 to index
          %swap3A_554 = arith.constant 16 : index
          %swap3A_555 = tpu.vector_load %arg12[%swap3A_553, %swap3A_554] {strides = array<i32>} : memref<40x128xf32, #tpu.memory_space<vmem>>, vector<1x16xf32>,
          %swap3A_556 = vector.shape_cast %swap3A_555 : vector<1x16xf32> to vector<16xf32>
          %swap3A_557 = vector.shape_cast %max3A_552 : vector<16xf32> to vector<1x16xf32>
          tpu.vector_store %arg12[%swap3A_553, %swap3A_554], %swap3A_557 {strides = array<i32>} : memref<40x128xf32, #tpu.memory_space<vmem>>, vector<1x16xf32>,
          %get3A_558 = arith.index_cast %add3A_516 : i32 to index
          %get3A_559 = arith.constant 32 : index
          %get3A_560 = tpu.vector_load %arg12[%get3A_558, %get3A_559] {strides = array<i32>} : memref<40x128xf32, #tpu.memory_space<vmem>>, vector<1x16xf32>,
          %get3A_561 = vector.shape_cast %get3A_560 : vector<1x16xf32> to vector<16xf32>
          %get3A_562 = arith.index_cast %add3A_516 : i32 to index
          %get3A_563 = arith.constant 32 : index
          %get3A_564 = tpu.vector_load %arg13[%get3A_562, %get3A_563] {strides = array<i32>} : memref<40x128xf32, #tpu.memory_space<vmem>>, vector<1x16xf32>,
          %get3A_565 = vector.shape_cast %get3A_564 : vector<1x16xf32> to vector<16xf32>
          %add3A_566 = arith.addf %get3A_561, %get3A_565 : vector<16xf32>
          %get3A_567 = arith.index_cast %add3A_516 : i32 to index
          %get3A_568 = arith.constant 32 : index
          %get3A_569 = tpu.vector_load %arg14[%get3A_567, %get3A_568] {strides = array<i32>} : memref<40x128xf32, #tpu.memory_space<vmem>>, vector<1x16xf32>,
          %get3A_570 = vector.shape_cast %get3A_569 : vector<1x16xf32> to vector<16xf32>
          %add3A_571 = arith.addf %add3A_566, %get3A_570 : vector<16xf32>
          %max3A_572 = arith.constant 0.000000e+00 : f32
          %max3A_573 = vector.broadcast %max3A_572 : f32 to vector<16xf32>
          %max3A_574 = arith.maximumf %add3A_571, %max3A_573 : vector<16xf32>
          %swap3A_575 = arith.index_cast %add3A_516 : i32 to index
          %swap3A_576 = arith.constant 32 : index
          %swap3A_577 = tpu.vector_load %arg12[%swap3A_575, %swap3A_576] {strides = array<i32>} : memref<40x128xf32, #tpu.memory_space<vmem>>, vector<1x16xf32>,
          %swap3A_578 = vector.shape_cast %swap3A_577 : vector<1x16xf32> to vector<16xf32>
          %swap3A_579 = vector.shape_cast %max3A_574 : vector<16xf32> to vector<1x16xf32>
          tpu.vector_store %arg12[%swap3A_575, %swap3A_576], %swap3A_579 {strides = array<i32>} : memref<40x128xf32, #tpu.memory_space<vmem>>, vector<1x16xf32>,
          %get3A_580 = arith.index_cast %add3A_516 : i32 to index
          %get3A_581 = arith.constant 48 : index
          %get3A_582 = tpu.vector_load %arg12[%get3A_580, %get3A_581] {strides = array<i32>} : memref<40x128xf32, #tpu.memory_space<vmem>>, vector<1x16xf32>,
          %get3A_583 = vector.shape_cast %get3A_582 : vector<1x16xf32> to vector<16xf32>
          %get3A_584 = arith.index_cast %add3A_516 : i32 to index
          %get3A_585 = arith.constant 48 : index
          %get3A_586 = tpu.vector_load %arg13[%get3A_584, %get3A_585] {strides = array<i32>} : memref<40x128xf32, #tpu.memory_space<vmem>>, vector<1x16xf32>,
          %get3A_587 = vector.shape_cast %get3A_586 : vector<1x16xf32> to vector<16xf32>
          %add3A_588 = arith.addf %get3A_583, %get3A_587 : vector<16xf32>
          %get3A_589 = arith.index_cast %add3A_516 : i32 to index
          %get3A_590 = arith.constant 48 : index
          %get3A_591 = tpu.vector_load %arg14[%get3A_589, %get3A_590] {strides = array<i32>} : memref<40x128xf32, #tpu.memory_space<vmem>>, vector<1x16xf32>,
          %get3A_592 = vector.shape_cast %get3A_591 : vector<1x16xf32> to vector<16xf32>
          %add3A_593 = arith.addf %add3A_588, %get3A_592 : vector<16xf32>
          %max3A_594 = arith.constant 0.000000e+00 : f32
          %max3A_595 = vector.broadcast %max3A_594 : f32 to vector<16xf32>
          %max3A_596 = arith.maximumf %add3A_593, %max3A_595 : vector<16xf32>
          %swap3A_597 = arith.index_cast %add3A_516 : i32 to index
          %swap3A_598 = arith.constant 48 : index
          %swap3A_599 = tpu.vector_load %arg12[%swap3A_597, %swap3A_598] {strides = array<i32>} : memref<40x128xf32, #tpu.memory_space<vmem>>, vector<1x16xf32>,
          %swap3A_600 = vector.shape_cast %swap3A_599 : vector<1x16xf32> to vector<16xf32>
          %swap3A_601 = vector.shape_cast %max3A_596 : vector<16xf32> to vector<1x16xf32>
          tpu.vector_store %arg12[%swap3A_597, %swap3A_598], %swap3A_601 {strides = array<i32>} : memref<40x128xf32, #tpu.memory_space<vmem>>, vector<1x16xf32>,
          %get3A_602 = arith.index_cast %add3A_516 : i32 to index
          %get3A_603 = arith.constant 64 : index
          %get3A_604 = tpu.vector_load %arg12[%get3A_602, %get3A_603] {strides = array<i32>} : memref<40x128xf32, #tpu.memory_space<vmem>>, vector<1x16xf32>,
          %get3A_605 = vector.shape_cast %get3A_604 : vector<1x16xf32> to vector<16xf32>
          %get3A_606 = arith.index_cast %add3A_516 : i32 to index
          %get3A_607 = arith.constant 64 : index
          %get3A_608 = tpu.vector_load %arg13[%get3A_606, %get3A_607] {strides = array<i32>} : memref<40x128xf32, #tpu.memory_space<vmem>>, vector<1x16xf32>,
          %get3A_609 = vector.shape_cast %get3A_608 : vector<1x16xf32> to vector<16xf32>
          %add3A_610 = arith.addf %get3A_605, %get3A_609 : vector<16xf32>
          %get3A_611 = arith.index_cast %add3A_516 : i32 to index
          %get3A_612 = arith.constant 64 : index
          %get3A_613 = tpu.vector_load %arg14[%get3A_611, %get3A_612] {strides = array<i32>} : memref<40x128xf32, #tpu.memory_space<vmem>>, vector<1x16xf32>,
          %get3A_614 = vector.shape_cast %get3A_613 : vector<1x16xf32> to vector<16xf32>
          %add3A_615 = arith.addf %add3A_610, %get3A_614 : vector<16xf32>
          %max3A_616 = arith.constant 0.000000e+00 : f32
          %max3A_617 = vector.broadcast %max3A_616 : f32 to vector<16xf32>
          %max3A_618 = arith.maximumf %add3A_615, %max3A_617 : vector<16xf32>
          %swap3A_619 = arith.index_cast %add3A_516 : i32 to index
          %swap3A_620 = arith.constant 64 : index
          %swap3A_621 = tpu.vector_load %arg12[%swap3A_619, %swap3A_620] {strides = array<i32>} : memref<40x128xf32, #tpu.memory_space<vmem>>, vector<1x16xf32>,
          %swap3A_622 = vector.shape_cast %swap3A_621 : vector<1x16xf32> to vector<16xf32>
          %swap3A_623 = vector.shape_cast %max3A_618 : vector<16xf32> to vector<1x16xf32>
          tpu.vector_store %arg12[%swap3A_619, %swap3A_620], %swap3A_623 {strides = array<i32>} : memref<40x128xf32, #tpu.memory_space<vmem>>, vector<1x16xf32>,
          %get3A_624 = arith.index_cast %add3A_516 : i32 to index
          %get3A_625 = arith.constant 80 : index
          %get3A_626 = tpu.vector_load %arg12[%get3A_624, %get3A_625] {strides = array<i32>} : memref<40x128xf32, #tpu.memory_space<vmem>>, vector<1x16xf32>,
          %get3A_627 = vector.shape_cast %get3A_626 : vector<1x16xf32> to vector<16xf32>
          %get3A_628 = arith.index_cast %add3A_516 : i32 to index
          %get3A_629 = arith.constant 80 : index
          %get3A_630 = tpu.vector_load %arg13[%get3A_628, %get3A_629] {strides = array<i32>} : memref<40x128xf32, #tpu.memory_space<vmem>>, vector<1x16xf32>,
          %get3A_631 = vector.shape_cast %get3A_630 : vector<1x16xf32> to vector<16xf32>
          %add3A_632 = arith.addf %get3A_627, %get3A_631 : vector<16xf32>
          %get3A_633 = arith.index_cast %add3A_516 : i32 to index
          %get3A_634 = arith.constant 80 : index
          %get3A_635 = tpu.vector_load %arg14[%get3A_633, %get3A_634] {strides = array<i32>} : memref<40x128xf32, #tpu.memory_space<vmem>>, vector<1x16xf32>,
          %get3A_636 = vector.shape_cast %get3A_635 : vector<1x16xf32> to vector<16xf32>
          %add3A_637 = arith.addf %add3A_632, %get3A_636 : vector<16xf32>
          %max3A_638 = arith.constant 0.000000e+00 : f32
          %max3A_639 = vector.broadcast %max3A_638 : f32 to vector<16xf32>
          %max3A_640 = arith.maximumf %add3A_637, %max3A_639 : vector<16xf32>
          %swap3A_641 = arith.index_cast %add3A_516 : i32 to index
          %swap3A_642 = arith.constant 80 : index
          %swap3A_643 = tpu.vector_load %arg12[%swap3A_641, %swap3A_642] {strides = array<i32>} : memref<40x128xf32, #tpu.memory_space<vmem>>, vector<1x16xf32>,
          %swap3A_644 = vector.shape_cast %swap3A_643 : vector<1x16xf32> to vector<16xf32>
          %swap3A_645 = vector.shape_cast %max3A_640 : vector<16xf32> to vector<1x16xf32>
          tpu.vector_store %arg12[%swap3A_641, %swap3A_642], %swap3A_645 {strides = array<i32>} : memref<40x128xf32, #tpu.memory_space<vmem>>, vector<1x16xf32>,
          %get3A_646 = arith.index_cast %add3A_516 : i32 to index
          %get3A_647 = arith.constant 96 : index
          %get3A_648 = tpu.vector_load %arg12[%get3A_646, %get3A_647] {strides = array<i32>} : memref<40x128xf32, #tpu.memory_space<vmem>>, vector<1x16xf32>,
          %get3A_649 = vector.shape_cast %get3A_648 : vector<1x16xf32> to vector<16xf32>
          %get3A_650 = arith.index_cast %add3A_516 : i32 to index
          %get3A_651 = arith.constant 96 : index
          %get3A_652 = tpu.vector_load %arg13[%get3A_650, %get3A_651] {strides = array<i32>} : memref<40x128xf32, #tpu.memory_space<vmem>>, vector<1x16xf32>,
          %get3A_653 = vector.shape_cast %get3A_652 : vector<1x16xf32> to vector<16xf32>
          %add3A_654 = arith.addf %get3A_649, %get3A_653 : vector<16xf32>
          %get3A_655 = arith.index_cast %add3A_516 : i32 to index
          %get3A_656 = arith.constant 96 : index
          %get3A_657 = tpu.vector_load %arg14[%get3A_655, %get3A_656] {strides = array<i32>} : memref<40x128xf32, #tpu.memory_space<vmem>>, vector<1x16xf32>,
          %get3A_658 = vector.shape_cast %get3A_657 : vector<1x16xf32> to vector<16xf32>
          %add3A_659 = arith.addf %add3A_654, %get3A_658 : vector<16xf32>
          %max3A_660 = arith.constant 0.000000e+00 : f32
          %max3A_661 = vector.broadcast %max3A_660 : f32 to vector<16xf32>
          %max3A_662 = arith.maximumf %add3A_659, %max3A_661 : vector<16xf32>
          %swap3A_663 = arith.index_cast %add3A_516 : i32 to index
          %swap3A_664 = arith.constant 96 : index
          %swap3A_665 = tpu.vector_load %arg12[%swap3A_663, %swap3A_664] {strides = array<i32>} : memref<40x128xf32, #tpu.memory_space<vmem>>, vector<1x16xf32>,
          %swap3A_666 = vector.shape_cast %swap3A_665 : vector<1x16xf32> to vector<16xf32>
          %swap3A_667 = vector.shape_cast %max3A_662 : vector<16xf32> to vector<1x16xf32>
          tpu.vector_store %arg12[%swap3A_663, %swap3A_664], %swap3A_667 {strides = array<i32>} : memref<40x128xf32, #tpu.memory_space<vmem>>, vector<1x16xf32>,
          %get3A_668 = arith.index_cast %add3A_516 : i32 to index
          %get3A_669 = arith.constant 112 : index
          %get3A_670 = tpu.vector_load %arg12[%get3A_668, %get3A_669] {strides = array<i32>} : memref<40x128xf32, #tpu.memory_space<vmem>>, vector<1x16xf32>,
          %get3A_671 = vector.shape_cast %get3A_670 : vector<1x16xf32> to vector<16xf32>
          %get3A_672 = arith.index_cast %add3A_516 : i32 to index
          %get3A_673 = arith.constant 112 : index
          %get3A_674 = tpu.vector_load %arg13[%get3A_672, %get3A_673] {strides = array<i32>} : memref<40x128xf32, #tpu.memory_space<vmem>>, vector<1x16xf32>,
          %get3A_675 = vector.shape_cast %get3A_674 : vector<1x16xf32> to vector<16xf32>
          %add3A_676 = arith.addf %get3A_671, %get3A_675 : vector<16xf32>
          %get3A_677 = arith.index_cast %add3A_516 : i32 to index
          %get3A_678 = arith.constant 112 : index
          %get3A_679 = tpu.vector_load %arg14[%get3A_677, %get3A_678] {strides = array<i32>} : memref<40x128xf32, #tpu.memory_space<vmem>>, vector<1x16xf32>,
          %get3A_680 = vector.shape_cast %get3A_679 : vector<1x16xf32> to vector<16xf32>
          %add3A_681 = arith.addf %add3A_676, %get3A_680 : vector<16xf32>
          %max3A_682 = arith.constant 0.000000e+00 : f32
          %max3A_683 = vector.broadcast %max3A_682 : f32 to vector<16xf32>
          %max3A_684 = arith.maximumf %add3A_681, %max3A_683 : vector<16xf32>
          %swap3A_685 = arith.index_cast %add3A_516 : i32 to index
          %swap3A_686 = arith.constant 112 : index
          %swap3A_687 = tpu.vector_load %arg12[%swap3A_685, %swap3A_686] {strides = array<i32>} : memref<40x128xf32, #tpu.memory_space<vmem>>, vector<1x16xf32>,
          %swap3A_688 = vector.shape_cast %swap3A_687 : vector<1x16xf32> to vector<16xf32>
          %swap3A_689 = vector.shape_cast %max3A_684 : vector<16xf32> to vector<1x16xf32>
          tpu.vector_store %arg12[%swap3A_685, %swap3A_686], %swap3A_689 {strides = array<i32>} : memref<40x128xf32, #tpu.memory_space<vmem>>, vector<1x16xf32>,
          %scan3A_690 = arith.constant 1 : i32
          %scan3A_691 = arith.addi %scan3A_512, %scan3A_690 : i32
          %mul3A_692 = arith.constant 1 : i32
          %mul3A_693 = arith.muli %scan3A_691, %mul3A_692 : i32
          %add3A_694 = arith.constant 0 : i32
          %add3A_695 = arith.addi %add3A_694, %mul3A_693 : i32
          %get3A_696 = arith.index_cast %add3A_695 : i32 to index
          %get3A_697 = arith.constant 0 : index
          %get3A_698 = tpu.vector_load %arg12[%get3A_696, %get3A_697] {strides = array<i32>} : memref<40x128xf32, #tpu.memory_space<vmem>>, vector<1x16xf32>,
          %get3A_699 = vector.shape_cast %get3A_698 : vector<1x16xf32> to vector<16xf32>
          %get3A_700 = arith.index_cast %add3A_695 : i32 to index
          %get3A_701 = arith.constant 0 : index
          %get3A_702 = tpu.vector_load %arg13[%get3A_700, %get3A_701] {strides = array<i32>} : memref<40x128xf32, #tpu.memory_space<vmem>>, vector<1x16xf32>,
          %get3A_703 = vector.shape_cast %get3A_702 : vector<1x16xf32> to vector<16xf32>
          %add3A_704 = arith.addf %get3A_699, %get3A_703 : vector<16xf32>
          %get3A_705 = arith.index_cast %add3A_695 : i32 to index
          %get3A_706 = arith.constant 0 : index
          %get3A_707 = tpu.vector_load %arg14[%get3A_705, %get3A_706] {strides = array<i32>} : memref<40x128xf32, #tpu.memory_space<vmem>>, vector<1x16xf32>,
          %get3A_708 = vector.shape_cast %get3A_707 : vector<1x16xf32> to vector<16xf32>
          %add3A_709 = arith.addf %add3A_704, %get3A_708 : vector<16xf32>
          %max3A_710 = arith.constant 0.000000e+00 : f32
          %max3A_711 = vector.broadcast %max3A_710 : f32 to vector<16xf32>
          %max3A_712 = arith.maximumf %add3A_709, %max3A_711 : vector<16xf32>
          %swap3A_713 = arith.index_cast %add3A_695 : i32 to index
          %swap3A_714 = arith.constant 0 : index
          %swap3A_715 = tpu.vector_load %arg12[%swap3A_713, %swap3A_714] {strides = array<i32>} : memref<40x128xf32, #tpu.memory_space<vmem>>, vector<1x16xf32>,
          %swap3A_716 = vector.shape_cast %swap3A_715 : vector<1x16xf32> to vector<16xf32>
          %swap3A_717 = vector.shape_cast %max3A_712 : vector<16xf32> to vector<1x16xf32>
          tpu.vector_store %arg12[%swap3A_713, %swap3A_714], %swap3A_717 {strides = array<i32>} : memref<40x128xf32, #tpu.memory_space<vmem>>, vector<1x16xf32>,
          %get3A_718 = arith.index_cast %add3A_695 : i32 to index
          %get3A_719 = arith.constant 16 : index
          %get3A_720 = tpu.vector_load %arg12[%get3A_718, %get3A_719] {strides = array<i32>} : memref<40x128xf32, #tpu.memory_space<vmem>>, vector<1x16xf32>,
          %get3A_721 = vector.shape_cast %get3A_720 : vector<1x16xf32> to vector<16xf32>
          %get3A_722 = arith.index_cast %add3A_695 : i32 to index
          %get3A_723 = arith.constant 16 : index
          %get3A_724 = tpu.vector_load %arg13[%get3A_722, %get3A_723] {strides = array<i32>} : memref<40x128xf32, #tpu.memory_space<vmem>>, vector<1x16xf32>,
          %get3A_725 = vector.shape_cast %get3A_724 : vector<1x16xf32> to vector<16xf32>
          %add3A_726 = arith.addf %get3A_721, %get3A_725 : vector<16xf32>
          %get3A_727 = arith.index_cast %add3A_695 : i32 to index
          %get3A_728 = arith.constant 16 : index
          %get3A_729 = tpu.vector_load %arg14[%get3A_727, %get3A_728] {strides = array<i32>} : memref<40x128xf32, #tpu.memory_space<vmem>>, vector<1x16xf32>,
          %get3A_730 = vector.shape_cast %get3A_729 : vector<1x16xf32> to vector<16xf32>
          %add3A_731 = arith.addf %add3A_726, %get3A_730 : vector<16xf32>
          %max3A_732 = arith.constant 0.000000e+00 : f32
          %max3A_733 = vector.broadcast %max3A_732 : f32 to vector<16xf32>
          %max3A_734 = arith.maximumf %add3A_731, %max3A_733 : vector<16xf32>
          %swap3A_735 = arith.index_cast %add3A_695 : i32 to index
          %swap3A_736 = arith.constant 16 : index
          %swap3A_737 = tpu.vector_load %arg12[%swap3A_735, %swap3A_736] {strides = array<i32>} : memref<40x128xf32, #tpu.memory_space<vmem>>, vector<1x16xf32>,
          %swap3A_738 = vector.shape_cast %swap3A_737 : vector<1x16xf32> to vector<16xf32>
          %swap3A_739 = vector.shape_cast %max3A_734 : vector<16xf32> to vector<1x16xf32>
          tpu.vector_store %arg12[%swap3A_735, %swap3A_736], %swap3A_739 {strides = array<i32>} : memref<40x128xf32, #tpu.memory_space<vmem>>, vector<1x16xf32>,
          %get3A_740 = arith.index_cast %add3A_695 : i32 to index
          %get3A_741 = arith.constant 32 : index
          %get3A_742 = tpu.vector_load %arg12[%get3A_740, %get3A_741] {strides = array<i32>} : memref<40x128xf32, #tpu.memory_space<vmem>>, vector<1x16xf32>,
          %get3A_743 = vector.shape_cast %get3A_742 : vector<1x16xf32> to vector<16xf32>
          %get3A_744 = arith.index_cast %add3A_695 : i32 to index
          %get3A_745 = arith.constant 32 : index
          %get3A_746 = tpu.vector_load %arg13[%get3A_744, %get3A_745] {strides = array<i32>} : memref<40x128xf32, #tpu.memory_space<vmem>>, vector<1x16xf32>,
          %get3A_747 = vector.shape_cast %get3A_746 : vector<1x16xf32> to vector<16xf32>
          %add3A_748 = arith.addf %get3A_743, %get3A_747 : vector<16xf32>
          %get3A_749 = arith.index_cast %add3A_695 : i32 to index
          %get3A_750 = arith.constant 32 : index
          %get3A_751 = tpu.vector_load %arg14[%get3A_749, %get3A_750] {strides = array<i32>} : memref<40x128xf32, #tpu.memory_space<vmem>>, vector<1x16xf32>,
          %get3A_752 = vector.shape_cast %get3A_751 : vector<1x16xf32> to vector<16xf32>
          %add3A_753 = arith.addf %add3A_748, %get3A_752 : vector<16xf32>
          %max3A_754 = arith.constant 0.000000e+00 : f32
          %max3A_755 = vector.broadcast %max3A_754 : f32 to vector<16xf32>
          %max3A_756 = arith.maximumf %add3A_753, %max3A_755 : vector<16xf32>
          %swap3A_757 = arith.index_cast %add3A_695 : i32 to index
          %swap3A_758 = arith.constant 32 : index
          %swap3A_759 = tpu.vector_load %arg12[%swap3A_757, %swap3A_758] {strides = array<i32>} : memref<40x128xf32, #tpu.memory_space<vmem>>, vector<1x16xf32>,
          %swap3A_760 = vector.shape_cast %swap3A_759 : vector<1x16xf32> to vector<16xf32>
          %swap3A_761 = vector.shape_cast %max3A_756 : vector<16xf32> to vector<1x16xf32>
          tpu.vector_store %arg12[%swap3A_757, %swap3A_758], %swap3A_761 {strides = array<i32>} : memref<40x128xf32, #tpu.memory_space<vmem>>, vector<1x16xf32>,
          %get3A_762 = arith.index_cast %add3A_695 : i32 to index
          %get3A_763 = arith.constant 48 : index
          %get3A_764 = tpu.vector_load %arg12[%get3A_762, %get3A_763] {strides = array<i32>} : memref<40x128xf32, #tpu.memory_space<vmem>>, vector<1x16xf32>,
          %get3A_765 = vector.shape_cast %get3A_764 : vector<1x16xf32> to vector<16xf32>
          %get3A_766 = arith.index_cast %add3A_695 : i32 to index
          %get3A_767 = arith.constant 48 : index
          %get3A_768 = tpu.vector_load %arg13[%get3A_766, %get3A_767] {strides = array<i32>} : memref<40x128xf32, #tpu.memory_space<vmem>>, vector<1x16xf32>,
          %get3A_769 = vector.shape_cast %get3A_768 : vector<1x16xf32> to vector<16xf32>
          %add3A_770 = arith.addf %get3A_765, %get3A_769 : vector<16xf32>
          %get3A_771 = arith.index_cast %add3A_695 : i32 to index
          %get3A_772 = arith.constant 48 : index
          %get3A_773 = tpu.vector_load %arg14[%get3A_771, %get3A_772] {strides = array<i32>} : memref<40x128xf32, #tpu.memory_space<vmem>>, vector<1x16xf32>,
          %get3A_774 = vector.shape_cast %get3A_773 : vector<1x16xf32> to vector<16xf32>
          %add3A_775 = arith.addf %add3A_770, %get3A_774 : vector<16xf32>
          %max3A_776 = arith.constant 0.000000e+00 : f32
          %max3A_777 = vector.broadcast %max3A_776 : f32 to vector<16xf32>
          %max3A_778 = arith.maximumf %add3A_775, %max3A_777 : vector<16xf32>
          %swap3A_779 = arith.index_cast %add3A_695 : i32 to index
          %swap3A_780 = arith.constant 48 : index
          %swap3A_781 = tpu.vector_load %arg12[%swap3A_779, %swap3A_780] {strides = array<i32>} : memref<40x128xf32, #tpu.memory_space<vmem>>, vector<1x16xf32>,
          %swap3A_782 = vector.shape_cast %swap3A_781 : vector<1x16xf32> to vector<16xf32>
          %swap3A_783 = vector.shape_cast %max3A_778 : vector<16xf32> to vector<1x16xf32>
          tpu.vector_store %arg12[%swap3A_779, %swap3A_780], %swap3A_783 {strides = array<i32>} : memref<40x128xf32, #tpu.memory_space<vmem>>, vector<1x16xf32>,
          %get3A_784 = arith.index_cast %add3A_695 : i32 to index
          %get3A_785 = arith.constant 64 : index
          %get3A_786 = tpu.vector_load %arg12[%get3A_784, %get3A_785] {strides = array<i32>} : memref<40x128xf32, #tpu.memory_space<vmem>>, vector<1x16xf32>,
          %get3A_787 = vector.shape_cast %get3A_786 : vector<1x16xf32> to vector<16xf32>
          %get3A_788 = arith.index_cast %add3A_695 : i32 to index
          %get3A_789 = arith.constant 64 : index
          %get3A_790 = tpu.vector_load %arg13[%get3A_788, %get3A_789] {strides = array<i32>} : memref<40x128xf32, #tpu.memory_space<vmem>>, vector<1x16xf32>,
          %get3A_791 = vector.shape_cast %get3A_790 : vector<1x16xf32> to vector<16xf32>
          %add3A_792 = arith.addf %get3A_787, %get3A_791 : vector<16xf32>
          %get3A_793 = arith.index_cast %add3A_695 : i32 to index
          %get3A_794 = arith.constant 64 : index
          %get3A_795 = tpu.vector_load %arg14[%get3A_793, %get3A_794] {strides = array<i32>} : memref<40x128xf32, #tpu.memory_space<vmem>>, vector<1x16xf32>,
          %get3A_796 = vector.shape_cast %get3A_795 : vector<1x16xf32> to vector<16xf32>
          %add3A_797 = arith.addf %add3A_792, %get3A_796 : vector<16xf32>
          %max3A_798 = arith.constant 0.000000e+00 : f32
          %max3A_799 = vector.broadcast %max3A_798 : f32 to vector<16xf32>
          %max3A_800 = arith.maximumf %add3A_797, %max3A_799 : vector<16xf32>
          %swap3A_801 = arith.index_cast %add3A_695 : i32 to index
          %swap3A_802 = arith.constant 64 : index
          %swap3A_803 = tpu.vector_load %arg12[%swap3A_801, %swap3A_802] {strides = array<i32>} : memref<40x128xf32, #tpu.memory_space<vmem>>, vector<1x16xf32>,
          %swap3A_804 = vector.shape_cast %swap3A_803 : vector<1x16xf32> to vector<16xf32>
          %swap3A_805 = vector.shape_cast %max3A_800 : vector<16xf32> to vector<1x16xf32>
          tpu.vector_store %arg12[%swap3A_801, %swap3A_802], %swap3A_805 {strides = array<i32>} : memref<40x128xf32, #tpu.memory_space<vmem>>, vector<1x16xf32>,
          %get3A_806 = arith.index_cast %add3A_695 : i32 to index
          %get3A_807 = arith.constant 80 : index
          %get3A_808 = tpu.vector_load %arg12[%get3A_806, %get3A_807] {strides = array<i32>} : memref<40x128xf32, #tpu.memory_space<vmem>>, vector<1x16xf32>,
          %get3A_809 = vector.shape_cast %get3A_808 : vector<1x16xf32> to vector<16xf32>
          %get3A_810 = arith.index_cast %add3A_695 : i32 to index
          %get3A_811 = arith.constant 80 : index
          %get3A_812 = tpu.vector_load %arg13[%get3A_810, %get3A_811] {strides = array<i32>} : memref<40x128xf32, #tpu.memory_space<vmem>>, vector<1x16xf32>,
          %get3A_813 = vector.shape_cast %get3A_812 : vector<1x16xf32> to vector<16xf32>
          %add3A_814 = arith.addf %get3A_809, %get3A_813 : vector<16xf32>
          %get3A_815 = arith.index_cast %add3A_695 : i32 to index
          %get3A_816 = arith.constant 80 : index
          %get3A_817 = tpu.vector_load %arg14[%get3A_815, %get3A_816] {strides = array<i32>} : memref<40x128xf32, #tpu.memory_space<vmem>>, vector<1x16xf32>,
          %get3A_818 = vector.shape_cast %get3A_817 : vector<1x16xf32> to vector<16xf32>
          %add3A_819 = arith.addf %add3A_814, %get3A_818 : vector<16xf32>
          %max3A_820 = arith.constant 0.000000e+00 : f32
          %max3A_821 = vector.broadcast %max3A_820 : f32 to vector<16xf32>
          %max3A_822 = arith.maximumf %add3A_819, %max3A_821 : vector<16xf32>
          %swap3A_823 = arith.index_cast %add3A_695 : i32 to index
          %swap3A_824 = arith.constant 80 : index
          %swap3A_825 = tpu.vector_load %arg12[%swap3A_823, %swap3A_824] {strides = array<i32>} : memref<40x128xf32, #tpu.memory_space<vmem>>, vector<1x16xf32>,
          %swap3A_826 = vector.shape_cast %swap3A_825 : vector<1x16xf32> to vector<16xf32>
          %swap3A_827 = vector.shape_cast %max3A_822 : vector<16xf32> to vector<1x16xf32>
          tpu.vector_store %arg12[%swap3A_823, %swap3A_824], %swap3A_827 {strides = array<i32>} : memref<40x128xf32, #tpu.memory_space<vmem>>, vector<1x16xf32>,
          %get3A_828 = arith.index_cast %add3A_695 : i32 to index
          %get3A_829 = arith.constant 96 : index
          %get3A_830 = tpu.vector_load %arg12[%get3A_828, %get3A_829] {strides = array<i32>} : memref<40x128xf32, #tpu.memory_space<vmem>>, vector<1x16xf32>,
          %get3A_831 = vector.shape_cast %get3A_830 : vector<1x16xf32> to vector<16xf32>
          %get3A_832 = arith.index_cast %add3A_695 : i32 to index
          %get3A_833 = arith.constant 96 : index
          %get3A_834 = tpu.vector_load %arg13[%get3A_832, %get3A_833] {strides = array<i32>} : memref<40x128xf32, #tpu.memory_space<vmem>>, vector<1x16xf32>,
          %get3A_835 = vector.shape_cast %get3A_834 : vector<1x16xf32> to vector<16xf32>
          %add3A_836 = arith.addf %get3A_831, %get3A_835 : vector<16xf32>
          %get3A_837 = arith.index_cast %add3A_695 : i32 to index
          %get3A_838 = arith.constant 96 : index
          %get3A_839 = tpu.vector_load %arg14[%get3A_837, %get3A_838] {strides = array<i32>} : memref<40x128xf32, #tpu.memory_space<vmem>>, vector<1x16xf32>,
          %get3A_840 = vector.shape_cast %get3A_839 : vector<1x16xf32> to vector<16xf32>
          %add3A_841 = arith.addf %add3A_836, %get3A_840 : vector<16xf32>
          %max3A_842 = arith.constant 0.000000e+00 : f32
          %max3A_843 = vector.broadcast %max3A_842 : f32 to vector<16xf32>
          %max3A_844 = arith.maximumf %add3A_841, %max3A_843 : vector<16xf32>
          %swap3A_845 = arith.index_cast %add3A_695 : i32 to index
          %swap3A_846 = arith.constant 96 : index
          %swap3A_847 = tpu.vector_load %arg12[%swap3A_845, %swap3A_846] {strides = array<i32>} : memref<40x128xf32, #tpu.memory_space<vmem>>, vector<1x16xf32>,
          %swap3A_848 = vector.shape_cast %swap3A_847 : vector<1x16xf32> to vector<16xf32>
          %swap3A_849 = vector.shape_cast %max3A_844 : vector<16xf32> to vector<1x16xf32>
          tpu.vector_store %arg12[%swap3A_845, %swap3A_846], %swap3A_849 {strides = array<i32>} : memref<40x128xf32, #tpu.memory_space<vmem>>, vector<1x16xf32>,
          %get3A_850 = arith.index_cast %add3A_695 : i32 to index
          %get3A_851 = arith.constant 112 : index
          %get3A_852 = tpu.vector_load %arg12[%get3A_850, %get3A_851] {strides = array<i32>} : memref<40x128xf32, #tpu.memory_space<vmem>>, vector<1x16xf32>,
          %get3A_853 = vector.shape_cast %get3A_852 : vector<1x16xf32> to vector<16xf32>
          %get3A_854 = arith.index_cast %add3A_695 : i32 to index
          %get3A_855 = arith.constant 112 : index
          %get3A_856 = tpu.vector_load %arg13[%get3A_854, %get3A_855] {strides = array<i32>} : memref<40x128xf32, #tpu.memory_space<vmem>>, vector<1x16xf32>,
          %get3A_857 = vector.shape_cast %get3A_856 : vector<1x16xf32> to vector<16xf32>
          %add3A_858 = arith.addf %get3A_853, %get3A_857 : vector<16xf32>
          %get3A_859 = arith.index_cast %add3A_695 : i32 to index
          %get3A_860 = arith.constant 112 : index
          %get3A_861 = tpu.vector_load %arg14[%get3A_859, %get3A_860] {strides = array<i32>} : memref<40x128xf32, #tpu.memory_space<vmem>>, vector<1x16xf32>,
          %get3A_862 = vector.shape_cast %get3A_861 : vector<1x16xf32> to vector<16xf32>
          %add3A_863 = arith.addf %add3A_858, %get3A_862 : vector<16xf32>
          %max3A_864 = arith.constant 0.000000e+00 : f32
          %max3A_865 = vector.broadcast %max3A_864 : f32 to vector<16xf32>
          %max3A_866 = arith.maximumf %add3A_863, %max3A_865 : vector<16xf32>
          %swap3A_867 = arith.index_cast %add3A_695 : i32 to index
          %swap3A_868 = arith.constant 112 : index
          %swap3A_869 = tpu.vector_load %arg12[%swap3A_867, %swap3A_868] {strides = array<i32>} : memref<40x128xf32, #tpu.memory_space<vmem>>, vector<1x16xf32>,
          %swap3A_870 = vector.shape_cast %swap3A_869 : vector<1x16xf32> to vector<16xf32>
          %swap3A_871 = vector.shape_cast %max3A_866 : vector<16xf32> to vector<1x16xf32>
          tpu.vector_store %arg12[%swap3A_867, %swap3A_868], %swap3A_871 {strides = array<i32>} : memref<40x128xf32, #tpu.memory_space<vmem>>, vector<1x16xf32>,
          %scan3A_872 = arith.constant 2 : i32
          %scan3A_873 = arith.addi %scan3A_512, %scan3A_872 : i32
          %mul3A_874 = arith.constant 1 : i32
          %mul3A_875 = arith.muli %scan3A_873, %mul3A_874 : i32
          %add3A_876 = arith.constant 0 : i32
          %add3A_877 = arith.addi %add3A_876, %mul3A_875 : i32
          %get3A_878 = arith.index_cast %add3A_877 : i32 to index
          %get3A_879 = arith.constant 0 : index
          %get3A_880 = tpu.vector_load %arg12[%get3A_878, %get3A_879] {strides = array<i32>} : memref<40x128xf32, #tpu.memory_space<vmem>>, vector<1x16xf32>,
          %get3A_881 = vector.shape_cast %get3A_880 : vector<1x16xf32> to vector<16xf32>
          %get3A_882 = arith.index_cast %add3A_877 : i32 to index
          %get3A_883 = arith.constant 0 : index
          %get3A_884 = tpu.vector_load %arg13[%get3A_882, %get3A_883] {strides = array<i32>} : memref<40x128xf32, #tpu.memory_space<vmem>>, vector<1x16xf32>,
          %get3A_885 = vector.shape_cast %get3A_884 : vector<1x16xf32> to vector<16xf32>
          %add3A_886 = arith.addf %get3A_881, %get3A_885 : vector<16xf32>
          %get3A_887 = arith.index_cast %add3A_877 : i32 to index
          %get3A_888 = arith.constant 0 : index
          %get3A_889 = tpu.vector_load %arg14[%get3A_887, %get3A_888] {strides = array<i32>} : memref<40x128xf32, #tpu.memory_space<vmem>>, vector<1x16xf32>,
          %get3A_890 = vector.shape_cast %get3A_889 : vector<1x16xf32> to vector<16xf32>
          %add3A_891 = arith.addf %add3A_886, %get3A_890 : vector<16xf32>
          %max3A_892 = arith.constant 0.000000e+00 : f32
          %max3A_893 = vector.broadcast %max3A_892 : f32 to vector<16xf32>
          %max3A_894 = arith.maximumf %add3A_891, %max3A_893 : vector<16xf32>
          %swap3A_895 = arith.index_cast %add3A_877 : i32 to index
          %swap3A_896 = arith.constant 0 : index
          %swap3A_897 = tpu.vector_load %arg12[%swap3A_895, %swap3A_896] {strides = array<i32>} : memref<40x128xf32, #tpu.memory_space<vmem>>, vector<1x16xf32>,
          %swap3A_898 = vector.shape_cast %swap3A_897 : vector<1x16xf32> to vector<16xf32>
          %swap3A_899 = vector.shape_cast %max3A_894 : vector<16xf32> to vector<1x16xf32>
          tpu.vector_store %arg12[%swap3A_895, %swap3A_896], %swap3A_899 {strides = array<i32>} : memref<40x128xf32, #tpu.memory_space<vmem>>, vector<1x16xf32>,
          %get3A_900 = arith.index_cast %add3A_877 : i32 to index
          %get3A_901 = arith.constant 16 : index
          %get3A_902 = tpu.vector_load %arg12[%get3A_900, %get3A_901] {strides = array<i32>} : memref<40x128xf32, #tpu.memory_space<vmem>>, vector<1x16xf32>,
          %get3A_903 = vector.shape_cast %get3A_902 : vector<1x16xf32> to vector<16xf32>
          %get3A_904 = arith.index_cast %add3A_877 : i32 to index
          %get3A_905 = arith.constant 16 : index
          %get3A_906 = tpu.vector_load %arg13[%get3A_904, %get3A_905] {strides = array<i32>} : memref<40x128xf32, #tpu.memory_space<vmem>>, vector<1x16xf32>,
          %get3A_907 = vector.shape_cast %get3A_906 : vector<1x16xf32> to vector<16xf32>
          %add3A_908 = arith.addf %get3A_903, %get3A_907 : vector<16xf32>
          %get3A_909 = arith.index_cast %add3A_877 : i32 to index
          %get3A_910 = arith.constant 16 : index
          %get3A_911 = tpu.vector_load %arg14[%get3A_909, %get3A_910] {strides = array<i32>} : memref<40x128xf32, #tpu.memory_space<vmem>>, vector<1x16xf32>,
          %get3A_912 = vector.shape_cast %get3A_911 : vector<1x16xf32> to vector<16xf32>
          %add3A_913 = arith.addf %add3A_908, %get3A_912 : vector<16xf32>
          %max3A_914 = arith.constant 0.000000e+00 : f32
          %max3A_915 = vector.broadcast %max3A_914 : f32 to vector<16xf32>
          %max3A_916 = arith.maximumf %add3A_913, %max3A_915 : vector<16xf32>
          %swap3A_917 = arith.index_cast %add3A_877 : i32 to index
          %swap3A_918 = arith.constant 16 : index
          %swap3A_919 = tpu.vector_load %arg12[%swap3A_917, %swap3A_918] {strides = array<i32>} : memref<40x128xf32, #tpu.memory_space<vmem>>, vector<1x16xf32>,
          %swap3A_920 = vector.shape_cast %swap3A_919 : vector<1x16xf32> to vector<16xf32>
          %swap3A_921 = vector.shape_cast %max3A_916 : vector<16xf32> to vector<1x16xf32>
          tpu.vector_store %arg12[%swap3A_917, %swap3A_918], %swap3A_921 {strides = array<i32>} : memref<40x128xf32, #tpu.memory_space<vmem>>, vector<1x16xf32>,
          %get3A_922 = arith.index_cast %add3A_877 : i32 to index
          %get3A_923 = arith.constant 32 : index
          %get3A_924 = tpu.vector_load %arg12[%get3A_922, %get3A_923] {strides = array<i32>} : memref<40x128xf32, #tpu.memory_space<vmem>>, vector<1x16xf32>,
          %get3A_925 = vector.shape_cast %get3A_924 : vector<1x16xf32> to vector<16xf32>
          %get3A_926 = arith.index_cast %add3A_877 : i32 to index
          %get3A_927 = arith.constant 32 : index
          %get3A_928 = tpu.vector_load %arg13[%get3A_926, %get3A_927] {strides = array<i32>} : memref<40x128xf32, #tpu.memory_space<vmem>>, vector<1x16xf32>,
          %get3A_929 = vector.shape_cast %get3A_928 : vector<1x16xf32> to vector<16xf32>
          %add3A_930 = arith.addf %get3A_925, %get3A_929 : vector<16xf32>
          %get3A_931 = arith.index_cast %add3A_877 : i32 to index
          %get3A_932 = arith.constant 32 : index
          %get3A_933 = tpu.vector_load %arg14[%get3A_931, %get3A_932] {strides = array<i32>} : memref<40x128xf32, #tpu.memory_space<vmem>>, vector<1x16xf32>,
          %get3A_934 = vector.shape_cast %get3A_933 : vector<1x16xf32> to vector<16xf32>
          %add3A_935 = arith.addf %add3A_930, %get3A_934 : vector<16xf32>
          %max3A_936 = arith.constant 0.000000e+00 : f32
          %max3A_937 = vector.broadcast %max3A_936 : f32 to vector<16xf32>
          %max3A_938 = arith.maximumf %add3A_935, %max3A_937 : vector<16xf32>
          %swap3A_939 = arith.index_cast %add3A_877 : i32 to index
          %swap3A_940 = arith.constant 32 : index
          %swap3A_941 = tpu.vector_load %arg12[%swap3A_939, %swap3A_940] {strides = array<i32>} : memref<40x128xf32, #tpu.memory_space<vmem>>, vector<1x16xf32>,
          %swap3A_942 = vector.shape_cast %swap3A_941 : vector<1x16xf32> to vector<16xf32>
          %swap3A_943 = vector.shape_cast %max3A_938 : vector<16xf32> to vector<1x16xf32>
          tpu.vector_store %arg12[%swap3A_939, %swap3A_940], %swap3A_943 {strides = array<i32>} : memref<40x128xf32, #tpu.memory_space<vmem>>, vector<1x16xf32>,
          %get3A_944 = arith.index_cast %add3A_877 : i32 to index
          %get3A_945 = arith.constant 48 : index
          %get3A_946 = tpu.vector_load %arg12[%get3A_944, %get3A_945] {strides = array<i32>} : memref<40x128xf32, #tpu.memory_space<vmem>>, vector<1x16xf32>,
          %get3A_947 = vector.shape_cast %get3A_946 : vector<1x16xf32> to vector<16xf32>
          %get3A_948 = arith.index_cast %add3A_877 : i32 to index
          %get3A_949 = arith.constant 48 : index
          %get3A_950 = tpu.vector_load %arg13[%get3A_948, %get3A_949] {strides = array<i32>} : memref<40x128xf32, #tpu.memory_space<vmem>>, vector<1x16xf32>,
          %get3A_951 = vector.shape_cast %get3A_950 : vector<1x16xf32> to vector<16xf32>
          %add3A_952 = arith.addf %get3A_947, %get3A_951 : vector<16xf32>
          %get3A_953 = arith.index_cast %add3A_877 : i32 to index
          %get3A_954 = arith.constant 48 : index
          %get3A_955 = tpu.vector_load %arg14[%get3A_953, %get3A_954] {strides = array<i32>} : memref<40x128xf32, #tpu.memory_space<vmem>>, vector<1x16xf32>,
          %get3A_956 = vector.shape_cast %get3A_955 : vector<1x16xf32> to vector<16xf32>
          %add3A_957 = arith.addf %add3A_952, %get3A_956 : vector<16xf32>
          %max3A_958 = arith.constant 0.000000e+00 : f32
          %max3A_959 = vector.broadcast %max3A_958 : f32 to vector<16xf32>
          %max3A_960 = arith.maximumf %add3A_957, %max3A_959 : vector<16xf32>
          %swap3A_961 = arith.index_cast %add3A_877 : i32 to index
          %swap3A_962 = arith.constant 48 : index
          %swap3A_963 = tpu.vector_load %arg12[%swap3A_961, %swap3A_962] {strides = array<i32>} : memref<40x128xf32, #tpu.memory_space<vmem>>, vector<1x16xf32>,
          %swap3A_964 = vector.shape_cast %swap3A_963 : vector<1x16xf32> to vector<16xf32>
          %swap3A_965 = vector.shape_cast %max3A_960 : vector<16xf32> to vector<1x16xf32>
          tpu.vector_store %arg12[%swap3A_961, %swap3A_962], %swap3A_965 {strides = array<i32>} : memref<40x128xf32, #tpu.memory_space<vmem>>, vector<1x16xf32>,
          %get3A_966 = arith.index_cast %add3A_877 : i32 to index
          %get3A_967 = arith.constant 64 : index
          %get3A_968 = tpu.vector_load %arg12[%get3A_966, %get3A_967] {strides = array<i32>} : memref<40x128xf32, #tpu.memory_space<vmem>>, vector<1x16xf32>,
          %get3A_969 = vector.shape_cast %get3A_968 : vector<1x16xf32> to vector<16xf32>
          %get3A_970 = arith.index_cast %add3A_877 : i32 to index
          %get3A_971 = arith.constant 64 : index
          %get3A_972 = tpu.vector_load %arg13[%get3A_970, %get3A_971] {strides = array<i32>} : memref<40x128xf32, #tpu.memory_space<vmem>>, vector<1x16xf32>,
          %get3A_973 = vector.shape_cast %get3A_972 : vector<1x16xf32> to vector<16xf32>
          %add3A_974 = arith.addf %get3A_969, %get3A_973 : vector<16xf32>
          %get3A_975 = arith.index_cast %add3A_877 : i32 to index
          %get3A_976 = arith.constant 64 : index
          %get3A_977 = tpu.vector_load %arg14[%get3A_975, %get3A_976] {strides = array<i32>} : memref<40x128xf32, #tpu.memory_space<vmem>>, vector<1x16xf32>,
          %get3A_978 = vector.shape_cast %get3A_977 : vector<1x16xf32> to vector<16xf32>
          %add3A_979 = arith.addf %add3A_974, %get3A_978 : vector<16xf32>
          %max3A_980 = arith.constant 0.000000e+00 : f32
          %max3A_981 = vector.broadcast %max3A_980 : f32 to vector<16xf32>
          %max3A_982 = arith.maximumf %add3A_979, %max3A_981 : vector<16xf32>
          %swap3A_983 = arith.index_cast %add3A_877 : i32 to index
          %swap3A_984 = arith.constant 64 : index
          %swap3A_985 = tpu.vector_load %arg12[%swap3A_983, %swap3A_984] {strides = array<i32>} : memref<40x128xf32, #tpu.memory_space<vmem>>, vector<1x16xf32>,
          %swap3A_986 = vector.shape_cast %swap3A_985 : vector<1x16xf32> to vector<16xf32>
          %swap3A_987 = vector.shape_cast %max3A_982 : vector<16xf32> to vector<1x16xf32>
          tpu.vector_store %arg12[%swap3A_983, %swap3A_984], %swap3A_987 {strides = array<i32>} : memref<40x128xf32, #tpu.memory_space<vmem>>, vector<1x16xf32>,
          %get3A_988 = arith.index_cast %add3A_877 : i32 to index
          %get3A_989 = arith.constant 80 : index
          %get3A_990 = tpu.vector_load %arg12[%get3A_988, %get3A_989] {strides = array<i32>} : memref<40x128xf32, #tpu.memory_space<vmem>>, vector<1x16xf32>,
          %get3A_991 = vector.shape_cast %get3A_990 : vector<1x16xf32> to vector<16xf32>
          %get3A_992 = arith.index_cast %add3A_877 : i32 to index
          %get3A_993 = arith.constant 80 : index
          %get3A_994 = tpu.vector_load %arg13[%get3A_992, %get3A_993] {strides = array<i32>} : memref<40x128xf32, #tpu.memory_space<vmem>>, vector<1x16xf32>,
          %get3A_995 = vector.shape_cast %get3A_994 : vector<1x16xf32> to vector<16xf32>
          %add3A_996 = arith.addf %get3A_991, %get3A_995 : vector<16xf32>
          %get3A_997 = arith.index_cast %add3A_877 : i32 to index
          %get3A_998 = arith.constant 80 : index
          %get3A_999 = tpu.vector_load %arg14[%get3A_997, %get3A_998] {strides = array<i32>} : memref<40x128xf32, #tpu.memory_space<vmem>>, vector<1x16xf32>,
          %get3A_1000 = vector.shape_cast %get3A_999 : vector<1x16xf32> to vector<16xf32>
          %add3A_1001 = arith.addf %add3A_996, %get3A_1000 : vector<16xf32>
          %max3A_1002 = arith.constant 0.000000e+00 : f32
          %max3A_1003 = vector.broadcast %max3A_1002 : f32 to vector<16xf32>
          %max3A_1004 = arith.maximumf %add3A_1001, %max3A_1003 : vector<16xf32>
          %swap3A_1005 = arith.index_cast %add3A_877 : i32 to index
          %swap3A_1006 = arith.constant 80 : index
          %swap3A_1007 = tpu.vector_load %arg12[%swap3A_1005, %swap3A_1006] {strides = array<i32>} : memref<40x128xf32, #tpu.memory_space<vmem>>, vector<1x16xf32>,
          %swap3A_1008 = vector.shape_cast %swap3A_1007 : vector<1x16xf32> to vector<16xf32>
          %swap3A_1009 = vector.shape_cast %max3A_1004 : vector<16xf32> to vector<1x16xf32>
          tpu.vector_store %arg12[%swap3A_1005, %swap3A_1006], %swap3A_1009 {strides = array<i32>} : memref<40x128xf32, #tpu.memory_space<vmem>>, vector<1x16xf32>,
          %get3A_1010 = arith.index_cast %add3A_877 : i32 to index
          %get3A_1011 = arith.constant 96 : index
          %get3A_1012 = tpu.vector_load %arg12[%get3A_1010, %get3A_1011] {strides = array<i32>} : memref<40x128xf32, #tpu.memory_space<vmem>>, vector<1x16xf32>,
          %get3A_1013 = vector.shape_cast %get3A_1012 : vector<1x16xf32> to vector<16xf32>
          %get3A_1014 = arith.index_cast %add3A_877 : i32 to index
          %get3A_1015 = arith.constant 96 : index
          %get3A_1016 = tpu.vector_load %arg13[%get3A_1014, %get3A_1015] {strides = array<i32>} : memref<40x128xf32, #tpu.memory_space<vmem>>, vector<1x16xf32>,
          %get3A_1017 = vector.shape_cast %get3A_1016 : vector<1x16xf32> to vector<16xf32>
          %add3A_1018 = arith.addf %get3A_1013, %get3A_1017 : vector<16xf32>
          %get3A_1019 = arith.index_cast %add3A_877 : i32 to index
          %get3A_1020 = arith.constant 96 : index
          %get3A_1021 = tpu.vector_load %arg14[%get3A_1019, %get3A_1020] {strides = array<i32>} : memref<40x128xf32, #tpu.memory_space<vmem>>, vector<1x16xf32>,
          %get3A_1022 = vector.shape_cast %get3A_1021 : vector<1x16xf32> to vector<16xf32>
          %add3A_1023 = arith.addf %add3A_1018, %get3A_1022 : vector<16xf32>
          %max3A_1024 = arith.constant 0.000000e+00 : f32
          %max3A_1025 = vector.broadcast %max3A_1024 : f32 to vector<16xf32>
          %max3A_1026 = arith.maximumf %add3A_1023, %max3A_1025 : vector<16xf32>
          %swap3A_1027 = arith.index_cast %add3A_877 : i32 to index
          %swap3A_1028 = arith.constant 96 : index
          %swap3A_1029 = tpu.vector_load %arg12[%swap3A_1027, %swap3A_1028] {strides = array<i32>} : memref<40x128xf32, #tpu.memory_space<vmem>>, vector<1x16xf32>,
          %swap3A_1030 = vector.shape_cast %swap3A_1029 : vector<1x16xf32> to vector<16xf32>
          %swap3A_1031 = vector.shape_cast %max3A_1026 : vector<16xf32> to vector<1x16xf32>
          tpu.vector_store %arg12[%swap3A_1027, %swap3A_1028], %swap3A_1031 {strides = array<i32>} : memref<40x128xf32, #tpu.memory_space<vmem>>, vector<1x16xf32>,
          %get3A_1032 = arith.index_cast %add3A_877 : i32 to index
          %get3A_1033 = arith.constant 112 : index
          %get3A_1034 = tpu.vector_load %arg12[%get3A_1032, %get3A_1033] {strides = array<i32>} : memref<40x128xf32, #tpu.memory_space<vmem>>, vector<1x16xf32>,
          %get3A_1035 = vector.shape_cast %get3A_1034 : vector<1x16xf32> to vector<16xf32>
          %get3A_1036 = arith.index_cast %add3A_877 : i32 to index
          %get3A_1037 = arith.constant 112 : index
          %get3A_1038 = tpu.vector_load %arg13[%get3A_1036, %get3A_1037] {strides = array<i32>} : memref<40x128xf32, #tpu.memory_space<vmem>>, vector<1x16xf32>,
          %get3A_1039 = vector.shape_cast %get3A_1038 : vector<1x16xf32> to vector<16xf32>
          %add3A_1040 = arith.addf %get3A_1035, %get3A_1039 : vector<16xf32>
          %get3A_1041 = arith.index_cast %add3A_877 : i32 to index
          %get3A_1042 = arith.constant 112 : index
          %get3A_1043 = tpu.vector_load %arg14[%get3A_1041, %get3A_1042] {strides = array<i32>} : memref<40x128xf32, #tpu.memory_space<vmem>>, vector<1x16xf32>,
          %get3A_1044 = vector.shape_cast %get3A_1043 : vector<1x16xf32> to vector<16xf32>
          %add3A_1045 = arith.addf %add3A_1040, %get3A_1044 : vector<16xf32>
          %max3A_1046 = arith.constant 0.000000e+00 : f32
          %max3A_1047 = vector.broadcast %max3A_1046 : f32 to vector<16xf32>
          %max3A_1048 = arith.maximumf %add3A_1045, %max3A_1047 : vector<16xf32>
          %swap3A_1049 = arith.index_cast %add3A_877 : i32 to index
          %swap3A_1050 = arith.constant 112 : index
          %swap3A_1051 = tpu.vector_load %arg12[%swap3A_1049, %swap3A_1050] {strides = array<i32>} : memref<40x128xf32, #tpu.memory_space<vmem>>, vector<1x16xf32>,
          %swap3A_1052 = vector.shape_cast %swap3A_1051 : vector<1x16xf32> to vector<16xf32>
          %swap3A_1053 = vector.shape_cast %max3A_1048 : vector<16xf32> to vector<1x16xf32>
          tpu.vector_store %arg12[%swap3A_1049, %swap3A_1050], %swap3A_1053 {strides = array<i32>} : memref<40x128xf32, #tpu.memory_space<vmem>>, vector<1x16xf32>,
          %scan3A_1054 = arith.constant 3 : i32
          %scan3A_1055 = arith.addi %scan3A_512, %scan3A_1054 : i32
          %mul3A_1056 = arith.constant 1 : i32
          %mul3A_1057 = arith.muli %scan3A_1055, %mul3A_1056 : i32
          %add3A_1058 = arith.constant 0 : i32
          %add3A_1059 = arith.addi %add3A_1058, %mul3A_1057 : i32
          %get3A_1060 = arith.index_cast %add3A_1059 : i32 to index
          %get3A_1061 = arith.constant 0 : index
          %get3A_1062 = tpu.vector_load %arg12[%get3A_1060, %get3A_1061] {strides = array<i32>} : memref<40x128xf32, #tpu.memory_space<vmem>>, vector<1x16xf32>,
          %get3A_1063 = vector.shape_cast %get3A_1062 : vector<1x16xf32> to vector<16xf32>
          %get3A_1064 = arith.index_cast %add3A_1059 : i32 to index
          %get3A_1065 = arith.constant 0 : index
          %get3A_1066 = tpu.vector_load %arg13[%get3A_1064, %get3A_1065] {strides = array<i32>} : memref<40x128xf32, #tpu.memory_space<vmem>>, vector<1x16xf32>,
          %get3A_1067 = vector.shape_cast %get3A_1066 : vector<1x16xf32> to vector<16xf32>
          %add3A_1068 = arith.addf %get3A_1063, %get3A_1067 : vector<16xf32>
          %get3A_1069 = arith.index_cast %add3A_1059 : i32 to index
          %get3A_1070 = arith.constant 0 : index
          %get3A_1071 = tpu.vector_load %arg14[%get3A_1069, %get3A_1070] {strides = array<i32>} : memref<40x128xf32, #tpu.memory_space<vmem>>, vector<1x16xf32>,
          %get3A_1072 = vector.shape_cast %get3A_1071 : vector<1x16xf32> to vector<16xf32>
          %add3A_1073 = arith.addf %add3A_1068, %get3A_1072 : vector<16xf32>
          %max3A_1074 = arith.constant 0.000000e+00 : f32
          %max3A_1075 = vector.broadcast %max3A_1074 : f32 to vector<16xf32>
          %max3A_1076 = arith.maximumf %add3A_1073, %max3A_1075 : vector<16xf32>
          %swap3A_1077 = arith.index_cast %add3A_1059 : i32 to index
          %swap3A_1078 = arith.constant 0 : index
          %swap3A_1079 = tpu.vector_load %arg12[%swap3A_1077, %swap3A_1078] {strides = array<i32>} : memref<40x128xf32, #tpu.memory_space<vmem>>, vector<1x16xf32>,
          %swap3A_1080 = vector.shape_cast %swap3A_1079 : vector<1x16xf32> to vector<16xf32>
          %swap3A_1081 = vector.shape_cast %max3A_1076 : vector<16xf32> to vector<1x16xf32>
          tpu.vector_store %arg12[%swap3A_1077, %swap3A_1078], %swap3A_1081 {strides = array<i32>} : memref<40x128xf32, #tpu.memory_space<vmem>>, vector<1x16xf32>,
          %get3A_1082 = arith.index_cast %add3A_1059 : i32 to index
          %get3A_1083 = arith.constant 16 : index
          %get3A_1084 = tpu.vector_load %arg12[%get3A_1082, %get3A_1083] {strides = array<i32>} : memref<40x128xf32, #tpu.memory_space<vmem>>, vector<1x16xf32>,
          %get3A_1085 = vector.shape_cast %get3A_1084 : vector<1x16xf32> to vector<16xf32>
          %get3A_1086 = arith.index_cast %add3A_1059 : i32 to index
          %get3A_1087 = arith.constant 16 : index
          %get3A_1088 = tpu.vector_load %arg13[%get3A_1086, %get3A_1087] {strides = array<i32>} : memref<40x128xf32, #tpu.memory_space<vmem>>, vector<1x16xf32>,
          %get3A_1089 = vector.shape_cast %get3A_1088 : vector<1x16xf32> to vector<16xf32>
          %add3A_1090 = arith.addf %get3A_1085, %get3A_1089 : vector<16xf32>
          %get3A_1091 = arith.index_cast %add3A_1059 : i32 to index
          %get3A_1092 = arith.constant 16 : index
          %get3A_1093 = tpu.vector_load %arg14[%get3A_1091, %get3A_1092] {strides = array<i32>} : memref<40x128xf32, #tpu.memory_space<vmem>>, vector<1x16xf32>,
          %get3A_1094 = vector.shape_cast %get3A_1093 : vector<1x16xf32> to vector<16xf32>
          %add3A_1095 = arith.addf %add3A_1090, %get3A_1094 : vector<16xf32>
          %max3A_1096 = arith.constant 0.000000e+00 : f32
          %max3A_1097 = vector.broadcast %max3A_1096 : f32 to vector<16xf32>
          %max3A_1098 = arith.maximumf %add3A_1095, %max3A_1097 : vector<16xf32>
          %swap3A_1099 = arith.index_cast %add3A_1059 : i32 to index
          %swap3A_1100 = arith.constant 16 : index
          %swap3A_1101 = tpu.vector_load %arg12[%swap3A_1099, %swap3A_1100] {strides = array<i32>} : memref<40x128xf32, #tpu.memory_space<vmem>>, vector<1x16xf32>,
          %swap3A_1102 = vector.shape_cast %swap3A_1101 : vector<1x16xf32> to vector<16xf32>
          %swap3A_1103 = vector.shape_cast %max3A_1098 : vector<16xf32> to vector<1x16xf32>
          tpu.vector_store %arg12[%swap3A_1099, %swap3A_1100], %swap3A_1103 {strides = array<i32>} : memref<40x128xf32, #tpu.memory_space<vmem>>, vector<1x16xf32>,
          %get3A_1104 = arith.index_cast %add3A_1059 : i32 to index
          %get3A_1105 = arith.constant 32 : index
          %get3A_1106 = tpu.vector_load %arg12[%get3A_1104, %get3A_1105] {strides = array<i32>} : memref<40x128xf32, #tpu.memory_space<vmem>>, vector<1x16xf32>,
          %get3A_1107 = vector.shape_cast %get3A_1106 : vector<1x16xf32> to vector<16xf32>
          %get3A_1108 = arith.index_cast %add3A_1059 : i32 to index
          %get3A_1109 = arith.constant 32 : index
          %get3A_1110 = tpu.vector_load %arg13[%get3A_1108, %get3A_1109] {strides = array<i32>} : memref<40x128xf32, #tpu.memory_space<vmem>>, vector<1x16xf32>,
          %get3A_1111 = vector.shape_cast %get3A_1110 : vector<1x16xf32> to vector<16xf32>
          %add3A_1112 = arith.addf %get3A_1107, %get3A_1111 : vector<16xf32>
          %get3A_1113 = arith.index_cast %add3A_1059 : i32 to index
          %get3A_1114 = arith.constant 32 : index
          %get3A_1115 = tpu.vector_load %arg14[%get3A_1113, %get3A_1114] {strides = array<i32>} : memref<40x128xf32, #tpu.memory_space<vmem>>, vector<1x16xf32>,
          %get3A_1116 = vector.shape_cast %get3A_1115 : vector<1x16xf32> to vector<16xf32>
          %add3A_1117 = arith.addf %add3A_1112, %get3A_1116 : vector<16xf32>
          %max3A_1118 = arith.constant 0.000000e+00 : f32
          %max3A_1119 = vector.broadcast %max3A_1118 : f32 to vector<16xf32>
          %max3A_1120 = arith.maximumf %add3A_1117, %max3A_1119 : vector<16xf32>
          %swap3A_1121 = arith.index_cast %add3A_1059 : i32 to index
          %swap3A_1122 = arith.constant 32 : index
          %swap3A_1123 = tpu.vector_load %arg12[%swap3A_1121, %swap3A_1122] {strides = array<i32>} : memref<40x128xf32, #tpu.memory_space<vmem>>, vector<1x16xf32>,
          %swap3A_1124 = vector.shape_cast %swap3A_1123 : vector<1x16xf32> to vector<16xf32>
          %swap3A_1125 = vector.shape_cast %max3A_1120 : vector<16xf32> to vector<1x16xf32>
          tpu.vector_store %arg12[%swap3A_1121, %swap3A_1122], %swap3A_1125 {strides = array<i32>} : memref<40x128xf32, #tpu.memory_space<vmem>>, vector<1x16xf32>,
          %get3A_1126 = arith.index_cast %add3A_1059 : i32 to index
          %get3A_1127 = arith.constant 48 : index
          %get3A_1128 = tpu.vector_load %arg12[%get3A_1126, %get3A_1127] {strides = array<i32>} : memref<40x128xf32, #tpu.memory_space<vmem>>, vector<1x16xf32>,
          %get3A_1129 = vector.shape_cast %get3A_1128 : vector<1x16xf32> to vector<16xf32>
          %get3A_1130 = arith.index_cast %add3A_1059 : i32 to index
          %get3A_1131 = arith.constant 48 : index
          %get3A_1132 = tpu.vector_load %arg13[%get3A_1130, %get3A_1131] {strides = array<i32>} : memref<40x128xf32, #tpu.memory_space<vmem>>, vector<1x16xf32>,
          %get3A_1133 = vector.shape_cast %get3A_1132 : vector<1x16xf32> to vector<16xf32>
          %add3A_1134 = arith.addf %get3A_1129, %get3A_1133 : vector<16xf32>
          %get3A_1135 = arith.index_cast %add3A_1059 : i32 to index
          %get3A_1136 = arith.constant 48 : index
          %get3A_1137 = tpu.vector_load %arg14[%get3A_1135, %get3A_1136] {strides = array<i32>} : memref<40x128xf32, #tpu.memory_space<vmem>>, vector<1x16xf32>,
          %get3A_1138 = vector.shape_cast %get3A_1137 : vector<1x16xf32> to vector<16xf32>
          %add3A_1139 = arith.addf %add3A_1134, %get3A_1138 : vector<16xf32>
          %max3A_1140 = arith.constant 0.000000e+00 : f32
          %max3A_1141 = vector.broadcast %max3A_1140 : f32 to vector<16xf32>
          %max3A_1142 = arith.maximumf %add3A_1139, %max3A_1141 : vector<16xf32>
          %swap3A_1143 = arith.index_cast %add3A_1059 : i32 to index
          %swap3A_1144 = arith.constant 48 : index
          %swap3A_1145 = tpu.vector_load %arg12[%swap3A_1143, %swap3A_1144] {strides = array<i32>} : memref<40x128xf32, #tpu.memory_space<vmem>>, vector<1x16xf32>,
          %swap3A_1146 = vector.shape_cast %swap3A_1145 : vector<1x16xf32> to vector<16xf32>
          %swap3A_1147 = vector.shape_cast %max3A_1142 : vector<16xf32> to vector<1x16xf32>
          tpu.vector_store %arg12[%swap3A_1143, %swap3A_1144], %swap3A_1147 {strides = array<i32>} : memref<40x128xf32, #tpu.memory_space<vmem>>, vector<1x16xf32>,
          %get3A_1148 = arith.index_cast %add3A_1059 : i32 to index
          %get3A_1149 = arith.constant 64 : index
          %get3A_1150 = tpu.vector_load %arg12[%get3A_1148, %get3A_1149] {strides = array<i32>} : memref<40x128xf32, #tpu.memory_space<vmem>>, vector<1x16xf32>,
          %get3A_1151 = vector.shape_cast %get3A_1150 : vector<1x16xf32> to vector<16xf32>
          %get3A_1152 = arith.index_cast %add3A_1059 : i32 to index
          %get3A_1153 = arith.constant 64 : index
          %get3A_1154 = tpu.vector_load %arg13[%get3A_1152, %get3A_1153] {strides = array<i32>} : memref<40x128xf32, #tpu.memory_space<vmem>>, vector<1x16xf32>,
          %get3A_1155 = vector.shape_cast %get3A_1154 : vector<1x16xf32> to vector<16xf32>
          %add3A_1156 = arith.addf %get3A_1151, %get3A_1155 : vector<16xf32>
          %get3A_1157 = arith.index_cast %add3A_1059 : i32 to index
          %get3A_1158 = arith.constant 64 : index
          %get3A_1159 = tpu.vector_load %arg14[%get3A_1157, %get3A_1158] {strides = array<i32>} : memref<40x128xf32, #tpu.memory_space<vmem>>, vector<1x16xf32>,
          %get3A_1160 = vector.shape_cast %get3A_1159 : vector<1x16xf32> to vector<16xf32>
          %add3A_1161 = arith.addf %add3A_1156, %get3A_1160 : vector<16xf32>
          %max3A_1162 = arith.constant 0.000000e+00 : f32
          %max3A_1163 = vector.broadcast %max3A_1162 : f32 to vector<16xf32>
          %max3A_1164 = arith.maximumf %add3A_1161, %max3A_1163 : vector<16xf32>
          %swap3A_1165 = arith.index_cast %add3A_1059 : i32 to index
          %swap3A_1166 = arith.constant 64 : index
          %swap3A_1167 = tpu.vector_load %arg12[%swap3A_1165, %swap3A_1166] {strides = array<i32>} : memref<40x128xf32, #tpu.memory_space<vmem>>, vector<1x16xf32>,
          %swap3A_1168 = vector.shape_cast %swap3A_1167 : vector<1x16xf32> to vector<16xf32>
          %swap3A_1169 = vector.shape_cast %max3A_1164 : vector<16xf32> to vector<1x16xf32>
          tpu.vector_store %arg12[%swap3A_1165, %swap3A_1166], %swap3A_1169 {strides = array<i32>} : memref<40x128xf32, #tpu.memory_space<vmem>>, vector<1x16xf32>,
          %get3A_1170 = arith.index_cast %add3A_1059 : i32 to index
          %get3A_1171 = arith.constant 80 : index
          %get3A_1172 = tpu.vector_load %arg12[%get3A_1170, %get3A_1171] {strides = array<i32>} : memref<40x128xf32, #tpu.memory_space<vmem>>, vector<1x16xf32>,
          %get3A_1173 = vector.shape_cast %get3A_1172 : vector<1x16xf32> to vector<16xf32>
          %get3A_1174 = arith.index_cast %add3A_1059 : i32 to index
          %get3A_1175 = arith.constant 80 : index
          %get3A_1176 = tpu.vector_load %arg13[%get3A_1174, %get3A_1175] {strides = array<i32>} : memref<40x128xf32, #tpu.memory_space<vmem>>, vector<1x16xf32>,
          %get3A_1177 = vector.shape_cast %get3A_1176 : vector<1x16xf32> to vector<16xf32>
          %add3A_1178 = arith.addf %get3A_1173, %get3A_1177 : vector<16xf32>
          %get3A_1179 = arith.index_cast %add3A_1059 : i32 to index
          %get3A_1180 = arith.constant 80 : index
          %get3A_1181 = tpu.vector_load %arg14[%get3A_1179, %get3A_1180] {strides = array<i32>} : memref<40x128xf32, #tpu.memory_space<vmem>>, vector<1x16xf32>,
          %get3A_1182 = vector.shape_cast %get3A_1181 : vector<1x16xf32> to vector<16xf32>
          %add3A_1183 = arith.addf %add3A_1178, %get3A_1182 : vector<16xf32>
          %max3A_1184 = arith.constant 0.000000e+00 : f32
          %max3A_1185 = vector.broadcast %max3A_1184 : f32 to vector<16xf32>
          %max3A_1186 = arith.maximumf %add3A_1183, %max3A_1185 : vector<16xf32>
          %swap3A_1187 = arith.index_cast %add3A_1059 : i32 to index
          %swap3A_1188 = arith.constant 80 : index
          %swap3A_1189 = tpu.vector_load %arg12[%swap3A_1187, %swap3A_1188] {strides = array<i32>} : memref<40x128xf32, #tpu.memory_space<vmem>>, vector<1x16xf32>,
          %swap3A_1190 = vector.shape_cast %swap3A_1189 : vector<1x16xf32> to vector<16xf32>
          %swap3A_1191 = vector.shape_cast %max3A_1186 : vector<16xf32> to vector<1x16xf32>
          tpu.vector_store %arg12[%swap3A_1187, %swap3A_1188], %swap3A_1191 {strides = array<i32>} : memref<40x128xf32, #tpu.memory_space<vmem>>, vector<1x16xf32>,
          %get3A_1192 = arith.index_cast %add3A_1059 : i32 to index
          %get3A_1193 = arith.constant 96 : index
          %get3A_1194 = tpu.vector_load %arg12[%get3A_1192, %get3A_1193] {strides = array<i32>} : memref<40x128xf32, #tpu.memory_space<vmem>>, vector<1x16xf32>,
          %get3A_1195 = vector.shape_cast %get3A_1194 : vector<1x16xf32> to vector<16xf32>
          %get3A_1196 = arith.index_cast %add3A_1059 : i32 to index
          %get3A_1197 = arith.constant 96 : index
          %get3A_1198 = tpu.vector_load %arg13[%get3A_1196, %get3A_1197] {strides = array<i32>} : memref<40x128xf32, #tpu.memory_space<vmem>>, vector<1x16xf32>,
          %get3A_1199 = vector.shape_cast %get3A_1198 : vector<1x16xf32> to vector<16xf32>
          %add3A_1200 = arith.addf %get3A_1195, %get3A_1199 : vector<16xf32>
          %get3A_1201 = arith.index_cast %add3A_1059 : i32 to index
          %get3A_1202 = arith.constant 96 : index
          %get3A_1203 = tpu.vector_load %arg14[%get3A_1201, %get3A_1202] {strides = array<i32>} : memref<40x128xf32, #tpu.memory_space<vmem>>, vector<1x16xf32>,
          %get3A_1204 = vector.shape_cast %get3A_1203 : vector<1x16xf32> to vector<16xf32>
          %add3A_1205 = arith.addf %add3A_1200, %get3A_1204 : vector<16xf32>
          %max3A_1206 = arith.constant 0.000000e+00 : f32
          %max3A_1207 = vector.broadcast %max3A_1206 : f32 to vector<16xf32>
          %max3A_1208 = arith.maximumf %add3A_1205, %max3A_1207 : vector<16xf32>
          %swap3A_1209 = arith.index_cast %add3A_1059 : i32 to index
          %swap3A_1210 = arith.constant 96 : index
          %swap3A_1211 = tpu.vector_load %arg12[%swap3A_1209, %swap3A_1210] {strides = array<i32>} : memref<40x128xf32, #tpu.memory_space<vmem>>, vector<1x16xf32>,
          %swap3A_1212 = vector.shape_cast %swap3A_1211 : vector<1x16xf32> to vector<16xf32>
          %swap3A_1213 = vector.shape_cast %max3A_1208 : vector<16xf32> to vector<1x16xf32>
          tpu.vector_store %arg12[%swap3A_1209, %swap3A_1210], %swap3A_1213 {strides = array<i32>} : memref<40x128xf32, #tpu.memory_space<vmem>>, vector<1x16xf32>,
          %get3A_1214 = arith.index_cast %add3A_1059 : i32 to index
          %get3A_1215 = arith.constant 112 : index
          %get3A_1216 = tpu.vector_load %arg12[%get3A_1214, %get3A_1215] {strides = array<i32>} : memref<40x128xf32, #tpu.memory_space<vmem>>, vector<1x16xf32>,
          %get3A_1217 = vector.shape_cast %get3A_1216 : vector<1x16xf32> to vector<16xf32>
          %get3A_1218 = arith.index_cast %add3A_1059 : i32 to index
          %get3A_1219 = arith.constant 112 : index
          %get3A_1220 = tpu.vector_load %arg13[%get3A_1218, %get3A_1219] {strides = array<i32>} : memref<40x128xf32, #tpu.memory_space<vmem>>, vector<1x16xf32>,
          %get3A_1221 = vector.shape_cast %get3A_1220 : vector<1x16xf32> to vector<16xf32>
          %add3A_1222 = arith.addf %get3A_1217, %get3A_1221 : vector<16xf32>
          %get3A_1223 = arith.index_cast %add3A_1059 : i32 to index
          %get3A_1224 = arith.constant 112 : index
          %get3A_1225 = tpu.vector_load %arg14[%get3A_1223, %get3A_1224] {strides = array<i32>} : memref<40x128xf32, #tpu.memory_space<vmem>>, vector<1x16xf32>,
          %get3A_1226 = vector.shape_cast %get3A_1225 : vector<1x16xf32> to vector<16xf32>
          %add3A_1227 = arith.addf %add3A_1222, %get3A_1226 : vector<16xf32>
          %max3A_1228 = arith.constant 0.000000e+00 : f32
          %max3A_1229 = vector.broadcast %max3A_1228 : f32 to vector<16xf32>
          %max3A_1230 = arith.maximumf %add3A_1227, %max3A_1229 : vector<16xf32>
          %swap3A_1231 = arith.index_cast %add3A_1059 : i32 to index
          %swap3A_1232 = arith.constant 112 : index
          %swap3A_1233 = tpu.vector_load %arg12[%swap3A_1231, %swap3A_1232] {strides = array<i32>} : memref<40x128xf32, #tpu.memory_space<vmem>>, vector<1x16xf32>,
          %swap3A_1234 = vector.shape_cast %swap3A_1233 : vector<1x16xf32> to vector<16xf32>
          %swap3A_1235 = vector.shape_cast %max3A_1230 : vector<16xf32> to vector<1x16xf32>
          tpu.vector_store %arg12[%swap3A_1231, %swap3A_1232], %swap3A_1235 {strides = array<i32>} : memref<40x128xf32, #tpu.memory_space<vmem>>, vector<1x16xf32>,
        }
        %scan3A_496 = arith.constant 40 : i32
        %dma_start3A_497 = arith.constant 0 : i32
        %dma_start3A_498 = arith.constant 0 : i32
        %dma_start3A_499 = tpu.memref_slice %arg8[%select_n3A_448, %dma_start3A_497, %dma_start3A_498] : memref<3x5x40xi32, #tpu.memory_space<vmem>> -> memref<1x5x40xi32, #tpu.memory_space<vmem>>
        %dma_start3A_500 = tpu.memref_squeeze %dma_start3A_499 : memref<1x5x40xi32, #tpu.memory_space<vmem>> -> memref<5x40xi32, #tpu.memory_space<vmem>>
        %dma_start3A_501 = arith.constant 0 : i32
        %dma_start3A_502 = tpu.memref_slice %dma_start3A_500[%select_n3A_464, %dma_start3A_501] : memref<5x40xi32, #tpu.memory_space<vmem>> -> memref<1x40xi32, #tpu.memory_space<vmem>>
        %dma_start3A_503 = tpu.memref_squeeze %dma_start3A_502 : memref<1x40xi32, #tpu.memory_space<vmem>> -> memref<40xi32, #tpu.memory_space<vmem>>
        %dma_start3A_504 = arith.constant 0 : i32
        %dma_start3A_505 = arith.constant 0 : i32
        %dma_start3A_506 = tpu.memref_slice %arg15[%dma_start3A_504, %dma_start3A_505] : memref<10112x128xf32, #tpu.memory_space<vmem_shared>> -> memref<10112x128xf32, #tpu.memory_space<vmem_shared>>
        tpu.enqueue_indirect_dma source(%arg12 : memref<40x128xf32, #tpu.memory_space<vmem>>) target(%dma_start3A_506 : memref<10112x128xf32, #tpu.memory_space<vmem_shared>>) offsets(%dma_start3A_503 : memref<40xi32, #tpu.memory_space<vmem>>) semaphore(%arg19 : memref<!tpu.dma_semaphore, #tpu.memory_space<semaphore_mem>>) {add = true}
        %lt3A_507 = arith.constant 249 : i32
        %lt3A_508 = arith.cmpi slt, %add3A_185, %lt3A_507 : i32
        %convert_element_type3A_509 = arith.extui %lt3A_508 : i1 to i32
        %cond3A_510 = arith.constant 0 : i32
        %cond3A_511 = arith.cmpi ne, %convert_element_type3A_509, %cond3A_510 : i32
        scf.if %cond3A_511 {
          %add3A_512 = arith.constant 1 : i32
          %add3A_513 = arith.addi %add3A_185, %add3A_512 : i32
          %mul3A_514 = arith.constant 40 : i32
          %mul3A_515 = arith.muli %add3A_513, %mul3A_514 : i32
          %add3A_516 = arith.addi %mul3A_2, %mul3A_515 : i32
          %dma_start3A_517 = arith.constant 0 : i32
          %dma_start3A_518 = tpu.memref_slice %arg4[%add3A_516, %dma_start3A_517] : memref<320000x128xf32, #tpu.memory_space<hbm>> -> memref<40x128xf32, #tpu.memory_space<hbm>>
          %dma_start3A_519 = arith.constant 0 : i32
          %dma_start3A_520 = tpu.memref_slice %arg4[%add3A_516, %dma_start3A_519] : memref<320000x128xf32, #tpu.memory_space<hbm>> -> memref<40x128xf32, #tpu.memory_space<hbm>>
          tpu.enqueue_dma source(%dma_start3A_520 : memref<40x128xf32, #tpu.memory_space<hbm>>) target(%arg14 : memref<40x128xf32, #tpu.memory_space<vmem>>) target_semaphore(%arg20 : memref<!tpu.dma_semaphore, #tpu.memory_space<semaphore_mem>>)
        } else {
        }
      } else {
      }
      %add3A_243 = arith.constant 1 : i32
      %add3A_244 = arith.addi %add3A_185, %add3A_243 : i32
      %jit3A_245 = arith.constant 5 : i32
      %eq3A_246 = arith.constant 0 : i32
      %eq3A_247 = arith.cmpi eq, %jit3A_245, %eq3A_246 : i32
      %jit3A_248 = arith.constant 1 : i32
      %select_n3A_249 = arith.select %eq3A_247, %jit3A_248, %jit3A_245 : i32
      %rem3A_250 = arith.remsi %add3A_244, %select_n3A_249 : i32
      %ne3A_251 = arith.constant 0 : i32
      %ne3A_252 = arith.cmpi ne, %rem3A_250, %ne3A_251 : i32
      %lt3A_253 = arith.constant 0 : i32
      %lt3A_254 = arith.cmpi slt, %rem3A_250, %lt3A_253 : i32
      %lt3A_255 = arith.constant 0 : i32
      %lt3A_256 = arith.cmpi slt, %select_n3A_249, %lt3A_255 : i32
      %ne3A_257 = arith.xori %lt3A_254, %lt3A_256 : i1
      %and3A_258 = arith.andi %ne3A_257, %ne3A_252 : i1
      %add3A_259 = arith.addi %rem3A_250, %select_n3A_249 : i32
      %select_n3A_260 = arith.select %and3A_258, %add3A_259, %rem3A_250 : i32
      %eq3A_261 = arith.constant 0 : i32
      %eq3A_262 = arith.cmpi eq, %select_n3A_260, %eq3A_261 : i32
      %convert_element_type3A_263 = arith.extui %eq3A_262 : i1 to i32
      %cond3A_264 = arith.constant 0 : i32
      %cond3A_265 = arith.cmpi ne, %convert_element_type3A_263, %cond3A_264 : i32
      scf.if %cond3A_265 {
        %add3A_266 = arith.constant 1 : i32
        %add3A_267 = arith.addi %add3A_185, %add3A_266 : i32
        %jit3A_268 = arith.constant 5 : i32
        %div3A = arith.divsi %add3A_267, %jit3A_268 : i32
        %sign3A = arith.constant 0 : i32
        %sign3A_269 = arith.cmpi sgt, %add3A_267, %sign3A : i32
        %sign3A_270 = arith.extui %sign3A_269 : i1 to i32
        %sign3A_271 = arith.constant 0 : i32
        %sign3A_272 = arith.cmpi slt, %add3A_267, %sign3A_271 : i32
        %sign3A_273 = arith.extui %sign3A_272 : i1 to i32
        %sign3A_274 = arith.subi %sign3A_270, %sign3A_273 : i32
        %sign3A_275 = arith.constant 0 : i32
        %sign3A_276 = arith.cmpi sgt, %jit3A_268, %sign3A_275 : i32
        %sign3A_277 = arith.extui %sign3A_276 : i1 to i32
        %sign3A_278 = arith.constant 0 : i32
        %sign3A_279 = arith.cmpi slt, %jit3A_268, %sign3A_278 : i32
        %sign3A_280 = arith.extui %sign3A_279 : i1 to i32
        %sign3A_281 = arith.subi %sign3A_277, %sign3A_280 : i32
        %ne3A_282 = arith.cmpi ne, %sign3A_274, %sign3A_281 : i32
        %rem3A_283 = arith.remsi %add3A_267, %jit3A_268 : i32
        %ne3A_284 = arith.constant 0 : i32
        %ne3A_285 = arith.cmpi ne, %rem3A_283, %ne3A_284 : i32
        %and3A_286 = arith.andi %ne3A_282, %ne3A_285 : i1
        %sub3A = arith.constant 1 : i32
        %sub3A_287 = arith.subi %div3A, %sub3A : i32
        %select_n3A_288 = arith.select %and3A_286, %sub3A_287, %div3A : i32
        %lt3A_289 = arith.constant 50 : i32
        %lt3A_290 = arith.cmpi slt, %select_n3A_288, %lt3A_289 : i32
        %convert_element_type3A_291 = arith.extui %lt3A_290 : i1 to i32
        %cond3A_292 = arith.constant 0 : i32
        %cond3A_293 = arith.cmpi ne, %convert_element_type3A_291, %cond3A_292 : i32
        scf.if %cond3A_293 {
          %jit3A_294 = arith.constant 3 : i32
          %eq3A_295 = arith.constant 0 : i32
          %eq3A_296 = arith.cmpi eq, %jit3A_294, %eq3A_295 : i32
          %jit3A_297 = arith.constant 1 : i32
          %select_n3A_298 = arith.select %eq3A_296, %jit3A_297, %jit3A_294 : i32
          %rem3A_299 = arith.remsi %select_n3A_288, %select_n3A_298 : i32
          %ne3A_300 = arith.constant 0 : i32
          %ne3A_301 = arith.cmpi ne, %rem3A_299, %ne3A_300 : i32
          %lt3A_302 = arith.constant 0 : i32
          %lt3A_303 = arith.cmpi slt, %rem3A_299, %lt3A_302 : i32
          %lt3A_304 = arith.constant 0 : i32
          %lt3A_305 = arith.cmpi slt, %select_n3A_298, %lt3A_304 : i32
          %ne3A_306 = arith.xori %lt3A_303, %lt3A_305 : i1
          %and3A_307 = arith.andi %ne3A_306, %ne3A_301 : i1
          %add3A_308 = arith.addi %rem3A_299, %select_n3A_298 : i32
          %select_n3A_309 = arith.select %and3A_307, %add3A_308, %rem3A_299 : i32
          %dma_wait3A_310 = arith.constant 0 : i32
          %dma_wait3A_311 = arith.constant 0 : i32
          %dma_wait3A_312 = tpu.memref_slice %arg8[%select_n3A_309, %dma_wait3A_310, %dma_wait3A_311] : memref<3x5x40xi32, #tpu.memory_space<vmem>> -> memref<1x5x40xi32, #tpu.memory_space<vmem>>
          %dma_wait3A_313 = tpu.memref_squeeze %dma_wait3A_312 : memref<1x5x40xi32, #tpu.memory_space<vmem>> -> memref<5x40xi32, #tpu.memory_space<vmem>>
          %dma_wait3A_314 = arith.constant 0 : i32
          %dma_wait3A_315 = arith.constant 0 : i32
          %dma_wait3A_316 = arith.constant 0 : i32
          %dma_wait3A_317 = tpu.memref_slice %arg5[%add3A, %dma_wait3A_314, %dma_wait3A_315, %dma_wait3A_316] : memref<32x50x5x40xi32, #tpu.memory_space<hbm>> -> memref<1x50x5x40xi32, #tpu.memory_space<hbm>>
          %dma_wait3A_318 = tpu.memref_squeeze %dma_wait3A_317 : memref<1x50x5x40xi32, #tpu.memory_space<hbm>> -> memref<50x5x40xi32, #tpu.memory_space<hbm>>
          %dma_wait3A_319 = arith.constant 0 : i32
          %dma_wait3A_320 = arith.constant 0 : i32
          %dma_wait3A_321 = tpu.memref_slice %dma_wait3A_318[%select_n3A_288, %dma_wait3A_319, %dma_wait3A_320] : memref<50x5x40xi32, #tpu.memory_space<hbm>> -> memref<1x5x40xi32, #tpu.memory_space<hbm>>
          %dma_wait3A_322 = tpu.memref_squeeze %dma_wait3A_321 : memref<1x5x40xi32, #tpu.memory_space<hbm>> -> memref<5x40xi32, #tpu.memory_space<hbm>>
          %dma_wait3A_323 = arith.constant 0 : i32
          %dma_wait3A_324 = arith.constant 0 : i32
          %dma_wait3A_325 = tpu.memref_slice %arg8[%select_n3A_309, %dma_wait3A_323, %dma_wait3A_324] : memref<3x5x40xi32, #tpu.memory_space<vmem>> -> memref<1x5x40xi32, #tpu.memory_space<vmem>>
          %dma_wait3A_326 = tpu.memref_squeeze %dma_wait3A_325 : memref<1x5x40xi32, #tpu.memory_space<vmem>> -> memref<5x40xi32, #tpu.memory_space<vmem>>
          %dma_wait3A_327 = arith.constant 0 : i32
          %dma_wait3A_328 = arith.constant 0 : i32
          %dma_wait3A_329 = arith.constant 0 : i32
          %dma_wait3A_330 = tpu.memref_slice %arg5[%add3A, %dma_wait3A_327, %dma_wait3A_328, %dma_wait3A_329] : memref<32x50x5x40xi32, #tpu.memory_space<hbm>> -> memref<1x50x5x40xi32, #tpu.memory_space<hbm>>
          %dma_wait3A_331 = tpu.memref_squeeze %dma_wait3A_330 : memref<1x50x5x40xi32, #tpu.memory_space<hbm>> -> memref<50x5x40xi32, #tpu.memory_space<hbm>>
          %dma_wait3A_332 = arith.constant 0 : i32
          %dma_wait3A_333 = arith.constant 0 : i32
          %dma_wait3A_334 = tpu.memref_slice %dma_wait3A_331[%select_n3A_288, %dma_wait3A_332, %dma_wait3A_333] : memref<50x5x40xi32, #tpu.memory_space<hbm>> -> memref<1x5x40xi32, #tpu.memory_space<hbm>>
          %dma_wait3A_335 = tpu.memref_squeeze %dma_wait3A_334 : memref<1x5x40xi32, #tpu.memory_space<hbm>> -> memref<5x40xi32, #tpu.memory_space<hbm>>
          tpu.wait_dma2 semaphore(%arg21 : memref<!tpu.dma_semaphore, #tpu.memory_space<semaphore_mem>>) src(%dma_wait3A_335 : memref<5x40xi32, #tpu.memory_space<hbm>>) dst(%dma_wait3A_326 : memref<5x40xi32, #tpu.memory_space<vmem>>)
          %jit3A_336 = arith.constant 3 : i32
          %eq3A_337 = arith.constant 0 : i32
          %eq3A_338 = arith.cmpi eq, %jit3A_336, %eq3A_337 : i32
          %jit3A_339 = arith.constant 1 : i32
          %select_n3A_340 = arith.select %eq3A_338, %jit3A_339, %jit3A_336 : i32
          %rem3A_341 = arith.remsi %select_n3A_288, %select_n3A_340 : i32
          %ne3A_342 = arith.constant 0 : i32
          %ne3A_343 = arith.cmpi ne, %rem3A_341, %ne3A_342 : i32
          %lt3A_344 = arith.constant 0 : i32
          %lt3A_345 = arith.cmpi slt, %rem3A_341, %lt3A_344 : i32
          %lt3A_346 = arith.constant 0 : i32
          %lt3A_347 = arith.cmpi slt, %select_n3A_340, %lt3A_346 : i32
          %ne3A_348 = arith.xori %lt3A_345, %lt3A_347 : i1
          %and3A_349 = arith.andi %ne3A_348, %ne3A_343 : i1
          %add3A_350 = arith.addi %rem3A_341, %select_n3A_340 : i32
          %select_n3A_351 = arith.select %and3A_349, %add3A_350, %rem3A_341 : i32
          %dma_wait3A_352 = arith.constant 0 : i32
          %dma_wait3A_353 = arith.constant 0 : i32
          %dma_wait3A_354 = tpu.memref_slice %arg9[%select_n3A_351, %dma_wait3A_352, %dma_wait3A_353] : memref<3x5x40xi32, #tpu.memory_space<vmem>> -> memref<1x5x40xi32, #tpu.memory_space<vmem>>
          %dma_wait3A_355 = tpu.memref_squeeze %dma_wait3A_354 : memref<1x5x40xi32, #tpu.memory_space<vmem>> -> memref<5x40xi32, #tpu.memory_space<vmem>>
          %dma_wait3A_356 = arith.constant 0 : i32
          %dma_wait3A_357 = arith.constant 0 : i32
          %dma_wait3A_358 = arith.constant 0 : i32
          %dma_wait3A_359 = tpu.memref_slice %arg6[%add3A, %dma_wait3A_356, %dma_wait3A_357, %dma_wait3A_358] : memref<32x50x5x40xi32, #tpu.memory_space<hbm>> -> memref<1x50x5x40xi32, #tpu.memory_space<hbm>>
          %dma_wait3A_360 = tpu.memref_squeeze %dma_wait3A_359 : memref<1x50x5x40xi32, #tpu.memory_space<hbm>> -> memref<50x5x40xi32, #tpu.memory_space<hbm>>
          %dma_wait3A_361 = arith.constant 0 : i32
          %dma_wait3A_362 = arith.constant 0 : i32
          %dma_wait3A_363 = tpu.memref_slice %dma_wait3A_360[%select_n3A_288, %dma_wait3A_361, %dma_wait3A_362] : memref<50x5x40xi32, #tpu.memory_space<hbm>> -> memref<1x5x40xi32, #tpu.memory_space<hbm>>
          %dma_wait3A_364 = tpu.memref_squeeze %dma_wait3A_363 : memref<1x5x40xi32, #tpu.memory_space<hbm>> -> memref<5x40xi32, #tpu.memory_space<hbm>>
          %dma_wait3A_365 = arith.constant 0 : i32
          %dma_wait3A_366 = arith.constant 0 : i32
          %dma_wait3A_367 = tpu.memref_slice %arg9[%select_n3A_351, %dma_wait3A_365, %dma_wait3A_366] : memref<3x5x40xi32, #tpu.memory_space<vmem>> -> memref<1x5x40xi32, #tpu.memory_space<vmem>>
          %dma_wait3A_368 = tpu.memref_squeeze %dma_wait3A_367 : memref<1x5x40xi32, #tpu.memory_space<vmem>> -> memref<5x40xi32, #tpu.memory_space<vmem>>
          %dma_wait3A_369 = arith.constant 0 : i32
          %dma_wait3A_370 = arith.constant 0 : i32
          %dma_wait3A_371 = arith.constant 0 : i32
          %dma_wait3A_372 = tpu.memref_slice %arg6[%add3A, %dma_wait3A_369, %dma_wait3A_370, %dma_wait3A_371] : memref<32x50x5x40xi32, #tpu.memory_space<hbm>> -> memref<1x50x5x40xi32, #tpu.memory_space<hbm>>
          %dma_wait3A_373 = tpu.memref_squeeze %dma_wait3A_372 : memref<1x50x5x40xi32, #tpu.memory_space<hbm>> -> memref<50x5x40xi32, #tpu.memory_space<hbm>>
          %dma_wait3A_374 = arith.constant 0 : i32
          %dma_wait3A_375 = arith.constant 0 : i32
          %dma_wait3A_376 = tpu.memref_slice %dma_wait3A_373[%select_n3A_288, %dma_wait3A_374, %dma_wait3A_375] : memref<50x5x40xi32, #tpu.memory_space<hbm>> -> memref<1x5x40xi32, #tpu.memory_space<hbm>>
          %dma_wait3A_377 = tpu.memref_squeeze %dma_wait3A_376 : memref<1x5x40xi32, #tpu.memory_space<hbm>> -> memref<5x40xi32, #tpu.memory_space<hbm>>
          tpu.wait_dma2 semaphore(%arg21 : memref<!tpu.dma_semaphore, #tpu.memory_space<semaphore_mem>>) src(%dma_wait3A_377 : memref<5x40xi32, #tpu.memory_space<hbm>>) dst(%dma_wait3A_368 : memref<5x40xi32, #tpu.memory_space<vmem>>)
        } else {
        }
      } else {
      }
    }
    %scan3A_107 = arith.constant 249 : i32
    %dma_wait3A = arith.constant 1 : i32
    %dma_wait3A_108 = arith.constant 4 : i32
    %dma_wait3A_109 = arith.constant 0 : i32
    %dma_wait3A_110 = arith.constant 0 : i32
    %dma_wait3A_111 = tpu.memref_slice %arg8[%dma_wait3A, %dma_wait3A_109, %dma_wait3A_110] : memref<3x5x40xi32, #tpu.memory_space<vmem>> -> memref<1x5x40xi32, #tpu.memory_space<vmem>>
    %dma_wait3A_112 = tpu.memref_squeeze %dma_wait3A_111 : memref<1x5x40xi32, #tpu.memory_space<vmem>> -> memref<5x40xi32, #tpu.memory_space<vmem>>
    %dma_wait3A_113 = arith.constant 0 : i32
    %dma_wait3A_114 = tpu.memref_slice %dma_wait3A_112[%dma_wait3A_108, %dma_wait3A_113] : memref<5x40xi32, #tpu.memory_space<vmem>> -> memref<1x40xi32, #tpu.memory_space<vmem>>
    %dma_wait3A_115 = tpu.memref_squeeze %dma_wait3A_114 : memref<1x40xi32, #tpu.memory_space<vmem>> -> memref<40xi32, #tpu.memory_space<vmem>>
    %dma_wait3A_116 = arith.constant 0 : i32
    %dma_wait3A_117 = arith.constant 0 : i32
    %dma_wait3A_118 = tpu.memref_slice %arg2[%dma_wait3A_116, %dma_wait3A_117] : memref<10000x128xf32, #tpu.memory_space<hbm>> -> memref<10000x128xf32, #tpu.memory_space<hbm>>
    tpu.wait_indirect_dma semaphore(%arg17 : memref<!tpu.dma_semaphore, #tpu.memory_space<semaphore_mem>>) src(%dma_wait3A_118 : memref<10000x128xf32, #tpu.memory_space<hbm>>) dst(%arg12 : memref<40x128xf32, #tpu.memory_space<vmem>>)
    %dma_wait3A_119 = arith.constant 1 : i32
    %dma_wait3A_120 = arith.constant 4 : i32
    %dma_wait3A_121 = arith.constant 0 : i32
    %dma_wait3A_122 = arith.constant 0 : i32
    %dma_wait3A_123 = tpu.memref_slice %arg9[%dma_wait3A_119, %dma_wait3A_121, %dma_wait3A_122] : memref<3x5x40xi32, #tpu.memory_space<vmem>> -> memref<1x5x40xi32, #tpu.memory_space<vmem>>
    %dma_wait3A_124 = tpu.memref_squeeze %dma_wait3A_123 : memref<1x5x40xi32, #tpu.memory_space<vmem>> -> memref<5x40xi32, #tpu.memory_space<vmem>>
    %dma_wait3A_125 = arith.constant 0 : i32
    %dma_wait3A_126 = tpu.memref_slice %dma_wait3A_124[%dma_wait3A_120, %dma_wait3A_125] : memref<5x40xi32, #tpu.memory_space<vmem>> -> memref<1x40xi32, #tpu.memory_space<vmem>>
    %dma_wait3A_127 = tpu.memref_squeeze %dma_wait3A_126 : memref<1x40xi32, #tpu.memory_space<vmem>> -> memref<40xi32, #tpu.memory_space<vmem>>
    %dma_wait3A_128 = arith.constant 0 : i32
    %dma_wait3A_129 = arith.constant 0 : i32
    %dma_wait3A_130 = tpu.memref_slice %arg3[%dma_wait3A_128, %dma_wait3A_129] : memref<10000x128xf32, #tpu.memory_space<hbm>> -> memref<10000x128xf32, #tpu.memory_space<hbm>>
    tpu.wait_indirect_dma semaphore(%arg17 : memref<!tpu.dma_semaphore, #tpu.memory_space<semaphore_mem>>) src(%dma_wait3A_130 : memref<10000x128xf32, #tpu.memory_space<hbm>>) dst(%arg13 : memref<40x128xf32, #tpu.memory_space<vmem>>)
    %add3A_131 = arith.constant 9960 : i32
    %add3A_132 = arith.addi %mul3A_2, %add3A_131 : i32
    %dma_wait3A_133 = arith.constant 0 : i32
    %dma_wait3A_134 = tpu.memref_slice %arg4[%add3A_132, %dma_wait3A_133] : memref<320000x128xf32, #tpu.memory_space<hbm>> -> memref<40x128xf32, #tpu.memory_space<hbm>>
    %dma_wait3A_135 = arith.constant 0 : i32
    %dma_wait3A_136 = tpu.memref_slice %arg4[%add3A_132, %dma_wait3A_135] : memref<320000x128xf32, #tpu.memory_space<hbm>> -> memref<40x128xf32, #tpu.memory_space<hbm>>
    tpu.wait_dma2 semaphore(%arg20 : memref<!tpu.dma_semaphore, #tpu.memory_space<semaphore_mem>>) src(%dma_wait3A_136 : memref<40x128xf32, #tpu.memory_space<hbm>>) dst(%arg14 : memref<40x128xf32, #tpu.memory_space<vmem>>)
    %scan3A_137 = arith.constant 0 : i32
    %scan3A_138 = arith.constant 40 : i32
    %scan3A_139 = arith.addi %scan3A_137, %scan3A_138 : i32
    %scan3A_140 = arith.constant 4 : i32
    scf.for %scan3A_181 = %scan3A_137 to %scan3A_139 step %scan3A_140  : i32 {
      %mul3A_182 = arith.constant 1 : i32
      %mul3A_183 = arith.muli %scan3A_181, %mul3A_182 : i32
      %add3A_184 = arith.constant 0 : i32
      %add3A_185 = arith.addi %add3A_184, %mul3A_183 : i32
      %get3A = arith.index_cast %add3A_185 : i32 to index
      %get3A_186 = arith.constant 0 : index
      %get3A_187 = tpu.vector_load %arg12[%get3A, %get3A_186] {strides = array<i32>} : memref<40x128xf32, #tpu.memory_space<vmem>>, vector<1x16xf32>,
      %get3A_188 = vector.shape_cast %get3A_187 : vector<1x16xf32> to vector<16xf32>
      %get3A_189 = arith.index_cast %add3A_185 : i32 to index
      %get3A_190 = arith.constant 0 : index
      %get3A_191 = tpu.vector_load %arg13[%get3A_189, %get3A_190] {strides = array<i32>} : memref<40x128xf32, #tpu.memory_space<vmem>>, vector<1x16xf32>,
      %get3A_192 = vector.shape_cast %get3A_191 : vector<1x16xf32> to vector<16xf32>
      %add3A_193 = arith.addf %get3A_188, %get3A_192 : vector<16xf32>
      %get3A_194 = arith.index_cast %add3A_185 : i32 to index
      %get3A_195 = arith.constant 0 : index
      %get3A_196 = tpu.vector_load %arg14[%get3A_194, %get3A_195] {strides = array<i32>} : memref<40x128xf32, #tpu.memory_space<vmem>>, vector<1x16xf32>,
      %get3A_197 = vector.shape_cast %get3A_196 : vector<1x16xf32> to vector<16xf32>
      %add3A_198 = arith.addf %add3A_193, %get3A_197 : vector<16xf32>
      %max3A = arith.constant 0.000000e+00 : f32
      %max3A_199 = vector.broadcast %max3A : f32 to vector<16xf32>
      %max3A_200 = arith.maximumf %add3A_198, %max3A_199 : vector<16xf32>
      %swap3A = arith.index_cast %add3A_185 : i32 to index
      %swap3A_201 = arith.constant 0 : index
      %swap3A_202 = tpu.vector_load %arg12[%swap3A, %swap3A_201] {strides = array<i32>} : memref<40x128xf32, #tpu.memory_space<vmem>>, vector<1x16xf32>,
      %swap3A_203 = vector.shape_cast %swap3A_202 : vector<1x16xf32> to vector<16xf32>
      %swap3A_204 = vector.shape_cast %max3A_200 : vector<16xf32> to vector<1x16xf32>
      tpu.vector_store %arg12[%swap3A, %swap3A_201], %swap3A_204 {strides = array<i32>} : memref<40x128xf32, #tpu.memory_space<vmem>>, vector<1x16xf32>,
      %get3A_205 = arith.index_cast %add3A_185 : i32 to index
      %get3A_206 = arith.constant 16 : index
      %get3A_207 = tpu.vector_load %arg12[%get3A_205, %get3A_206] {strides = array<i32>} : memref<40x128xf32, #tpu.memory_space<vmem>>, vector<1x16xf32>,
      %get3A_208 = vector.shape_cast %get3A_207 : vector<1x16xf32> to vector<16xf32>
      %get3A_209 = arith.index_cast %add3A_185 : i32 to index
      %get3A_210 = arith.constant 16 : index
      %get3A_211 = tpu.vector_load %arg13[%get3A_209, %get3A_210] {strides = array<i32>} : memref<40x128xf32, #tpu.memory_space<vmem>>, vector<1x16xf32>,
      %get3A_212 = vector.shape_cast %get3A_211 : vector<1x16xf32> to vector<16xf32>
      %add3A_213 = arith.addf %get3A_208, %get3A_212 : vector<16xf32>
      %get3A_214 = arith.index_cast %add3A_185 : i32 to index
      %get3A_215 = arith.constant 16 : index
      %get3A_216 = tpu.vector_load %arg14[%get3A_214, %get3A_215] {strides = array<i32>} : memref<40x128xf32, #tpu.memory_space<vmem>>, vector<1x16xf32>,
      %get3A_217 = vector.shape_cast %get3A_216 : vector<1x16xf32> to vector<16xf32>
      %add3A_218 = arith.addf %add3A_213, %get3A_217 : vector<16xf32>
      %max3A_219 = arith.constant 0.000000e+00 : f32
      %max3A_220 = vector.broadcast %max3A_219 : f32 to vector<16xf32>
      %max3A_221 = arith.maximumf %add3A_218, %max3A_220 : vector<16xf32>
      %swap3A_222 = arith.index_cast %add3A_185 : i32 to index
      %swap3A_223 = arith.constant 16 : index
      %swap3A_224 = tpu.vector_load %arg12[%swap3A_222, %swap3A_223] {strides = array<i32>} : memref<40x128xf32, #tpu.memory_space<vmem>>, vector<1x16xf32>,
      %swap3A_225 = vector.shape_cast %swap3A_224 : vector<1x16xf32> to vector<16xf32>
      %swap3A_226 = vector.shape_cast %max3A_221 : vector<16xf32> to vector<1x16xf32>
      tpu.vector_store %arg12[%swap3A_222, %swap3A_223], %swap3A_226 {strides = array<i32>} : memref<40x128xf32, #tpu.memory_space<vmem>>, vector<1x16xf32>,
      %get3A_227 = arith.index_cast %add3A_185 : i32 to index
      %get3A_228 = arith.constant 32 : index
      %get3A_229 = tpu.vector_load %arg12[%get3A_227, %get3A_228] {strides = array<i32>} : memref<40x128xf32, #tpu.memory_space<vmem>>, vector<1x16xf32>,
      %get3A_230 = vector.shape_cast %get3A_229 : vector<1x16xf32> to vector<16xf32>
      %get3A_231 = arith.index_cast %add3A_185 : i32 to index
      %get3A_232 = arith.constant 32 : index
      %get3A_233 = tpu.vector_load %arg13[%get3A_231, %get3A_232] {strides = array<i32>} : memref<40x128xf32, #tpu.memory_space<vmem>>, vector<1x16xf32>,
      %get3A_234 = vector.shape_cast %get3A_233 : vector<1x16xf32> to vector<16xf32>
      %add3A_235 = arith.addf %get3A_230, %get3A_234 : vector<16xf32>
      %get3A_236 = arith.index_cast %add3A_185 : i32 to index
      %get3A_237 = arith.constant 32 : index
      %get3A_238 = tpu.vector_load %arg14[%get3A_236, %get3A_237] {strides = array<i32>} : memref<40x128xf32, #tpu.memory_space<vmem>>, vector<1x16xf32>,
      %get3A_239 = vector.shape_cast %get3A_238 : vector<1x16xf32> to vector<16xf32>
      %add3A_240 = arith.addf %add3A_235, %get3A_239 : vector<16xf32>
      %max3A_241 = arith.constant 0.000000e+00 : f32
      %max3A_242 = vector.broadcast %max3A_241 : f32 to vector<16xf32>
      %max3A_243 = arith.maximumf %add3A_240, %max3A_242 : vector<16xf32>
      %swap3A_244 = arith.index_cast %add3A_185 : i32 to index
      %swap3A_245 = arith.constant 32 : index
      %swap3A_246 = tpu.vector_load %arg12[%swap3A_244, %swap3A_245] {strides = array<i32>} : memref<40x128xf32, #tpu.memory_space<vmem>>, vector<1x16xf32>,
      %swap3A_247 = vector.shape_cast %swap3A_246 : vector<1x16xf32> to vector<16xf32>
      %swap3A_248 = vector.shape_cast %max3A_243 : vector<16xf32> to vector<1x16xf32>
      tpu.vector_store %arg12[%swap3A_244, %swap3A_245], %swap3A_248 {strides = array<i32>} : memref<40x128xf32, #tpu.memory_space<vmem>>, vector<1x16xf32>,
      %get3A_249 = arith.index_cast %add3A_185 : i32 to index
      %get3A_250 = arith.constant 48 : index
      %get3A_251 = tpu.vector_load %arg12[%get3A_249, %get3A_250] {strides = array<i32>} : memref<40x128xf32, #tpu.memory_space<vmem>>, vector<1x16xf32>,
      %get3A_252 = vector.shape_cast %get3A_251 : vector<1x16xf32> to vector<16xf32>
      %get3A_253 = arith.index_cast %add3A_185 : i32 to index
      %get3A_254 = arith.constant 48 : index
      %get3A_255 = tpu.vector_load %arg13[%get3A_253, %get3A_254] {strides = array<i32>} : memref<40x128xf32, #tpu.memory_space<vmem>>, vector<1x16xf32>,
      %get3A_256 = vector.shape_cast %get3A_255 : vector<1x16xf32> to vector<16xf32>
      %add3A_257 = arith.addf %get3A_252, %get3A_256 : vector<16xf32>
      %get3A_258 = arith.index_cast %add3A_185 : i32 to index
      %get3A_259 = arith.constant 48 : index
      %get3A_260 = tpu.vector_load %arg14[%get3A_258, %get3A_259] {strides = array<i32>} : memref<40x128xf32, #tpu.memory_space<vmem>>, vector<1x16xf32>,
      %get3A_261 = vector.shape_cast %get3A_260 : vector<1x16xf32> to vector<16xf32>
      %add3A_262 = arith.addf %add3A_257, %get3A_261 : vector<16xf32>
      %max3A_263 = arith.constant 0.000000e+00 : f32
      %max3A_264 = vector.broadcast %max3A_263 : f32 to vector<16xf32>
      %max3A_265 = arith.maximumf %add3A_262, %max3A_264 : vector<16xf32>
      %swap3A_266 = arith.index_cast %add3A_185 : i32 to index
      %swap3A_267 = arith.constant 48 : index
      %swap3A_268 = tpu.vector_load %arg12[%swap3A_266, %swap3A_267] {strides = array<i32>} : memref<40x128xf32, #tpu.memory_space<vmem>>, vector<1x16xf32>,
      %swap3A_269 = vector.shape_cast %swap3A_268 : vector<1x16xf32> to vector<16xf32>
      %swap3A_270 = vector.shape_cast %max3A_265 : vector<16xf32> to vector<1x16xf32>
      tpu.vector_store %arg12[%swap3A_266, %swap3A_267], %swap3A_270 {strides = array<i32>} : memref<40x128xf32, #tpu.memory_space<vmem>>, vector<1x16xf32>,
      %get3A_271 = arith.index_cast %add3A_185 : i32 to index
      %get3A_272 = arith.constant 64 : index
      %get3A_273 = tpu.vector_load %arg12[%get3A_271, %get3A_272] {strides = array<i32>} : memref<40x128xf32, #tpu.memory_space<vmem>>, vector<1x16xf32>,
      %get3A_274 = vector.shape_cast %get3A_273 : vector<1x16xf32> to vector<16xf32>
      %get3A_275 = arith.index_cast %add3A_185 : i32 to index
      %get3A_276 = arith.constant 64 : index
      %get3A_277 = tpu.vector_load %arg13[%get3A_275, %get3A_276] {strides = array<i32>} : memref<40x128xf32, #tpu.memory_space<vmem>>, vector<1x16xf32>,
      %get3A_278 = vector.shape_cast %get3A_277 : vector<1x16xf32> to vector<16xf32>
      %add3A_279 = arith.addf %get3A_274, %get3A_278 : vector<16xf32>
      %get3A_280 = arith.index_cast %add3A_185 : i32 to index
      %get3A_281 = arith.constant 64 : index
      %get3A_282 = tpu.vector_load %arg14[%get3A_280, %get3A_281] {strides = array<i32>} : memref<40x128xf32, #tpu.memory_space<vmem>>, vector<1x16xf32>,
      %get3A_283 = vector.shape_cast %get3A_282 : vector<1x16xf32> to vector<16xf32>
      %add3A_284 = arith.addf %add3A_279, %get3A_283 : vector<16xf32>
      %max3A_285 = arith.constant 0.000000e+00 : f32
      %max3A_286 = vector.broadcast %max3A_285 : f32 to vector<16xf32>
      %max3A_287 = arith.maximumf %add3A_284, %max3A_286 : vector<16xf32>
      %swap3A_288 = arith.index_cast %add3A_185 : i32 to index
      %swap3A_289 = arith.constant 64 : index
      %swap3A_290 = tpu.vector_load %arg12[%swap3A_288, %swap3A_289] {strides = array<i32>} : memref<40x128xf32, #tpu.memory_space<vmem>>, vector<1x16xf32>,
      %swap3A_291 = vector.shape_cast %swap3A_290 : vector<1x16xf32> to vector<16xf32>
      %swap3A_292 = vector.shape_cast %max3A_287 : vector<16xf32> to vector<1x16xf32>
      tpu.vector_store %arg12[%swap3A_288, %swap3A_289], %swap3A_292 {strides = array<i32>} : memref<40x128xf32, #tpu.memory_space<vmem>>, vector<1x16xf32>,
      %get3A_293 = arith.index_cast %add3A_185 : i32 to index
      %get3A_294 = arith.constant 80 : index
      %get3A_295 = tpu.vector_load %arg12[%get3A_293, %get3A_294] {strides = array<i32>} : memref<40x128xf32, #tpu.memory_space<vmem>>, vector<1x16xf32>,
      %get3A_296 = vector.shape_cast %get3A_295 : vector<1x16xf32> to vector<16xf32>
      %get3A_297 = arith.index_cast %add3A_185 : i32 to index
      %get3A_298 = arith.constant 80 : index
      %get3A_299 = tpu.vector_load %arg13[%get3A_297, %get3A_298] {strides = array<i32>} : memref<40x128xf32, #tpu.memory_space<vmem>>, vector<1x16xf32>,
      %get3A_300 = vector.shape_cast %get3A_299 : vector<1x16xf32> to vector<16xf32>
      %add3A_301 = arith.addf %get3A_296, %get3A_300 : vector<16xf32>
      %get3A_302 = arith.index_cast %add3A_185 : i32 to index
      %get3A_303 = arith.constant 80 : index
      %get3A_304 = tpu.vector_load %arg14[%get3A_302, %get3A_303] {strides = array<i32>} : memref<40x128xf32, #tpu.memory_space<vmem>>, vector<1x16xf32>,
      %get3A_305 = vector.shape_cast %get3A_304 : vector<1x16xf32> to vector<16xf32>
      %add3A_306 = arith.addf %add3A_301, %get3A_305 : vector<16xf32>
      %max3A_307 = arith.constant 0.000000e+00 : f32
      %max3A_308 = vector.broadcast %max3A_307 : f32 to vector<16xf32>
      %max3A_309 = arith.maximumf %add3A_306, %max3A_308 : vector<16xf32>
      %swap3A_310 = arith.index_cast %add3A_185 : i32 to index
      %swap3A_311 = arith.constant 80 : index
      %swap3A_312 = tpu.vector_load %arg12[%swap3A_310, %swap3A_311] {strides = array<i32>} : memref<40x128xf32, #tpu.memory_space<vmem>>, vector<1x16xf32>,
      %swap3A_313 = vector.shape_cast %swap3A_312 : vector<1x16xf32> to vector<16xf32>
      %swap3A_314 = vector.shape_cast %max3A_309 : vector<16xf32> to vector<1x16xf32>
      tpu.vector_store %arg12[%swap3A_310, %swap3A_311], %swap3A_314 {strides = array<i32>} : memref<40x128xf32, #tpu.memory_space<vmem>>, vector<1x16xf32>,
      %get3A_315 = arith.index_cast %add3A_185 : i32 to index
      %get3A_316 = arith.constant 96 : index
      %get3A_317 = tpu.vector_load %arg12[%get3A_315, %get3A_316] {strides = array<i32>} : memref<40x128xf32, #tpu.memory_space<vmem>>, vector<1x16xf32>,
      %get3A_318 = vector.shape_cast %get3A_317 : vector<1x16xf32> to vector<16xf32>
      %get3A_319 = arith.index_cast %add3A_185 : i32 to index
      %get3A_320 = arith.constant 96 : index
      %get3A_321 = tpu.vector_load %arg13[%get3A_319, %get3A_320] {strides = array<i32>} : memref<40x128xf32, #tpu.memory_space<vmem>>, vector<1x16xf32>,
      %get3A_322 = vector.shape_cast %get3A_321 : vector<1x16xf32> to vector<16xf32>
      %add3A_323 = arith.addf %get3A_318, %get3A_322 : vector<16xf32>
      %get3A_324 = arith.index_cast %add3A_185 : i32 to index
      %get3A_325 = arith.constant 96 : index
      %get3A_326 = tpu.vector_load %arg14[%get3A_324, %get3A_325] {strides = array<i32>} : memref<40x128xf32, #tpu.memory_space<vmem>>, vector<1x16xf32>,
      %get3A_327 = vector.shape_cast %get3A_326 : vector<1x16xf32> to vector<16xf32>
      %add3A_328 = arith.addf %add3A_323, %get3A_327 : vector<16xf32>
      %max3A_329 = arith.constant 0.000000e+00 : f32
      %max3A_330 = vector.broadcast %max3A_329 : f32 to vector<16xf32>
      %max3A_331 = arith.maximumf %add3A_328, %max3A_330 : vector<16xf32>
      %swap3A_332 = arith.index_cast %add3A_185 : i32 to index
      %swap3A_333 = arith.constant 96 : index
      %swap3A_334 = tpu.vector_load %arg12[%swap3A_332, %swap3A_333] {strides = array<i32>} : memref<40x128xf32, #tpu.memory_space<vmem>>, vector<1x16xf32>,
      %swap3A_335 = vector.shape_cast %swap3A_334 : vector<1x16xf32> to vector<16xf32>
      %swap3A_336 = vector.shape_cast %max3A_331 : vector<16xf32> to vector<1x16xf32>
      tpu.vector_store %arg12[%swap3A_332, %swap3A_333], %swap3A_336 {strides = array<i32>} : memref<40x128xf32, #tpu.memory_space<vmem>>, vector<1x16xf32>,
      %get3A_337 = arith.index_cast %add3A_185 : i32 to index
      %get3A_338 = arith.constant 112 : index
      %get3A_339 = tpu.vector_load %arg12[%get3A_337, %get3A_338] {strides = array<i32>} : memref<40x128xf32, #tpu.memory_space<vmem>>, vector<1x16xf32>,
      %get3A_340 = vector.shape_cast %get3A_339 : vector<1x16xf32> to vector<16xf32>
      %get3A_341 = arith.index_cast %add3A_185 : i32 to index
      %get3A_342 = arith.constant 112 : index
      %get3A_343 = tpu.vector_load %arg13[%get3A_341, %get3A_342] {strides = array<i32>} : memref<40x128xf32, #tpu.memory_space<vmem>>, vector<1x16xf32>,
      %get3A_344 = vector.shape_cast %get3A_343 : vector<1x16xf32> to vector<16xf32>
      %add3A_345 = arith.addf %get3A_340, %get3A_344 : vector<16xf32>
      %get3A_346 = arith.index_cast %add3A_185 : i32 to index
      %get3A_347 = arith.constant 112 : index
      %get3A_348 = tpu.vector_load %arg14[%get3A_346, %get3A_347] {strides = array<i32>} : memref<40x128xf32, #tpu.memory_space<vmem>>, vector<1x16xf32>,
      %get3A_349 = vector.shape_cast %get3A_348 : vector<1x16xf32> to vector<16xf32>
      %add3A_350 = arith.addf %add3A_345, %get3A_349 : vector<16xf32>
      %max3A_351 = arith.constant 0.000000e+00 : f32
      %max3A_352 = vector.broadcast %max3A_351 : f32 to vector<16xf32>
      %max3A_353 = arith.maximumf %add3A_350, %max3A_352 : vector<16xf32>
      %swap3A_354 = arith.index_cast %add3A_185 : i32 to index
      %swap3A_355 = arith.constant 112 : index
      %swap3A_356 = tpu.vector_load %arg12[%swap3A_354, %swap3A_355] {strides = array<i32>} : memref<40x128xf32, #tpu.memory_space<vmem>>, vector<1x16xf32>,
      %swap3A_357 = vector.shape_cast %swap3A_356 : vector<1x16xf32> to vector<16xf32>
      %swap3A_358 = vector.shape_cast %max3A_353 : vector<16xf32> to vector<1x16xf32>
      tpu.vector_store %arg12[%swap3A_354, %swap3A_355], %swap3A_358 {strides = array<i32>} : memref<40x128xf32, #tpu.memory_space<vmem>>, vector<1x16xf32>,
      %scan3A_359 = arith.constant 1 : i32
      %scan3A_360 = arith.addi %scan3A_181, %scan3A_359 : i32
      %mul3A_361 = arith.constant 1 : i32
      %mul3A_362 = arith.muli %scan3A_360, %mul3A_361 : i32
      %add3A_363 = arith.constant 0 : i32
      %add3A_364 = arith.addi %add3A_363, %mul3A_362 : i32
      %get3A_365 = arith.index_cast %add3A_364 : i32 to index
      %get3A_366 = arith.constant 0 : index
      %get3A_367 = tpu.vector_load %arg12[%get3A_365, %get3A_366] {strides = array<i32>} : memref<40x128xf32, #tpu.memory_space<vmem>>, vector<1x16xf32>,
      %get3A_368 = vector.shape_cast %get3A_367 : vector<1x16xf32> to vector<16xf32>
      %get3A_369 = arith.index_cast %add3A_364 : i32 to index
      %get3A_370 = arith.constant 0 : index
      %get3A_371 = tpu.vector_load %arg13[%get3A_369, %get3A_370] {strides = array<i32>} : memref<40x128xf32, #tpu.memory_space<vmem>>, vector<1x16xf32>,
      %get3A_372 = vector.shape_cast %get3A_371 : vector<1x16xf32> to vector<16xf32>
      %add3A_373 = arith.addf %get3A_368, %get3A_372 : vector<16xf32>
      %get3A_374 = arith.index_cast %add3A_364 : i32 to index
      %get3A_375 = arith.constant 0 : index
      %get3A_376 = tpu.vector_load %arg14[%get3A_374, %get3A_375] {strides = array<i32>} : memref<40x128xf32, #tpu.memory_space<vmem>>, vector<1x16xf32>,
      %get3A_377 = vector.shape_cast %get3A_376 : vector<1x16xf32> to vector<16xf32>
      %add3A_378 = arith.addf %add3A_373, %get3A_377 : vector<16xf32>
      %max3A_379 = arith.constant 0.000000e+00 : f32
      %max3A_380 = vector.broadcast %max3A_379 : f32 to vector<16xf32>
      %max3A_381 = arith.maximumf %add3A_378, %max3A_380 : vector<16xf32>
      %swap3A_382 = arith.index_cast %add3A_364 : i32 to index
      %swap3A_383 = arith.constant 0 : index
      %swap3A_384 = tpu.vector_load %arg12[%swap3A_382, %swap3A_383] {strides = array<i32>} : memref<40x128xf32, #tpu.memory_space<vmem>>, vector<1x16xf32>,
      %swap3A_385 = vector.shape_cast %swap3A_384 : vector<1x16xf32> to vector<16xf32>
      %swap3A_386 = vector.shape_cast %max3A_381 : vector<16xf32> to vector<1x16xf32>
      tpu.vector_store %arg12[%swap3A_382, %swap3A_383], %swap3A_386 {strides = array<i32>} : memref<40x128xf32, #tpu.memory_space<vmem>>, vector<1x16xf32>,
      %get3A_387 = arith.index_cast %add3A_364 : i32 to index
      %get3A_388 = arith.constant 16 : index
      %get3A_389 = tpu.vector_load %arg12[%get3A_387, %get3A_388] {strides = array<i32>} : memref<40x128xf32, #tpu.memory_space<vmem>>, vector<1x16xf32>,
      %get3A_390 = vector.shape_cast %get3A_389 : vector<1x16xf32> to vector<16xf32>
      %get3A_391 = arith.index_cast %add3A_364 : i32 to index
      %get3A_392 = arith.constant 16 : index
      %get3A_393 = tpu.vector_load %arg13[%get3A_391, %get3A_392] {strides = array<i32>} : memref<40x128xf32, #tpu.memory_space<vmem>>, vector<1x16xf32>,
      %get3A_394 = vector.shape_cast %get3A_393 : vector<1x16xf32> to vector<16xf32>
      %add3A_395 = arith.addf %get3A_390, %get3A_394 : vector<16xf32>
      %get3A_396 = arith.index_cast %add3A_364 : i32 to index
      %get3A_397 = arith.constant 16 : index
      %get3A_398 = tpu.vector_load %arg14[%get3A_396, %get3A_397] {strides = array<i32>} : memref<40x128xf32, #tpu.memory_space<vmem>>, vector<1x16xf32>,
      %get3A_399 = vector.shape_cast %get3A_398 : vector<1x16xf32> to vector<16xf32>
      %add3A_400 = arith.addf %add3A_395, %get3A_399 : vector<16xf32>
      %max3A_401 = arith.constant 0.000000e+00 : f32
      %max3A_402 = vector.broadcast %max3A_401 : f32 to vector<16xf32>
      %max3A_403 = arith.maximumf %add3A_400, %max3A_402 : vector<16xf32>
      %swap3A_404 = arith.index_cast %add3A_364 : i32 to index
      %swap3A_405 = arith.constant 16 : index
      %swap3A_406 = tpu.vector_load %arg12[%swap3A_404, %swap3A_405] {strides = array<i32>} : memref<40x128xf32, #tpu.memory_space<vmem>>, vector<1x16xf32>,
      %swap3A_407 = vector.shape_cast %swap3A_406 : vector<1x16xf32> to vector<16xf32>
      %swap3A_408 = vector.shape_cast %max3A_403 : vector<16xf32> to vector<1x16xf32>
      tpu.vector_store %arg12[%swap3A_404, %swap3A_405], %swap3A_408 {strides = array<i32>} : memref<40x128xf32, #tpu.memory_space<vmem>>, vector<1x16xf32>,
      %get3A_409 = arith.index_cast %add3A_364 : i32 to index
      %get3A_410 = arith.constant 32 : index
      %get3A_411 = tpu.vector_load %arg12[%get3A_409, %get3A_410] {strides = array<i32>} : memref<40x128xf32, #tpu.memory_space<vmem>>, vector<1x16xf32>,
      %get3A_412 = vector.shape_cast %get3A_411 : vector<1x16xf32> to vector<16xf32>
      %get3A_413 = arith.index_cast %add3A_364 : i32 to index
      %get3A_414 = arith.constant 32 : index
      %get3A_415 = tpu.vector_load %arg13[%get3A_413, %get3A_414] {strides = array<i32>} : memref<40x128xf32, #tpu.memory_space<vmem>>, vector<1x16xf32>,
      %get3A_416 = vector.shape_cast %get3A_415 : vector<1x16xf32> to vector<16xf32>
      %add3A_417 = arith.addf %get3A_412, %get3A_416 : vector<16xf32>
      %get3A_418 = arith.index_cast %add3A_364 : i32 to index
      %get3A_419 = arith.constant 32 : index
      %get3A_420 = tpu.vector_load %arg14[%get3A_418, %get3A_419] {strides = array<i32>} : memref<40x128xf32, #tpu.memory_space<vmem>>, vector<1x16xf32>,
      %get3A_421 = vector.shape_cast %get3A_420 : vector<1x16xf32> to vector<16xf32>
      %add3A_422 = arith.addf %add3A_417, %get3A_421 : vector<16xf32>
      %max3A_423 = arith.constant 0.000000e+00 : f32
      %max3A_424 = vector.broadcast %max3A_423 : f32 to vector<16xf32>
      %max3A_425 = arith.maximumf %add3A_422, %max3A_424 : vector<16xf32>
      %swap3A_426 = arith.index_cast %add3A_364 : i32 to index
      %swap3A_427 = arith.constant 32 : index
      %swap3A_428 = tpu.vector_load %arg12[%swap3A_426, %swap3A_427] {strides = array<i32>} : memref<40x128xf32, #tpu.memory_space<vmem>>, vector<1x16xf32>,
      %swap3A_429 = vector.shape_cast %swap3A_428 : vector<1x16xf32> to vector<16xf32>
      %swap3A_430 = vector.shape_cast %max3A_425 : vector<16xf32> to vector<1x16xf32>
      tpu.vector_store %arg12[%swap3A_426, %swap3A_427], %swap3A_430 {strides = array<i32>} : memref<40x128xf32, #tpu.memory_space<vmem>>, vector<1x16xf32>,
      %get3A_431 = arith.index_cast %add3A_364 : i32 to index
      %get3A_432 = arith.constant 48 : index
      %get3A_433 = tpu.vector_load %arg12[%get3A_431, %get3A_432] {strides = array<i32>} : memref<40x128xf32, #tpu.memory_space<vmem>>, vector<1x16xf32>,
      %get3A_434 = vector.shape_cast %get3A_433 : vector<1x16xf32> to vector<16xf32>
      %get3A_435 = arith.index_cast %add3A_364 : i32 to index
      %get3A_436 = arith.constant 48 : index
      %get3A_437 = tpu.vector_load %arg13[%get3A_435, %get3A_436] {strides = array<i32>} : memref<40x128xf32, #tpu.memory_space<vmem>>, vector<1x16xf32>,
      %get3A_438 = vector.shape_cast %get3A_437 : vector<1x16xf32> to vector<16xf32>
      %add3A_439 = arith.addf %get3A_434, %get3A_438 : vector<16xf32>
      %get3A_440 = arith.index_cast %add3A_364 : i32 to index
      %get3A_441 = arith.constant 48 : index
      %get3A_442 = tpu.vector_load %arg14[%get3A_440, %get3A_441] {strides = array<i32>} : memref<40x128xf32, #tpu.memory_space<vmem>>, vector<1x16xf32>,
      %get3A_443 = vector.shape_cast %get3A_442 : vector<1x16xf32> to vector<16xf32>
      %add3A_444 = arith.addf %add3A_439, %get3A_443 : vector<16xf32>
      %max3A_445 = arith.constant 0.000000e+00 : f32
      %max3A_446 = vector.broadcast %max3A_445 : f32 to vector<16xf32>
      %max3A_447 = arith.maximumf %add3A_444, %max3A_446 : vector<16xf32>
      %swap3A_448 = arith.index_cast %add3A_364 : i32 to index
      %swap3A_449 = arith.constant 48 : index
      %swap3A_450 = tpu.vector_load %arg12[%swap3A_448, %swap3A_449] {strides = array<i32>} : memref<40x128xf32, #tpu.memory_space<vmem>>, vector<1x16xf32>,
      %swap3A_451 = vector.shape_cast %swap3A_450 : vector<1x16xf32> to vector<16xf32>
      %swap3A_452 = vector.shape_cast %max3A_447 : vector<16xf32> to vector<1x16xf32>
      tpu.vector_store %arg12[%swap3A_448, %swap3A_449], %swap3A_452 {strides = array<i32>} : memref<40x128xf32, #tpu.memory_space<vmem>>, vector<1x16xf32>,
      %get3A_453 = arith.index_cast %add3A_364 : i32 to index
      %get3A_454 = arith.constant 64 : index
      %get3A_455 = tpu.vector_load %arg12[%get3A_453, %get3A_454] {strides = array<i32>} : memref<40x128xf32, #tpu.memory_space<vmem>>, vector<1x16xf32>,
      %get3A_456 = vector.shape_cast %get3A_455 : vector<1x16xf32> to vector<16xf32>
      %get3A_457 = arith.index_cast %add3A_364 : i32 to index
      %get3A_458 = arith.constant 64 : index
      %get3A_459 = tpu.vector_load %arg13[%get3A_457, %get3A_458] {strides = array<i32>} : memref<40x128xf32, #tpu.memory_space<vmem>>, vector<1x16xf32>,
      %get3A_460 = vector.shape_cast %get3A_459 : vector<1x16xf32> to vector<16xf32>
      %add3A_461 = arith.addf %get3A_456, %get3A_460 : vector<16xf32>
      %get3A_462 = arith.index_cast %add3A_364 : i32 to index
      %get3A_463 = arith.constant 64 : index
      %get3A_464 = tpu.vector_load %arg14[%get3A_462, %get3A_463] {strides = array<i32>} : memref<40x128xf32, #tpu.memory_space<vmem>>, vector<1x16xf32>,
      %get3A_465 = vector.shape_cast %get3A_464 : vector<1x16xf32> to vector<16xf32>
      %add3A_466 = arith.addf %add3A_461, %get3A_465 : vector<16xf32>
      %max3A_467 = arith.constant 0.000000e+00 : f32
      %max3A_468 = vector.broadcast %max3A_467 : f32 to vector<16xf32>
      %max3A_469 = arith.maximumf %add3A_466, %max3A_468 : vector<16xf32>
      %swap3A_470 = arith.index_cast %add3A_364 : i32 to index
      %swap3A_471 = arith.constant 64 : index
      %swap3A_472 = tpu.vector_load %arg12[%swap3A_470, %swap3A_471] {strides = array<i32>} : memref<40x128xf32, #tpu.memory_space<vmem>>, vector<1x16xf32>,
      %swap3A_473 = vector.shape_cast %swap3A_472 : vector<1x16xf32> to vector<16xf32>
      %swap3A_474 = vector.shape_cast %max3A_469 : vector<16xf32> to vector<1x16xf32>
      tpu.vector_store %arg12[%swap3A_470, %swap3A_471], %swap3A_474 {strides = array<i32>} : memref<40x128xf32, #tpu.memory_space<vmem>>, vector<1x16xf32>,
      %get3A_475 = arith.index_cast %add3A_364 : i32 to index
      %get3A_476 = arith.constant 80 : index
      %get3A_477 = tpu.vector_load %arg12[%get3A_475, %get3A_476] {strides = array<i32>} : memref<40x128xf32, #tpu.memory_space<vmem>>, vector<1x16xf32>,
      %get3A_478 = vector.shape_cast %get3A_477 : vector<1x16xf32> to vector<16xf32>
      %get3A_479 = arith.index_cast %add3A_364 : i32 to index
      %get3A_480 = arith.constant 80 : index
      %get3A_481 = tpu.vector_load %arg13[%get3A_479, %get3A_480] {strides = array<i32>} : memref<40x128xf32, #tpu.memory_space<vmem>>, vector<1x16xf32>,
      %get3A_482 = vector.shape_cast %get3A_481 : vector<1x16xf32> to vector<16xf32>
      %add3A_483 = arith.addf %get3A_478, %get3A_482 : vector<16xf32>
      %get3A_484 = arith.index_cast %add3A_364 : i32 to index
      %get3A_485 = arith.constant 80 : index
      %get3A_486 = tpu.vector_load %arg14[%get3A_484, %get3A_485] {strides = array<i32>} : memref<40x128xf32, #tpu.memory_space<vmem>>, vector<1x16xf32>,
      %get3A_487 = vector.shape_cast %get3A_486 : vector<1x16xf32> to vector<16xf32>
      %add3A_488 = arith.addf %add3A_483, %get3A_487 : vector<16xf32>
      %max3A_489 = arith.constant 0.000000e+00 : f32
      %max3A_490 = vector.broadcast %max3A_489 : f32 to vector<16xf32>
      %max3A_491 = arith.maximumf %add3A_488, %max3A_490 : vector<16xf32>
      %swap3A_492 = arith.index_cast %add3A_364 : i32 to index
      %swap3A_493 = arith.constant 80 : index
      %swap3A_494 = tpu.vector_load %arg12[%swap3A_492, %swap3A_493] {strides = array<i32>} : memref<40x128xf32, #tpu.memory_space<vmem>>, vector<1x16xf32>,
      %swap3A_495 = vector.shape_cast %swap3A_494 : vector<1x16xf32> to vector<16xf32>
      %swap3A_496 = vector.shape_cast %max3A_491 : vector<16xf32> to vector<1x16xf32>
      tpu.vector_store %arg12[%swap3A_492, %swap3A_493], %swap3A_496 {strides = array<i32>} : memref<40x128xf32, #tpu.memory_space<vmem>>, vector<1x16xf32>,
      %get3A_497 = arith.index_cast %add3A_364 : i32 to index
      %get3A_498 = arith.constant 96 : index
      %get3A_499 = tpu.vector_load %arg12[%get3A_497, %get3A_498] {strides = array<i32>} : memref<40x128xf32, #tpu.memory_space<vmem>>, vector<1x16xf32>,
      %get3A_500 = vector.shape_cast %get3A_499 : vector<1x16xf32> to vector<16xf32>
      %get3A_501 = arith.index_cast %add3A_364 : i32 to index
      %get3A_502 = arith.constant 96 : index
      %get3A_503 = tpu.vector_load %arg13[%get3A_501, %get3A_502] {strides = array<i32>} : memref<40x128xf32, #tpu.memory_space<vmem>>, vector<1x16xf32>,
      %get3A_504 = vector.shape_cast %get3A_503 : vector<1x16xf32> to vector<16xf32>
      %add3A_505 = arith.addf %get3A_500, %get3A_504 : vector<16xf32>
      %get3A_506 = arith.index_cast %add3A_364 : i32 to index
      %get3A_507 = arith.constant 96 : index
      %get3A_508 = tpu.vector_load %arg14[%get3A_506, %get3A_507] {strides = array<i32>} : memref<40x128xf32, #tpu.memory_space<vmem>>, vector<1x16xf32>,
      %get3A_509 = vector.shape_cast %get3A_508 : vector<1x16xf32> to vector<16xf32>
      %add3A_510 = arith.addf %add3A_505, %get3A_509 : vector<16xf32>
      %max3A_511 = arith.constant 0.000000e+00 : f32
      %max3A_512 = vector.broadcast %max3A_511 : f32 to vector<16xf32>
      %max3A_513 = arith.maximumf %add3A_510, %max3A_512 : vector<16xf32>
      %swap3A_514 = arith.index_cast %add3A_364 : i32 to index
      %swap3A_515 = arith.constant 96 : index
      %swap3A_516 = tpu.vector_load %arg12[%swap3A_514, %swap3A_515] {strides = array<i32>} : memref<40x128xf32, #tpu.memory_space<vmem>>, vector<1x16xf32>,
      %swap3A_517 = vector.shape_cast %swap3A_516 : vector<1x16xf32> to vector<16xf32>
      %swap3A_518 = vector.shape_cast %max3A_513 : vector<16xf32> to vector<1x16xf32>
      tpu.vector_store %arg12[%swap3A_514, %swap3A_515], %swap3A_518 {strides = array<i32>} : memref<40x128xf32, #tpu.memory_space<vmem>>, vector<1x16xf32>,
      %get3A_519 = arith.index_cast %add3A_364 : i32 to index
      %get3A_520 = arith.constant 112 : index
      %get3A_521 = tpu.vector_load %arg12[%get3A_519, %get3A_520] {strides = array<i32>} : memref<40x128xf32, #tpu.memory_space<vmem>>, vector<1x16xf32>,
      %get3A_522 = vector.shape_cast %get3A_521 : vector<1x16xf32> to vector<16xf32>
      %get3A_523 = arith.index_cast %add3A_364 : i32 to index
      %get3A_524 = arith.constant 112 : index
      %get3A_525 = tpu.vector_load %arg13[%get3A_523, %get3A_524] {strides = array<i32>} : memref<40x128xf32, #tpu.memory_space<vmem>>, vector<1x16xf32>,
      %get3A_526 = vector.shape_cast %get3A_525 : vector<1x16xf32> to vector<16xf32>
      %add3A_527 = arith.addf %get3A_522, %get3A_526 : vector<16xf32>
      %get3A_528 = arith.index_cast %add3A_364 : i32 to index
      %get3A_529 = arith.constant 112 : index
      %get3A_530 = tpu.vector_load %arg14[%get3A_528, %get3A_529] {strides = array<i32>} : memref<40x128xf32, #tpu.memory_space<vmem>>, vector<1x16xf32>,
      %get3A_531 = vector.shape_cast %get3A_530 : vector<1x16xf32> to vector<16xf32>
      %add3A_532 = arith.addf %add3A_527, %get3A_531 : vector<16xf32>
      %max3A_533 = arith.constant 0.000000e+00 : f32
      %max3A_534 = vector.broadcast %max3A_533 : f32 to vector<16xf32>
      %max3A_535 = arith.maximumf %add3A_532, %max3A_534 : vector<16xf32>
      %swap3A_536 = arith.index_cast %add3A_364 : i32 to index
      %swap3A_537 = arith.constant 112 : index
      %swap3A_538 = tpu.vector_load %arg12[%swap3A_536, %swap3A_537] {strides = array<i32>} : memref<40x128xf32, #tpu.memory_space<vmem>>, vector<1x16xf32>,
      %swap3A_539 = vector.shape_cast %swap3A_538 : vector<1x16xf32> to vector<16xf32>
      %swap3A_540 = vector.shape_cast %max3A_535 : vector<16xf32> to vector<1x16xf32>
      tpu.vector_store %arg12[%swap3A_536, %swap3A_537], %swap3A_540 {strides = array<i32>} : memref<40x128xf32, #tpu.memory_space<vmem>>, vector<1x16xf32>,
      %scan3A_541 = arith.constant 2 : i32
      %scan3A_542 = arith.addi %scan3A_181, %scan3A_541 : i32
      %mul3A_543 = arith.constant 1 : i32
      %mul3A_544 = arith.muli %scan3A_542, %mul3A_543 : i32
      %add3A_545 = arith.constant 0 : i32
      %add3A_546 = arith.addi %add3A_545, %mul3A_544 : i32
      %get3A_547 = arith.index_cast %add3A_546 : i32 to index
      %get3A_548 = arith.constant 0 : index
      %get3A_549 = tpu.vector_load %arg12[%get3A_547, %get3A_548] {strides = array<i32>} : memref<40x128xf32, #tpu.memory_space<vmem>>, vector<1x16xf32>,
      %get3A_550 = vector.shape_cast %get3A_549 : vector<1x16xf32> to vector<16xf32>
      %get3A_551 = arith.index_cast %add3A_546 : i32 to index
      %get3A_552 = arith.constant 0 : index
      %get3A_553 = tpu.vector_load %arg13[%get3A_551, %get3A_552] {strides = array<i32>} : memref<40x128xf32, #tpu.memory_space<vmem>>, vector<1x16xf32>,
      %get3A_554 = vector.shape_cast %get3A_553 : vector<1x16xf32> to vector<16xf32>
      %add3A_555 = arith.addf %get3A_550, %get3A_554 : vector<16xf32>
      %get3A_556 = arith.index_cast %add3A_546 : i32 to index
      %get3A_557 = arith.constant 0 : index
      %get3A_558 = tpu.vector_load %arg14[%get3A_556, %get3A_557] {strides = array<i32>} : memref<40x128xf32, #tpu.memory_space<vmem>>, vector<1x16xf32>,
      %get3A_559 = vector.shape_cast %get3A_558 : vector<1x16xf32> to vector<16xf32>
      %add3A_560 = arith.addf %add3A_555, %get3A_559 : vector<16xf32>
      %max3A_561 = arith.constant 0.000000e+00 : f32
      %max3A_562 = vector.broadcast %max3A_561 : f32 to vector<16xf32>
      %max3A_563 = arith.maximumf %add3A_560, %max3A_562 : vector<16xf32>
      %swap3A_564 = arith.index_cast %add3A_546 : i32 to index
      %swap3A_565 = arith.constant 0 : index
      %swap3A_566 = tpu.vector_load %arg12[%swap3A_564, %swap3A_565] {strides = array<i32>} : memref<40x128xf32, #tpu.memory_space<vmem>>, vector<1x16xf32>,
      %swap3A_567 = vector.shape_cast %swap3A_566 : vector<1x16xf32> to vector<16xf32>
      %swap3A_568 = vector.shape_cast %max3A_563 : vector<16xf32> to vector<1x16xf32>
      tpu.vector_store %arg12[%swap3A_564, %swap3A_565], %swap3A_568 {strides = array<i32>} : memref<40x128xf32, #tpu.memory_space<vmem>>, vector<1x16xf32>,
      %get3A_569 = arith.index_cast %add3A_546 : i32 to index
      %get3A_570 = arith.constant 16 : index
      %get3A_571 = tpu.vector_load %arg12[%get3A_569, %get3A_570] {strides = array<i32>} : memref<40x128xf32, #tpu.memory_space<vmem>>, vector<1x16xf32>,
      %get3A_572 = vector.shape_cast %get3A_571 : vector<1x16xf32> to vector<16xf32>
      %get3A_573 = arith.index_cast %add3A_546 : i32 to index
      %get3A_574 = arith.constant 16 : index
      %get3A_575 = tpu.vector_load %arg13[%get3A_573, %get3A_574] {strides = array<i32>} : memref<40x128xf32, #tpu.memory_space<vmem>>, vector<1x16xf32>,
      %get3A_576 = vector.shape_cast %get3A_575 : vector<1x16xf32> to vector<16xf32>
      %add3A_577 = arith.addf %get3A_572, %get3A_576 : vector<16xf32>
      %get3A_578 = arith.index_cast %add3A_546 : i32 to index
      %get3A_579 = arith.constant 16 : index
      %get3A_580 = tpu.vector_load %arg14[%get3A_578, %get3A_579] {strides = array<i32>} : memref<40x128xf32, #tpu.memory_space<vmem>>, vector<1x16xf32>,
      %get3A_581 = vector.shape_cast %get3A_580 : vector<1x16xf32> to vector<16xf32>
      %add3A_582 = arith.addf %add3A_577, %get3A_581 : vector<16xf32>
      %max3A_583 = arith.constant 0.000000e+00 : f32
      %max3A_584 = vector.broadcast %max3A_583 : f32 to vector<16xf32>
      %max3A_585 = arith.maximumf %add3A_582, %max3A_584 : vector<16xf32>
      %swap3A_586 = arith.index_cast %add3A_546 : i32 to index
      %swap3A_587 = arith.constant 16 : index
      %swap3A_588 = tpu.vector_load %arg12[%swap3A_586, %swap3A_587] {strides = array<i32>} : memref<40x128xf32, #tpu.memory_space<vmem>>, vector<1x16xf32>,
      %swap3A_589 = vector.shape_cast %swap3A_588 : vector<1x16xf32> to vector<16xf32>
      %swap3A_590 = vector.shape_cast %max3A_585 : vector<16xf32> to vector<1x16xf32>
      tpu.vector_store %arg12[%swap3A_586, %swap3A_587], %swap3A_590 {strides = array<i32>} : memref<40x128xf32, #tpu.memory_space<vmem>>, vector<1x16xf32>,
      %get3A_591 = arith.index_cast %add3A_546 : i32 to index
      %get3A_592 = arith.constant 32 : index
      %get3A_593 = tpu.vector_load %arg12[%get3A_591, %get3A_592] {strides = array<i32>} : memref<40x128xf32, #tpu.memory_space<vmem>>, vector<1x16xf32>,
      %get3A_594 = vector.shape_cast %get3A_593 : vector<1x16xf32> to vector<16xf32>
      %get3A_595 = arith.index_cast %add3A_546 : i32 to index
      %get3A_596 = arith.constant 32 : index
      %get3A_597 = tpu.vector_load %arg13[%get3A_595, %get3A_596] {strides = array<i32>} : memref<40x128xf32, #tpu.memory_space<vmem>>, vector<1x16xf32>,
      %get3A_598 = vector.shape_cast %get3A_597 : vector<1x16xf32> to vector<16xf32>
      %add3A_599 = arith.addf %get3A_594, %get3A_598 : vector<16xf32>
      %get3A_600 = arith.index_cast %add3A_546 : i32 to index
      %get3A_601 = arith.constant 32 : index
      %get3A_602 = tpu.vector_load %arg14[%get3A_600, %get3A_601] {strides = array<i32>} : memref<40x128xf32, #tpu.memory_space<vmem>>, vector<1x16xf32>,
      %get3A_603 = vector.shape_cast %get3A_602 : vector<1x16xf32> to vector<16xf32>
      %add3A_604 = arith.addf %add3A_599, %get3A_603 : vector<16xf32>
      %max3A_605 = arith.constant 0.000000e+00 : f32
      %max3A_606 = vector.broadcast %max3A_605 : f32 to vector<16xf32>
      %max3A_607 = arith.maximumf %add3A_604, %max3A_606 : vector<16xf32>
      %swap3A_608 = arith.index_cast %add3A_546 : i32 to index
      %swap3A_609 = arith.constant 32 : index
      %swap3A_610 = tpu.vector_load %arg12[%swap3A_608, %swap3A_609] {strides = array<i32>} : memref<40x128xf32, #tpu.memory_space<vmem>>, vector<1x16xf32>,
      %swap3A_611 = vector.shape_cast %swap3A_610 : vector<1x16xf32> to vector<16xf32>
      %swap3A_612 = vector.shape_cast %max3A_607 : vector<16xf32> to vector<1x16xf32>
      tpu.vector_store %arg12[%swap3A_608, %swap3A_609], %swap3A_612 {strides = array<i32>} : memref<40x128xf32, #tpu.memory_space<vmem>>, vector<1x16xf32>,
      %get3A_613 = arith.index_cast %add3A_546 : i32 to index
      %get3A_614 = arith.constant 48 : index
      %get3A_615 = tpu.vector_load %arg12[%get3A_613, %get3A_614] {strides = array<i32>} : memref<40x128xf32, #tpu.memory_space<vmem>>, vector<1x16xf32>,
      %get3A_616 = vector.shape_cast %get3A_615 : vector<1x16xf32> to vector<16xf32>
      %get3A_617 = arith.index_cast %add3A_546 : i32 to index
      %get3A_618 = arith.constant 48 : index
      %get3A_619 = tpu.vector_load %arg13[%get3A_617, %get3A_618] {strides = array<i32>} : memref<40x128xf32, #tpu.memory_space<vmem>>, vector<1x16xf32>,
      %get3A_620 = vector.shape_cast %get3A_619 : vector<1x16xf32> to vector<16xf32>
      %add3A_621 = arith.addf %get3A_616, %get3A_620 : vector<16xf32>
      %get3A_622 = arith.index_cast %add3A_546 : i32 to index
      %get3A_623 = arith.constant 48 : index
      %get3A_624 = tpu.vector_load %arg14[%get3A_622, %get3A_623] {strides = array<i32>} : memref<40x128xf32, #tpu.memory_space<vmem>>, vector<1x16xf32>,
      %get3A_625 = vector.shape_cast %get3A_624 : vector<1x16xf32> to vector<16xf32>
      %add3A_626 = arith.addf %add3A_621, %get3A_625 : vector<16xf32>
      %max3A_627 = arith.constant 0.000000e+00 : f32
      %max3A_628 = vector.broadcast %max3A_627 : f32 to vector<16xf32>
      %max3A_629 = arith.maximumf %add3A_626, %max3A_628 : vector<16xf32>
      %swap3A_630 = arith.index_cast %add3A_546 : i32 to index
      %swap3A_631 = arith.constant 48 : index
      %swap3A_632 = tpu.vector_load %arg12[%swap3A_630, %swap3A_631] {strides = array<i32>} : memref<40x128xf32, #tpu.memory_space<vmem>>, vector<1x16xf32>,
      %swap3A_633 = vector.shape_cast %swap3A_632 : vector<1x16xf32> to vector<16xf32>
      %swap3A_634 = vector.shape_cast %max3A_629 : vector<16xf32> to vector<1x16xf32>
      tpu.vector_store %arg12[%swap3A_630, %swap3A_631], %swap3A_634 {strides = array<i32>} : memref<40x128xf32, #tpu.memory_space<vmem>>, vector<1x16xf32>,
      %get3A_635 = arith.index_cast %add3A_546 : i32 to index
      %get3A_636 = arith.constant 64 : index
      %get3A_637 = tpu.vector_load %arg12[%get3A_635, %get3A_636] {strides = array<i32>} : memref<40x128xf32, #tpu.memory_space<vmem>>, vector<1x16xf32>,
      %get3A_638 = vector.shape_cast %get3A_637 : vector<1x16xf32> to vector<16xf32>
      %get3A_639 = arith.index_cast %add3A_546 : i32 to index
      %get3A_640 = arith.constant 64 : index
      %get3A_641 = tpu.vector_load %arg13[%get3A_639, %get3A_640] {strides = array<i32>} : memref<40x128xf32, #tpu.memory_space<vmem>>, vector<1x16xf32>,
      %get3A_642 = vector.shape_cast %get3A_641 : vector<1x16xf32> to vector<16xf32>
      %add3A_643 = arith.addf %get3A_638, %get3A_642 : vector<16xf32>
      %get3A_644 = arith.index_cast %add3A_546 : i32 to index
      %get3A_645 = arith.constant 64 : index
      %get3A_646 = tpu.vector_load %arg14[%get3A_644, %get3A_645] {strides = array<i32>} : memref<40x128xf32, #tpu.memory_space<vmem>>, vector<1x16xf32>,
      %get3A_647 = vector.shape_cast %get3A_646 : vector<1x16xf32> to vector<16xf32>
      %add3A_648 = arith.addf %add3A_643, %get3A_647 : vector<16xf32>
      %max3A_649 = arith.constant 0.000000e+00 : f32
      %max3A_650 = vector.broadcast %max3A_649 : f32 to vector<16xf32>
      %max3A_651 = arith.maximumf %add3A_648, %max3A_650 : vector<16xf32>
      %swap3A_652 = arith.index_cast %add3A_546 : i32 to index
      %swap3A_653 = arith.constant 64 : index
      %swap3A_654 = tpu.vector_load %arg12[%swap3A_652, %swap3A_653] {strides = array<i32>} : memref<40x128xf32, #tpu.memory_space<vmem>>, vector<1x16xf32>,
      %swap3A_655 = vector.shape_cast %swap3A_654 : vector<1x16xf32> to vector<16xf32>
      %swap3A_656 = vector.shape_cast %max3A_651 : vector<16xf32> to vector<1x16xf32>
      tpu.vector_store %arg12[%swap3A_652, %swap3A_653], %swap3A_656 {strides = array<i32>} : memref<40x128xf32, #tpu.memory_space<vmem>>, vector<1x16xf32>,
      %get3A_657 = arith.index_cast %add3A_546 : i32 to index
      %get3A_658 = arith.constant 80 : index
      %get3A_659 = tpu.vector_load %arg12[%get3A_657, %get3A_658] {strides = array<i32>} : memref<40x128xf32, #tpu.memory_space<vmem>>, vector<1x16xf32>,
      %get3A_660 = vector.shape_cast %get3A_659 : vector<1x16xf32> to vector<16xf32>
      %get3A_661 = arith.index_cast %add3A_546 : i32 to index
      %get3A_662 = arith.constant 80 : index
      %get3A_663 = tpu.vector_load %arg13[%get3A_661, %get3A_662] {strides = array<i32>} : memref<40x128xf32, #tpu.memory_space<vmem>>, vector<1x16xf32>,
      %get3A_664 = vector.shape_cast %get3A_663 : vector<1x16xf32> to vector<16xf32>
      %add3A_665 = arith.addf %get3A_660, %get3A_664 : vector<16xf32>
      %get3A_666 = arith.index_cast %add3A_546 : i32 to index
      %get3A_667 = arith.constant 80 : index
      %get3A_668 = tpu.vector_load %arg14[%get3A_666, %get3A_667] {strides = array<i32>} : memref<40x128xf32, #tpu.memory_space<vmem>>, vector<1x16xf32>,
      %get3A_669 = vector.shape_cast %get3A_668 : vector<1x16xf32> to vector<16xf32>
      %add3A_670 = arith.addf %add3A_665, %get3A_669 : vector<16xf32>
      %max3A_671 = arith.constant 0.000000e+00 : f32
      %max3A_672 = vector.broadcast %max3A_671 : f32 to vector<16xf32>
      %max3A_673 = arith.maximumf %add3A_670, %max3A_672 : vector<16xf32>
      %swap3A_674 = arith.index_cast %add3A_546 : i32 to index
      %swap3A_675 = arith.constant 80 : index
      %swap3A_676 = tpu.vector_load %arg12[%swap3A_674, %swap3A_675] {strides = array<i32>} : memref<40x128xf32, #tpu.memory_space<vmem>>, vector<1x16xf32>,
      %swap3A_677 = vector.shape_cast %swap3A_676 : vector<1x16xf32> to vector<16xf32>
      %swap3A_678 = vector.shape_cast %max3A_673 : vector<16xf32> to vector<1x16xf32>
      tpu.vector_store %arg12[%swap3A_674, %swap3A_675], %swap3A_678 {strides = array<i32>} : memref<40x128xf32, #tpu.memory_space<vmem>>, vector<1x16xf32>,
      %get3A_679 = arith.index_cast %add3A_546 : i32 to index
      %get3A_680 = arith.constant 96 : index
      %get3A_681 = tpu.vector_load %arg12[%get3A_679, %get3A_680] {strides = array<i32>} : memref<40x128xf32, #tpu.memory_space<vmem>>, vector<1x16xf32>,
      %get3A_682 = vector.shape_cast %get3A_681 : vector<1x16xf32> to vector<16xf32>
      %get3A_683 = arith.index_cast %add3A_546 : i32 to index
      %get3A_684 = arith.constant 96 : index
      %get3A_685 = tpu.vector_load %arg13[%get3A_683, %get3A_684] {strides = array<i32>} : memref<40x128xf32, #tpu.memory_space<vmem>>, vector<1x16xf32>,
      %get3A_686 = vector.shape_cast %get3A_685 : vector<1x16xf32> to vector<16xf32>
      %add3A_687 = arith.addf %get3A_682, %get3A_686 : vector<16xf32>
      %get3A_688 = arith.index_cast %add3A_546 : i32 to index
      %get3A_689 = arith.constant 96 : index
      %get3A_690 = tpu.vector_load %arg14[%get3A_688, %get3A_689] {strides = array<i32>} : memref<40x128xf32, #tpu.memory_space<vmem>>, vector<1x16xf32>,
      %get3A_691 = vector.shape_cast %get3A_690 : vector<1x16xf32> to vector<16xf32>
      %add3A_692 = arith.addf %add3A_687, %get3A_691 : vector<16xf32>
      %max3A_693 = arith.constant 0.000000e+00 : f32
      %max3A_694 = vector.broadcast %max3A_693 : f32 to vector<16xf32>
      %max3A_695 = arith.maximumf %add3A_692, %max3A_694 : vector<16xf32>
      %swap3A_696 = arith.index_cast %add3A_546 : i32 to index
      %swap3A_697 = arith.constant 96 : index
      %swap3A_698 = tpu.vector_load %arg12[%swap3A_696, %swap3A_697] {strides = array<i32>} : memref<40x128xf32, #tpu.memory_space<vmem>>, vector<1x16xf32>,
      %swap3A_699 = vector.shape_cast %swap3A_698 : vector<1x16xf32> to vector<16xf32>
      %swap3A_700 = vector.shape_cast %max3A_695 : vector<16xf32> to vector<1x16xf32>
      tpu.vector_store %arg12[%swap3A_696, %swap3A_697], %swap3A_700 {strides = array<i32>} : memref<40x128xf32, #tpu.memory_space<vmem>>, vector<1x16xf32>,
      %get3A_701 = arith.index_cast %add3A_546 : i32 to index
      %get3A_702 = arith.constant 112 : index
      %get3A_703 = tpu.vector_load %arg12[%get3A_701, %get3A_702] {strides = array<i32>} : memref<40x128xf32, #tpu.memory_space<vmem>>, vector<1x16xf32>,
      %get3A_704 = vector.shape_cast %get3A_703 : vector<1x16xf32> to vector<16xf32>
      %get3A_705 = arith.index_cast %add3A_546 : i32 to index
      %get3A_706 = arith.constant 112 : index
      %get3A_707 = tpu.vector_load %arg13[%get3A_705, %get3A_706] {strides = array<i32>} : memref<40x128xf32, #tpu.memory_space<vmem>>, vector<1x16xf32>,
      %get3A_708 = vector.shape_cast %get3A_707 : vector<1x16xf32> to vector<16xf32>
      %add3A_709 = arith.addf %get3A_704, %get3A_708 : vector<16xf32>
      %get3A_710 = arith.index_cast %add3A_546 : i32 to index
      %get3A_711 = arith.constant 112 : index
      %get3A_712 = tpu.vector_load %arg14[%get3A_710, %get3A_711] {strides = array<i32>} : memref<40x128xf32, #tpu.memory_space<vmem>>, vector<1x16xf32>,
      %get3A_713 = vector.shape_cast %get3A_712 : vector<1x16xf32> to vector<16xf32>
      %add3A_714 = arith.addf %add3A_709, %get3A_713 : vector<16xf32>
      %max3A_715 = arith.constant 0.000000e+00 : f32
      %max3A_716 = vector.broadcast %max3A_715 : f32 to vector<16xf32>
      %max3A_717 = arith.maximumf %add3A_714, %max3A_716 : vector<16xf32>
      %swap3A_718 = arith.index_cast %add3A_546 : i32 to index
      %swap3A_719 = arith.constant 112 : index
      %swap3A_720 = tpu.vector_load %arg12[%swap3A_718, %swap3A_719] {strides = array<i32>} : memref<40x128xf32, #tpu.memory_space<vmem>>, vector<1x16xf32>,
      %swap3A_721 = vector.shape_cast %swap3A_720 : vector<1x16xf32> to vector<16xf32>
      %swap3A_722 = vector.shape_cast %max3A_717 : vector<16xf32> to vector<1x16xf32>
      tpu.vector_store %arg12[%swap3A_718, %swap3A_719], %swap3A_722 {strides = array<i32>} : memref<40x128xf32, #tpu.memory_space<vmem>>, vector<1x16xf32>,
      %scan3A_723 = arith.constant 3 : i32
      %scan3A_724 = arith.addi %scan3A_181, %scan3A_723 : i32
      %mul3A_725 = arith.constant 1 : i32
      %mul3A_726 = arith.muli %scan3A_724, %mul3A_725 : i32
      %add3A_727 = arith.constant 0 : i32
      %add3A_728 = arith.addi %add3A_727, %mul3A_726 : i32
      %get3A_729 = arith.index_cast %add3A_728 : i32 to index
      %get3A_730 = arith.constant 0 : index
      %get3A_731 = tpu.vector_load %arg12[%get3A_729, %get3A_730] {strides = array<i32>} : memref<40x128xf32, #tpu.memory_space<vmem>>, vector<1x16xf32>,
      %get3A_732 = vector.shape_cast %get3A_731 : vector<1x16xf32> to vector<16xf32>
      %get3A_733 = arith.index_cast %add3A_728 : i32 to index
      %get3A_734 = arith.constant 0 : index
      %get3A_735 = tpu.vector_load %arg13[%get3A_733, %get3A_734] {strides = array<i32>} : memref<40x128xf32, #tpu.memory_space<vmem>>, vector<1x16xf32>,
      %get3A_736 = vector.shape_cast %get3A_735 : vector<1x16xf32> to vector<16xf32>
      %add3A_737 = arith.addf %get3A_732, %get3A_736 : vector<16xf32>
      %get3A_738 = arith.index_cast %add3A_728 : i32 to index
      %get3A_739 = arith.constant 0 : index
      %get3A_740 = tpu.vector_load %arg14[%get3A_738, %get3A_739] {strides = array<i32>} : memref<40x128xf32, #tpu.memory_space<vmem>>, vector<1x16xf32>,
      %get3A_741 = vector.shape_cast %get3A_740 : vector<1x16xf32> to vector<16xf32>
      %add3A_742 = arith.addf %add3A_737, %get3A_741 : vector<16xf32>
      %max3A_743 = arith.constant 0.000000e+00 : f32
      %max3A_744 = vector.broadcast %max3A_743 : f32 to vector<16xf32>
      %max3A_745 = arith.maximumf %add3A_742, %max3A_744 : vector<16xf32>
      %swap3A_746 = arith.index_cast %add3A_728 : i32 to index
      %swap3A_747 = arith.constant 0 : index
      %swap3A_748 = tpu.vector_load %arg12[%swap3A_746, %swap3A_747] {strides = array<i32>} : memref<40x128xf32, #tpu.memory_space<vmem>>, vector<1x16xf32>,
      %swap3A_749 = vector.shape_cast %swap3A_748 : vector<1x16xf32> to vector<16xf32>
      %swap3A_750 = vector.shape_cast %max3A_745 : vector<16xf32> to vector<1x16xf32>
      tpu.vector_store %arg12[%swap3A_746, %swap3A_747], %swap3A_750 {strides = array<i32>} : memref<40x128xf32, #tpu.memory_space<vmem>>, vector<1x16xf32>,
      %get3A_751 = arith.index_cast %add3A_728 : i32 to index
      %get3A_752 = arith.constant 16 : index
      %get3A_753 = tpu.vector_load %arg12[%get3A_751, %get3A_752] {strides = array<i32>} : memref<40x128xf32, #tpu.memory_space<vmem>>, vector<1x16xf32>,
      %get3A_754 = vector.shape_cast %get3A_753 : vector<1x16xf32> to vector<16xf32>
      %get3A_755 = arith.index_cast %add3A_728 : i32 to index
      %get3A_756 = arith.constant 16 : index
      %get3A_757 = tpu.vector_load %arg13[%get3A_755, %get3A_756] {strides = array<i32>} : memref<40x128xf32, #tpu.memory_space<vmem>>, vector<1x16xf32>,
      %get3A_758 = vector.shape_cast %get3A_757 : vector<1x16xf32> to vector<16xf32>
      %add3A_759 = arith.addf %get3A_754, %get3A_758 : vector<16xf32>
      %get3A_760 = arith.index_cast %add3A_728 : i32 to index
      %get3A_761 = arith.constant 16 : index
      %get3A_762 = tpu.vector_load %arg14[%get3A_760, %get3A_761] {strides = array<i32>} : memref<40x128xf32, #tpu.memory_space<vmem>>, vector<1x16xf32>,
      %get3A_763 = vector.shape_cast %get3A_762 : vector<1x16xf32> to vector<16xf32>
      %add3A_764 = arith.addf %add3A_759, %get3A_763 : vector<16xf32>
      %max3A_765 = arith.constant 0.000000e+00 : f32
      %max3A_766 = vector.broadcast %max3A_765 : f32 to vector<16xf32>
      %max3A_767 = arith.maximumf %add3A_764, %max3A_766 : vector<16xf32>
      %swap3A_768 = arith.index_cast %add3A_728 : i32 to index
      %swap3A_769 = arith.constant 16 : index
      %swap3A_770 = tpu.vector_load %arg12[%swap3A_768, %swap3A_769] {strides = array<i32>} : memref<40x128xf32, #tpu.memory_space<vmem>>, vector<1x16xf32>,
      %swap3A_771 = vector.shape_cast %swap3A_770 : vector<1x16xf32> to vector<16xf32>
      %swap3A_772 = vector.shape_cast %max3A_767 : vector<16xf32> to vector<1x16xf32>
      tpu.vector_store %arg12[%swap3A_768, %swap3A_769], %swap3A_772 {strides = array<i32>} : memref<40x128xf32, #tpu.memory_space<vmem>>, vector<1x16xf32>,
      %get3A_773 = arith.index_cast %add3A_728 : i32 to index
      %get3A_774 = arith.constant 32 : index
      %get3A_775 = tpu.vector_load %arg12[%get3A_773, %get3A_774] {strides = array<i32>} : memref<40x128xf32, #tpu.memory_space<vmem>>, vector<1x16xf32>,
      %get3A_776 = vector.shape_cast %get3A_775 : vector<1x16xf32> to vector<16xf32>
      %get3A_777 = arith.index_cast %add3A_728 : i32 to index
      %get3A_778 = arith.constant 32 : index
      %get3A_779 = tpu.vector_load %arg13[%get3A_777, %get3A_778] {strides = array<i32>} : memref<40x128xf32, #tpu.memory_space<vmem>>, vector<1x16xf32>,
      %get3A_780 = vector.shape_cast %get3A_779 : vector<1x16xf32> to vector<16xf32>
      %add3A_781 = arith.addf %get3A_776, %get3A_780 : vector<16xf32>
      %get3A_782 = arith.index_cast %add3A_728 : i32 to index
      %get3A_783 = arith.constant 32 : index
      %get3A_784 = tpu.vector_load %arg14[%get3A_782, %get3A_783] {strides = array<i32>} : memref<40x128xf32, #tpu.memory_space<vmem>>, vector<1x16xf32>,
      %get3A_785 = vector.shape_cast %get3A_784 : vector<1x16xf32> to vector<16xf32>
      %add3A_786 = arith.addf %add3A_781, %get3A_785 : vector<16xf32>
      %max3A_787 = arith.constant 0.000000e+00 : f32
      %max3A_788 = vector.broadcast %max3A_787 : f32 to vector<16xf32>
      %max3A_789 = arith.maximumf %add3A_786, %max3A_788 : vector<16xf32>
      %swap3A_790 = arith.index_cast %add3A_728 : i32 to index
      %swap3A_791 = arith.constant 32 : index
      %swap3A_792 = tpu.vector_load %arg12[%swap3A_790, %swap3A_791] {strides = array<i32>} : memref<40x128xf32, #tpu.memory_space<vmem>>, vector<1x16xf32>,
      %swap3A_793 = vector.shape_cast %swap3A_792 : vector<1x16xf32> to vector<16xf32>
      %swap3A_794 = vector.shape_cast %max3A_789 : vector<16xf32> to vector<1x16xf32>
      tpu.vector_store %arg12[%swap3A_790, %swap3A_791], %swap3A_794 {strides = array<i32>} : memref<40x128xf32, #tpu.memory_space<vmem>>, vector<1x16xf32>,
      %get3A_795 = arith.index_cast %add3A_728 : i32 to index
      %get3A_796 = arith.constant 48 : index
      %get3A_797 = tpu.vector_load %arg12[%get3A_795, %get3A_796] {strides = array<i32>} : memref<40x128xf32, #tpu.memory_space<vmem>>, vector<1x16xf32>,
      %get3A_798 = vector.shape_cast %get3A_797 : vector<1x16xf32> to vector<16xf32>
      %get3A_799 = arith.index_cast %add3A_728 : i32 to index
      %get3A_800 = arith.constant 48 : index
      %get3A_801 = tpu.vector_load %arg13[%get3A_799, %get3A_800] {strides = array<i32>} : memref<40x128xf32, #tpu.memory_space<vmem>>, vector<1x16xf32>,
      %get3A_802 = vector.shape_cast %get3A_801 : vector<1x16xf32> to vector<16xf32>
      %add3A_803 = arith.addf %get3A_798, %get3A_802 : vector<16xf32>
      %get3A_804 = arith.index_cast %add3A_728 : i32 to index
      %get3A_805 = arith.constant 48 : index
      %get3A_806 = tpu.vector_load %arg14[%get3A_804, %get3A_805] {strides = array<i32>} : memref<40x128xf32, #tpu.memory_space<vmem>>, vector<1x16xf32>,
      %get3A_807 = vector.shape_cast %get3A_806 : vector<1x16xf32> to vector<16xf32>
      %add3A_808 = arith.addf %add3A_803, %get3A_807 : vector<16xf32>
      %max3A_809 = arith.constant 0.000000e+00 : f32
      %max3A_810 = vector.broadcast %max3A_809 : f32 to vector<16xf32>
      %max3A_811 = arith.maximumf %add3A_808, %max3A_810 : vector<16xf32>
      %swap3A_812 = arith.index_cast %add3A_728 : i32 to index
      %swap3A_813 = arith.constant 48 : index
      %swap3A_814 = tpu.vector_load %arg12[%swap3A_812, %swap3A_813] {strides = array<i32>} : memref<40x128xf32, #tpu.memory_space<vmem>>, vector<1x16xf32>,
      %swap3A_815 = vector.shape_cast %swap3A_814 : vector<1x16xf32> to vector<16xf32>
      %swap3A_816 = vector.shape_cast %max3A_811 : vector<16xf32> to vector<1x16xf32>
      tpu.vector_store %arg12[%swap3A_812, %swap3A_813], %swap3A_816 {strides = array<i32>} : memref<40x128xf32, #tpu.memory_space<vmem>>, vector<1x16xf32>,
      %get3A_817 = arith.index_cast %add3A_728 : i32 to index
      %get3A_818 = arith.constant 64 : index
      %get3A_819 = tpu.vector_load %arg12[%get3A_817, %get3A_818] {strides = array<i32>} : memref<40x128xf32, #tpu.memory_space<vmem>>, vector<1x16xf32>,
      %get3A_820 = vector.shape_cast %get3A_819 : vector<1x16xf32> to vector<16xf32>
      %get3A_821 = arith.index_cast %add3A_728 : i32 to index
      %get3A_822 = arith.constant 64 : index
      %get3A_823 = tpu.vector_load %arg13[%get3A_821, %get3A_822] {strides = array<i32>} : memref<40x128xf32, #tpu.memory_space<vmem>>, vector<1x16xf32>,
      %get3A_824 = vector.shape_cast %get3A_823 : vector<1x16xf32> to vector<16xf32>
      %add3A_825 = arith.addf %get3A_820, %get3A_824 : vector<16xf32>
      %get3A_826 = arith.index_cast %add3A_728 : i32 to index
      %get3A_827 = arith.constant 64 : index
      %get3A_828 = tpu.vector_load %arg14[%get3A_826, %get3A_827] {strides = array<i32>} : memref<40x128xf32, #tpu.memory_space<vmem>>, vector<1x16xf32>,
      %get3A_829 = vector.shape_cast %get3A_828 : vector<1x16xf32> to vector<16xf32>
      %add3A_830 = arith.addf %add3A_825, %get3A_829 : vector<16xf32>
      %max3A_831 = arith.constant 0.000000e+00 : f32
      %max3A_832 = vector.broadcast %max3A_831 : f32 to vector<16xf32>
      %max3A_833 = arith.maximumf %add3A_830, %max3A_832 : vector<16xf32>
      %swap3A_834 = arith.index_cast %add3A_728 : i32 to index
      %swap3A_835 = arith.constant 64 : index
      %swap3A_836 = tpu.vector_load %arg12[%swap3A_834, %swap3A_835] {strides = array<i32>} : memref<40x128xf32, #tpu.memory_space<vmem>>, vector<1x16xf32>,
      %swap3A_837 = vector.shape_cast %swap3A_836 : vector<1x16xf32> to vector<16xf32>
      %swap3A_838 = vector.shape_cast %max3A_833 : vector<16xf32> to vector<1x16xf32>
      tpu.vector_store %arg12[%swap3A_834, %swap3A_835], %swap3A_838 {strides = array<i32>} : memref<40x128xf32, #tpu.memory_space<vmem>>, vector<1x16xf32>,
      %get3A_839 = arith.index_cast %add3A_728 : i32 to index
      %get3A_840 = arith.constant 80 : index
      %get3A_841 = tpu.vector_load %arg12[%get3A_839, %get3A_840] {strides = array<i32>} : memref<40x128xf32, #tpu.memory_space<vmem>>, vector<1x16xf32>,
      %get3A_842 = vector.shape_cast %get3A_841 : vector<1x16xf32> to vector<16xf32>
      %get3A_843 = arith.index_cast %add3A_728 : i32 to index
      %get3A_844 = arith.constant 80 : index
      %get3A_845 = tpu.vector_load %arg13[%get3A_843, %get3A_844] {strides = array<i32>} : memref<40x128xf32, #tpu.memory_space<vmem>>, vector<1x16xf32>,
      %get3A_846 = vector.shape_cast %get3A_845 : vector<1x16xf32> to vector<16xf32>
      %add3A_847 = arith.addf %get3A_842, %get3A_846 : vector<16xf32>
      %get3A_848 = arith.index_cast %add3A_728 : i32 to index
      %get3A_849 = arith.constant 80 : index
      %get3A_850 = tpu.vector_load %arg14[%get3A_848, %get3A_849] {strides = array<i32>} : memref<40x128xf32, #tpu.memory_space<vmem>>, vector<1x16xf32>,
      %get3A_851 = vector.shape_cast %get3A_850 : vector<1x16xf32> to vector<16xf32>
      %add3A_852 = arith.addf %add3A_847, %get3A_851 : vector<16xf32>
      %max3A_853 = arith.constant 0.000000e+00 : f32
      %max3A_854 = vector.broadcast %max3A_853 : f32 to vector<16xf32>
      %max3A_855 = arith.maximumf %add3A_852, %max3A_854 : vector<16xf32>
      %swap3A_856 = arith.index_cast %add3A_728 : i32 to index
      %swap3A_857 = arith.constant 80 : index
      %swap3A_858 = tpu.vector_load %arg12[%swap3A_856, %swap3A_857] {strides = array<i32>} : memref<40x128xf32, #tpu.memory_space<vmem>>, vector<1x16xf32>,
      %swap3A_859 = vector.shape_cast %swap3A_858 : vector<1x16xf32> to vector<16xf32>
      %swap3A_860 = vector.shape_cast %max3A_855 : vector<16xf32> to vector<1x16xf32>
      tpu.vector_store %arg12[%swap3A_856, %swap3A_857], %swap3A_860 {strides = array<i32>} : memref<40x128xf32, #tpu.memory_space<vmem>>, vector<1x16xf32>,
      %get3A_861 = arith.index_cast %add3A_728 : i32 to index
      %get3A_862 = arith.constant 96 : index
      %get3A_863 = tpu.vector_load %arg12[%get3A_861, %get3A_862] {strides = array<i32>} : memref<40x128xf32, #tpu.memory_space<vmem>>, vector<1x16xf32>,
      %get3A_864 = vector.shape_cast %get3A_863 : vector<1x16xf32> to vector<16xf32>
      %get3A_865 = arith.index_cast %add3A_728 : i32 to index
      %get3A_866 = arith.constant 96 : index
      %get3A_867 = tpu.vector_load %arg13[%get3A_865, %get3A_866] {strides = array<i32>} : memref<40x128xf32, #tpu.memory_space<vmem>>, vector<1x16xf32>,
      %get3A_868 = vector.shape_cast %get3A_867 : vector<1x16xf32> to vector<16xf32>
      %add3A_869 = arith.addf %get3A_864, %get3A_868 : vector<16xf32>
      %get3A_870 = arith.index_cast %add3A_728 : i32 to index
      %get3A_871 = arith.constant 96 : index
      %get3A_872 = tpu.vector_load %arg14[%get3A_870, %get3A_871] {strides = array<i32>} : memref<40x128xf32, #tpu.memory_space<vmem>>, vector<1x16xf32>,
      %get3A_873 = vector.shape_cast %get3A_872 : vector<1x16xf32> to vector<16xf32>
      %add3A_874 = arith.addf %add3A_869, %get3A_873 : vector<16xf32>
      %max3A_875 = arith.constant 0.000000e+00 : f32
      %max3A_876 = vector.broadcast %max3A_875 : f32 to vector<16xf32>
      %max3A_877 = arith.maximumf %add3A_874, %max3A_876 : vector<16xf32>
      %swap3A_878 = arith.index_cast %add3A_728 : i32 to index
      %swap3A_879 = arith.constant 96 : index
      %swap3A_880 = tpu.vector_load %arg12[%swap3A_878, %swap3A_879] {strides = array<i32>} : memref<40x128xf32, #tpu.memory_space<vmem>>, vector<1x16xf32>,
      %swap3A_881 = vector.shape_cast %swap3A_880 : vector<1x16xf32> to vector<16xf32>
      %swap3A_882 = vector.shape_cast %max3A_877 : vector<16xf32> to vector<1x16xf32>
      tpu.vector_store %arg12[%swap3A_878, %swap3A_879], %swap3A_882 {strides = array<i32>} : memref<40x128xf32, #tpu.memory_space<vmem>>, vector<1x16xf32>,
      %get3A_883 = arith.index_cast %add3A_728 : i32 to index
      %get3A_884 = arith.constant 112 : index
      %get3A_885 = tpu.vector_load %arg12[%get3A_883, %get3A_884] {strides = array<i32>} : memref<40x128xf32, #tpu.memory_space<vmem>>, vector<1x16xf32>,
      %get3A_886 = vector.shape_cast %get3A_885 : vector<1x16xf32> to vector<16xf32>
      %get3A_887 = arith.index_cast %add3A_728 : i32 to index
      %get3A_888 = arith.constant 112 : index
      %get3A_889 = tpu.vector_load %arg13[%get3A_887, %get3A_888] {strides = array<i32>} : memref<40x128xf32, #tpu.memory_space<vmem>>, vector<1x16xf32>,
      %get3A_890 = vector.shape_cast %get3A_889 : vector<1x16xf32> to vector<16xf32>
      %add3A_891 = arith.addf %get3A_886, %get3A_890 : vector<16xf32>
      %get3A_892 = arith.index_cast %add3A_728 : i32 to index
      %get3A_893 = arith.constant 112 : index
      %get3A_894 = tpu.vector_load %arg14[%get3A_892, %get3A_893] {strides = array<i32>} : memref<40x128xf32, #tpu.memory_space<vmem>>, vector<1x16xf32>,
      %get3A_895 = vector.shape_cast %get3A_894 : vector<1x16xf32> to vector<16xf32>
      %add3A_896 = arith.addf %add3A_891, %get3A_895 : vector<16xf32>
      %max3A_897 = arith.constant 0.000000e+00 : f32
      %max3A_898 = vector.broadcast %max3A_897 : f32 to vector<16xf32>
      %max3A_899 = arith.maximumf %add3A_896, %max3A_898 : vector<16xf32>
      %swap3A_900 = arith.index_cast %add3A_728 : i32 to index
      %swap3A_901 = arith.constant 112 : index
      %swap3A_902 = tpu.vector_load %arg12[%swap3A_900, %swap3A_901] {strides = array<i32>} : memref<40x128xf32, #tpu.memory_space<vmem>>, vector<1x16xf32>,
      %swap3A_903 = vector.shape_cast %swap3A_902 : vector<1x16xf32> to vector<16xf32>
      %swap3A_904 = vector.shape_cast %max3A_899 : vector<16xf32> to vector<1x16xf32>
      tpu.vector_store %arg12[%swap3A_900, %swap3A_901], %swap3A_904 {strides = array<i32>} : memref<40x128xf32, #tpu.memory_space<vmem>>, vector<1x16xf32>,
    }
    %scan3A_141 = arith.constant 40 : i32
    %dma_start3A_142 = arith.constant 1 : i32
    %dma_start3A_143 = arith.constant 4 : i32
    %dma_start3A_144 = arith.constant 0 : i32
    %dma_start3A_145 = arith.constant 0 : i32
    %dma_start3A_146 = tpu.memref_slice %arg8[%dma_start3A_142, %dma_start3A_144, %dma_start3A_145] : memref<3x5x40xi32, #tpu.memory_space<vmem>> -> memref<1x5x40xi32, #tpu.memory_space<vmem>>
    %dma_start3A_147 = tpu.memref_squeeze %dma_start3A_146 : memref<1x5x40xi32, #tpu.memory_space<vmem>> -> memref<5x40xi32, #tpu.memory_space<vmem>>
    %dma_start3A_148 = arith.constant 0 : i32
    %dma_start3A_149 = tpu.memref_slice %dma_start3A_147[%dma_start3A_143, %dma_start3A_148] : memref<5x40xi32, #tpu.memory_space<vmem>> -> memref<1x40xi32, #tpu.memory_space<vmem>>
    %dma_start3A_150 = tpu.memref_squeeze %dma_start3A_149 : memref<1x40xi32, #tpu.memory_space<vmem>> -> memref<40xi32, #tpu.memory_space<vmem>>
    %dma_start3A_151 = arith.constant 0 : i32
    %dma_start3A_152 = arith.constant 0 : i32
    %dma_start3A_153 = tpu.memref_slice %arg15[%dma_start3A_151, %dma_start3A_152] : memref<10112x128xf32, #tpu.memory_space<vmem_shared>> -> memref<10112x128xf32, #tpu.memory_space<vmem_shared>>
    tpu.enqueue_indirect_dma source(%arg12 : memref<40x128xf32, #tpu.memory_space<vmem>>) target(%dma_start3A_153 : memref<10112x128xf32, #tpu.memory_space<vmem_shared>>) offsets(%dma_start3A_150 : memref<40xi32, #tpu.memory_space<vmem>>) semaphore(%arg19 : memref<!tpu.dma_semaphore, #tpu.memory_space<semaphore_mem>>) {add = true}
    %dma_wait3A_154 = arith.constant 1 : i32
    %dma_wait3A_155 = arith.constant 3 : i32
    %dma_wait3A_156 = arith.constant 0 : i32
    %dma_wait3A_157 = arith.constant 0 : i32
    %dma_wait3A_158 = tpu.memref_slice %arg8[%dma_wait3A_154, %dma_wait3A_156, %dma_wait3A_157] : memref<3x5x40xi32, #tpu.memory_space<vmem>> -> memref<1x5x40xi32, #tpu.memory_space<vmem>>
    %dma_wait3A_159 = tpu.memref_squeeze %dma_wait3A_158 : memref<1x5x40xi32, #tpu.memory_space<vmem>> -> memref<5x40xi32, #tpu.memory_space<vmem>>
    %dma_wait3A_160 = arith.constant 0 : i32
    %dma_wait3A_161 = tpu.memref_slice %dma_wait3A_159[%dma_wait3A_155, %dma_wait3A_160] : memref<5x40xi32, #tpu.memory_space<vmem>> -> memref<1x40xi32, #tpu.memory_space<vmem>>
    %dma_wait3A_162 = tpu.memref_squeeze %dma_wait3A_161 : memref<1x40xi32, #tpu.memory_space<vmem>> -> memref<40xi32, #tpu.memory_space<vmem>>
    %dma_wait3A_163 = arith.constant 0 : i32
    %dma_wait3A_164 = arith.constant 0 : i32
    %dma_wait3A_165 = tpu.memref_slice %arg15[%dma_wait3A_163, %dma_wait3A_164] : memref<10112x128xf32, #tpu.memory_space<vmem_shared>> -> memref<10112x128xf32, #tpu.memory_space<vmem_shared>>
    tpu.wait_indirect_dma semaphore(%arg18 : memref<!tpu.dma_semaphore, #tpu.memory_space<semaphore_mem>>) src(%arg10 : memref<40x128xf32, #tpu.memory_space<vmem>>) dst(%dma_wait3A_165 : memref<10112x128xf32, #tpu.memory_space<vmem_shared>>)
    %dma_wait3A_166 = arith.constant 1 : i32
    %dma_wait3A_167 = arith.constant 4 : i32
    %dma_wait3A_168 = arith.constant 0 : i32
    %dma_wait3A_169 = arith.constant 0 : i32
    %dma_wait3A_170 = tpu.memref_slice %arg8[%dma_wait3A_166, %dma_wait3A_168, %dma_wait3A_169] : memref<3x5x40xi32, #tpu.memory_space<vmem>> -> memref<1x5x40xi32, #tpu.memory_space<vmem>>
    %dma_wait3A_171 = tpu.memref_squeeze %dma_wait3A_170 : memref<1x5x40xi32, #tpu.memory_space<vmem>> -> memref<5x40xi32, #tpu.memory_space<vmem>>
    %dma_wait3A_172 = arith.constant 0 : i32
    %dma_wait3A_173 = tpu.memref_slice %dma_wait3A_171[%dma_wait3A_167, %dma_wait3A_172] : memref<5x40xi32, #tpu.memory_space<vmem>> -> memref<1x40xi32, #tpu.memory_space<vmem>>
    %dma_wait3A_174 = tpu.memref_squeeze %dma_wait3A_173 : memref<1x40xi32, #tpu.memory_space<vmem>> -> memref<40xi32, #tpu.memory_space<vmem>>
    %dma_wait3A_175 = arith.constant 0 : i32
    %dma_wait3A_176 = arith.constant 0 : i32
    %dma_wait3A_177 = tpu.memref_slice %arg15[%dma_wait3A_175, %dma_wait3A_176] : memref<10112x128xf32, #tpu.memory_space<vmem_shared>> -> memref<10112x128xf32, #tpu.memory_space<vmem_shared>>
    tpu.wait_indirect_dma semaphore(%arg19 : memref<!tpu.dma_semaphore, #tpu.memory_space<semaphore_mem>>) src(%arg12 : memref<40x128xf32, #tpu.memory_space<vmem>>) dst(%dma_wait3A_177 : memref<10112x128xf32, #tpu.memory_space<vmem_shared>>)
    %barrier3A_178 = arith.constant 0 : index
    tpu.barrier barrier_id(%barrier3A_178)
    %mul3A_179 = arith.constant 632 : i32
    %mul3A_180 = arith.muli %arg1, %mul3A_179 : i32
    "tpu.region"() ({
      %run_scoped3A_181 = tpu.sem_alloc : memref<!tpu.dma_semaphore, #tpu.memory_space<semaphore_mem>>
      %dma_start3A_182 = arith.constant 0 : i32
      %dma_start3A_183 = arith.constant 0 : i32
      %dma_start3A_184 = tpu.memref_slice %arg7[%arg0, %dma_start3A_182, %dma_start3A_183] : memref<2x10112x128xf32, #tpu.memory_space<hbm>> -> memref<1x10112x128xf32, #tpu.memory_space<hbm>>
      %dma_start3A_185 = tpu.memref_squeeze %dma_start3A_184 : memref<1x10112x128xf32, #tpu.memory_space<hbm>> -> memref<10112x128xf32, #tpu.memory_space<hbm>>
      %dma_start3A_186 = arith.constant 0 : i32
      %dma_start3A_187 = tpu.memref_slice %dma_start3A_185[%mul3A_180, %dma_start3A_186] : memref<10112x128xf32, #tpu.memory_space<hbm>> -> memref<632x128xf32, #tpu.memory_space<hbm>>
      %dma_start3A_188 = arith.constant 0 : i32
      %dma_start3A_189 = tpu.memref_slice %arg15[%mul3A_180, %dma_start3A_188] : memref<10112x128xf32, #tpu.memory_space<vmem_shared>> -> memref<632x128xf32, #tpu.memory_space<vmem_shared>>
      tpu.enqueue_dma source(%dma_start3A_189 : memref<632x128xf32, #tpu.memory_space<vmem_shared>>) target(%dma_start3A_187 : memref<632x128xf32, #tpu.memory_space<hbm>>) target_semaphore(%run_scoped3A_181 : memref<!tpu.dma_semaphore, #tpu.memory_space<semaphore_mem>>)
      %dma_wait3A_190 = arith.constant 0 : i32
      %dma_wait3A_191 = arith.constant 0 : i32
      %dma_wait3A_192 = tpu.memref_slice %arg7[%arg0, %dma_wait3A_190, %dma_wait3A_191] : memref<2x10112x128xf32, #tpu.memory_space<hbm>> -> memref<1x10112x128xf32, #tpu.memory_space<hbm>>
      %dma_wait3A_193 = tpu.memref_squeeze %dma_wait3A_192 : memref<1x10112x128xf32, #tpu.memory_space<hbm>> -> memref<10112x128xf32, #tpu.memory_space<hbm>>
      %dma_wait3A_194 = arith.constant 0 : i32
      %dma_wait3A_195 = tpu.memref_slice %dma_wait3A_193[%mul3A_180, %dma_wait3A_194] : memref<10112x128xf32, #tpu.memory_space<hbm>> -> memref<632x128xf32, #tpu.memory_space<hbm>>
      %dma_wait3A_196 = arith.constant 0 : i32
      %dma_wait3A_197 = tpu.memref_slice %arg15[%mul3A_180, %dma_wait3A_196] : memref<10112x128xf32, #tpu.memory_space<vmem_shared>> -> memref<632x128xf32, #tpu.memory_space<vmem_shared>>
      tpu.wait_dma2 semaphore(%run_scoped3A_181 : memref<!tpu.dma_semaphore, #tpu.memory_space<semaphore_mem>>) src(%dma_wait3A_197 : memref<632x128xf32, #tpu.memory_space<vmem_shared>>) dst(%dma_wait3A_195 : memref<632x128xf32, #tpu.memory_space<hbm>>)
      tpu.yield
    }) : () -> ()
    return
  }
}

module attributes {stable_mosaic.version = 14 : i64} {
  func.func @_ea_body(%arg0: i32, %arg1: memref<8000x16xf32, #tpu.memory_space<vmem>>, %arg2: memref<16x128xf32, #tpu.memory_space<vmem>>, %arg3: memref<1x128xf32, #tpu.memory_space<vmem>>, %arg4: memref<8000x128xf32, #tpu.memory_space<vmem>>) attributes {dimension_semantics = [#tpu.dimension_semantics<arbitrary>], iteration_bounds = array<i64: 40>, scalar_prefetch = 0 : i64, scratch_operands = 0 : i64, tpu.core_type = #tpu.core_type<tc>, window_params = [{transform_indices = @transform_0, window_bounds = array<i64: 8000, 16>}, {pipeline_mode = #tpu.pipeline_mode<synchronous>, transform_indices = @transform_1, window_bounds = array<i64: 16, 128>}, {pipeline_mode = #tpu.pipeline_mode<synchronous>, transform_indices = @transform_2, window_bounds = array<i64: 1, 128>}, {transform_indices = @transform_3, window_bounds = array<i64: 8000, 128>}]} {
    %get3A = arith.constant 0 : index
    %get3A_0 = arith.constant 0 : index
    %get3A_1 = vector.load %arg1[%get3A, %get3A_0] : memref<8000x16xf32, #tpu.memory_space<vmem>>, vector<8000x16xf32>
    %get3A_2 = arith.constant 0 : index
    %get3A_3 = arith.constant 0 : index
    %get3A_4 = vector.load %arg2[%get3A_2, %get3A_3] : memref<16x128xf32, #tpu.memory_space<vmem>>, vector<16x128xf32>
    %dot_general3A = arith.constant dense<0.000000e+00> : vector<8000x128xf32>
    %dot_general3A_5 = tpu.matmul %get3A_1, %get3A_4, %dot_general3A {dimension_numbers = #tpu.dot_dimension_numbers<[1], [0], [0], [1], [0, 0, 1, 1], [], []>, transpose_lhs_hint = false} : vector<8000x16xf32>, vector<16x128xf32>, vector<8000x128xf32> -> vector<8000x128xf32>
    %get3A_6 = arith.constant 0 : index
    %get3A_7 = arith.constant 0 : index
    %get3A_8 = vector.load %arg3[%get3A_6, %get3A_7] : memref<1x128xf32, #tpu.memory_space<vmem>>, vector<1x128xf32>
    %add3A = vector.broadcast %get3A_8 : vector<1x128xf32> to vector<8000x128xf32>
    %add3A_9 = arith.addf %dot_general3A_5, %add3A : vector<8000x128xf32>
    %swap3A = arith.constant 0 : index
    %swap3A_10 = arith.constant 0 : index
    %swap3A_11 = vector.load %arg4[%swap3A, %swap3A_10] : memref<8000x128xf32, #tpu.memory_space<vmem>>, vector<8000x128xf32>
    tpu.vector_store %arg4[%swap3A, %swap3A_10], %add3A_9 {strides = array<i32>} : memref<8000x128xf32, #tpu.memory_space<vmem>>, vector<8000x128xf32>,
    return
  }
  func.func @transform_0(%arg0: i32) -> (i32, i32) {
    %c0_i32 = arith.constant 0 : i32
    %c0_i32_0 = arith.constant 0 : i32
    return %arg0, %c0_i32 : i32, i32
  }
  func.func @transform_1(%arg0: i32) -> (i32, i32) {
    %c0_i32 = arith.constant 0 : i32
    %c0_i32_0 = arith.constant 0 : i32
    %c0_i32_1 = arith.constant 0 : i32
    return %c0_i32, %c0_i32_0 : i32, i32
  }
  func.func @transform_2(%arg0: i32) -> (i32, i32) {
    %c0_i32 = arith.constant 0 : i32
    %c0_i32_0 = arith.constant 0 : i32
    %c0_i32_1 = arith.constant 0 : i32
    return %c0_i32, %c0_i32_0 : i32, i32
  }
  func.func @transform_3(%arg0: i32) -> (i32, i32) {
    %c0_i32 = arith.constant 0 : i32
    %c0_i32_0 = arith.constant 0 : i32
    return %arg0, %c0_i32 : i32, i32
  }
}

module attributes {stable_mosaic.version = 14 : i64} {
  func.func @_proj_body(%arg0: memref<10000x128xf32, #tpu.memory_space<vmem>>, %arg1: memref<128x128xf32, #tpu.memory_space<vmem>>, %arg2: memref<128x128xf32, #tpu.memory_space<vmem>>, %arg3: memref<128x128xf32, #tpu.memory_space<vmem>>, %arg4: memref<1x128xf32, #tpu.memory_space<vmem>>, %arg5: memref<10000x128xf32, #tpu.memory_space<vmem>>, %arg6: memref<10000x128xf32, #tpu.memory_space<vmem>>, %arg7: memref<10000x128xf32, #tpu.memory_space<vmem>>) attributes {dimension_semantics = [], scalar_prefetch = 0 : i64, scratch_operands = 0 : i64, tpu.core_type = #tpu.core_type<tc>} {
    %get3A = arith.constant 0 : index
    %get3A_0 = arith.constant 0 : index
    %get3A_1 = vector.load %arg0[%get3A, %get3A_0] : memref<10000x128xf32, #tpu.memory_space<vmem>>, vector<10000x128xf32>
    %get3A_2 = arith.constant 0 : index
    %get3A_3 = arith.constant 0 : index
    %get3A_4 = vector.load %arg1[%get3A_2, %get3A_3] : memref<128x128xf32, #tpu.memory_space<vmem>>, vector<128x128xf32>
    %dot_general3A = arith.constant dense<0.000000e+00> : vector<10000x128xf32>
    %dot_general3A_5 = tpu.matmul %get3A_1, %get3A_4, %dot_general3A {dimension_numbers = #tpu.dot_dimension_numbers<[1], [0], [0], [1], [0, 0, 1, 1], [], []>, transpose_lhs_hint = false} : vector<10000x128xf32>, vector<128x128xf32>, vector<10000x128xf32> -> vector<10000x128xf32>
    %swap3A = arith.constant 0 : index
    %swap3A_6 = arith.constant 0 : index
    %swap3A_7 = vector.load %arg5[%swap3A, %swap3A_6] : memref<10000x128xf32, #tpu.memory_space<vmem>>, vector<10000x128xf32>
    tpu.vector_store %arg5[%swap3A, %swap3A_6], %dot_general3A_5 {strides = array<i32>} : memref<10000x128xf32, #tpu.memory_space<vmem>>, vector<10000x128xf32>,
    %get3A_8 = arith.constant 0 : index
    %get3A_9 = arith.constant 0 : index
    %get3A_10 = vector.load %arg2[%get3A_8, %get3A_9] : memref<128x128xf32, #tpu.memory_space<vmem>>, vector<128x128xf32>
    %dot_general3A_11 = arith.constant dense<0.000000e+00> : vector<10000x128xf32>
    %dot_general3A_12 = tpu.matmul %get3A_1, %get3A_10, %dot_general3A_11 {dimension_numbers = #tpu.dot_dimension_numbers<[1], [0], [0], [1], [0, 0, 1, 1], [], []>, transpose_lhs_hint = false} : vector<10000x128xf32>, vector<128x128xf32>, vector<10000x128xf32> -> vector<10000x128xf32>
    %swap3A_13 = arith.constant 0 : index
    %swap3A_14 = arith.constant 0 : index
    %swap3A_15 = vector.load %arg6[%swap3A_13, %swap3A_14] : memref<10000x128xf32, #tpu.memory_space<vmem>>, vector<10000x128xf32>
    tpu.vector_store %arg6[%swap3A_13, %swap3A_14], %dot_general3A_12 {strides = array<i32>} : memref<10000x128xf32, #tpu.memory_space<vmem>>, vector<10000x128xf32>,
    %get3A_16 = arith.constant 0 : index
    %get3A_17 = arith.constant 0 : index
    %get3A_18 = vector.load %arg3[%get3A_16, %get3A_17] : memref<128x128xf32, #tpu.memory_space<vmem>>, vector<128x128xf32>
    %dot_general3A_19 = arith.constant dense<0.000000e+00> : vector<10000x128xf32>
    %dot_general3A_20 = tpu.matmul %get3A_1, %get3A_18, %dot_general3A_19 {dimension_numbers = #tpu.dot_dimension_numbers<[1], [0], [0], [1], [0, 0, 1, 1], [], []>, transpose_lhs_hint = false} : vector<10000x128xf32>, vector<128x128xf32>, vector<10000x128xf32> -> vector<10000x128xf32>
    %get3A_21 = arith.constant 0 : index
    %get3A_22 = arith.constant 0 : index
    %get3A_23 = vector.load %arg4[%get3A_21, %get3A_22] : memref<1x128xf32, #tpu.memory_space<vmem>>, vector<1x128xf32>
    %add3A = vector.broadcast %get3A_23 : vector<1x128xf32> to vector<10000x128xf32>
    %add3A_24 = arith.addf %dot_general3A_20, %add3A : vector<10000x128xf32>
    %swap3A_25 = arith.constant 0 : index
    %swap3A_26 = arith.constant 0 : index
    %swap3A_27 = vector.load %arg7[%swap3A_25, %swap3A_26] : memref<10000x128xf32, #tpu.memory_space<vmem>>, vector<10000x128xf32>
    tpu.vector_store %arg7[%swap3A_25, %swap3A_26], %add3A_24 {strides = array<i32>} : memref<10000x128xf32, #tpu.memory_space<vmem>>, vector<10000x128xf32>,
    return
  }
}

module attributes {stable_mosaic.version = 14 : i64} {
  func.func @_node_body(%arg0: memref<10000x128xf32, #tpu.memory_space<vmem>>, %arg1: memref<2x10112x128xf32, #tpu.memory_space<vmem>>, %arg2: memref<128x128xf32, #tpu.memory_space<vmem>>, %arg3: memref<10000x128xf32, #tpu.memory_space<vmem>>) attributes {dimension_semantics = [], scalar_prefetch = 0 : i64, scratch_operands = 0 : i64, tpu.core_type = #tpu.core_type<tc>} {
    %get3A = arith.constant 0 : index
    %get3A_0 = arith.constant 0 : index
    %get3A_1 = arith.constant 0 : index
    %get3A_2 = vector.load %arg1[%get3A, %get3A_0, %get3A_1] : memref<2x10112x128xf32, #tpu.memory_space<vmem>>, vector<1x10000x128xf32>
    %get3A_3 = vector.shape_cast %get3A_2 : vector<1x10000x128xf32> to vector<10000x128xf32>
    %get3A_4 = arith.constant 1 : index
    %get3A_5 = arith.constant 0 : index
    %get3A_6 = arith.constant 0 : index
    %get3A_7 = vector.load %arg1[%get3A_4, %get3A_5, %get3A_6] : memref<2x10112x128xf32, #tpu.memory_space<vmem>>, vector<1x10000x128xf32>
    %get3A_8 = vector.shape_cast %get3A_7 : vector<1x10000x128xf32> to vector<10000x128xf32>
    %add3A = arith.addf %get3A_3, %get3A_8 : vector<10000x128xf32>
    %get3A_9 = arith.constant 0 : index
    %get3A_10 = arith.constant 0 : index
    %get3A_11 = vector.load %arg2[%get3A_9, %get3A_10] : memref<128x128xf32, #tpu.memory_space<vmem>>, vector<128x128xf32>
    %dot_general3A = arith.constant dense<0.000000e+00> : vector<10000x128xf32>
    %dot_general3A_12 = tpu.matmul %add3A, %get3A_11, %dot_general3A {dimension_numbers = #tpu.dot_dimension_numbers<[1], [0], [0], [1], [0, 0, 1, 1], [], []>, transpose_lhs_hint = false} : vector<10000x128xf32>, vector<128x128xf32>, vector<10000x128xf32> -> vector<10000x128xf32>
    %get3A_13 = arith.constant 0 : index
    %get3A_14 = arith.constant 0 : index
    %get3A_15 = vector.load %arg0[%get3A_13, %get3A_14] : memref<10000x128xf32, #tpu.memory_space<vmem>>, vector<10000x128xf32>
    %add3A_16 = arith.addf %get3A_15, %dot_general3A_12 : vector<10000x128xf32>
    %max3A = arith.constant 0.000000e+00 : f32
    %max3A_17 = vector.broadcast %max3A : f32 to vector<10000x128xf32>
    %max3A_18 = arith.maximumf %add3A_16, %max3A_17 : vector<10000x128xf32>
    %swap3A = arith.constant 0 : index
    %swap3A_19 = arith.constant 0 : index
    %swap3A_20 = vector.load %arg3[%swap3A, %swap3A_19] : memref<10000x128xf32, #tpu.memory_space<vmem>>, vector<10000x128xf32>
    tpu.vector_store %arg3[%swap3A, %swap3A_19], %max3A_18 {strides = array<i32>} : memref<10000x128xf32, #tpu.memory_space<vmem>>, vector<10000x128xf32>,
    return
  }
}

</mosaic_0001>

<sc_bundles>
// kernel: kernel.6.cloned.1.call-start
scs
__scs_entry_jumppad:
0x0: {  	(pc) =	sbr.rel $0x88, $3  }
0x1: {  	(tag) =	ssettag $0x0;
	lr =	simm.s32 $0x1  }
0x2: {  	[smem:$0x3F9A] =	sst lr;
	_ =	strace $0xD0000000  }
0x3: {  	_ = 	snop  }
0x4: {  	_ = 	snop  }
0x5: {  	_ = 	snop  }
0x6: {  	_ = 	snop  }
0x7: {  	_ = 	snop  }
__scs_overlays_trampoline_lowered:
0x8: {  	[smem:$0x3FA9] =	sst s0  }
0x9: {  	[smem:$0x3FAA] =	sst s1  }
0xa: {  	[smem:$0x3FAB] =	sst s2  }
0xb: {  	[smem:$0x3FAC] =	sst s3  }
0xc: {  	[smem:$0x3FAD] =	sst s4  }
0xd: {  	[smem:$0x3FAE] =	sst s5  }
0xe: {  	[smem:$0x3FAF] =	sst s6  }
0xf: {  	[smem:$0x3FB0] =	sst s7  }
0x10: {  	[smem:$0x3FB1] =	sst s8  }
0x11: {  	[smem:$0x3FB2] =	sst s9;
	s0 =	simm.s32 @!p0 $0x0  }
0x12: {  	s1 =	sld [smem:$0x3F98];
	s0 =	simm.s32 @p0 $0x1  }
0x13: {  	[smem:$0x3FB3] =	sst s0;
	s0 =	simm.s32 @!p1 $0x0  }
0x14: {  	s2 =	sld [smem:$0x3F97];
	s0 =	simm.s32 @p1 $0x1  }
0x15: {  	[smem:$0x3FB4] =	sst s0;
	s0 =	simm.s32 @!p2 $0x0  }
0x16: {  	s3 =	sld [smem:$0x3FDB];
	s0 =	simm.s32 @p2 $0x1  }
0x17: {  	s4 =	simm.s32 $0x1BF5;
	[smem:$0x3FB6] =	sst s0  }
0x18: {  	s0 =	sld [smem:$0x3F99];
	_ =	swait.ge [sflag:s4], $0x0  }
0x19: {  	s7 =	sld [smem:$0x3F9A]  }
0x1a: {  	s8 =	sadd.s32 $0xFFFFE003, lr  }
0x1b: {  	s9 =	sadd.s32 $0xFFFFFEF7, lr;
	s5 =	simm.s32 $0xFFFFFFFF;
	p2 =	slt.u32 s8, $0xFFFFF086  }
0x1c: {  	p1 =	slt.u32 s9, $0xF7A;
	s5 =	simm.s32 @!p2 $0x0  }
0x1d: {  	s5 =	simm.s32 @p1 $0x1;
	p0 =	seq.s32 s7, s2  }
0x1e: {  	s7 =	smul.u32 @!p0 $0xF7A, s2;
	p2 =	seq.s32 @!p0 s5, $0x0  }
0x1f: {  	s9 =	smul.u32 $0xF7A, s1;
	s8 =	simm.s32 @!p0 $0x1BF5;
	p2 =	por !p2, p0  }
0x20: {  	[sflag:s8] =	ssyncset.s32 @!p0 $0xFFFFF086;
	s6 =	sadd.s32 @!p0 s3, s7;
	s7 =	simm.s32 @!p0 $0x108  }
0x21: {  	s3 =	sadd.s32 s3, s9;
	s6 =	sadd.s32 @!p0 $0x88, s6;
	s7 =	simm.s32 @p2 $0x1082  }
0x22: {  	[simem:s7], [sflag:s8] =	dma.local @!p0 [hbm:s6], $0xF7A  }
0x23: {  	s9 =	sor.u32 $0xD0000000, s2;
	s6 =	simm.s32 $0x108;
	_ =	swait.ge @!p0 [sflag:s8], $0x0  }
0x24: {  	s3 =	sadd.s32 $0x88, s3;
	s6 =	simm.s32 @!p1 $0x1082;
	[sflag:s4] =	ssyncset.s32 $0xFFFFF086  }
0x25: {  	[simem:s6], [sflag:s4] =	dma.local [hbm:s3], $0xF7A  }
0x26: {  	[smem:$0x3F9A] =	sst s1;
	(tag) =	ssettag s2;
	_ =	strace s9  }
0x27: {  	s1 =	sld [smem:$0x3FAA]  }
0x28: {  	s2 =	sld [smem:$0x3FAB]  }
0x29: {  	s4 =	sld [smem:$0x3FAD]  }
0x2a: {  	p0 =	seq.s32 s5, $0x0;
	s5 =	sld [smem:$0x3FAE]  }
0x2b: {  	s6 =	sld [smem:$0x3FAF]  }
0x2c: {  	s7 =	sld [smem:$0x3FB0]  }
0x2d: {  	s3 =	simm.s32 $0x108;
	s8 =	sld [smem:$0x3FB1]  }
0x2e: {  	s3 =	simm.s32 @!p0 $0x1082;
	s9 =	sld [smem:$0x3FB2]  }
0x2f: {  	lr =	sadd.s32 s0, s3;
	s0 =	sld [smem:$0x3FA9]  }
0x30: {  	s3 =	sld [smem:$0x3FAC]  }
0x31: {  	[smem:$0x3FB5] =	sst s10  }
0x32: {  	s10 =	sld [smem:$0x3FB3];
	_ =	sdelay $0x3  }
0x33: {  	p0 =	seq.s32 s10, $0x1;
	s10 =	sld [smem:$0x3FB5];
	_ =	sdelay $0x3  }
0x34: {  	[smem:$0x3FB5] =	sst s10  }
0x35: {  	s10 =	sld [smem:$0x3FB4];
	_ =	sdelay $0x3  }
0x36: {  	p1 =	seq.s32 s10, $0x1;
	s10 =	sld [smem:$0x3FB5];
	_ =	sdelay $0x3  }
0x37: {  	[smem:$0x3FB5] =	sst s10  }
0x38: {  	s10 =	sld [smem:$0x3FB6]  }
0x39: {  	_ = 	snop;
	(pc) =	sbr.ind lr, $3  }
0x3a: {  	_ = 	snop  }
0x3b: {  	_ = 	snop  }
0x3c: {  	p2 =	seq.s32 s10, $0x1;
	s10 =	sld [smem:$0x3FB5]  }
0x3d: {  	_ =	shalt  }
0x3e: {  	_ =	shalt  }
0x3f: {  	_ =	shalt  }
0x40: {  	_ =	shalt  }
0x41: {  	_ =	shalt  }
0x42: {  	_ =	shalt  }
0x43: {  	_ =	shalt  }
0x44: {  	_ =	shalt  }
0x45: {  	_ =	shalt  }
0x46: {  	_ =	shalt  }
0x47: {  	_ =	shalt  }
0x48: {  	_ =	shalt  }
0x49: {  	_ =	shalt  }
0x4a: {  	_ =	shalt  }
0x4b: {  	_ =	shalt  }
0x4c: {  	_ =	shalt  }
0x4d: {  	_ =	shalt  }
0x4e: {  	_ =	shalt  }
0x4f: {  	_ =	shalt  }
0x50: {  	_ =	shalt  }
0x51: {  	_ =	shalt  }
0x52: {  	_ =	shalt  }
0x53: {  	_ =	shalt  }
0x54: {  	_ =	shalt  }
0x55: {  	_ =	shalt  }
0x56: {  	_ =	shalt  }
0x57: {  	_ =	shalt  }
0x58: {  	_ =	shalt  }
0x59: {  	_ =	shalt  }
0x5a: {  	_ =	shalt  }
0x5b: {  	_ =	shalt  }
0x5c: {  	_ =	shalt  }
0x5d: {  	_ =	shalt  }
0x5e: {  	_ =	shalt  }
0x5f: {  	_ =	shalt  }
0x60: {  	_ =	shalt  }
0x61: {  	_ =	shalt  }
0x62: {  	_ =	shalt  }
0x63: {  	_ =	shalt  }
0x64: {  	_ =	shalt  }
0x65: {  	_ =	shalt  }
0x66: {  	_ =	shalt  }
0x67: {  	_ =	shalt  }
0x68: {  	_ =	shalt  }
0x69: {  	_ =	shalt  }
0x6a: {  	_ =	shalt  }
0x6b: {  	_ =	shalt  }
0x6c: {  	_ =	shalt  }
0x6d: {  	_ =	shalt  }
0x6e: {  	_ =	shalt  }
0x6f: {  	_ =	shalt  }
0x70: {  	_ =	shalt  }
0x71: {  	_ =	shalt  }
0x72: {  	_ =	shalt  }
0x73: {  	_ =	shalt  }
0x74: {  	_ =	shalt  }
0x75: {  	_ =	shalt  }
0x76: {  	_ =	shalt  }
0x77: {  	_ =	shalt  }
0x78: {  	_ =	shalt  }
0x79: {  	_ =	shalt  }
0x7a: {  	_ =	shalt  }
0x7b: {  	_ =	shalt  }
0x7c: {  	_ =	shalt  }
0x7d: {  	_ =	shalt  }
0x7e: {  	_ =	shalt  }
0x7f: {  	_ =	shalt  }
0x80: {  	_ =	shalt  }
0x81: {  	_ =	shalt  }
0x82: {  	_ =	shalt  }
0x83: {  	_ =	shalt  }
0x84: {  	_ =	shalt  }
0x85: {  	_ =	shalt  }
0x86: {  	_ =	shalt  }
0x87: {  	_ =	shalt  }
.Lfunc_end0:
.L_simem_size_0:
called_computation_lowered:
.L_overlay_start_0:
0x88: {  	s2 =	sld [smem:$0x3FD9]  }
0x89: {  	s3 =	sld [smem:$0x3FFE];
	_ =	sdelay $0x1  }
0x8a: {  	s1 =	srdreg.scid  }
0x8b: {  	s0 =	sand.u32 $0x1, s1  }
0x8c: {  	s16 =	sshll.u32 s0, $0xA;
	s2 =	sadd.s32 s3, s2  }
0x8d: {  	s2 =	sadd.s32 s2, s16  }
0x8e: {  	[smem:$0x3FC1] =	sst s2  }
0x8f: {  	_ = 	snop  }
0x90: {  	(tm) =	ssettm $0x1  }
0x91: {  	s17 =	sld [smem:$0x3FFB];
	_ =	sdelay $0x3  }
0x92: {  	_ =	strace s17  }
0x93: {  	s2 =	sld [smem:$0x3FFC];
	_ =	sdelay $0x3  }
0x94: {  	_ =	strace s2  }
0x95: {  	s2 =	sld [smem:$0x3FFD];
	_ =	sdelay $0x3  }
0x96: {  	_ =	strace s2  }
0x97: {  	_ =	strace $0x8FFFFFFF  }
0x98: {  	s18 =	sld [smem:$0x3FDB];
	_ =	sdelay $0x1  }
0x99: {  	s19 =	simm.s32 $_scs_section_size  }
0x9a: {  	s4 =	simm.s32 $_size__tile_overlayer_lowered;
	s5 =	simm.s32 $_tile_overlayer_lowered  }
0x9b: {  	s22 =	simm.s32 $0x1BFF;
	s21 =	sshll.u32 s5, $0x1;
	s2 =	sadd.s32 s19, s18  }
0x9c: {  	s6 =	simm.s32 $0x0;
	s20 =	sshll.u32 s4, $0x1;
	s4 =	sadd.s32 s21, s2  }
0x9d: {  	[timem:s6], [sflag:s22] =	dma.local [hbm:s4], s20  }
0x9e: {  	_ =	swait.ge [sflag:s22], s20  }
0x9f: {  	s3 =	ssub.s32 $0x0, s20;
	[sflag:s22] =	ssyncset.done $0x0  }
0xa0: {  	[sflag:s22] =	ssyncadd.s32 s3;
	_ =	sdelay $0x1  }
0xa1: {  	s23 =	simm.s32 $0x1B8B  }
0xa2: {  	_ =	swait.ge [sflag:s23], $0x1  }
0xa3: {  	[sflag:s23] =	ssyncset.done $0x0  }
0xa4: {  	s25 =	simm.s32 $0x1B8E;
	s24 =	sld [smem:$0x3FFE];
	[sflag:s23] =	ssyncadd.s32 $0xFFFFFFFF  }
0xa5: {  	s26 =	simm.s32 $execute0_lowered;
	[smem:$0x3FD2] =	sst s25  }
0xa6: {  	s4 =	sshll.u32 s26, $0x1;
	_ =	strace $0x80000046;
	[dreg:$0x1] =	wrdreg $0xFFFFFFFF  }
0xa7: {  	s28 =	simm.s32 $_size_execute0_lowered;
	s2 =	sadd.s32 s2, s4;
	[dreg:$0x0] =	wrdreg $0x0  }
0xa8: {  	s4 =	sshll.u32 s28, $0x1;
	[dreg:$0x2] =	wrdreg s2  }
0xa9: {  	[dreg:$0x3] =	wrdreg s4  }
0xaa: {  	[dreg:$0x4] =	wrdreg $0xC0  }
0xab: {  	_ =	task [dreg:s6], $0x5FFFF  }
0xac: {  	[dreg:$0x1] =	wrdreg $0xFFFFFFFF  }
0xad: {  	[dreg:$0x0] =	wrdreg $0x60  }
0xae: {  	[dreg:$0x2] =	wrdreg s24  }
0xaf: {  	[dreg:$0x3] =	wrdreg $0x7C000  }
0xb0: {  	[dreg:$0x4] =	wrdreg $0x9  }
0xb1: {  	_ =	task.clear_ibuf [dreg:s6], $0x5FFFF;
	_ =	strace $0x90000046  }
0xb2: {  	s29 =	simm.s32 $0x9;
	_ =	strace $0x80000048  }
0xb3: {  	_ =	swait.ge [sflag:s29], $0x1  }
0xb4: {  	[sflag:s29] =	ssyncadd.s32 $0xFFFFFFFF  }
0xb5: {  	_ =	strace $0x90000048  }
0xb6: {  	_ =	sfence  }
0xb7: {  	s30 =	sld [smem:$0x0];
	_ =	sdelay $0x2  }
0xb8: {  	s31 =	sshll.u32 s1, $0xD;
	s1 =	sshrl.u32 s1, $0x2  }
0xb9: {  	s3 =	sand.u32 $0x4000, s31;
	s1 =	sadd.s32 s1, s30  }
0xba: {  	s0 =	sor.u32 s3, s0;
	s1 =	sshll.u32 s1, $0x11  }
0xbb: {  	s0 =	sor.u32 s1, s0  }
0xbc: {  	s0 =	sadd.s32 $0x8F2B, s0  }
0xbd: {  	[sflag:s0] =	ssyncadd.remote.s32 $0x1  }
0xbe: {  	_ =	sfence.sel $0xFFFF  }
0xbf: {  	[dreg:$0x0] =	wrdreg $0xFFFFFFFF;
	(pc) =	sbr.abs _section_cstart, $3  }
0xc0: {  	[dreg:$0x1] =	wrdreg $0xFFFFFFFF  }
0xc1: {  	_ =	task.clear_ibuf [dreg:s6], $0x2FFFF;
	_ =	strace $0x9FFFFFFF  }
0xc2: {  	(tm) =	ssettm $0x7FFFFFFF  }
0xc3: {  	_ =	shalt  }
tec
execute0_lowered:
.L_overlay_start_1:
0x0: {  	(tag) =	ssettag $0x1  }
0x1: {  	s0 =	rddreg [dreg:$0x0]  }
0x2: {  	s1 =	rddreg [dreg:$0x1];
	s2 =	srdreg.scid;
	s3 =	simm.s32 $0x0  }
0x3: {  	s13 =	stileid.u32;
	s2 =	sand.u32 $0x1, s2;
	[smem:$0x7FF] =	sst s3  }
0x4: {  	s5 =	sadd.s32 $0x29600, s0;
	s9 =	smul.u32 $0x4F000, s13;
	s4 =	sshll.u32 s2, $0x4  }
0x5: {  	s8 =	smul.u32 $0x27800, s2;
	s2 =	ssub.s32 $0x2, s2;
	s11 =	sor.u32 s13, s4  }
0x6: {  	s6 =	sadd.s32 $0x548400, s0;
	s26 =	sshrl.u32 s2, $0x1;
	s7 =	smul.u32 $0x1900, s11  }
0x7: {  	s4 =	sadd.s32 $0x2400, s0;
	s12 =	sshrl.u32 s9, $0x2;
	s2 =	ssub.s32 s2, s26  }
0x8: {  	s25 =	smax.u32 s2, $0x1;
	s10 =	sadd.s32 s7, s0;
	s0 =	sadd.s32 s8, s0  }
0x9: {  	s8 =	sadd.s32 $0x4E4400, s10;
	s9 =	sadd.s32 $0x516400, s10;
	s10 =	sadd.s32 s12, s1  }
0xa: {  	_ =	strace $0x80000047;
	[dreg:$0x11] =	wrdreg s25;
	s12 =	sadd.s32 $0x1400, s10  }
0xb: {  	s28 =	sadd.s32 $0x2800, s10;
	[dreg:$0x3] =	wrdreg s12  }
0xc: {  	s29 =	sadd.s32 $0x3C00, s10;
	[dreg:$0x4] =	wrdreg s28  }
0xd: {  	s14 =	sadd.s32 $0x5000, s10;
	[dreg:$0x5] =	wrdreg s29  }
0xe: {  	s15 =	sadd.s32 $0x6400, s10;
	[dreg:$0x6] =	wrdreg s14  }
0xf: {  	s16 =	sadd.s32 $0x7800, s10;
	[dreg:$0x7] =	wrdreg s15  }
0x10: {  	s17 =	sadd.s32 $0x8C00, s10;
	[dreg:$0x8] =	wrdreg s16  }
0x11: {  	s30 =	simm.s32 $0x7;
	s18 =	sadd.s32 $0xA000, s10;
	[dreg:$0x9] =	wrdreg s17  }
0x12: {  	s19 =	smul.u32 $0x2780, s13;
	s20 =	sadd.s32 $0xB400, s10;
	[dreg:$0xa] =	wrdreg s18  }
0x13: {  	s7 =	smul.u32 $0x2710, s11;
	s21 =	sadd.s32 $0xC800, s10;
	[dreg:$0xb] =	wrdreg s20  }
0x14: {  	s0 =	sadd.s32 $0x50800, s0;
	s22 =	sadd.s32 $0xDC00, s10;
	[dreg:$0xc] =	wrdreg s21  }
0x15: {  	s11 =	smul.u32 $0x27100, s11;
	s0 =	sadd.s32 s19, s0;
	[dreg:$0xd] =	wrdreg s22  }
0x16: {  	s31 =	simm.s32 $0x5400;
	s23 =	sadd.s32 $0xF000, s10;
	[dreg:$0xe] =	wrdreg s0  }
0x17: {  	s13 =	simm.s32 $0x3;
	s24 =	sadd.s32 s6, s11;
	[dreg:$0xf] =	wrdreg s23  }
0x18: {  	s2 =	simm.s32 $0x6800;
	s26 =	sadd.s32 $0x10400, s10;
	[dreg:$0x10] =	wrdreg s24  }
0x19: {  	s11 =	simm.s32 $0x28;
	s19 =	simm.s32 $0x0;
	[dreg:$0x12] =	wrdreg s26  }
0x1a: {  	s28 =	sadd.s32 $0x11800, s10;
	s29 =	sadd.s32 $0x12C00, s10;
	s22 =	simm.s32 $0xC00  }
0x1b: {  	s0 =	simm.s32 $0x1800;
	s12 =	simm.s32 $0x2C00;
	s14 =	simm.s32 $0x2  }
0x1c: {  	s15 =	simm.s32 $0x5;
	s16 =	simm.s32 $0x4000;
	[dreg:$0x13] =	wrdreg s28  }
0x1d: {  	v0 =	vimm.f32 $0.0e+00;
	s17 =	simm.s32 $0x4;
	s18 =	simm.s32 $0x1;
	[dreg:$0x14] =	wrdreg s29  }
.LBB2_1:
0x1e: {  	[tilespmem:s3], [sflag:$0x7] =	stream.linear.gather [hbm4b:s8+s3], $0x280, $0x38;
	[tilespmem:$0x1B800] =	vst v63  }
0x1f: {  	_ =	swait.ge [sflag:s30], $0x280  }
0x20: {  	[sflag:s30] =	ssyncset.done $0x0  }
0x21: {  	[sflag:s30] =	ssyncadd.s32 $0xFFFFFD80  }
0x22: {  	[tilespmem:s22], [sflag:$0x7] =	stream.linear.gather [hbm4b:s9+s3], $0x280, $0x38;
	[tilespmem:$0x1B800] =	vst v63  }
0x23: {  	_ =	swait.ge [sflag:s30], $0x280  }
0x24: {  	[sflag:s30] =	ssyncset.done $0x0  }
0x25: {  	s20 =	simm.s32 $0x0;
	s21 =	simm.s32 $0x200;
	[sflag:s30] =	ssyncadd.s32 $0xFFFFFD80  }
.LBB2_2:
0x26: {  	p0 =	sne.s32 s21, $0x4E00;
	[tilespmem:s20+$0x1870] =	vst v0  }
0x27: {  	[tilespmem:s20+$0x1800] =	vst v0  }
0x28: {  	[tilespmem:s20+$0x1810] =	vst v0  }
.Ltmp0:
0x29: {  	[tilespmem:s20+$0x1820] =	vst v0;
	(pc) =	sbr.rel @p0 .LBB2_2-.Ltmp0, $4  }
0x2a: {  	[tilespmem:s20+$0x1830] =	vst v0  }
0x2b: {  	[tilespmem:s20+$0x1840] =	vst v0  }
0x2c: {  	[tilespmem:s20+$0x1850] =	vst v0  }
0x2d: {  	[tilespmem:s20+$0x1860] =	vst v0;
	s20 =	sshra.s32 s21, $0x2;
	s21 =	sadd.s32 $0x200, s21  }
0x2e: {  	[tilespmem:s20+$0x1870] =	vst v0  }
0x2f: {  	[tilespmem:s20+$0x1800] =	vst v0  }
0x30: {  	[tilespmem:s20+$0x1810] =	vst v0  }
0x31: {  	[tilespmem:s20+$0x1820] =	vst v0  }
0x32: {  	[tilespmem:s20+$0x1830] =	vst v0  }
0x33: {  	[tilespmem:s20+$0x1840] =	vst v0  }
0x34: {  	[tilespmem:s20+$0x1850] =	vst v0  }
0x35: {  	[tilespmem:s20+$0x1860] =	vst v0  }
0x36: {  	[spmem:s10] =	stream.linear.scatter [tilespmem:s0], [sflag:$0x7], $0x1400, $0x38;
	[tilespmem:$0x1B800] =	vst v63  }
0x37: {  	_ =	swait.ge [sflag:s30], $0x1400  }
0x38: {  	[sflag:s30] =	ssyncset.done $0x0  }
0x39: {  	s29 =	rddreg [dreg:$0x3];
	[sflag:s30] =	ssyncadd.s32 $0xFFFFEC00  }
0x3a: {  	[spmem:s29] =	stream.linear.scatter [tilespmem:s0], [sflag:$0x7], $0x1400, $0x38;
	[tilespmem:$0x1B800] =	vst v63  }
0x3b: {  	_ =	swait.ge [sflag:s30], $0x1400  }
0x3c: {  	[sflag:s30] =	ssyncset.done $0x0  }
0x3d: {  	s21 =	rddreg [dreg:$0x4];
	[sflag:s30] =	ssyncadd.s32 $0xFFFFEC00  }
0x3e: {  	[spmem:s21] =	stream.linear.scatter [tilespmem:s0], [sflag:$0x7], $0x1400, $0x38;
	[tilespmem:$0x1B800] =	vst v63  }
0x3f: {  	_ =	swait.ge [sflag:s30], $0x1400  }
0x40: {  	[sflag:s30] =	ssyncset.done $0x0  }
0x41: {  	s23 =	rddreg [dreg:$0x5];
	[sflag:s30] =	ssyncadd.s32 $0xFFFFEC00  }
0x42: {  	[spmem:s23] =	stream.linear.scatter [tilespmem:s0], [sflag:$0x7], $0x1400, $0x38;
	[tilespmem:$0x1B800] =	vst v63  }
0x43: {  	_ =	swait.ge [sflag:s30], $0x1400  }
0x44: {  	[sflag:s30] =	ssyncset.done $0x0  }
0x45: {  	s24 =	rddreg [dreg:$0x6];
	[sflag:s30] =	ssyncadd.s32 $0xFFFFEC00  }
0x46: {  	[spmem:s24] =	stream.linear.scatter [tilespmem:s0], [sflag:$0x7], $0x1400, $0x38;
	[tilespmem:$0x1B800] =	vst v63  }
0x47: {  	_ =	swait.ge [sflag:s30], $0x1400  }
0x48: {  	[sflag:s30] =	ssyncset.done $0x0  }
0x49: {  	s25 =	rddreg [dreg:$0x7];
	[sflag:s30] =	ssyncadd.s32 $0xFFFFEC00  }
0x4a: {  	[spmem:s25] =	stream.linear.scatter [tilespmem:s0], [sflag:$0x7], $0x1400, $0x38;
	[tilespmem:$0x1B800] =	vst v63  }
0x4b: {  	_ =	swait.ge [sflag:s30], $0x1400  }
0x4c: {  	[sflag:s30] =	ssyncset.done $0x0  }
0x4d: {  	s26 =	rddreg [dreg:$0x8];
	[sflag:s30] =	ssyncadd.s32 $0xFFFFEC00  }
0x4e: {  	[spmem:s26] =	stream.linear.scatter [tilespmem:s0], [sflag:$0x7], $0x1400, $0x38;
	[tilespmem:$0x1B800] =	vst v63  }
0x4f: {  	_ =	swait.ge [sflag:s30], $0x1400  }
0x50: {  	[sflag:s30] =	ssyncset.done $0x0  }
0x51: {  	s28 =	rddreg [dreg:$0x9];
	[sflag:s30] =	ssyncadd.s32 $0xFFFFEC00  }
0x52: {  	[spmem:s28] =	stream.linear.scatter [tilespmem:s0], [sflag:$0x7], $0x1400, $0x38;
	[tilespmem:$0x1B800] =	vst v63  }
0x53: {  	_ =	swait.ge [sflag:s30], $0x1400  }
0x54: {  	[sflag:s30] =	ssyncset.done $0x0  }
0x55: {  	s29 =	rddreg [dreg:$0xa];
	[sflag:s30] =	ssyncadd.s32 $0xFFFFEC00  }
0x56: {  	[spmem:s29] =	stream.linear.scatter [tilespmem:s0], [sflag:$0x7], $0x1400, $0x38;
	[tilespmem:$0x1B800] =	vst v63  }
0x57: {  	_ =	swait.ge [sflag:s30], $0x1400  }
0x58: {  	[sflag:s30] =	ssyncset.done $0x0  }
0x59: {  	s21 =	rddreg [dreg:$0xb];
	[sflag:s30] =	ssyncadd.s32 $0xFFFFEC00  }
0x5a: {  	[spmem:s21] =	stream.linear.scatter [tilespmem:s0], [sflag:$0x7], $0x1400, $0x38;
	[tilespmem:$0x1B800] =	vst v63  }
0x5b: {  	_ =	swait.ge [sflag:s30], $0x1400  }
0x5c: {  	[sflag:s30] =	ssyncset.done $0x0  }
0x5d: {  	s23 =	rddreg [dreg:$0xc];
	[sflag:s30] =	ssyncadd.s32 $0xFFFFEC00  }
0x5e: {  	[spmem:s23] =	stream.linear.scatter [tilespmem:s0], [sflag:$0x7], $0x1400, $0x38;
	[tilespmem:$0x1B800] =	vst v63  }
0x5f: {  	_ =	swait.ge [sflag:s30], $0x1400  }
0x60: {  	[sflag:s30] =	ssyncset.done $0x0  }
0x61: {  	s24 =	rddreg [dreg:$0xd];
	[sflag:s30] =	ssyncadd.s32 $0xFFFFEC00  }
0x62: {  	[spmem:s24] =	stream.linear.scatter [tilespmem:s0], [sflag:$0x7], $0x1400, $0x38;
	[tilespmem:$0x1B800] =	vst v63  }
0x63: {  	_ =	swait.ge [sflag:s30], $0x1400  }
0x64: {  	[sflag:s30] =	ssyncset.done $0x0  }
0x65: {  	s25 =	rddreg [dreg:$0xf];
	[sflag:s30] =	ssyncadd.s32 $0xFFFFEC00  }
0x66: {  	[spmem:s25] =	stream.linear.scatter [tilespmem:s0], [sflag:$0x7], $0x1400, $0x38;
	[tilespmem:$0x1B800] =	vst v63  }
0x67: {  	_ =	swait.ge [sflag:s30], $0x1400  }
0x68: {  	[sflag:s30] =	ssyncset.done $0x0  }
0x69: {  	s26 =	rddreg [dreg:$0x12];
	[sflag:s30] =	ssyncadd.s32 $0xFFFFEC00  }
0x6a: {  	[spmem:s26] =	stream.linear.scatter [tilespmem:s0], [sflag:$0x7], $0x1400, $0x38;
	[tilespmem:$0x1B800] =	vst v63  }
0x6b: {  	_ =	swait.ge [sflag:s30], $0x1400  }
0x6c: {  	[sflag:s30] =	ssyncset.done $0x0  }
0x6d: {  	s28 =	rddreg [dreg:$0x13];
	[sflag:s30] =	ssyncadd.s32 $0xFFFFEC00  }
0x6e: {  	[spmem:s28] =	stream.linear.scatter [tilespmem:s0], [sflag:$0x7], $0x1400, $0x38;
	[tilespmem:$0x1B800] =	vst v63  }
0x6f: {  	_ =	swait.ge [sflag:s30], $0x1400  }
0x70: {  	[sflag:s30] =	ssyncset.done $0x0  }
0x71: {  	s29 =	rddreg [dreg:$0x14];
	[sflag:s30] =	ssyncadd.s32 $0xFFFFEC00  }
0x72: {  	[spmem:s29] =	stream.linear.scatter [tilespmem:s0], [sflag:$0x7], $0x1000, $0x38;
	[tilespmem:$0x1B800] =	vst v63  }
0x73: {  	_ =	swait.ge [sflag:s30], $0x1000  }
0x74: {  	[sflag:s30] =	ssyncset.done $0x0  }
0x75: {  	[sflag:s30] =	ssyncadd.s32 $0xFFFFF000  }
0x76: {  	[bflag:$0x0] =	sbarrier.arrive $0xFFFF  }
0x77: {  	s20 =	simm.s32 $0x0;
	s21 =	rddreg [dreg:$0x10]  }
0x78: {  	[tilespmem:s2], [sflag:$0x5] =	stream.linear.gather [hbm4b:s21+s20], $0x1400, $0x38;
	[tilespmem:$0x1B800] =	vst v63  }
.Ltmp1:
0x79: {  	_ = 	snop;
	(pc) =	sbr.rel .LBB2_4-.Ltmp1, $4  }
0x7a: {  	_ = 	snop  }
0x7b: {  	[tilespmem:s0], [sflag:$0x1] =	stream.indirect.gather [hbm4b:s4+s11], $0x80, s20, s11, $0xb8;
	[tilespmem:$0x1B800] =	vst v63  }
0x7c: {  	_ = 	snop  }
0x7d: {  	[tilespmem:s12], [sflag:$0x1] =	stream.indirect.gather [hbm4b:s5+s11], $0x80, s22, s11, $0xb8;
	[tilespmem:$0x1B800] =	vst v63  }
.LBB2_8:
0x7e: {  	s20 =	smulhi.u32 $0xCCCCCCCD, s21;
	_ =	sdelay $0x1  }
0x7f: {  	s20 =	sshrl.u32 s20, $0x2  }
0x80: {  	s20 =	smul.u32 $0x5, s20;
	_ =	sdelay $0x1  }
0x81: {  	s23 =	ssub.s32 s21, s20  }
.LBB2_12:
0x82: {  	p0 =	sne.s32 s23, $0x0  }
0x83: {  	s20 =	simm.s32 @!p0 $0x6  }
0x84: {  	p1 =	sne.s32 s21, $0xF9;
	_ =	swait.ge @!p0 [sflag:s20], $0x280  }
.Ltmp2:
0x85: {  	[sflag:s20] =	ssyncset.done @!p0 $0x0;
	(pc) =	sbr.rel @!p1 .LBB2_13-.Ltmp2, $4  }
0x86: {  	[sflag:s20] =	ssyncadd.s32 @!p0 $0xFFFFFD80  }
0x87: {  	_ =	swait.ge @!p0 [sflag:s20], $0x280  }
0x88: {  	[sflag:s20] =	ssyncset.done @!p0 $0x0  }
0x89: {  	[sflag:s20] =	ssyncadd.s32 @!p0 $0xFFFFFD80;
	s20 =	smov.u32 s21  }
.LBB2_4:
0x8a: {  	s21 =	smul.u32 $0xCD, s20;
	_ =	sdelay $0x1  }
0x8b: {  	s21 =	sshrl.u32 s21, $0xA  }
0x8c: {  	s23 =	sand.u32 $0x3F, s21  }
0x8d: {  	s21 =	smul.u32 $0x5, s23;
	_ =	sdelay $0x1  }
0x8e: {  	p0 =	sgt.u32 s20, $0xF4;
	s21 =	ssub.s32 s20, s21  }
0x8f: {  	s22 =	sand.u32 @!p0 $0xFF, s21  }
0x90: {  	p1 =	sne.s32 @!p0 s22, $0x0  }
0x91: {  	p0 =	por p1, p0  }
0x92: {  	s22 =	sadd.s32 @!p0 $0x1, s23  }
0x93: {  	s24 =	smul.u32 @!p0 $0x56, s22;
	_ =	sdelay $0x1  }
0x94: {  	s24 =	sshrl.u32 @!p0 s24, $0x8  }
0x95: {  	s24 =	smul.u32 @!p0 $0x3, s24;
	_ =	sdelay $0x1  }
0x96: {  	s24 =	ssub.s32 @!p0 s22, s24  }
0x97: {  	s22 =	sshll.u32 @!p0 s22, $0x7;
	s24 =	sand.u32 @!p0 $0xFF, s24  }
0x98: {  	s26 =	simm.s32 @!p0 $0x0;
	s25 =	sadd.s32 @!p0 s8, s22;
	s24 =	sshll.u32 @!p0 s24, $0xA  }
0x99: {  	[tilespmem:s24], [sflag:$0x6] =	stream.linear.gather @!p0 [hbm4b:s25+s26], $0x280, $0x38;
	[tilespmem:$0x1B800] =	vst v63  }
0x9a: {  	s22 =	sadd.s32 @!p0 s9, s22;
	s24 =	sadd.s32 @!p0 $0xC00, s24  }
0x9b: {  	[tilespmem:s24], [sflag:$0x6] =	stream.linear.gather @!p0 [hbm4b:s22+s26], $0x280, $0x38;
	[tilespmem:$0x1B800] =	vst v63  }
0x9c: {  	s24 =	sand.u32 $0x1, s20  }
0x9d: {  	p0 =	seq.s32 s24, $0x1  }
.Ltmp3:
0x9e: {  	_ = 	snop;
	(pc) =	sbr.rel @p0 .LBB2_9-.Ltmp3, $2  }
0x9f: {  	_ =	sdelay $0x2  }
0xa0: {  	s22 =	sand.u32 $0xFF, s21  }
0xa1: {  	s21 =	sor.u32 $0x1, s20  }
0xa2: {  	s25 =	smul.u32 $0xCD, s21;
	_ =	sdelay $0x1  }
0xa3: {  	s25 =	sshrl.u32 s25, $0xA  }
0xa4: {  	s25 =	sand.u32 $0x3F, s25  }
0xa5: {  	s26 =	smul.u32 $0x56, s25;
	_ =	sdelay $0x1  }
0xa6: {  	s28 =	smul.u32 $0x5, s25;
	s26 =	sshrl.u32 s26, $0x8  }
0xa7: {  	s26 =	smul.u32 $0x3, s26  }
0xa8: {  	p0 =	seq.s32 s20, $0x0  }
0xa9: {  	s29 =	simm.s32 @!p0 $0x4;
	s28 =	ssub.s32 s21, s28;
	s25 =	ssub.s32 s25, s26  }
0xaa: {  	_ =	swait.ge @!p0 [sflag:s29], $0x1400;
	s26 =	sand.u32 $0xFF, s28;
	s25 =	sand.u32 $0xFF, s25  }
0xab: {  	[sflag:s29] =	ssyncset.done @!p0 $0x0;
	s26 =	sshll.u32 s26, $0x7;
	s25 =	sshll.u32 s25, $0xA  }
0xac: {  	[sflag:s29] =	ssyncadd.s32 @!p0 $0xFFFFEC00;
	s25 =	sor.u32 s26, s25  }
0xad: {  	[tilespmem:s16], [sflag:$0x2] =	stream.indirect.gather [hbm4b:s4+s11], $0x80, s25, s11, $0xb8;
	[tilespmem:$0x1B800] =	vst v63  }
0xae: {  	s25 =	sadd.s32 $0xC00, s25  }
0xaf: {  	[tilespmem:s31], [sflag:$0x2] =	stream.indirect.gather [hbm4b:s5+s11], $0x80, s25, s11, $0xb8;
	[tilespmem:$0x1B800] =	vst v63  }
0xb0: {  	_ =	swait.ge [sflag:s18], $0x1400  }
0xb1: {  	[sflag:s18] =	ssyncset.done $0x0  }
0xb2: {  	[sflag:s18] =	ssyncadd.s32 $0xFFFFEC00  }
0xb3: {  	_ =	swait.ge [sflag:s18], $0x1400  }
0xb4: {  	[sflag:s18] =	ssyncset.done $0x0  }
0xb5: {  	[sflag:s18] =	ssyncadd.s32 $0xFFFFEC00  }
0xb6: {  	_ =	swait.ge [sflag:s15], $0x1400  }
0xb7: {  	s29 =	simm.s32 $0x6900;
	s28 =	simm.s32 $0x2D00;
	[sflag:s15] =	ssyncset.done $0x0  }
0xb8: {  	s26 =	simm.s32 $0x1900;
	s25 =	simm.s32 $0xFFFFFFFC;
	[sflag:s15] =	ssyncadd.s32 $0xFFFFEC00  }
.LBB2_6:
0xb9: {  	v1 =	vld [tilespmem:s26+$0xFFFFFF00]  }
0xba: {  	v2 =	vld [tilespmem:s28+$0xFFFFFF00];
	_ =	sdelay $0x1  }
0xbb: {  	v3 =	vld [tilespmem:s29+$0xFFFFFF00];
	_ =	sdelay $0x2  }
0xbc: {  	v1 =	vadd.f32 v2, v1;
	_ =	sdelay $0x1  }
0xbd: {  	v1 =	vadd.f32 v3, v1;
	_ =	sdelay $0x1  }
0xbe: {  	v1 =	vmax.f32 v1, $0.0e+00  }
0xbf: {  	[tilespmem:s26+$0xFFFFFF00] =	vst v1;
	v1 =	vld [tilespmem:s26+$0xFFFFFF10]  }
0xc0: {  	v2 =	vld [tilespmem:s28+$0xFFFFFF10];
	_ =	sdelay $0x1  }
0xc1: {  	v3 =	vld [tilespmem:s29+$0xFFFFFF10];
	_ =	sdelay $0x2  }
0xc2: {  	v1 =	vadd.f32 v2, v1;
	_ =	sdelay $0x1  }
0xc3: {  	v1 =	vadd.f32 v3, v1;
	_ =	sdelay $0x1  }
0xc4: {  	v1 =	vmax.f32 v1, $0.0e+00  }
0xc5: {  	[tilespmem:s26+$0xFFFFFF10] =	vst v1;
	v1 =	vld [tilespmem:s26+$0xFFFFFF20]  }
0xc6: {  	v2 =	vld [tilespmem:s28+$0xFFFFFF20];
	_ =	sdelay $0x1  }
0xc7: {  	v3 =	vld [tilespmem:s29+$0xFFFFFF20];
	_ =	sdelay $0x2  }
0xc8: {  	v1 =	vadd.f32 v2, v1;
	_ =	sdelay $0x1  }
0xc9: {  	v1 =	vadd.f32 v3, v1;
	_ =	sdelay $0x1  }
0xca: {  	v1 =	vmax.f32 v1, $0.0e+00  }
0xcb: {  	[tilespmem:s26+$0xFFFFFF20] =	vst v1;
	v1 =	vld [tilespmem:s26+$0xFFFFFF30]  }
0xcc: {  	v2 =	vld [tilespmem:s28+$0xFFFFFF30];
	_ =	sdelay $0x1  }
0xcd: {  	v3 =	vld [tilespmem:s29+$0xFFFFFF30];
	_ =	sdelay $0x2  }
0xce: {  	v1 =	vadd.f32 v2, v1;
	_ =	sdelay $0x1  }
0xcf: {  	v1 =	vadd.f32 v3, v1;
	_ =	sdelay $0x1  }
0xd0: {  	v1 =	vmax.f32 v1, $0.0e+00  }
0xd1: {  	[tilespmem:s26+$0xFFFFFF30] =	vst v1;
	v1 =	vld [tilespmem:s26+$0xFFFFFF40]  }
0xd2: {  	v2 =	vld [tilespmem:s28+$0xFFFFFF40];
	_ =	sdelay $0x1  }
0xd3: {  	v3 =	vld [tilespmem:s29+$0xFFFFFF40];
	_ =	sdelay $0x2  }
0xd4: {  	v1 =	vadd.f32 v2, v1;
	_ =	sdelay $0x1  }
0xd5: {  	v1 =	vadd.f32 v3, v1;
	_ =	sdelay $0x1  }
0xd6: {  	v1 =	vmax.f32 v1, $0.0e+00  }
0xd7: {  	[tilespmem:s26+$0xFFFFFF40] =	vst v1;
	v1 =	vld [tilespmem:s26+$0xFFFFFF50]  }
0xd8: {  	v2 =	vld [tilespmem:s28+$0xFFFFFF50];
	_ =	sdelay $0x1  }
0xd9: {  	v3 =	vld [tilespmem:s29+$0xFFFFFF50];
	_ =	sdelay $0x2  }
0xda: {  	v1 =	vadd.f32 v2, v1;
	_ =	sdelay $0x1  }
0xdb: {  	v1 =	vadd.f32 v3, v1;
	_ =	sdelay $0x1  }
0xdc: {  	v1 =	vmax.f32 v1, $0.0e+00  }
0xdd: {  	[tilespmem:s26+$0xFFFFFF50] =	vst v1;
	v1 =	vld [tilespmem:s26+$0xFFFFFF60]  }
0xde: {  	v2 =	vld [tilespmem:s28+$0xFFFFFF60];
	_ =	sdelay $0x1  }
0xdf: {  	v3 =	vld [tilespmem:s29+$0xFFFFFF60];
	_ =	sdelay $0x2  }
0xe0: {  	v1 =	vadd.f32 v2, v1;
	_ =	sdelay $0x1  }
0xe1: {  	v1 =	vadd.f32 v3, v1;
	_ =	sdelay $0x1  }
0xe2: {  	v1 =	vmax.f32 v1, $0.0e+00  }
0xe3: {  	[tilespmem:s26+$0xFFFFFF60] =	vst v1;
	v1 =	vld [tilespmem:s26+$0xFFFFFF70]  }
0xe4: {  	v2 =	vld [tilespmem:s28+$0xFFFFFF70];
	_ =	sdelay $0x1  }
0xe5: {  	v3 =	vld [tilespmem:s29+$0xFFFFFF70];
	_ =	sdelay $0x2  }
0xe6: {  	v1 =	vadd.f32 v2, v1;
	_ =	sdelay $0x1  }
0xe7: {  	v1 =	vadd.f32 v3, v1;
	_ =	sdelay $0x1  }
0xe8: {  	v1 =	vmax.f32 v1, $0.0e+00  }
0xe9: {  	[tilespmem:s26+$0xFFFFFF70] =	vst v1;
	v1 =	vld [tilespmem:s26+$0xFFFFFF80]  }
0xea: {  	v2 =	vld [tilespmem:s28+$0xFFFFFF80];
	_ =	sdelay $0x1  }
0xeb: {  	v3 =	vld [tilespmem:s29+$0xFFFFFF80];
	_ =	sdelay $0x2  }
0xec: {  	v1 =	vadd.f32 v2, v1;
	_ =	sdelay $0x1  }
0xed: {  	v1 =	vadd.f32 v3, v1;
	_ =	sdelay $0x1  }
0xee: {  	v1 =	vmax.f32 v1, $0.0e+00  }
0xef: {  	[tilespmem:s26+$0xFFFFFF80] =	vst v1;
	v1 =	vld [tilespmem:s26+$0xFFFFFF90]  }
0xf0: {  	v2 =	vld [tilespmem:s28+$0xFFFFFF90];
	_ =	sdelay $0x1  }
0xf1: {  	v3 =	vld [tilespmem:s29+$0xFFFFFF90];
	_ =	sdelay $0x2  }
0xf2: {  	v1 =	vadd.f32 v2, v1;
	_ =	sdelay $0x1  }
0xf3: {  	v1 =	vadd.f32 v3, v1;
	_ =	sdelay $0x1  }
0xf4: {  	v1 =	vmax.f32 v1, $0.0e+00  }
0xf5: {  	[tilespmem:s26+$0xFFFFFF90] =	vst v1;
	v1 =	vld [tilespmem:s26+$0xFFFFFFA0]  }
0xf6: {  	v2 =	vld [tilespmem:s28+$0xFFFFFFA0];
	_ =	sdelay $0x1  }
0xf7: {  	v3 =	vld [tilespmem:s29+$0xFFFFFFA0];
	_ =	sdelay $0x2  }
0xf8: {  	v1 =	vadd.f32 v2, v1;
	_ =	sdelay $0x1  }
0xf9: {  	v1 =	vadd.f32 v3, v1;
	_ =	sdelay $0x1  }
0xfa: {  	v1 =	vmax.f32 v1, $0.0e+00  }
0xfb: {  	[tilespmem:s26+$0xFFFFFFA0] =	vst v1;
	v1 =	vld [tilespmem:s26+$0xFFFFFFB0]  }
0xfc: {  	v2 =	vld [tilespmem:s28+$0xFFFFFFB0];
	_ =	sdelay $0x1  }
0xfd: {  	v3 =	vld [tilespmem:s29+$0xFFFFFFB0];
	_ =	sdelay $0x2  }
0xfe: {  	v1 =	vadd.f32 v2, v1;
	_ =	sdelay $0x1  }
0xff: {  	v1 =	vadd.f32 v3, v1;
	_ =	sdelay $0x1  }
0x100: {  	v1 =	vmax.f32 v1, $0.0e+00  }
0x101: {  	[tilespmem:s26+$0xFFFFFFB0] =	vst v1;
	v1 =	vld [tilespmem:s26+$0xFFFFFFC0]  }
0x102: {  	v2 =	vld [tilespmem:s28+$0xFFFFFFC0];
	_ =	sdelay $0x1  }
0x103: {  	v3 =	vld [tilespmem:s29+$0xFFFFFFC0];
	_ =	sdelay $0x2  }
0x104: {  	v1 =	vadd.f32 v2, v1;
	_ =	sdelay $0x1  }
0x105: {  	v1 =	vadd.f32 v3, v1;
	_ =	sdelay $0x1  }
0x106: {  	v1 =	vmax.f32 v1, $0.0e+00  }
0x107: {  	[tilespmem:s26+$0xFFFFFFC0] =	vst v1;
	v1 =	vld [tilespmem:s26+$0xFFFFFFD0]  }
0x108: {  	v2 =	vld [tilespmem:s28+$0xFFFFFFD0];
	_ =	sdelay $0x1  }
0x109: {  	v3 =	vld [tilespmem:s29+$0xFFFFFFD0];
	_ =	sdelay $0x2  }
0x10a: {  	v1 =	vadd.f32 v2, v1;
	_ =	sdelay $0x1  }
0x10b: {  	v1 =	vadd.f32 v3, v1;
	_ =	sdelay $0x1  }
0x10c: {  	v1 =	vmax.f32 v1, $0.0e+00  }
0x10d: {  	[tilespmem:s26+$0xFFFFFFD0] =	vst v1;
	v1 =	vld [tilespmem:s26+$0xFFFFFFE0]  }
0x10e: {  	v2 =	vld [tilespmem:s28+$0xFFFFFFE0];
	_ =	sdelay $0x1  }
0x10f: {  	v3 =	vld [tilespmem:s29+$0xFFFFFFE0];
	_ =	sdelay $0x2  }
0x110: {  	v1 =	vadd.f32 v2, v1;
	_ =	sdelay $0x1  }
0x111: {  	v1 =	vadd.f32 v3, v1;
	_ =	sdelay $0x1  }
0x112: {  	v1 =	vmax.f32 v1, $0.0e+00  }
0x113: {  	[tilespmem:s26+$0xFFFFFFE0] =	vst v1;
	v1 =	vld [tilespmem:s26+$0xFFFFFFF0]  }
0x114: {  	v2 =	vld [tilespmem:s28+$0xFFFFFFF0];
	_ =	sdelay $0x1  }
0x115: {  	v3 =	vld [tilespmem:s29+$0xFFFFFFF0];
	_ =	sdelay $0x2  }
0x116: {  	v1 =	vadd.f32 v2, v1;
	_ =	sdelay $0x1  }
0x117: {  	v1 =	vadd.f32 v3, v1;
	_ =	sdelay $0x1  }
0x118: {  	v1 =	vmax.f32 v1, $0.0e+00  }
0x119: {  	[tilespmem:s26+$0xFFFFFFF0] =	vst v1;
	v1 =	vld [tilespmem:s26+$0x0]  }
0x11a: {  	v2 =	vld [tilespmem:s28+$0x0];
	_ =	sdelay $0x1  }
0x11b: {  	v3 =	vld [tilespmem:s29+$0x0];
	_ =	sdelay $0x2  }
0x11c: {  	v1 =	vadd.f32 v2, v1;
	_ =	sdelay $0x1  }
0x11d: {  	v1 =	vadd.f32 v3, v1;
	_ =	sdelay $0x1  }
0x11e: {  	v1 =	vmax.f32 v1, $0.0e+00  }
0x11f: {  	[tilespmem:s26+$0x0] =	vst v1;
	v1 =	vld [tilespmem:s26+$0x10]  }
0x120: {  	v2 =	vld [tilespmem:s28+$0x10];
	_ =	sdelay $0x1  }
0x121: {  	v3 =	vld [tilespmem:s29+$0x10];
	_ =	sdelay $0x2  }
0x122: {  	v1 =	vadd.f32 v2, v1;
	_ =	sdelay $0x1  }
0x123: {  	v1 =	vadd.f32 v3, v1;
	_ =	sdelay $0x1  }
0x124: {  	v1 =	vmax.f32 v1, $0.0e+00  }
0x125: {  	[tilespmem:s26+$0x10] =	vst v1;
	v1 =	vld [tilespmem:s26+$0x20]  }
0x126: {  	v2 =	vld [tilespmem:s28+$0x20];
	_ =	sdelay $0x1  }
0x127: {  	v3 =	vld [tilespmem:s29+$0x20];
	_ =	sdelay $0x2  }
0x128: {  	v1 =	vadd.f32 v2, v1;
	_ =	sdelay $0x1  }
0x129: {  	v1 =	vadd.f32 v3, v1;
	_ =	sdelay $0x1  }
0x12a: {  	v1 =	vmax.f32 v1, $0.0e+00  }
0x12b: {  	[tilespmem:s26+$0x20] =	vst v1;
	v1 =	vld [tilespmem:s26+$0x30]  }
0x12c: {  	v2 =	vld [tilespmem:s28+$0x30];
	_ =	sdelay $0x1  }
0x12d: {  	v3 =	vld [tilespmem:s29+$0x30];
	_ =	sdelay $0x2  }
0x12e: {  	v1 =	vadd.f32 v2, v1;
	_ =	sdelay $0x1  }
0x12f: {  	v1 =	vadd.f32 v3, v1;
	_ =	sdelay $0x1  }
0x130: {  	v1 =	vmax.f32 v1, $0.0e+00  }
0x131: {  	[tilespmem:s26+$0x30] =	vst v1;
	v1 =	vld [tilespmem:s26+$0x40]  }
0x132: {  	v2 =	vld [tilespmem:s28+$0x40];
	_ =	sdelay $0x1  }
0x133: {  	v3 =	vld [tilespmem:s29+$0x40];
	_ =	sdelay $0x2  }
0x134: {  	v1 =	vadd.f32 v2, v1;
	_ =	sdelay $0x1  }
0x135: {  	v1 =	vadd.f32 v3, v1;
	_ =	sdelay $0x1  }
0x136: {  	v1 =	vmax.f32 v1, $0.0e+00  }
0x137: {  	[tilespmem:s26+$0x40] =	vst v1;
	v1 =	vld [tilespmem:s26+$0x50]  }
0x138: {  	v2 =	vld [tilespmem:s28+$0x50];
	_ =	sdelay $0x1  }
0x139: {  	v3 =	vld [tilespmem:s29+$0x50];
	_ =	sdelay $0x2  }
0x13a: {  	v1 =	vadd.f32 v2, v1;
	_ =	sdelay $0x1  }
0x13b: {  	v1 =	vadd.f32 v3, v1;
	_ =	sdelay $0x1  }
0x13c: {  	v1 =	vmax.f32 v1, $0.0e+00  }
0x13d: {  	[tilespmem:s26+$0x50] =	vst v1;
	v1 =	vld [tilespmem:s26+$0x60]  }
0x13e: {  	v2 =	vld [tilespmem:s28+$0x60];
	_ =	sdelay $0x1  }
0x13f: {  	v3 =	vld [tilespmem:s29+$0x60];
	_ =	sdelay $0x2  }
0x140: {  	v1 =	vadd.f32 v2, v1;
	_ =	sdelay $0x1  }
0x141: {  	v1 =	vadd.f32 v3, v1;
	_ =	sdelay $0x1  }
0x142: {  	v1 =	vmax.f32 v1, $0.0e+00  }
0x143: {  	[tilespmem:s26+$0x60] =	vst v1;
	v1 =	vld [tilespmem:s26+$0x70]  }
0x144: {  	v2 =	vld [tilespmem:s28+$0x70];
	_ =	sdelay $0x1  }
0x145: {  	v3 =	vld [tilespmem:s29+$0x70];
	_ =	sdelay $0x2  }
0x146: {  	v1 =	vadd.f32 v2, v1;
	_ =	sdelay $0x1  }
0x147: {  	v1 =	vadd.f32 v3, v1;
	_ =	sdelay $0x1  }
0x148: {  	v1 =	vmax.f32 v1, $0.0e+00  }
0x149: {  	[tilespmem:s26+$0x70] =	vst v1;
	v1 =	vld [tilespmem:s26+$0x80]  }
0x14a: {  	v2 =	vld [tilespmem:s28+$0x80];
	_ =	sdelay $0x1  }
0x14b: {  	v3 =	vld [tilespmem:s29+$0x80];
	_ =	sdelay $0x2  }
0x14c: {  	v1 =	vadd.f32 v2, v1;
	_ =	sdelay $0x1  }
0x14d: {  	v1 =	vadd.f32 v3, v1;
	_ =	sdelay $0x1  }
0x14e: {  	v1 =	vmax.f32 v1, $0.0e+00  }
0x14f: {  	[tilespmem:s26+$0x80] =	vst v1;
	v1 =	vld [tilespmem:s26+$0x90]  }
0x150: {  	v2 =	vld [tilespmem:s28+$0x90];
	_ =	sdelay $0x1  }
0x151: {  	v3 =	vld [tilespmem:s29+$0x90];
	_ =	sdelay $0x2  }
0x152: {  	v1 =	vadd.f32 v2, v1;
	_ =	sdelay $0x1  }
0x153: {  	v1 =	vadd.f32 v3, v1;
	_ =	sdelay $0x1  }
0x154: {  	v1 =	vmax.f32 v1, $0.0e+00  }
0x155: {  	[tilespmem:s26+$0x90] =	vst v1;
	v1 =	vld [tilespmem:s26+$0xA0]  }
0x156: {  	v2 =	vld [tilespmem:s28+$0xA0];
	_ =	sdelay $0x1  }
0x157: {  	v3 =	vld [tilespmem:s29+$0xA0];
	_ =	sdelay $0x2  }
0x158: {  	v1 =	vadd.f32 v2, v1;
	_ =	sdelay $0x1  }
0x159: {  	v1 =	vadd.f32 v3, v1;
	_ =	sdelay $0x1  }
0x15a: {  	v1 =	vmax.f32 v1, $0.0e+00  }
0x15b: {  	[tilespmem:s26+$0xA0] =	vst v1;
	v1 =	vld [tilespmem:s26+$0xB0]  }
0x15c: {  	v2 =	vld [tilespmem:s28+$0xB0];
	_ =	sdelay $0x1  }
0x15d: {  	v3 =	vld [tilespmem:s29+$0xB0];
	_ =	sdelay $0x2  }
0x15e: {  	v1 =	vadd.f32 v2, v1;
	_ =	sdelay $0x1  }
0x15f: {  	v1 =	vadd.f32 v3, v1;
	_ =	sdelay $0x1  }
0x160: {  	v1 =	vmax.f32 v1, $0.0e+00  }
0x161: {  	[tilespmem:s26+$0xB0] =	vst v1;
	v1 =	vld [tilespmem:s26+$0xC0]  }
0x162: {  	v2 =	vld [tilespmem:s28+$0xC0];
	_ =	sdelay $0x1  }
0x163: {  	v3 =	vld [tilespmem:s29+$0xC0];
	_ =	sdelay $0x2  }
0x164: {  	v1 =	vadd.f32 v2, v1;
	_ =	sdelay $0x1  }
0x165: {  	v1 =	vadd.f32 v3, v1;
	_ =	sdelay $0x1  }
0x166: {  	v1 =	vmax.f32 v1, $0.0e+00  }
0x167: {  	[tilespmem:s26+$0xC0] =	vst v1;
	v1 =	vld [tilespmem:s26+$0xD0]  }
0x168: {  	v2 =	vld [tilespmem:s28+$0xD0];
	_ =	sdelay $0x1  }
0x169: {  	v3 =	vld [tilespmem:s29+$0xD0];
	_ =	sdelay $0x2  }
0x16a: {  	v1 =	vadd.f32 v2, v1;
	_ =	sdelay $0x1  }
0x16b: {  	v1 =	vadd.f32 v3, v1;
	_ =	sdelay $0x1  }
0x16c: {  	v1 =	vmax.f32 v1, $0.0e+00  }
0x16d: {  	[tilespmem:s26+$0xD0] =	vst v1;
	v1 =	vld [tilespmem:s26+$0xE0]  }
0x16e: {  	v2 =	vld [tilespmem:s28+$0xE0];
	_ =	sdelay $0x1  }
0x16f: {  	v3 =	vld [tilespmem:s29+$0xE0];
	_ =	sdelay $0x2  }
0x170: {  	v1 =	vadd.f32 v2, v1;
	_ =	sdelay $0x1  }
0x171: {  	v1 =	vadd.f32 v3, v1;
	_ =	sdelay $0x1  }
0x172: {  	v1 =	vmax.f32 v1, $0.0e+00  }
0x173: {  	[tilespmem:s26+$0xE0] =	vst v1;
	v1 =	vld [tilespmem:s26+$0xF0]  }
0x174: {  	v2 =	vld [tilespmem:s28+$0xF0];
	_ =	sdelay $0x1  }
0x175: {  	v3 =	vld [tilespmem:s29+$0xF0];
	_ =	sdelay $0x1  }
0x176: {  	s25 =	sadd.s32 $0x4, s25  }
0x177: {  	p0 =	slt.u32 s25, $0x24;
	v1 =	vadd.f32 v2, v1  }
.Ltmp4:
0x178: {  	_ = 	snop;
	(pc) =	sbr.rel @p0 .LBB2_6-.Ltmp4, $3  }
0x179: {  	v1 =	vadd.f32 v3, v1;
	_ =	sdelay $0x1  }
0x17a: {  	v1 =	vmax.f32 v1, $0.0e+00  }
0x17b: {  	s28 =	sadd.s32 $0x200, s28;
	s29 =	sadd.s32 $0x200, s29;
	[tilespmem:s26+$0xF0] =	vst v1;
	s26 =	sadd.s32 $0x200, s26  }
0x17c: {  	s25 =	smul.u32 $0x56, s23;
	_ =	sdelay $0x1  }
0x17d: {  	s25 =	sshrl.u32 s25, $0x8  }
0x17e: {  	s25 =	smul.u32 $0x3, s25;
	_ =	sdelay $0x1  }
0x17f: {  	s25 =	ssub.s32 s23, s25  }
0x180: {  	s28 =	smul.u32 $0x28, s21;
	s23 =	sand.u32 $0xFF, s25  }
0x181: {  	s26 =	sshll.u32 s22, $0x7;
	p0 =	sne.s32 s24, $0x0;
	s23 =	sshll.u32 s23, $0xA  }
.Ltmp5:
0x182: {  	s29 =	sadd.s32 s7, s28;
	s23 =	sadd.s32 s26, s23;
	(pc) =	sbr.rel @!p0 .LBB2_8-.Ltmp5, $4  }
0x183: {  	[spmem:s1] =	stream.indirect.scatter.add.f32 [tilespmem:s0], [sflag:$0x3], $0x80, s23, s11, $0xb8;
	[tilespmem:$0x1B800] =	vst v63  }
0x184: {  	s23 =	sshll.u32 s29, $0x4  }
0x185: {  	s23 =	sadd.s32 s6, s23  }
0x186: {  	[tilespmem:s2], [sflag:$0x5] =	stream.linear.gather [hbm4b:s23+s3], $0x1400, $0x38;
	[tilespmem:$0x1B800] =	vst v63  }
.LBB2_9:
0x187: {  	s21 =	sadd.s32 $0x1, s20  }
0x188: {  	s23 =	smulhi.u32 $0xCCCCCCCD, s21;
	_ =	sdelay $0x1  }
0x189: {  	s24 =	sshrl.u32 s23, $0x2  }
0x18a: {  	s23 =	smulhi.u32 $0x55555556, s24  }
0x18b: {  	s25 =	smul.u32 $0x5, s24  }
0x18c: {  	s26 =	smul.u32 $0x3, s23;
	_ =	sdelay $0x1  }
0x18d: {  	_ =	swait.ge [sflag:s13], $0x1400;
	s23 =	ssub.s32 s21, s25;
	s24 =	ssub.s32 s24, s26  }
0x18e: {  	[sflag:s13] =	ssyncset.done $0x0;
	s25 =	sshll.u32 s23, $0x7;
	s24 =	sshll.u32 s24, $0xA  }
0x18f: {  	[sflag:s13] =	ssyncadd.s32 $0xFFFFEC00;
	s24 =	sor.u32 s25, s24  }
0x190: {  	[tilespmem:s0], [sflag:$0x1] =	stream.indirect.gather [hbm4b:s4+s11], $0x80, s24, s11, $0xb8;
	[tilespmem:$0x1B800] =	vst v63  }
0x191: {  	s24 =	sadd.s32 $0xC00, s24  }
0x192: {  	[tilespmem:s12], [sflag:$0x1] =	stream.indirect.gather [hbm4b:s5+s11], $0x80, s24, s11, $0xb8;
	[tilespmem:$0x1B800] =	vst v63  }
0x193: {  	_ =	swait.ge [sflag:s14], $0x1400  }
0x194: {  	[sflag:s14] =	ssyncset.done $0x0  }
0x195: {  	[sflag:s14] =	ssyncadd.s32 $0xFFFFEC00  }
0x196: {  	_ =	swait.ge [sflag:s14], $0x1400  }
0x197: {  	[sflag:s14] =	ssyncset.done $0x0  }
0x198: {  	[sflag:s14] =	ssyncadd.s32 $0xFFFFEC00  }
0x199: {  	_ =	swait.ge [sflag:s15], $0x1400  }
0x19a: {  	s28 =	simm.s32 $0x6900;
	s26 =	simm.s32 $0x5500;
	[sflag:s15] =	ssyncset.done $0x0  }
0x19b: {  	s25 =	simm.s32 $0x4100;
	s24 =	simm.s32 $0xFFFFFFFC;
	[sflag:s15] =	ssyncadd.s32 $0xFFFFEC00  }
.LBB2_10:
0x19c: {  	v1 =	vld [tilespmem:s25+$0xFFFFFF00]  }
0x19d: {  	v2 =	vld [tilespmem:s26+$0xFFFFFF00];
	_ =	sdelay $0x1  }
0x19e: {  	v3 =	vld [tilespmem:s28+$0xFFFFFF00];
	_ =	sdelay $0x2  }
0x19f: {  	v1 =	vadd.f32 v2, v1;
	_ =	sdelay $0x1  }
0x1a0: {  	v1 =	vadd.f32 v3, v1;
	_ =	sdelay $0x1  }
0x1a1: {  	v1 =	vmax.f32 v1, $0.0e+00  }
0x1a2: {  	[tilespmem:s25+$0xFFFFFF00] =	vst v1;
	v1 =	vld [tilespmem:s25+$0xFFFFFF10]  }
0x1a3: {  	v2 =	vld [tilespmem:s26+$0xFFFFFF10];
	_ =	sdelay $0x1  }
0x1a4: {  	v3 =	vld [tilespmem:s28+$0xFFFFFF10];
	_ =	sdelay $0x2  }
0x1a5: {  	v1 =	vadd.f32 v2, v1;
	_ =	sdelay $0x1  }
0x1a6: {  	v1 =	vadd.f32 v3, v1;
	_ =	sdelay $0x1  }
0x1a7: {  	v1 =	vmax.f32 v1, $0.0e+00  }
0x1a8: {  	[tilespmem:s25+$0xFFFFFF10] =	vst v1;
	v1 =	vld [tilespmem:s25+$0xFFFFFF20]  }
0x1a9: {  	v2 =	vld [tilespmem:s26+$0xFFFFFF20];
	_ =	sdelay $0x1  }
0x1aa: {  	v3 =	vld [tilespmem:s28+$0xFFFFFF20];
	_ =	sdelay $0x2  }
0x1ab: {  	v1 =	vadd.f32 v2, v1;
	_ =	sdelay $0x1  }
0x1ac: {  	v1 =	vadd.f32 v3, v1;
	_ =	sdelay $0x1  }
0x1ad: {  	v1 =	vmax.f32 v1, $0.0e+00  }
0x1ae: {  	[tilespmem:s25+$0xFFFFFF20] =	vst v1;
	v1 =	vld [tilespmem:s25+$0xFFFFFF30]  }
0x1af: {  	v2 =	vld [tilespmem:s26+$0xFFFFFF30];
	_ =	sdelay $0x1  }
0x1b0: {  	v3 =	vld [tilespmem:s28+$0xFFFFFF30];
	_ =	sdelay $0x2  }
0x1b1: {  	v1 =	vadd.f32 v2, v1;
	_ =	sdelay $0x1  }
0x1b2: {  	v1 =	vadd.f32 v3, v1;
	_ =	sdelay $0x1  }
0x1b3: {  	v1 =	vmax.f32 v1, $0.0e+00  }
0x1b4: {  	[tilespmem:s25+$0xFFFFFF30] =	vst v1;
	v1 =	vld [tilespmem:s25+$0xFFFFFF40]  }
0x1b5: {  	v2 =	vld [tilespmem:s26+$0xFFFFFF40];
	_ =	sdelay $0x1  }
0x1b6: {  	v3 =	vld [tilespmem:s28+$0xFFFFFF40];
	_ =	sdelay $0x2  }
0x1b7: {  	v1 =	vadd.f32 v2, v1;
	_ =	sdelay $0x1  }
0x1b8: {  	v1 =	vadd.f32 v3, v1;
	_ =	sdelay $0x1  }
0x1b9: {  	v1 =	vmax.f32 v1, $0.0e+00  }
0x1ba: {  	[tilespmem:s25+$0xFFFFFF40] =	vst v1;
	v1 =	vld [tilespmem:s25+$0xFFFFFF50]  }
0x1bb: {  	v2 =	vld [tilespmem:s26+$0xFFFFFF50];
	_ =	sdelay $0x1  }
0x1bc: {  	v3 =	vld [tilespmem:s28+$0xFFFFFF50];
	_ =	sdelay $0x2  }
0x1bd: {  	v1 =	vadd.f32 v2, v1;
	_ =	sdelay $0x1  }
0x1be: {  	v1 =	vadd.f32 v3, v1;
	_ =	sdelay $0x1  }
0x1bf: {  	v1 =	vmax.f32 v1, $0.0e+00  }
0x1c0: {  	[tilespmem:s25+$0xFFFFFF50] =	vst v1;
	v1 =	vld [tilespmem:s25+$0xFFFFFF60]  }
0x1c1: {  	v2 =	vld [tilespmem:s26+$0xFFFFFF60];
	_ =	sdelay $0x1  }
0x1c2: {  	v3 =	vld [tilespmem:s28+$0xFFFFFF60];
	_ =	sdelay $0x2  }
0x1c3: {  	v1 =	vadd.f32 v2, v1;
	_ =	sdelay $0x1  }
0x1c4: {  	v1 =	vadd.f32 v3, v1;
	_ =	sdelay $0x1  }
0x1c5: {  	v1 =	vmax.f32 v1, $0.0e+00  }
0x1c6: {  	[tilespmem:s25+$0xFFFFFF60] =	vst v1;
	v1 =	vld [tilespmem:s25+$0xFFFFFF70]  }
0x1c7: {  	v2 =	vld [tilespmem:s26+$0xFFFFFF70];
	_ =	sdelay $0x1  }
0x1c8: {  	v3 =	vld [tilespmem:s28+$0xFFFFFF70];
	_ =	sdelay $0x2  }
0x1c9: {  	v1 =	vadd.f32 v2, v1;
	_ =	sdelay $0x1  }
0x1ca: {  	v1 =	vadd.f32 v3, v1;
	_ =	sdelay $0x1  }
0x1cb: {  	v1 =	vmax.f32 v1, $0.0e+00  }
0x1cc: {  	[tilespmem:s25+$0xFFFFFF70] =	vst v1;
	v1 =	vld [tilespmem:s25+$0xFFFFFF80]  }
0x1cd: {  	v2 =	vld [tilespmem:s26+$0xFFFFFF80];
	_ =	sdelay $0x1  }
0x1ce: {  	v3 =	vld [tilespmem:s28+$0xFFFFFF80];
	_ =	sdelay $0x2  }
0x1cf: {  	v1 =	vadd.f32 v2, v1;
	_ =	sdelay $0x1  }
0x1d0: {  	v1 =	vadd.f32 v3, v1;
	_ =	sdelay $0x1  }
0x1d1: {  	v1 =	vmax.f32 v1, $0.0e+00  }
0x1d2: {  	[tilespmem:s25+$0xFFFFFF80] =	vst v1;
	v1 =	vld [tilespmem:s25+$0xFFFFFF90]  }
0x1d3: {  	v2 =	vld [tilespmem:s26+$0xFFFFFF90];
	_ =	sdelay $0x1  }
0x1d4: {  	v3 =	vld [tilespmem:s28+$0xFFFFFF90];
	_ =	sdelay $0x2  }
0x1d5: {  	v1 =	vadd.f32 v2, v1;
	_ =	sdelay $0x1  }
0x1d6: {  	v1 =	vadd.f32 v3, v1;
	_ =	sdelay $0x1  }
0x1d7: {  	v1 =	vmax.f32 v1, $0.0e+00  }
0x1d8: {  	[tilespmem:s25+$0xFFFFFF90] =	vst v1;
	v1 =	vld [tilespmem:s25+$0xFFFFFFA0]  }
0x1d9: {  	v2 =	vld [tilespmem:s26+$0xFFFFFFA0];
	_ =	sdelay $0x1  }
0x1da: {  	v3 =	vld [tilespmem:s28+$0xFFFFFFA0];
	_ =	sdelay $0x2  }
0x1db: {  	v1 =	vadd.f32 v2, v1;
	_ =	sdelay $0x1  }
0x1dc: {  	v1 =	vadd.f32 v3, v1;
	_ =	sdelay $0x1  }
0x1dd: {  	v1 =	vmax.f32 v1, $0.0e+00  }
0x1de: {  	[tilespmem:s25+$0xFFFFFFA0] =	vst v1;
	v1 =	vld [tilespmem:s25+$0xFFFFFFB0]  }
0x1df: {  	v2 =	vld [tilespmem:s26+$0xFFFFFFB0];
	_ =	sdelay $0x1  }
0x1e0: {  	v3 =	vld [tilespmem:s28+$0xFFFFFFB0];
	_ =	sdelay $0x2  }
0x1e1: {  	v1 =	vadd.f32 v2, v1;
	_ =	sdelay $0x1  }
0x1e2: {  	v1 =	vadd.f32 v3, v1;
	_ =	sdelay $0x1  }
0x1e3: {  	v1 =	vmax.f32 v1, $0.0e+00  }
0x1e4: {  	[tilespmem:s25+$0xFFFFFFB0] =	vst v1;
	v1 =	vld [tilespmem:s25+$0xFFFFFFC0]  }
0x1e5: {  	v2 =	vld [tilespmem:s26+$0xFFFFFFC0];
	_ =	sdelay $0x1  }
0x1e6: {  	v3 =	vld [tilespmem:s28+$0xFFFFFFC0];
	_ =	sdelay $0x2  }
0x1e7: {  	v1 =	vadd.f32 v2, v1;
	_ =	sdelay $0x1  }
0x1e8: {  	v1 =	vadd.f32 v3, v1;
	_ =	sdelay $0x1  }
0x1e9: {  	v1 =	vmax.f32 v1, $0.0e+00  }
0x1ea: {  	[tilespmem:s25+$0xFFFFFFC0] =	vst v1;
	v1 =	vld [tilespmem:s25+$0xFFFFFFD0]  }
0x1eb: {  	v2 =	vld [tilespmem:s26+$0xFFFFFFD0];
	_ =	sdelay $0x1  }
0x1ec: {  	v3 =	vld [tilespmem:s28+$0xFFFFFFD0];
	_ =	sdelay $0x2  }
0x1ed: {  	v1 =	vadd.f32 v2, v1;
	_ =	sdelay $0x1  }
0x1ee: {  	v1 =	vadd.f32 v3, v1;
	_ =	sdelay $0x1  }
0x1ef: {  	v1 =	vmax.f32 v1, $0.0e+00  }
0x1f0: {  	[tilespmem:s25+$0xFFFFFFD0] =	vst v1;
	v1 =	vld [tilespmem:s25+$0xFFFFFFE0]  }
0x1f1: {  	v2 =	vld [tilespmem:s26+$0xFFFFFFE0];
	_ =	sdelay $0x1  }
0x1f2: {  	v3 =	vld [tilespmem:s28+$0xFFFFFFE0];
	_ =	sdelay $0x2  }
0x1f3: {  	v1 =	vadd.f32 v2, v1;
	_ =	sdelay $0x1  }
0x1f4: {  	v1 =	vadd.f32 v3, v1;
	_ =	sdelay $0x1  }
0x1f5: {  	v1 =	vmax.f32 v1, $0.0e+00  }
0x1f6: {  	[tilespmem:s25+$0xFFFFFFE0] =	vst v1;
	v1 =	vld [tilespmem:s25+$0xFFFFFFF0]  }
0x1f7: {  	v2 =	vld [tilespmem:s26+$0xFFFFFFF0];
	_ =	sdelay $0x1  }
0x1f8: {  	v3 =	vld [tilespmem:s28+$0xFFFFFFF0];
	_ =	sdelay $0x2  }
0x1f9: {  	v1 =	vadd.f32 v2, v1;
	_ =	sdelay $0x1  }
0x1fa: {  	v1 =	vadd.f32 v3, v1;
	_ =	sdelay $0x1  }
0x1fb: {  	v1 =	vmax.f32 v1, $0.0e+00  }
0x1fc: {  	[tilespmem:s25+$0xFFFFFFF0] =	vst v1;
	v1 =	vld [tilespmem:s25+$0x0]  }
0x1fd: {  	v2 =	vld [tilespmem:s26+$0x0];
	_ =	sdelay $0x1  }
0x1fe: {  	v3 =	vld [tilespmem:s28+$0x0];
	_ =	sdelay $0x2  }
0x1ff: {  	v1 =	vadd.f32 v2, v1;
	_ =	sdelay $0x1  }
0x200: {  	v1 =	vadd.f32 v3, v1;
	_ =	sdelay $0x1  }
0x201: {  	v1 =	vmax.f32 v1, $0.0e+00  }
0x202: {  	[tilespmem:s25+$0x0] =	vst v1;
	v1 =	vld [tilespmem:s25+$0x10]  }
0x203: {  	v2 =	vld [tilespmem:s26+$0x10];
	_ =	sdelay $0x1  }
0x204: {  	v3 =	vld [tilespmem:s28+$0x10];
	_ =	sdelay $0x2  }
0x205: {  	v1 =	vadd.f32 v2, v1;
	_ =	sdelay $0x1  }
0x206: {  	v1 =	vadd.f32 v3, v1;
	_ =	sdelay $0x1  }
0x207: {  	v1 =	vmax.f32 v1, $0.0e+00  }
0x208: {  	[tilespmem:s25+$0x10] =	vst v1;
	v1 =	vld [tilespmem:s25+$0x20]  }
0x209: {  	v2 =	vld [tilespmem:s26+$0x20];
	_ =	sdelay $0x1  }
0x20a: {  	v3 =	vld [tilespmem:s28+$0x20];
	_ =	sdelay $0x2  }
0x20b: {  	v1 =	vadd.f32 v2, v1;
	_ =	sdelay $0x1  }
0x20c: {  	v1 =	vadd.f32 v3, v1;
	_ =	sdelay $0x1  }
0x20d: {  	v1 =	vmax.f32 v1, $0.0e+00  }
0x20e: {  	[tilespmem:s25+$0x20] =	vst v1;
	v1 =	vld [tilespmem:s25+$0x30]  }
0x20f: {  	v2 =	vld [tilespmem:s26+$0x30];
	_ =	sdelay $0x1  }
0x210: {  	v3 =	vld [tilespmem:s28+$0x30];
	_ =	sdelay $0x2  }
0x211: {  	v1 =	vadd.f32 v2, v1;
	_ =	sdelay $0x1  }
0x212: {  	v1 =	vadd.f32 v3, v1;
	_ =	sdelay $0x1  }
0x213: {  	v1 =	vmax.f32 v1, $0.0e+00  }
0x214: {  	[tilespmem:s25+$0x30] =	vst v1;
	v1 =	vld [tilespmem:s25+$0x40]  }
0x215: {  	v2 =	vld [tilespmem:s26+$0x40];
	_ =	sdelay $0x1  }
0x216: {  	v3 =	vld [tilespmem:s28+$0x40];
	_ =	sdelay $0x2  }
0x217: {  	v1 =	vadd.f32 v2, v1;
	_ =	sdelay $0x1  }
0x218: {  	v1 =	vadd.f32 v3, v1;
	_ =	sdelay $0x1  }
0x219: {  	v1 =	vmax.f32 v1, $0.0e+00  }
0x21a: {  	[tilespmem:s25+$0x40] =	vst v1;
	v1 =	vld [tilespmem:s25+$0x50]  }
0x21b: {  	v2 =	vld [tilespmem:s26+$0x50];
	_ =	sdelay $0x1  }
0x21c: {  	v3 =	vld [tilespmem:s28+$0x50];
	_ =	sdelay $0x2  }
0x21d: {  	v1 =	vadd.f32 v2, v1;
	_ =	sdelay $0x1  }
0x21e: {  	v1 =	vadd.f32 v3, v1;
	_ =	sdelay $0x1  }
0x21f: {  	v1 =	vmax.f32 v1, $0.0e+00  }
0x220: {  	[tilespmem:s25+$0x50] =	vst v1;
	v1 =	vld [tilespmem:s25+$0x60]  }
0x221: {  	v2 =	vld [tilespmem:s26+$0x60];
	_ =	sdelay $0x1  }
0x222: {  	v3 =	vld [tilespmem:s28+$0x60];
	_ =	sdelay $0x2  }
0x223: {  	v1 =	vadd.f32 v2, v1;
	_ =	sdelay $0x1  }
0x224: {  	v1 =	vadd.f32 v3, v1;
	_ =	sdelay $0x1  }
0x225: {  	v1 =	vmax.f32 v1, $0.0e+00  }
0x226: {  	[tilespmem:s25+$0x60] =	vst v1;
	v1 =	vld [tilespmem:s25+$0x70]  }
0x227: {  	v2 =	vld [tilespmem:s26+$0x70];
	_ =	sdelay $0x1  }
0x228: {  	v3 =	vld [tilespmem:s28+$0x70];
	_ =	sdelay $0x2  }
0x229: {  	v1 =	vadd.f32 v2, v1;
	_ =	sdelay $0x1  }
0x22a: {  	v1 =	vadd.f32 v3, v1;
	_ =	sdelay $0x1  }
0x22b: {  	v1 =	vmax.f32 v1, $0.0e+00  }
0x22c: {  	[tilespmem:s25+$0x70] =	vst v1;
	v1 =	vld [tilespmem:s25+$0x80]  }
0x22d: {  	v2 =	vld [tilespmem:s26+$0x80];
	_ =	sdelay $0x1  }
0x22e: {  	v3 =	vld [tilespmem:s28+$0x80];
	_ =	sdelay $0x2  }
0x22f: {  	v1 =	vadd.f32 v2, v1;
	_ =	sdelay $0x1  }
0x230: {  	v1 =	vadd.f32 v3, v1;
	_ =	sdelay $0x1  }
0x231: {  	v1 =	vmax.f32 v1, $0.0e+00  }
0x232: {  	[tilespmem:s25+$0x80] =	vst v1;
	v1 =	vld [tilespmem:s25+$0x90]  }
0x233: {  	v2 =	vld [tilespmem:s26+$0x90];
	_ =	sdelay $0x1  }
0x234: {  	v3 =	vld [tilespmem:s28+$0x90];
	_ =	sdelay $0x2  }
0x235: {  	v1 =	vadd.f32 v2, v1;
	_ =	sdelay $0x1  }
0x236: {  	v1 =	vadd.f32 v3, v1;
	_ =	sdelay $0x1  }
0x237: {  	v1 =	vmax.f32 v1, $0.0e+00  }
0x238: {  	[tilespmem:s25+$0x90] =	vst v1;
	v1 =	vld [tilespmem:s25+$0xA0]  }
0x239: {  	v2 =	vld [tilespmem:s26+$0xA0];
	_ =	sdelay $0x1  }
0x23a: {  	v3 =	vld [tilespmem:s28+$0xA0];
	_ =	sdelay $0x2  }
0x23b: {  	v1 =	vadd.f32 v2, v1;
	_ =	sdelay $0x1  }
0x23c: {  	v1 =	vadd.f32 v3, v1;
	_ =	sdelay $0x1  }
0x23d: {  	v1 =	vmax.f32 v1, $0.0e+00  }
0x23e: {  	[tilespmem:s25+$0xA0] =	vst v1;
	v1 =	vld [tilespmem:s25+$0xB0]  }
0x23f: {  	v2 =	vld [tilespmem:s26+$0xB0];
	_ =	sdelay $0x1  }
0x240: {  	v3 =	vld [tilespmem:s28+$0xB0];
	_ =	sdelay $0x2  }
0x241: {  	v1 =	vadd.f32 v2, v1;
	_ =	sdelay $0x1  }
0x242: {  	v1 =	vadd.f32 v3, v1;
	_ =	sdelay $0x1  }
0x243: {  	v1 =	vmax.f32 v1, $0.0e+00  }
0x244: {  	[tilespmem:s25+$0xB0] =	vst v1;
	v1 =	vld [tilespmem:s25+$0xC0]  }
0x245: {  	v2 =	vld [tilespmem:s26+$0xC0];
	_ =	sdelay $0x1  }
0x246: {  	v3 =	vld [tilespmem:s28+$0xC0];
	_ =	sdelay $0x2  }
0x247: {  	v1 =	vadd.f32 v2, v1;
	_ =	sdelay $0x1  }
0x248: {  	v1 =	vadd.f32 v3, v1;
	_ =	sdelay $0x1  }
0x249: {  	v1 =	vmax.f32 v1, $0.0e+00  }
0x24a: {  	[tilespmem:s25+$0xC0] =	vst v1;
	v1 =	vld [tilespmem:s25+$0xD0]  }
0x24b: {  	v2 =	vld [tilespmem:s26+$0xD0];
	_ =	sdelay $0x1  }
0x24c: {  	v3 =	vld [tilespmem:s28+$0xD0];
	_ =	sdelay $0x2  }
0x24d: {  	v1 =	vadd.f32 v2, v1;
	_ =	sdelay $0x1  }
0x24e: {  	v1 =	vadd.f32 v3, v1;
	_ =	sdelay $0x1  }
0x24f: {  	v1 =	vmax.f32 v1, $0.0e+00  }
0x250: {  	[tilespmem:s25+$0xD0] =	vst v1;
	v1 =	vld [tilespmem:s25+$0xE0]  }
0x251: {  	v2 =	vld [tilespmem:s26+$0xE0];
	_ =	sdelay $0x1  }
0x252: {  	v3 =	vld [tilespmem:s28+$0xE0];
	_ =	sdelay $0x2  }
0x253: {  	v1 =	vadd.f32 v2, v1;
	_ =	sdelay $0x1  }
0x254: {  	v1 =	vadd.f32 v3, v1;
	_ =	sdelay $0x1  }
0x255: {  	v1 =	vmax.f32 v1, $0.0e+00  }
0x256: {  	[tilespmem:s25+$0xE0] =	vst v1;
	v1 =	vld [tilespmem:s25+$0xF0]  }
0x257: {  	v2 =	vld [tilespmem:s26+$0xF0];
	_ =	sdelay $0x1  }
0x258: {  	v3 =	vld [tilespmem:s28+$0xF0];
	_ =	sdelay $0x1  }
0x259: {  	s24 =	sadd.s32 $0x4, s24  }
0x25a: {  	p0 =	slt.u32 s24, $0x24;
	v1 =	vadd.f32 v2, v1  }
.Ltmp6:
0x25b: {  	_ = 	snop;
	(pc) =	sbr.rel @p0 .LBB2_10-.Ltmp6, $3  }
0x25c: {  	v1 =	vadd.f32 v3, v1;
	_ =	sdelay $0x1  }
0x25d: {  	v1 =	vmax.f32 v1, $0.0e+00  }
0x25e: {  	s26 =	sadd.s32 $0x200, s26;
	s28 =	sadd.s32 $0x200, s28;
	[tilespmem:s25+$0xF0] =	vst v1;
	s25 =	sadd.s32 $0x200, s25  }
0x25f: {  	s20 =	smulhi.u32 $0xCCCCCCCD, s20;
	_ =	sdelay $0x1  }
0x260: {  	s20 =	sshrl.u32 s20, $0x2  }
0x261: {  	s24 =	smulhi.u32 $0x55555556, s20;
	_ =	sdelay $0x1  }
0x262: {  	s24 =	smul.u32 $0x3, s24;
	_ =	sdelay $0x1  }
0x263: {  	s28 =	smul.u32 $0x28, s21;
	s20 =	ssub.s32 s20, s24  }
0x264: {  	s22 =	sshll.u32 s22, $0x7;
	s20 =	sshll.u32 s20, $0xA  }
.Ltmp7:
0x265: {  	s29 =	sadd.s32 s7, s28;
	s20 =	sadd.s32 s22, s20;
	(pc) =	sbr.rel .LBB2_12-.Ltmp7, $4  }
0x266: {  	[spmem:s1] =	stream.indirect.scatter.add.f32 [tilespmem:s16], [sflag:$0x4], $0x80, s20, s11, $0xb8;
	[tilespmem:$0x1B800] =	vst v63  }
0x267: {  	s20 =	sshll.u32 s29, $0x4  }
0x268: {  	s20 =	sadd.s32 s6, s20  }
0x269: {  	[tilespmem:s2], [sflag:$0x5] =	stream.linear.gather [hbm4b:s20+s3], $0x1400, $0x38;
	[tilespmem:$0x1B800] =	vst v63  }
.LBB2_13:
0x26a: {  	_ =	swait.ge [sflag:s14], $0x1400  }
0x26b: {  	[sflag:s14] =	ssyncset.done $0x0  }
0x26c: {  	[sflag:s14] =	ssyncadd.s32 $0xFFFFEC00  }
0x26d: {  	_ =	swait.ge [sflag:s14], $0x1400  }
0x26e: {  	[sflag:s14] =	ssyncset.done $0x0  }
0x26f: {  	[sflag:s14] =	ssyncadd.s32 $0xFFFFEC00  }
0x270: {  	_ =	swait.ge [sflag:s15], $0x1400  }
0x271: {  	s20 =	simm.s32 $0xFFFFFFFC;
	s21 =	simm.s32 $0x4100;
	[sflag:s15] =	ssyncset.done $0x0  }
0x272: {  	s22 =	simm.s32 $0x5500;
	s23 =	simm.s32 $0x6900;
	[sflag:s15] =	ssyncadd.s32 $0xFFFFEC00  }
.LBB2_14:
0x273: {  	v1 =	vld [tilespmem:s21+$0xFFFFFF00]  }
0x274: {  	v2 =	vld [tilespmem:s22+$0xFFFFFF00];
	_ =	sdelay $0x1  }
0x275: {  	v3 =	vld [tilespmem:s23+$0xFFFFFF00];
	_ =	sdelay $0x2  }
0x276: {  	v1 =	vadd.f32 v2, v1;
	_ =	sdelay $0x1  }
0x277: {  	v1 =	vadd.f32 v3, v1;
	_ =	sdelay $0x1  }
0x278: {  	v1 =	vmax.f32 v1, $0.0e+00  }
0x279: {  	[tilespmem:s21+$0xFFFFFF00] =	vst v1;
	v1 =	vld [tilespmem:s21+$0xFFFFFF10]  }
0x27a: {  	v2 =	vld [tilespmem:s22+$0xFFFFFF10];
	_ =	sdelay $0x1  }
0x27b: {  	v3 =	vld [tilespmem:s23+$0xFFFFFF10];
	_ =	sdelay $0x2  }
0x27c: {  	v1 =	vadd.f32 v2, v1;
	_ =	sdelay $0x1  }
0x27d: {  	v1 =	vadd.f32 v3, v1;
	_ =	sdelay $0x1  }
0x27e: {  	v1 =	vmax.f32 v1, $0.0e+00  }
0x27f: {  	[tilespmem:s21+$0xFFFFFF10] =	vst v1;
	v1 =	vld [tilespmem:s21+$0xFFFFFF20]  }
0x280: {  	v2 =	vld [tilespmem:s22+$0xFFFFFF20];
	_ =	sdelay $0x1  }
0x281: {  	v3 =	vld [tilespmem:s23+$0xFFFFFF20];
	_ =	sdelay $0x2  }
0x282: {  	v1 =	vadd.f32 v2, v1;
	_ =	sdelay $0x1  }
0x283: {  	v1 =	vadd.f32 v3, v1;
	_ =	sdelay $0x1  }
0x284: {  	v1 =	vmax.f32 v1, $0.0e+00  }
0x285: {  	[tilespmem:s21+$0xFFFFFF20] =	vst v1;
	v1 =	vld [tilespmem:s21+$0xFFFFFF30]  }
0x286: {  	v2 =	vld [tilespmem:s22+$0xFFFFFF30];
	_ =	sdelay $0x1  }
0x287: {  	v3 =	vld [tilespmem:s23+$0xFFFFFF30];
	_ =	sdelay $0x2  }
0x288: {  	v1 =	vadd.f32 v2, v1;
	_ =	sdelay $0x1  }
0x289: {  	v1 =	vadd.f32 v3, v1;
	_ =	sdelay $0x1  }
0x28a: {  	v1 =	vmax.f32 v1, $0.0e+00  }
0x28b: {  	[tilespmem:s21+$0xFFFFFF30] =	vst v1;
	v1 =	vld [tilespmem:s21+$0xFFFFFF40]  }
0x28c: {  	v2 =	vld [tilespmem:s22+$0xFFFFFF40];
	_ =	sdelay $0x1  }
0x28d: {  	v3 =	vld [tilespmem:s23+$0xFFFFFF40];
	_ =	sdelay $0x2  }
0x28e: {  	v1 =	vadd.f32 v2, v1;
	_ =	sdelay $0x1  }
0x28f: {  	v1 =	vadd.f32 v3, v1;
	_ =	sdelay $0x1  }
0x290: {  	v1 =	vmax.f32 v1, $0.0e+00  }
0x291: {  	[tilespmem:s21+$0xFFFFFF40] =	vst v1;
	v1 =	vld [tilespmem:s21+$0xFFFFFF50]  }
0x292: {  	v2 =	vld [tilespmem:s22+$0xFFFFFF50];
	_ =	sdelay $0x1  }
0x293: {  	v3 =	vld [tilespmem:s23+$0xFFFFFF50];
	_ =	sdelay $0x2  }
0x294: {  	v1 =	vadd.f32 v2, v1;
	_ =	sdelay $0x1  }
0x295: {  	v1 =	vadd.f32 v3, v1;
	_ =	sdelay $0x1  }
0x296: {  	v1 =	vmax.f32 v1, $0.0e+00  }
0x297: {  	[tilespmem:s21+$0xFFFFFF50] =	vst v1;
	v1 =	vld [tilespmem:s21+$0xFFFFFF60]  }
0x298: {  	v2 =	vld [tilespmem:s22+$0xFFFFFF60];
	_ =	sdelay $0x1  }
0x299: {  	v3 =	vld [tilespmem:s23+$0xFFFFFF60];
	_ =	sdelay $0x2  }
0x29a: {  	v1 =	vadd.f32 v2, v1;
	_ =	sdelay $0x1  }
0x29b: {  	v1 =	vadd.f32 v3, v1;
	_ =	sdelay $0x1  }
0x29c: {  	v1 =	vmax.f32 v1, $0.0e+00  }
0x29d: {  	[tilespmem:s21+$0xFFFFFF60] =	vst v1;
	v1 =	vld [tilespmem:s21+$0xFFFFFF70]  }
0x29e: {  	v2 =	vld [tilespmem:s22+$0xFFFFFF70];
	_ =	sdelay $0x1  }
0x29f: {  	v3 =	vld [tilespmem:s23+$0xFFFFFF70];
	_ =	sdelay $0x2  }
0x2a0: {  	v1 =	vadd.f32 v2, v1;
	_ =	sdelay $0x1  }
0x2a1: {  	v1 =	vadd.f32 v3, v1;
	_ =	sdelay $0x1  }
0x2a2: {  	v1 =	vmax.f32 v1, $0.0e+00  }
0x2a3: {  	[tilespmem:s21+$0xFFFFFF70] =	vst v1;
	v1 =	vld [tilespmem:s21+$0xFFFFFF80]  }
0x2a4: {  	v2 =	vld [tilespmem:s22+$0xFFFFFF80];
	_ =	sdelay $0x1  }
0x2a5: {  	v3 =	vld [tilespmem:s23+$0xFFFFFF80];
	_ =	sdelay $0x2  }
0x2a6: {  	v1 =	vadd.f32 v2, v1;
	_ =	sdelay $0x1  }
0x2a7: {  	v1 =	vadd.f32 v3, v1;
	_ =	sdelay $0x1  }
0x2a8: {  	v1 =	vmax.f32 v1, $0.0e+00  }
0x2a9: {  	[tilespmem:s21+$0xFFFFFF80] =	vst v1;
	v1 =	vld [tilespmem:s21+$0xFFFFFF90]  }
0x2aa: {  	v2 =	vld [tilespmem:s22+$0xFFFFFF90];
	_ =	sdelay $0x1  }
0x2ab: {  	v3 =	vld [tilespmem:s23+$0xFFFFFF90];
	_ =	sdelay $0x2  }
0x2ac: {  	v1 =	vadd.f32 v2, v1;
	_ =	sdelay $0x1  }
0x2ad: {  	v1 =	vadd.f32 v3, v1;
	_ =	sdelay $0x1  }
0x2ae: {  	v1 =	vmax.f32 v1, $0.0e+00  }
0x2af: {  	[tilespmem:s21+$0xFFFFFF90] =	vst v1;
	v1 =	vld [tilespmem:s21+$0xFFFFFFA0]  }
0x2b0: {  	v2 =	vld [tilespmem:s22+$0xFFFFFFA0];
	_ =	sdelay $0x1  }
0x2b1: {  	v3 =	vld [tilespmem:s23+$0xFFFFFFA0];
	_ =	sdelay $0x2  }
0x2b2: {  	v1 =	vadd.f32 v2, v1;
	_ =	sdelay $0x1  }
0x2b3: {  	v1 =	vadd.f32 v3, v1;
	_ =	sdelay $0x1  }
0x2b4: {  	v1 =	vmax.f32 v1, $0.0e+00  }
0x2b5: {  	[tilespmem:s21+$0xFFFFFFA0] =	vst v1;
	v1 =	vld [tilespmem:s21+$0xFFFFFFB0]  }
0x2b6: {  	v2 =	vld [tilespmem:s22+$0xFFFFFFB0];
	_ =	sdelay $0x1  }
0x2b7: {  	v3 =	vld [tilespmem:s23+$0xFFFFFFB0];
	_ =	sdelay $0x2  }
0x2b8: {  	v1 =	vadd.f32 v2, v1;
	_ =	sdelay $0x1  }
0x2b9: {  	v1 =	vadd.f32 v3, v1;
	_ =	sdelay $0x1  }
0x2ba: {  	v1 =	vmax.f32 v1, $0.0e+00  }
0x2bb: {  	[tilespmem:s21+$0xFFFFFFB0] =	vst v1;
	v1 =	vld [tilespmem:s21+$0xFFFFFFC0]  }
0x2bc: {  	v2 =	vld [tilespmem:s22+$0xFFFFFFC0];
	_ =	sdelay $0x1  }
0x2bd: {  	v3 =	vld [tilespmem:s23+$0xFFFFFFC0];
	_ =	sdelay $0x2  }
0x2be: {  	v1 =	vadd.f32 v2, v1;
	_ =	sdelay $0x1  }
0x2bf: {  	v1 =	vadd.f32 v3, v1;
	_ =	sdelay $0x1  }
0x2c0: {  	v1 =	vmax.f32 v1, $0.0e+00  }
0x2c1: {  	[tilespmem:s21+$0xFFFFFFC0] =	vst v1;
	v1 =	vld [tilespmem:s21+$0xFFFFFFD0]  }
0x2c2: {  	v2 =	vld [tilespmem:s22+$0xFFFFFFD0];
	_ =	sdelay $0x1  }
0x2c3: {  	v3 =	vld [tilespmem:s23+$0xFFFFFFD0];
	_ =	sdelay $0x2  }
0x2c4: {  	v1 =	vadd.f32 v2, v1;
	_ =	sdelay $0x1  }
0x2c5: {  	v1 =	vadd.f32 v3, v1;
	_ =	sdelay $0x1  }
0x2c6: {  	v1 =	vmax.f32 v1, $0.0e+00  }
0x2c7: {  	[tilespmem:s21+$0xFFFFFFD0] =	vst v1;
	v1 =	vld [tilespmem:s21+$0xFFFFFFE0]  }
0x2c8: {  	v2 =	vld [tilespmem:s22+$0xFFFFFFE0];
	_ =	sdelay $0x1  }
0x2c9: {  	v3 =	vld [tilespmem:s23+$0xFFFFFFE0];
	_ =	sdelay $0x2  }
0x2ca: {  	v1 =	vadd.f32 v2, v1;
	_ =	sdelay $0x1  }
0x2cb: {  	v1 =	vadd.f32 v3, v1;
	_ =	sdelay $0x1  }
0x2cc: {  	v1 =	vmax.f32 v1, $0.0e+00  }
0x2cd: {  	[tilespmem:s21+$0xFFFFFFE0] =	vst v1;
	v1 =	vld [tilespmem:s21+$0xFFFFFFF0]  }
0x2ce: {  	v2 =	vld [tilespmem:s22+$0xFFFFFFF0];
	_ =	sdelay $0x1  }
0x2cf: {  	v3 =	vld [tilespmem:s23+$0xFFFFFFF0];
	_ =	sdelay $0x2  }
0x2d0: {  	v1 =	vadd.f32 v2, v1;
	_ =	sdelay $0x1  }
0x2d1: {  	v1 =	vadd.f32 v3, v1;
	_ =	sdelay $0x1  }
0x2d2: {  	v1 =	vmax.f32 v1, $0.0e+00  }
0x2d3: {  	[tilespmem:s21+$0xFFFFFFF0] =	vst v1;
	v1 =	vld [tilespmem:s21+$0x0]  }
0x2d4: {  	v2 =	vld [tilespmem:s22+$0x0];
	_ =	sdelay $0x1  }
0x2d5: {  	v3 =	vld [tilespmem:s23+$0x0];
	_ =	sdelay $0x2  }
0x2d6: {  	v1 =	vadd.f32 v2, v1;
	_ =	sdelay $0x1  }
0x2d7: {  	v1 =	vadd.f32 v3, v1;
	_ =	sdelay $0x1  }
0x2d8: {  	v1 =	vmax.f32 v1, $0.0e+00  }
0x2d9: {  	[tilespmem:s21+$0x0] =	vst v1;
	v1 =	vld [tilespmem:s21+$0x10]  }
0x2da: {  	v2 =	vld [tilespmem:s22+$0x10];
	_ =	sdelay $0x1  }
0x2db: {  	v3 =	vld [tilespmem:s23+$0x10];
	_ =	sdelay $0x2  }
0x2dc: {  	v1 =	vadd.f32 v2, v1;
	_ =	sdelay $0x1  }
0x2dd: {  	v1 =	vadd.f32 v3, v1;
	_ =	sdelay $0x1  }
0x2de: {  	v1 =	vmax.f32 v1, $0.0e+00  }
0x2df: {  	[tilespmem:s21+$0x10] =	vst v1;
	v1 =	vld [tilespmem:s21+$0x20]  }
0x2e0: {  	v2 =	vld [tilespmem:s22+$0x20];
	_ =	sdelay $0x1  }
0x2e1: {  	v3 =	vld [tilespmem:s23+$0x20];
	_ =	sdelay $0x2  }
0x2e2: {  	v1 =	vadd.f32 v2, v1;
	_ =	sdelay $0x1  }
0x2e3: {  	v1 =	vadd.f32 v3, v1;
	_ =	sdelay $0x1  }
0x2e4: {  	v1 =	vmax.f32 v1, $0.0e+00  }
0x2e5: {  	[tilespmem:s21+$0x20] =	vst v1;
	v1 =	vld [tilespmem:s21+$0x30]  }
0x2e6: {  	v2 =	vld [tilespmem:s22+$0x30];
	_ =	sdelay $0x1  }
0x2e7: {  	v3 =	vld [tilespmem:s23+$0x30];
	_ =	sdelay $0x2  }
0x2e8: {  	v1 =	vadd.f32 v2, v1;
	_ =	sdelay $0x1  }
0x2e9: {  	v1 =	vadd.f32 v3, v1;
	_ =	sdelay $0x1  }
0x2ea: {  	v1 =	vmax.f32 v1, $0.0e+00  }
0x2eb: {  	[tilespmem:s21+$0x30] =	vst v1;
	v1 =	vld [tilespmem:s21+$0x40]  }
0x2ec: {  	v2 =	vld [tilespmem:s22+$0x40];
	_ =	sdelay $0x1  }
0x2ed: {  	v3 =	vld [tilespmem:s23+$0x40];
	_ =	sdelay $0x2  }
0x2ee: {  	v1 =	vadd.f32 v2, v1;
	_ =	sdelay $0x1  }
0x2ef: {  	v1 =	vadd.f32 v3, v1;
	_ =	sdelay $0x1  }
0x2f0: {  	v1 =	vmax.f32 v1, $0.0e+00  }
0x2f1: {  	[tilespmem:s21+$0x40] =	vst v1;
	v1 =	vld [tilespmem:s21+$0x50]  }
0x2f2: {  	v2 =	vld [tilespmem:s22+$0x50];
	_ =	sdelay $0x1  }
0x2f3: {  	v3 =	vld [tilespmem:s23+$0x50];
	_ =	sdelay $0x2  }
0x2f4: {  	v1 =	vadd.f32 v2, v1;
	_ =	sdelay $0x1  }
0x2f5: {  	v1 =	vadd.f32 v3, v1;
	_ =	sdelay $0x1  }
0x2f6: {  	v1 =	vmax.f32 v1, $0.0e+00  }
0x2f7: {  	[tilespmem:s21+$0x50] =	vst v1;
	v1 =	vld [tilespmem:s21+$0x60]  }
0x2f8: {  	v2 =	vld [tilespmem:s22+$0x60];
	_ =	sdelay $0x1  }
0x2f9: {  	v3 =	vld [tilespmem:s23+$0x60];
	_ =	sdelay $0x2  }
0x2fa: {  	v1 =	vadd.f32 v2, v1;
	_ =	sdelay $0x1  }
0x2fb: {  	v1 =	vadd.f32 v3, v1;
	_ =	sdelay $0x1  }
0x2fc: {  	v1 =	vmax.f32 v1, $0.0e+00  }
0x2fd: {  	[tilespmem:s21+$0x60] =	vst v1;
	v1 =	vld [tilespmem:s21+$0x70]  }
0x2fe: {  	v2 =	vld [tilespmem:s22+$0x70];
	_ =	sdelay $0x1  }
0x2ff: {  	v3 =	vld [tilespmem:s23+$0x70];
	_ =	sdelay $0x2  }
0x300: {  	v1 =	vadd.f32 v2, v1;
	_ =	sdelay $0x1  }
0x301: {  	v1 =	vadd.f32 v3, v1;
	_ =	sdelay $0x1  }
0x302: {  	v1 =	vmax.f32 v1, $0.0e+00  }
0x303: {  	[tilespmem:s21+$0x70] =	vst v1;
	v1 =	vld [tilespmem:s21+$0x80]  }
0x304: {  	v2 =	vld [tilespmem:s22+$0x80];
	_ =	sdelay $0x1  }
0x305: {  	v3 =	vld [tilespmem:s23+$0x80];
	_ =	sdelay $0x2  }
0x306: {  	v1 =	vadd.f32 v2, v1;
	_ =	sdelay $0x1  }
0x307: {  	v1 =	vadd.f32 v3, v1;
	_ =	sdelay $0x1  }
0x308: {  	v1 =	vmax.f32 v1, $0.0e+00  }
0x309: {  	[tilespmem:s21+$0x80] =	vst v1;
	v1 =	vld [tilespmem:s21+$0x90]  }
0x30a: {  	v2 =	vld [tilespmem:s22+$0x90];
	_ =	sdelay $0x1  }
0x30b: {  	v3 =	vld [tilespmem:s23+$0x90];
	_ =	sdelay $0x2  }
0x30c: {  	v1 =	vadd.f32 v2, v1;
	_ =	sdelay $0x1  }
0x30d: {  	v1 =	vadd.f32 v3, v1;
	_ =	sdelay $0x1  }
0x30e: {  	v1 =	vmax.f32 v1, $0.0e+00  }
0x30f: {  	[tilespmem:s21+$0x90] =	vst v1;
	v1 =	vld [tilespmem:s21+$0xA0]  }
0x310: {  	v2 =	vld [tilespmem:s22+$0xA0];
	_ =	sdelay $0x1  }
0x311: {  	v3 =	vld [tilespmem:s23+$0xA0];
	_ =	sdelay $0x2  }
0x312: {  	v1 =	vadd.f32 v2, v1;
	_ =	sdelay $0x1  }
0x313: {  	v1 =	vadd.f32 v3, v1;
	_ =	sdelay $0x1  }
0x314: {  	v1 =	vmax.f32 v1, $0.0e+00  }
0x315: {  	[tilespmem:s21+$0xA0] =	vst v1;
	v1 =	vld [tilespmem:s21+$0xB0]  }
0x316: {  	v2 =	vld [tilespmem:s22+$0xB0];
	_ =	sdelay $0x1  }
0x317: {  	v3 =	vld [tilespmem:s23+$0xB0];
	_ =	sdelay $0x2  }
0x318: {  	v1 =	vadd.f32 v2, v1;
	_ =	sdelay $0x1  }
0x319: {  	v1 =	vadd.f32 v3, v1;
	_ =	sdelay $0x1  }
0x31a: {  	v1 =	vmax.f32 v1, $0.0e+00  }
0x31b: {  	[tilespmem:s21+$0xB0] =	vst v1;
	v1 =	vld [tilespmem:s21+$0xC0]  }
0x31c: {  	v2 =	vld [tilespmem:s22+$0xC0];
	_ =	sdelay $0x1  }
0x31d: {  	v3 =	vld [tilespmem:s23+$0xC0];
	_ =	sdelay $0x2  }
0x31e: {  	v1 =	vadd.f32 v2, v1;
	_ =	sdelay $0x1  }
0x31f: {  	v1 =	vadd.f32 v3, v1;
	_ =	sdelay $0x1  }
0x320: {  	v1 =	vmax.f32 v1, $0.0e+00  }
0x321: {  	[tilespmem:s21+$0xC0] =	vst v1;
	v1 =	vld [tilespmem:s21+$0xD0]  }
0x322: {  	v2 =	vld [tilespmem:s22+$0xD0];
	_ =	sdelay $0x1  }
0x323: {  	v3 =	vld [tilespmem:s23+$0xD0];
	_ =	sdelay $0x2  }
0x324: {  	v1 =	vadd.f32 v2, v1;
	_ =	sdelay $0x1  }
0x325: {  	v1 =	vadd.f32 v3, v1;
	_ =	sdelay $0x1  }
0x326: {  	v1 =	vmax.f32 v1, $0.0e+00  }
0x327: {  	[tilespmem:s21+$0xD0] =	vst v1;
	v1 =	vld [tilespmem:s21+$0xE0]  }
0x328: {  	v2 =	vld [tilespmem:s22+$0xE0];
	_ =	sdelay $0x1  }
0x329: {  	v3 =	vld [tilespmem:s23+$0xE0];
	_ =	sdelay $0x2  }
0x32a: {  	v1 =	vadd.f32 v2, v1;
	_ =	sdelay $0x1  }
0x32b: {  	v1 =	vadd.f32 v3, v1;
	_ =	sdelay $0x1  }
0x32c: {  	v1 =	vmax.f32 v1, $0.0e+00  }
0x32d: {  	[tilespmem:s21+$0xE0] =	vst v1;
	v1 =	vld [tilespmem:s21+$0xF0]  }
0x32e: {  	v2 =	vld [tilespmem:s22+$0xF0];
	_ =	sdelay $0x1  }
0x32f: {  	v3 =	vld [tilespmem:s23+$0xF0];
	_ =	sdelay $0x1  }
0x330: {  	s20 =	sadd.s32 $0x4, s20  }
0x331: {  	p0 =	slt.u32 s20, $0x24;
	v1 =	vadd.f32 v2, v1  }
.Ltmp8:
0x332: {  	_ = 	snop;
	(pc) =	sbr.rel @p0 .LBB2_14-.Ltmp8, $3  }
0x333: {  	v1 =	vadd.f32 v3, v1;
	_ =	sdelay $0x1  }
0x334: {  	v1 =	vmax.f32 v1, $0.0e+00  }
0x335: {  	s22 =	sadd.s32 $0x200, s22;
	s23 =	sadd.s32 $0x200, s23;
	[tilespmem:s21+$0xF0] =	vst v1;
	s21 =	sadd.s32 $0x200, s21  }
0x336: {  	s20 =	simm.s32 $0x600  }
0x337: {  	[spmem:s1] =	stream.indirect.scatter.add.f32 [tilespmem:s16], [sflag:$0x4], $0x80, s20, s11, $0xb8;
	[tilespmem:$0x1B800] =	vst v63  }
0x338: {  	_ =	swait.ge [sflag:s13], $0x1400  }
0x339: {  	[sflag:s13] =	ssyncset.done $0x0  }
0x33a: {  	[sflag:s13] =	ssyncadd.s32 $0xFFFFEC00  }
0x33b: {  	_ =	swait.ge [sflag:s17], $0x1400  }
0x33c: {  	[sflag:s17] =	ssyncset.done $0x0  }
0x33d: {  	s28 =	stileid.u32;
	[sflag:s17] =	ssyncadd.s32 $0xFFFFEC00  }
0x33e: {  	s20 =	sshll.u32 s28, $0x6;
	[bflag:$0x0] =	sbarrier.arrive $0xFFFF  }
0x33f: {  	s21 =	sshrl.u32 s10, $0x3;
	s20 =	sor.u32 $0x1C07, s20;
	s22 =	rddreg [dreg:$0xe]  }
0x340: {  	[hbm:s22], [sflag:s20] =	dma.local [spmem:s21], $0x2780  }
0x341: {  	_ =	swait.ge [sflag:s30], $0x2780  }
0x342: {  	s19 =	sadd.s32 $0x1, s19;
	s29 =	rddreg [dreg:$0x11]  }
0x343: {  	p0 =	sne.s32 s19, s29  }
.Ltmp9:
0x344: {  	_ = 	snop;
	(pc) =	sbr.rel @p0 .LBB2_1-.Ltmp9, $3  }
0x345: {  	_ =	sdelay $0x1  }
0x346: {  	[sflag:s30] =	ssyncset.done $0x0  }
0x347: {  	s22 =	simm.s32 $0xC00;
	[sflag:s30] =	ssyncadd.s32 $0xFFFFD880  }
0x348: {  	_ =	sfence.sel $0x180000  }
0x349: {  	[bflag:$0x0] =	sbarrier.arrive $0xFFFF  }
0x34a: {  	_ =	strace $0x90000047  }
0x34b: {  	s0 =	stileid.u32;
	[bflag:$0x2] =	sbarrier.arrive $0xFFFF  }
0x34c: {  	p0 =	sne.s32 s0, $0x0;
	s0 =	rddreg [dreg:$0x2]  }
0x34d: {  	s0 =	sadd.s32 @!p0 $0x100000, s0  }
0x34e: {  	[sflag:s0] =	ssyncadd.tile.s32 @!p0 $0x1;
	_ =	shalt  }
.Lfunc_end2:
_tile_overlayer_lowered:
.L_overlay_start_2:
0x34f: {  	(tag) =	ssettag $0x2  }
0x350: {  	s0 =	rddreg [dreg:$0x0];
	s2 =	stileid.u32  }
0x351: {  	s1 =	rddreg [dreg:$0x1];
	p0 =	sne.s32 s2, $0x0  }
0x352: {  	s3 =	rddreg [dreg:$0x2];
	[bflag:$0x3] =	sbarrier.arrive $0xFFFF;
	s2 =	simm.s32 @!p0 $0x1C07  }
0x353: {  	[timem:s3], [sflag:s2] =	dma.local @!p0 [hbm:s0], s1  }
0x354: {  	s0 =	simm.s32 @!p0 $0x7  }
0x355: {  	_ =	swait.ge @!p0 [sflag:s0], s1  }
0x356: {  	s1 =	ssub.s32 @!p0 $0x0, s1;
	[sflag:s0] =	ssyncset.done @!p0 $0x0  }
0x357: {  	[sflag:s0] =	ssyncadd.s32 @!p0 s1  }
0x358: {  	[bflag:$0x3] =	sbarrier.arrive $0xFFFF  }
0x359: {  	_ =	shalt  }

</sc_bundles>
